<compile_context>
chip_gen: v7x
topology: tpu7x:2x2x1
jax: 0.10.2.dev20260603
libtpu: 0.0.44.dev20260713+nightly
codegen_flags: <defaults>
</compile_context>

<pallas_src>
import jax
import jax.numpy as jnp
from jax import lax
from jax.experimental import pallas as pl
from jax.experimental.pallas import tpu as pltpu
from jax.experimental.pallas import tpu_sc as plsc

M_ITEM = 1_000_000
DIM = 32
B = 16384
LR = 0.01
GRAD_LIMIT = 5.0

NC = 2
NS = 16
L = 16
PP = B // NS
WPC = 16
NWIN = NC * WPC
CAP = M_ITEM // NWIN
HALF = WPC * CAP
CROWS = HALF // NS
WCAP = PP + L


def _rsqrt(x):
    i = plsc.bitcast(x, jnp.int32)
    y = plsc.bitcast(jnp.int32(0x5F3759DF) - (i >> 1), jnp.float32)
    for _ in range(4):
        y = y * (jnp.float32(1.5) - jnp.float32(0.5) * x * y * y)
    return y


def _smax(v):
    return lax.reduce_max(v, axes=(0,))


def _sc_body(tbl, grad, items, idxb, wpk, cbase, gbuf, ctmp, zbuf,
             cnts_s, acc):
    cid = lax.axis_index("c")
    sid = lax.axis_index("s")
    iota = lax.iota(jnp.int32, L)

    pltpu.sync_copy(items.at[pl.ds(sid * PP, PP)], idxb)
    zf = jnp.zeros((L,), jnp.float32)
    for r in range(L):
        zbuf[r, pl.ds(0, L)] = zf
        zbuf[r, pl.ds(L, L)] = zf
    for w in range(WPC):
        cnts_s[w] = jnp.int32(0)

    def part_body(k, c):
        idxv = idxb[pl.ds(k * L, L)]
        wv = idxv // jnp.int32(CAP)
        pkv = (idxv << 10) | (k * L + iota)
        for w in range(WPC):
            m = wv == (cid * WPC + w)
            cnt = cnts_s[w]
            plsc.store_compressed(wpk.at[pl.ds(w * WCAP + cnt, L)], pkv, mask=m)
            cnts_s[w] = cnt + _smax(plsc.all_reduce_population_count(m))
        return c

    lax.fori_loop(0, PP // L, part_body, 0)


    def win_body(w, carry):
        n = cnts_s[w]
        nch = (n + (L - 1)) // L
        base = (cid * WPC + w) * CAP
        lbase = w * WCAP

        def win_idx(j, n_=n, lbase_=lbase):
            pkv = wpk[pl.ds(lbase_ + j * L, L)]
            m = iota < (n_ - j * L)
            safe = _smax(jnp.where(m, pkv, jnp.int32(0)))
            pkv = jnp.where(m, pkv, safe)
            return pkv >> 10, pkv & jnp.int32(1023), m

        def zero_body(j, c, n_=n, lbase_=lbase, base_=base):
            idxv, _, _ = win_idx(j, n_, lbase_)
            pltpu.sync_copy(zbuf, acc.at[idxv - base_])
            return c

        def acc_body(j, c, n_=n, lbase_=lbase, base_=base):
            idxv, lposv, m = win_idx(j, n_, lbase_)
            pltpu.sync_copy(grad.at[sid * PP + lposv], gbuf)
            ssq = jnp.zeros((L,), jnp.float32)
            for col in range(DIM):
                cv = jnp.full((L,), col, jnp.int32)
                v = plsc.load_gather(gbuf, [iota, cv])
                ssq = ssq + v * v
            lim2 = jnp.float32(GRAD_LIMIT * GRAD_LIMIT)
            scale = jnp.where(ssq > lim2,
                              jnp.float32(GRAD_LIMIT) * _rsqrt(ssq),
                              jnp.float32(1.0)) * jnp.float32(-LR)
            for col in range(DIM):
                cv = jnp.full((L,), col, jnp.int32)
                v = plsc.load_gather(gbuf, [iota, cv]) * scale
                v = jnp.where(m, v, jnp.float32(0.0))
                plsc.store_scatter(gbuf, [iota, cv], v)
            pltpu.sync_copy(gbuf, acc.at[idxv - base_], add=True)
            return c

        def gather_body(j, c, n_=n, lbase_=lbase, base_=base):
            idxv, _, _ = win_idx(j, n_, lbase_)
            pltpu.sync_copy(tbl.at[idxv], cbase.at[pl.ds(j * L, L)])
            pltpu.sync_copy(acc.at[idxv - base_], ctmp)
            for r in range(L):
                for h in range(2):
                    sl = pl.ds(h * L, L)
                    cbase[j * L + r, sl] = cbase[j * L + r, sl] + ctmp[r, sl]
            return c

        def scat_body(j, c, n_=n, lbase_=lbase):
            idxv, _, _ = win_idx(j, n_, lbase_)
            pltpu.sync_copy(cbase.at[pl.ds(j * L, L)], tbl.at[idxv])
            return c

        lax.fori_loop(0, nch, zero_body, 0)
        plsc.subcore_barrier()
        lax.fori_loop(0, nch, acc_body, 0)
        plsc.subcore_barrier()
        lax.fori_loop(0, nch, gather_body, 0)
        plsc.subcore_barrier()
        lax.fori_loop(0, nch, scat_body, 0)
        return carry

    lax.fori_loop(0, WPC, win_body, 0)


def _make_sc():
    mesh = plsc.VectorSubcoreMesh(
        core_axis_name="c", subcore_axis_name="s",
        num_cores=NC, num_subcores=NS)
    return pl.kernel(
        _sc_body,
        out_type=(),
        mesh=mesh,
        compiler_params=pltpu.CompilerParams(
            needs_layout_passes=False, use_tc_tiling_on_sc=False),
        scratch_types=[
            pltpu.VMEM((PP,), jnp.int32),
            pltpu.VMEM((WPC * WCAP,), jnp.int32),
            pltpu.VMEM((PP, DIM), jnp.float32),
            pltpu.VMEM((L, DIM), jnp.float32),
            pltpu.VMEM((L, DIM), jnp.float32),
            pltpu.VMEM((L, DIM), jnp.float32),
            pltpu.SMEM((WPC,), jnp.int32),
            pltpu.VMEM_SHARED((CAP, DIM), jnp.float32),
        ],
    )


def kernel(items_emb, items_emb_grad, items):
    tbl = jax.new_ref(items_emb * jnp.float32(1.0))
    _make_sc()(tbl, items_emb_grad, items)
    return jax.freeze(tbl)

# --- scband reference (transcript-rebuilt; emitter-appended) ---
"""Pipeline reference for scband-fed-rec-server-24378234372554 (READ-ONLY COPY).

The authoritative reference and input builder live on the scoring server;
editing this copy changes nothing except your own understanding.
"""

import jax, jax.numpy as jnp
import numpy as np

M_ITEM = 1000000
DIM = 32
B = 16384
LR = 0.01
GRAD_LIMIT = 5.0


def normbound(g):
    # Faithful to FedRecServer.normbound: rows with L2 norm > grad_limit are
    # rescaled to have norm == grad_limit; others untouched.
    norm = jnp.linalg.norm(g, axis=-1, keepdims=True)
    scale = jnp.where(norm > GRAD_LIMIT, GRAD_LIMIT / jnp.maximum(norm, 1e-12), 1.0)
    return g * scale


def setup_inputs(seed: int = 0) -> dict:
    key = jax.random.key(seed)
    k1, k2, k3 = jax.random.split(key, 3)
    # items_emb initialized like nn.init.normal_(std=0.01)
    items_emb = jax.random.normal(k1, (M_ITEM, DIM), dtype=jnp.float32) * 0.01
    items_emb_grad = jax.random.normal(k2, (B, DIM), dtype=jnp.float32) * 0.1
    items = jax.random.randint(k3, (B,), 0, M_ITEM, dtype=jnp.int32)
    return {"items_emb": items_emb, "items_emb_grad": items_emb_grad, "items": items}


def reference(items_emb, items_emb_grad, items):
    # Core server aggregation step from FedRecServer.train_ (defense='NormBound'):
    #   batch_items_emb_grad[items] += normbound(items_emb_grad)
    #   items_emb.weight.data.add_(batch_items_emb_grad, alpha=-lr)
    g = normbound(items_emb_grad)
    batch_items_emb_grad = jnp.zeros_like(items_emb).at[items].add(g)
    new_items_emb = items_emb - LR * batch_items_emb_grad
    return new_items_emb

if __name__ == "__main__":
    import jax
    _d = setup_inputs()
    print(jax.jit(kernel)(*tuple(_d.values())))

</pallas_src>

<mosaic_0001>
#map = affine_map<(d0, d1) -> (0, 0)>
#map1 = affine_map<(d0, d1) -> (0)>
module attributes {stable_mosaic.version = 14 : i64} {
  func.func @new_body(%arg0: i32, %arg1: i32, %arg2: memref<1000000x32xf32, #tpu.memory_space<hbm>>, %arg3: memref<16384x32xf32, #tpu.memory_space<hbm>>, %arg4: memref<16384xi32, #tpu.memory_space<hbm>>, %arg5: memref<1000000x32xf32, #tpu.memory_space<hbm>>, %arg6: memref<1024xi32, #tpu.memory_space<vmem>>, %arg7: memref<16640xi32, #tpu.memory_space<vmem>>, %arg8: memref<1024x32xf32, #tpu.memory_space<vmem>>, %arg9: memref<16x32xf32, #tpu.memory_space<vmem>>, %arg10: memref<16x32xf32, #tpu.memory_space<vmem>>, %arg11: memref<16x32xf32, #tpu.memory_space<vmem>>, %arg12: memref<16xi32, #tpu.memory_space<smem>>, %arg13: memref<31250x32xf32, #tpu.memory_space<vmem_shared>>) attributes {dimension_semantics = [#tpu.dimension_semantics<core_parallel>, #tpu.dimension_semantics<subcore_parallel>], iteration_bounds = array<i64: 2, 16>, scalar_prefetch = 0 : i64, scratch_operands = 8 : i64, tpu.core_type = #tpu.core_type<sc_vector_subcore>, window_params = [{transform_indices = #map}, {transform_indices = #map}, {transform_indices = #map1}, {transform_indices = #map}]} {
    %iota3A = tpu.iota {dimensions = array<i32: 0>} : vector<16xi32>
    %mul3A = arith.constant 1024 : i32
    %mul3A_0 = arith.muli %arg1, %mul3A : i32
    "tpu.region"() ({
      %run_scoped3A = tpu.sem_alloc : memref<!tpu.dma_semaphore, #tpu.memory_space<semaphore_mem>>
      %dma_start3A = tpu.memref_slice %arg4[%mul3A_0] : memref<16384xi32, #tpu.memory_space<hbm>> -> memref<1024xi32, #tpu.memory_space<hbm>>
      %dma_start3A_204 = tpu.memref_slice %arg4[%mul3A_0] : memref<16384xi32, #tpu.memory_space<hbm>> -> memref<1024xi32, #tpu.memory_space<hbm>>
      tpu.enqueue_dma source(%dma_start3A_204 : memref<1024xi32, #tpu.memory_space<hbm>>) target(%arg6 : memref<1024xi32, #tpu.memory_space<vmem>>) target_semaphore(%run_scoped3A : memref<!tpu.dma_semaphore, #tpu.memory_space<semaphore_mem>>)
      %dma_wait3A = tpu.memref_slice %arg4[%mul3A_0] : memref<16384xi32, #tpu.memory_space<hbm>> -> memref<1024xi32, #tpu.memory_space<hbm>>
      %dma_wait3A_205 = tpu.memref_slice %arg4[%mul3A_0] : memref<16384xi32, #tpu.memory_space<hbm>> -> memref<1024xi32, #tpu.memory_space<hbm>>
      tpu.wait_dma2 semaphore(%run_scoped3A : memref<!tpu.dma_semaphore, #tpu.memory_space<semaphore_mem>>) src(%dma_wait3A_205 : memref<1024xi32, #tpu.memory_space<hbm>>) dst(%arg6 : memref<1024xi32, #tpu.memory_space<vmem>>)
      tpu.yield
    }) : () -> ()
    %broadcast_in_dim3A = arith.constant 0.000000e+00 : f32
    %broadcast_in_dim3A_1 = vector.broadcast %broadcast_in_dim3A : f32 to vector<16xf32>
    %swap3A = arith.constant 0 : i32
    %swap3A_2 = arith.index_cast %swap3A : i32 to index
    %swap3A_3 = arith.constant 0 : index
    %swap3A_4 = tpu.vector_load %arg11[%swap3A_2, %swap3A_3] {strides = array<i32>} : memref<16x32xf32, #tpu.memory_space<vmem>>, vector<16xf32>,
    tpu.vector_store %arg11[%swap3A_2, %swap3A_3], %broadcast_in_dim3A_1 {strides = array<i32>} : memref<16x32xf32, #tpu.memory_space<vmem>>, vector<16xf32>,
    %swap3A_5 = arith.constant 0 : i32
    %swap3A_6 = arith.index_cast %swap3A_5 : i32 to index
    %swap3A_7 = arith.constant 16 : index
    %swap3A_8 = tpu.vector_load %arg11[%swap3A_6, %swap3A_7] {strides = array<i32>} : memref<16x32xf32, #tpu.memory_space<vmem>>, vector<16xf32>,
    tpu.vector_store %arg11[%swap3A_6, %swap3A_7], %broadcast_in_dim3A_1 {strides = array<i32>} : memref<16x32xf32, #tpu.memory_space<vmem>>, vector<16xf32>,
    %swap3A_9 = arith.constant 1 : i32
    %swap3A_10 = arith.index_cast %swap3A_9 : i32 to index
    %swap3A_11 = arith.constant 0 : index
    %swap3A_12 = tpu.vector_load %arg11[%swap3A_10, %swap3A_11] {strides = array<i32>} : memref<16x32xf32, #tpu.memory_space<vmem>>, vector<16xf32>,
    tpu.vector_store %arg11[%swap3A_10, %swap3A_11], %broadcast_in_dim3A_1 {strides = array<i32>} : memref<16x32xf32, #tpu.memory_space<vmem>>, vector<16xf32>,
    %swap3A_13 = arith.constant 1 : i32
    %swap3A_14 = arith.index_cast %swap3A_13 : i32 to index
    %swap3A_15 = arith.constant 16 : index
    %swap3A_16 = tpu.vector_load %arg11[%swap3A_14, %swap3A_15] {strides = array<i32>} : memref<16x32xf32, #tpu.memory_space<vmem>>, vector<16xf32>,
    tpu.vector_store %arg11[%swap3A_14, %swap3A_15], %broadcast_in_dim3A_1 {strides = array<i32>} : memref<16x32xf32, #tpu.memory_space<vmem>>, vector<16xf32>,
    %swap3A_17 = arith.constant 2 : i32
    %swap3A_18 = arith.index_cast %swap3A_17 : i32 to index
    %swap3A_19 = arith.constant 0 : index
    %swap3A_20 = tpu.vector_load %arg11[%swap3A_18, %swap3A_19] {strides = array<i32>} : memref<16x32xf32, #tpu.memory_space<vmem>>, vector<16xf32>,
    tpu.vector_store %arg11[%swap3A_18, %swap3A_19], %broadcast_in_dim3A_1 {strides = array<i32>} : memref<16x32xf32, #tpu.memory_space<vmem>>, vector<16xf32>,
    %swap3A_21 = arith.constant 2 : i32
    %swap3A_22 = arith.index_cast %swap3A_21 : i32 to index
    %swap3A_23 = arith.constant 16 : index
    %swap3A_24 = tpu.vector_load %arg11[%swap3A_22, %swap3A_23] {strides = array<i32>} : memref<16x32xf32, #tpu.memory_space<vmem>>, vector<16xf32>,
    tpu.vector_store %arg11[%swap3A_22, %swap3A_23], %broadcast_in_dim3A_1 {strides = array<i32>} : memref<16x32xf32, #tpu.memory_space<vmem>>, vector<16xf32>,
    %swap3A_25 = arith.constant 3 : i32
    %swap3A_26 = arith.index_cast %swap3A_25 : i32 to index
    %swap3A_27 = arith.constant 0 : index
    %swap3A_28 = tpu.vector_load %arg11[%swap3A_26, %swap3A_27] {strides = array<i32>} : memref<16x32xf32, #tpu.memory_space<vmem>>, vector<16xf32>,
    tpu.vector_store %arg11[%swap3A_26, %swap3A_27], %broadcast_in_dim3A_1 {strides = array<i32>} : memref<16x32xf32, #tpu.memory_space<vmem>>, vector<16xf32>,
    %swap3A_29 = arith.constant 3 : i32
    %swap3A_30 = arith.index_cast %swap3A_29 : i32 to index
    %swap3A_31 = arith.constant 16 : index
    %swap3A_32 = tpu.vector_load %arg11[%swap3A_30, %swap3A_31] {strides = array<i32>} : memref<16x32xf32, #tpu.memory_space<vmem>>, vector<16xf32>,
    tpu.vector_store %arg11[%swap3A_30, %swap3A_31], %broadcast_in_dim3A_1 {strides = array<i32>} : memref<16x32xf32, #tpu.memory_space<vmem>>, vector<16xf32>,
    %swap3A_33 = arith.constant 4 : i32
    %swap3A_34 = arith.index_cast %swap3A_33 : i32 to index
    %swap3A_35 = arith.constant 0 : index
    %swap3A_36 = tpu.vector_load %arg11[%swap3A_34, %swap3A_35] {strides = array<i32>} : memref<16x32xf32, #tpu.memory_space<vmem>>, vector<16xf32>,
    tpu.vector_store %arg11[%swap3A_34, %swap3A_35], %broadcast_in_dim3A_1 {strides = array<i32>} : memref<16x32xf32, #tpu.memory_space<vmem>>, vector<16xf32>,
    %swap3A_37 = arith.constant 4 : i32
    %swap3A_38 = arith.index_cast %swap3A_37 : i32 to index
    %swap3A_39 = arith.constant 16 : index
    %swap3A_40 = tpu.vector_load %arg11[%swap3A_38, %swap3A_39] {strides = array<i32>} : memref<16x32xf32, #tpu.memory_space<vmem>>, vector<16xf32>,
    tpu.vector_store %arg11[%swap3A_38, %swap3A_39], %broadcast_in_dim3A_1 {strides = array<i32>} : memref<16x32xf32, #tpu.memory_space<vmem>>, vector<16xf32>,
    %swap3A_41 = arith.constant 5 : i32
    %swap3A_42 = arith.index_cast %swap3A_41 : i32 to index
    %swap3A_43 = arith.constant 0 : index
    %swap3A_44 = tpu.vector_load %arg11[%swap3A_42, %swap3A_43] {strides = array<i32>} : memref<16x32xf32, #tpu.memory_space<vmem>>, vector<16xf32>,
    tpu.vector_store %arg11[%swap3A_42, %swap3A_43], %broadcast_in_dim3A_1 {strides = array<i32>} : memref<16x32xf32, #tpu.memory_space<vmem>>, vector<16xf32>,
    %swap3A_45 = arith.constant 5 : i32
    %swap3A_46 = arith.index_cast %swap3A_45 : i32 to index
    %swap3A_47 = arith.constant 16 : index
    %swap3A_48 = tpu.vector_load %arg11[%swap3A_46, %swap3A_47] {strides = array<i32>} : memref<16x32xf32, #tpu.memory_space<vmem>>, vector<16xf32>,
    tpu.vector_store %arg11[%swap3A_46, %swap3A_47], %broadcast_in_dim3A_1 {strides = array<i32>} : memref<16x32xf32, #tpu.memory_space<vmem>>, vector<16xf32>,
    %swap3A_49 = arith.constant 6 : i32
    %swap3A_50 = arith.index_cast %swap3A_49 : i32 to index
    %swap3A_51 = arith.constant 0 : index
    %swap3A_52 = tpu.vector_load %arg11[%swap3A_50, %swap3A_51] {strides = array<i32>} : memref<16x32xf32, #tpu.memory_space<vmem>>, vector<16xf32>,
    tpu.vector_store %arg11[%swap3A_50, %swap3A_51], %broadcast_in_dim3A_1 {strides = array<i32>} : memref<16x32xf32, #tpu.memory_space<vmem>>, vector<16xf32>,
    %swap3A_53 = arith.constant 6 : i32
    %swap3A_54 = arith.index_cast %swap3A_53 : i32 to index
    %swap3A_55 = arith.constant 16 : index
    %swap3A_56 = tpu.vector_load %arg11[%swap3A_54, %swap3A_55] {strides = array<i32>} : memref<16x32xf32, #tpu.memory_space<vmem>>, vector<16xf32>,
    tpu.vector_store %arg11[%swap3A_54, %swap3A_55], %broadcast_in_dim3A_1 {strides = array<i32>} : memref<16x32xf32, #tpu.memory_space<vmem>>, vector<16xf32>,
    %swap3A_57 = arith.constant 7 : i32
    %swap3A_58 = arith.index_cast %swap3A_57 : i32 to index
    %swap3A_59 = arith.constant 0 : index
    %swap3A_60 = tpu.vector_load %arg11[%swap3A_58, %swap3A_59] {strides = array<i32>} : memref<16x32xf32, #tpu.memory_space<vmem>>, vector<16xf32>,
    tpu.vector_store %arg11[%swap3A_58, %swap3A_59], %broadcast_in_dim3A_1 {strides = array<i32>} : memref<16x32xf32, #tpu.memory_space<vmem>>, vector<16xf32>,
    %swap3A_61 = arith.constant 7 : i32
    %swap3A_62 = arith.index_cast %swap3A_61 : i32 to index
    %swap3A_63 = arith.constant 16 : index
    %swap3A_64 = tpu.vector_load %arg11[%swap3A_62, %swap3A_63] {strides = array<i32>} : memref<16x32xf32, #tpu.memory_space<vmem>>, vector<16xf32>,
    tpu.vector_store %arg11[%swap3A_62, %swap3A_63], %broadcast_in_dim3A_1 {strides = array<i32>} : memref<16x32xf32, #tpu.memory_space<vmem>>, vector<16xf32>,
    %swap3A_65 = arith.constant 8 : i32
    %swap3A_66 = arith.index_cast %swap3A_65 : i32 to index
    %swap3A_67 = arith.constant 0 : index
    %swap3A_68 = tpu.vector_load %arg11[%swap3A_66, %swap3A_67] {strides = array<i32>} : memref<16x32xf32, #tpu.memory_space<vmem>>, vector<16xf32>,
    tpu.vector_store %arg11[%swap3A_66, %swap3A_67], %broadcast_in_dim3A_1 {strides = array<i32>} : memref<16x32xf32, #tpu.memory_space<vmem>>, vector<16xf32>,
    %swap3A_69 = arith.constant 8 : i32
    %swap3A_70 = arith.index_cast %swap3A_69 : i32 to index
    %swap3A_71 = arith.constant 16 : index
    %swap3A_72 = tpu.vector_load %arg11[%swap3A_70, %swap3A_71] {strides = array<i32>} : memref<16x32xf32, #tpu.memory_space<vmem>>, vector<16xf32>,
    tpu.vector_store %arg11[%swap3A_70, %swap3A_71], %broadcast_in_dim3A_1 {strides = array<i32>} : memref<16x32xf32, #tpu.memory_space<vmem>>, vector<16xf32>,
    %swap3A_73 = arith.constant 9 : i32
    %swap3A_74 = arith.index_cast %swap3A_73 : i32 to index
    %swap3A_75 = arith.constant 0 : index
    %swap3A_76 = tpu.vector_load %arg11[%swap3A_74, %swap3A_75] {strides = array<i32>} : memref<16x32xf32, #tpu.memory_space<vmem>>, vector<16xf32>,
    tpu.vector_store %arg11[%swap3A_74, %swap3A_75], %broadcast_in_dim3A_1 {strides = array<i32>} : memref<16x32xf32, #tpu.memory_space<vmem>>, vector<16xf32>,
    %swap3A_77 = arith.constant 9 : i32
    %swap3A_78 = arith.index_cast %swap3A_77 : i32 to index
    %swap3A_79 = arith.constant 16 : index
    %swap3A_80 = tpu.vector_load %arg11[%swap3A_78, %swap3A_79] {strides = array<i32>} : memref<16x32xf32, #tpu.memory_space<vmem>>, vector<16xf32>,
    tpu.vector_store %arg11[%swap3A_78, %swap3A_79], %broadcast_in_dim3A_1 {strides = array<i32>} : memref<16x32xf32, #tpu.memory_space<vmem>>, vector<16xf32>,
    %swap3A_81 = arith.constant 10 : i32
    %swap3A_82 = arith.index_cast %swap3A_81 : i32 to index
    %swap3A_83 = arith.constant 0 : index
    %swap3A_84 = tpu.vector_load %arg11[%swap3A_82, %swap3A_83] {strides = array<i32>} : memref<16x32xf32, #tpu.memory_space<vmem>>, vector<16xf32>,
    tpu.vector_store %arg11[%swap3A_82, %swap3A_83], %broadcast_in_dim3A_1 {strides = array<i32>} : memref<16x32xf32, #tpu.memory_space<vmem>>, vector<16xf32>,
    %swap3A_85 = arith.constant 10 : i32
    %swap3A_86 = arith.index_cast %swap3A_85 : i32 to index
    %swap3A_87 = arith.constant 16 : index
    %swap3A_88 = tpu.vector_load %arg11[%swap3A_86, %swap3A_87] {strides = array<i32>} : memref<16x32xf32, #tpu.memory_space<vmem>>, vector<16xf32>,
    tpu.vector_store %arg11[%swap3A_86, %swap3A_87], %broadcast_in_dim3A_1 {strides = array<i32>} : memref<16x32xf32, #tpu.memory_space<vmem>>, vector<16xf32>,
    %swap3A_89 = arith.constant 11 : i32
    %swap3A_90 = arith.index_cast %swap3A_89 : i32 to index
    %swap3A_91 = arith.constant 0 : index
    %swap3A_92 = tpu.vector_load %arg11[%swap3A_90, %swap3A_91] {strides = array<i32>} : memref<16x32xf32, #tpu.memory_space<vmem>>, vector<16xf32>,
    tpu.vector_store %arg11[%swap3A_90, %swap3A_91], %broadcast_in_dim3A_1 {strides = array<i32>} : memref<16x32xf32, #tpu.memory_space<vmem>>, vector<16xf32>,
    %swap3A_93 = arith.constant 11 : i32
    %swap3A_94 = arith.index_cast %swap3A_93 : i32 to index
    %swap3A_95 = arith.constant 16 : index
    %swap3A_96 = tpu.vector_load %arg11[%swap3A_94, %swap3A_95] {strides = array<i32>} : memref<16x32xf32, #tpu.memory_space<vmem>>, vector<16xf32>,
    tpu.vector_store %arg11[%swap3A_94, %swap3A_95], %broadcast_in_dim3A_1 {strides = array<i32>} : memref<16x32xf32, #tpu.memory_space<vmem>>, vector<16xf32>,
    %swap3A_97 = arith.constant 12 : i32
    %swap3A_98 = arith.index_cast %swap3A_97 : i32 to index
    %swap3A_99 = arith.constant 0 : index
    %swap3A_100 = tpu.vector_load %arg11[%swap3A_98, %swap3A_99] {strides = array<i32>} : memref<16x32xf32, #tpu.memory_space<vmem>>, vector<16xf32>,
    tpu.vector_store %arg11[%swap3A_98, %swap3A_99], %broadcast_in_dim3A_1 {strides = array<i32>} : memref<16x32xf32, #tpu.memory_space<vmem>>, vector<16xf32>,
    %swap3A_101 = arith.constant 12 : i32
    %swap3A_102 = arith.index_cast %swap3A_101 : i32 to index
    %swap3A_103 = arith.constant 16 : index
    %swap3A_104 = tpu.vector_load %arg11[%swap3A_102, %swap3A_103] {strides = array<i32>} : memref<16x32xf32, #tpu.memory_space<vmem>>, vector<16xf32>,
    tpu.vector_store %arg11[%swap3A_102, %swap3A_103], %broadcast_in_dim3A_1 {strides = array<i32>} : memref<16x32xf32, #tpu.memory_space<vmem>>, vector<16xf32>,
    %swap3A_105 = arith.constant 13 : i32
    %swap3A_106 = arith.index_cast %swap3A_105 : i32 to index
    %swap3A_107 = arith.constant 0 : index
    %swap3A_108 = tpu.vector_load %arg11[%swap3A_106, %swap3A_107] {strides = array<i32>} : memref<16x32xf32, #tpu.memory_space<vmem>>, vector<16xf32>,
    tpu.vector_store %arg11[%swap3A_106, %swap3A_107], %broadcast_in_dim3A_1 {strides = array<i32>} : memref<16x32xf32, #tpu.memory_space<vmem>>, vector<16xf32>,
    %swap3A_109 = arith.constant 13 : i32
    %swap3A_110 = arith.index_cast %swap3A_109 : i32 to index
    %swap3A_111 = arith.constant 16 : index
    %swap3A_112 = tpu.vector_load %arg11[%swap3A_110, %swap3A_111] {strides = array<i32>} : memref<16x32xf32, #tpu.memory_space<vmem>>, vector<16xf32>,
    tpu.vector_store %arg11[%swap3A_110, %swap3A_111], %broadcast_in_dim3A_1 {strides = array<i32>} : memref<16x32xf32, #tpu.memory_space<vmem>>, vector<16xf32>,
    %swap3A_113 = arith.constant 14 : i32
    %swap3A_114 = arith.index_cast %swap3A_113 : i32 to index
    %swap3A_115 = arith.constant 0 : index
    %swap3A_116 = tpu.vector_load %arg11[%swap3A_114, %swap3A_115] {strides = array<i32>} : memref<16x32xf32, #tpu.memory_space<vmem>>, vector<16xf32>,
    tpu.vector_store %arg11[%swap3A_114, %swap3A_115], %broadcast_in_dim3A_1 {strides = array<i32>} : memref<16x32xf32, #tpu.memory_space<vmem>>, vector<16xf32>,
    %swap3A_117 = arith.constant 14 : i32
    %swap3A_118 = arith.index_cast %swap3A_117 : i32 to index
    %swap3A_119 = arith.constant 16 : index
    %swap3A_120 = tpu.vector_load %arg11[%swap3A_118, %swap3A_119] {strides = array<i32>} : memref<16x32xf32, #tpu.memory_space<vmem>>, vector<16xf32>,
    tpu.vector_store %arg11[%swap3A_118, %swap3A_119], %broadcast_in_dim3A_1 {strides = array<i32>} : memref<16x32xf32, #tpu.memory_space<vmem>>, vector<16xf32>,
    %swap3A_121 = arith.constant 15 : i32
    %swap3A_122 = arith.index_cast %swap3A_121 : i32 to index
    %swap3A_123 = arith.constant 0 : index
    %swap3A_124 = tpu.vector_load %arg11[%swap3A_122, %swap3A_123] {strides = array<i32>} : memref<16x32xf32, #tpu.memory_space<vmem>>, vector<16xf32>,
    tpu.vector_store %arg11[%swap3A_122, %swap3A_123], %broadcast_in_dim3A_1 {strides = array<i32>} : memref<16x32xf32, #tpu.memory_space<vmem>>, vector<16xf32>,
    %swap3A_125 = arith.constant 15 : i32
    %swap3A_126 = arith.index_cast %swap3A_125 : i32 to index
    %swap3A_127 = arith.constant 16 : index
    %swap3A_128 = tpu.vector_load %arg11[%swap3A_126, %swap3A_127] {strides = array<i32>} : memref<16x32xf32, #tpu.memory_space<vmem>>, vector<16xf32>,
    tpu.vector_store %arg11[%swap3A_126, %swap3A_127], %broadcast_in_dim3A_1 {strides = array<i32>} : memref<16x32xf32, #tpu.memory_space<vmem>>, vector<16xf32>,
    %swap3A_129 = arith.constant 0 : i32
    %swap3A_130 = arith.constant 0 : i32
    %swap3A_131 = arith.index_cast %swap3A_130 : i32 to index
    %swap3A_132 = memref.load %arg12[%swap3A_131] : memref<16xi32, #tpu.memory_space<smem>>
    memref.store %swap3A_129, %arg12[%swap3A_131] : memref<16xi32, #tpu.memory_space<smem>>
    %swap3A_133 = arith.constant 0 : i32
    %swap3A_134 = arith.constant 1 : i32
    %swap3A_135 = arith.index_cast %swap3A_134 : i32 to index
    %swap3A_136 = memref.load %arg12[%swap3A_135] : memref<16xi32, #tpu.memory_space<smem>>
    memref.store %swap3A_133, %arg12[%swap3A_135] : memref<16xi32, #tpu.memory_space<smem>>
    %swap3A_137 = arith.constant 0 : i32
    %swap3A_138 = arith.constant 2 : i32
    %swap3A_139 = arith.index_cast %swap3A_138 : i32 to index
    %swap3A_140 = memref.load %arg12[%swap3A_139] : memref<16xi32, #tpu.memory_space<smem>>
    memref.store %swap3A_137, %arg12[%swap3A_139] : memref<16xi32, #tpu.memory_space<smem>>
    %swap3A_141 = arith.constant 0 : i32
    %swap3A_142 = arith.constant 3 : i32
    %swap3A_143 = arith.index_cast %swap3A_142 : i32 to index
    %swap3A_144 = memref.load %arg12[%swap3A_143] : memref<16xi32, #tpu.memory_space<smem>>
    memref.store %swap3A_141, %arg12[%swap3A_143] : memref<16xi32, #tpu.memory_space<smem>>
    %swap3A_145 = arith.constant 0 : i32
    %swap3A_146 = arith.constant 4 : i32
    %swap3A_147 = arith.index_cast %swap3A_146 : i32 to index
    %swap3A_148 = memref.load %arg12[%swap3A_147] : memref<16xi32, #tpu.memory_space<smem>>
    memref.store %swap3A_145, %arg12[%swap3A_147] : memref<16xi32, #tpu.memory_space<smem>>
    %swap3A_149 = arith.constant 0 : i32
    %swap3A_150 = arith.constant 5 : i32
    %swap3A_151 = arith.index_cast %swap3A_150 : i32 to index
    %swap3A_152 = memref.load %arg12[%swap3A_151] : memref<16xi32, #tpu.memory_space<smem>>
    memref.store %swap3A_149, %arg12[%swap3A_151] : memref<16xi32, #tpu.memory_space<smem>>
    %swap3A_153 = arith.constant 0 : i32
    %swap3A_154 = arith.constant 6 : i32
    %swap3A_155 = arith.index_cast %swap3A_154 : i32 to index
    %swap3A_156 = memref.load %arg12[%swap3A_155] : memref<16xi32, #tpu.memory_space<smem>>
    memref.store %swap3A_153, %arg12[%swap3A_155] : memref<16xi32, #tpu.memory_space<smem>>
    %swap3A_157 = arith.constant 0 : i32
    %swap3A_158 = arith.constant 7 : i32
    %swap3A_159 = arith.index_cast %swap3A_158 : i32 to index
    %swap3A_160 = memref.load %arg12[%swap3A_159] : memref<16xi32, #tpu.memory_space<smem>>
    memref.store %swap3A_157, %arg12[%swap3A_159] : memref<16xi32, #tpu.memory_space<smem>>
    %swap3A_161 = arith.constant 0 : i32
    %swap3A_162 = arith.constant 8 : i32
    %swap3A_163 = arith.index_cast %swap3A_162 : i32 to index
    %swap3A_164 = memref.load %arg12[%swap3A_163] : memref<16xi32, #tpu.memory_space<smem>>
    memref.store %swap3A_161, %arg12[%swap3A_163] : memref<16xi32, #tpu.memory_space<smem>>
    %swap3A_165 = arith.constant 0 : i32
    %swap3A_166 = arith.constant 9 : i32
    %swap3A_167 = arith.index_cast %swap3A_166 : i32 to index
    %swap3A_168 = memref.load %arg12[%swap3A_167] : memref<16xi32, #tpu.memory_space<smem>>
    memref.store %swap3A_165, %arg12[%swap3A_167] : memref<16xi32, #tpu.memory_space<smem>>
    %swap3A_169 = arith.constant 0 : i32
    %swap3A_170 = arith.constant 10 : i32
    %swap3A_171 = arith.index_cast %swap3A_170 : i32 to index
    %swap3A_172 = memref.load %arg12[%swap3A_171] : memref<16xi32, #tpu.memory_space<smem>>
    memref.store %swap3A_169, %arg12[%swap3A_171] : memref<16xi32, #tpu.memory_space<smem>>
    %swap3A_173 = arith.constant 0 : i32
    %swap3A_174 = arith.constant 11 : i32
    %swap3A_175 = arith.index_cast %swap3A_174 : i32 to index
    %swap3A_176 = memref.load %arg12[%swap3A_175] : memref<16xi32, #tpu.memory_space<smem>>
    memref.store %swap3A_173, %arg12[%swap3A_175] : memref<16xi32, #tpu.memory_space<smem>>
    %swap3A_177 = arith.constant 0 : i32
    %swap3A_178 = arith.constant 12 : i32
    %swap3A_179 = arith.index_cast %swap3A_178 : i32 to index
    %swap3A_180 = memref.load %arg12[%swap3A_179] : memref<16xi32, #tpu.memory_space<smem>>
    memref.store %swap3A_177, %arg12[%swap3A_179] : memref<16xi32, #tpu.memory_space<smem>>
    %swap3A_181 = arith.constant 0 : i32
    %swap3A_182 = arith.constant 13 : i32
    %swap3A_183 = arith.index_cast %swap3A_182 : i32 to index
    %swap3A_184 = memref.load %arg12[%swap3A_183] : memref<16xi32, #tpu.memory_space<smem>>
    memref.store %swap3A_181, %arg12[%swap3A_183] : memref<16xi32, #tpu.memory_space<smem>>
    %swap3A_185 = arith.constant 0 : i32
    %swap3A_186 = arith.constant 14 : i32
    %swap3A_187 = arith.index_cast %swap3A_186 : i32 to index
    %swap3A_188 = memref.load %arg12[%swap3A_187] : memref<16xi32, #tpu.memory_space<smem>>
    memref.store %swap3A_185, %arg12[%swap3A_187] : memref<16xi32, #tpu.memory_space<smem>>
    %swap3A_189 = arith.constant 0 : i32
    %swap3A_190 = arith.constant 15 : i32
    %swap3A_191 = arith.index_cast %swap3A_190 : i32 to index
    %swap3A_192 = memref.load %arg12[%swap3A_191] : memref<16xi32, #tpu.memory_space<smem>>
    memref.store %swap3A_189, %arg12[%swap3A_191] : memref<16xi32, #tpu.memory_space<smem>>
    %scan3A = arith.constant 0 : i32
    %scan3A_193 = arith.constant 0 : i32
    %scan3A_194 = arith.constant 64 : i32
    %scan3A_195 = arith.addi %scan3A_193, %scan3A_194 : i32
    %scan3A_196 = arith.constant 1 : i32
    scf.for %scan3A_204 = %scan3A_193 to %scan3A_195 step %scan3A_196  : i32 {
      %mul3A_205 = arith.constant 16 : i32
      %mul3A_206 = arith.muli %scan3A_204, %mul3A_205 : i32
      %get3A = arith.index_cast %mul3A_206 : i32 to index
      %get3A_207 = tpu.vector_load %arg6[%get3A] {strides = array<i32>} : memref<1024xi32, #tpu.memory_space<vmem>>, vector<16xi32>,
      %jit3A = arith.constant 31250 : i32
      %div3A = vector.broadcast %jit3A : i32 to vector<16xi32>
      %div3A_208 = arith.divsi %get3A_207, %div3A : vector<16xi32>
      %sign3A = arith.constant 0 : i32
      %sign3A_209 = vector.broadcast %sign3A : i32 to vector<16xi32>
      %sign3A_210 = arith.cmpi sgt, %get3A_207, %sign3A_209 : vector<16xi32>
      %sign3A_211 = arith.extui %sign3A_210 : vector<16xi1> to vector<16xi32>
      %sign3A_212 = arith.constant 0 : i32
      %sign3A_213 = vector.broadcast %sign3A_212 : i32 to vector<16xi32>
      %sign3A_214 = arith.cmpi slt, %get3A_207, %sign3A_213 : vector<16xi32>
      %sign3A_215 = arith.extui %sign3A_214 : vector<16xi1> to vector<16xi32>
      %sign3A_216 = arith.subi %sign3A_211, %sign3A_215 : vector<16xi32>
      %sign3A_217 = arith.constant 0 : i32
      %sign3A_218 = arith.cmpi sgt, %jit3A, %sign3A_217 : i32
      %sign3A_219 = arith.extui %sign3A_218 : i1 to i32
      %sign3A_220 = arith.constant 0 : i32
      %sign3A_221 = arith.cmpi slt, %jit3A, %sign3A_220 : i32
      %sign3A_222 = arith.extui %sign3A_221 : i1 to i32
      %sign3A_223 = arith.subi %sign3A_219, %sign3A_222 : i32
      %ne3A = vector.broadcast %sign3A_223 : i32 to vector<16xi32>
      %ne3A_224 = arith.cmpi ne, %sign3A_216, %ne3A : vector<16xi32>
      %rem3A = vector.broadcast %jit3A : i32 to vector<16xi32>
      %rem3A_225 = arith.remsi %get3A_207, %rem3A : vector<16xi32>
      %ne3A_226 = arith.constant 0 : i32
      %ne3A_227 = vector.broadcast %ne3A_226 : i32 to vector<16xi32>
      %ne3A_228 = arith.cmpi ne, %rem3A_225, %ne3A_227 : vector<16xi32>
      %and3A = arith.andi %ne3A_224, %ne3A_228 : vector<16xi1>
      %sub3A = arith.constant 1 : i32
      %sub3A_229 = vector.broadcast %sub3A : i32 to vector<16xi32>
      %sub3A_230 = arith.subi %div3A_208, %sub3A_229 : vector<16xi32>
      %select_n3A = arith.select %and3A, %sub3A_230, %div3A_208 : vector<16xi1>, vector<16xi32>
      %shift_left3A = arith.constant 10 : i32
      %shift_left3A_231 = vector.broadcast %shift_left3A : i32 to vector<16xi32>
      %shift_left3A_232 = arith.shli %get3A_207, %shift_left3A_231 : vector<16xi32>
      %mul3A_233 = arith.constant 16 : i32
      %mul3A_234 = arith.muli %scan3A_204, %mul3A_233 : i32
      %add3A = vector.broadcast %mul3A_234 : i32 to vector<16xi32>
      %add3A_235 = arith.addi %add3A, %iota3A : vector<16xi32>
      %or3A = arith.ori %shift_left3A_232, %add3A_235 : vector<16xi32>
      %mul3A_236 = arith.constant 16 : i32
      %mul3A_237 = arith.muli %arg0, %mul3A_236 : i32
      %add3A_238 = arith.constant 0 : i32
      %add3A_239 = arith.addi %mul3A_237, %add3A_238 : i32
      %eq3A = vector.broadcast %add3A_239 : i32 to vector<16xi32>
      %eq3A_240 = arith.cmpi eq, %select_n3A, %eq3A : vector<16xi32>
      %get3A_241 = arith.constant 0 : i32
      %get3A_242 = arith.index_cast %get3A_241 : i32 to index
      %get3A_243 = memref.load %arg12[%get3A_242] : memref<16xi32, #tpu.memory_space<smem>>
      %add3A_244 = arith.constant 0 : i32
      %add3A_245 = arith.addi %add3A_244, %get3A_243 : i32
      %swap3A_246 = arith.index_cast %add3A_245 : i32 to index
      %swap3A_247 = tpu.vector_load %arg7[%swap3A_246] masked %eq3A_240 {strides = array<i32>} : memref<16640xi32, #tpu.memory_space<vmem>>, vector<16xi32>, vector<16xi1>
      tpu.vector_store %arg7[%swap3A_246], %or3A masked %eq3A_240 {strides = array<i32>} : memref<16640xi32, #tpu.memory_space<vmem>>, vector<16xi32>, vector<16xi1>
      %all_reduce_population_count3A = tpu.all_reduce %eq3A_240 {dim = 0 : i64, kind = #tpu.reduction_kind<sum>} : vector<16xi1> -> vector<16xi32>
      %reduce_max3A = arith.constant true
      %reduce_max3A_248 = vector.broadcast %reduce_max3A : i1 to vector<16xi1>
      %reduce_max3A_249 = arith.constant -2147483648 : i32
      %reduce_max3A_250 = vector.broadcast %reduce_max3A_249 : i32 to vector<16xi32>
      %reduce_max3A_251 = arith.xori %all_reduce_population_count3A, %reduce_max3A_250 : vector<16xi32>
      %reduce_max3A_252 = tpu.scan <max>, %reduce_max3A_251 masked %reduce_max3A_248 : vector<16xi32>, vector<16xi1> -> vector<16xi32>
      %reduce_max3A_253 = arith.xori %reduce_max3A_252, %reduce_max3A_250 : vector<16xi32>
      %reduce_max3A_254 = vector.extract %reduce_max3A_253[15] : i32 from vector<16xi32>
      %add3A_255 = arith.addi %get3A_243, %reduce_max3A_254 : i32
      %swap3A_256 = arith.constant 0 : i32
      %swap3A_257 = arith.index_cast %swap3A_256 : i32 to index
      %swap3A_258 = memref.load %arg12[%swap3A_257] : memref<16xi32, #tpu.memory_space<smem>>
      memref.store %add3A_255, %arg12[%swap3A_257] : memref<16xi32, #tpu.memory_space<smem>>
      %mul3A_259 = arith.constant 16 : i32
      %mul3A_260 = arith.muli %arg0, %mul3A_259 : i32
      %add3A_261 = arith.constant 1 : i32
      %add3A_262 = arith.addi %mul3A_260, %add3A_261 : i32
      %eq3A_263 = vector.broadcast %add3A_262 : i32 to vector<16xi32>
      %eq3A_264 = arith.cmpi eq, %select_n3A, %eq3A_263 : vector<16xi32>
      %get3A_265 = arith.constant 1 : i32
      %get3A_266 = arith.index_cast %get3A_265 : i32 to index
      %get3A_267 = memref.load %arg12[%get3A_266] : memref<16xi32, #tpu.memory_space<smem>>
      %add3A_268 = arith.constant 1040 : i32
      %add3A_269 = arith.addi %add3A_268, %get3A_267 : i32
      %swap3A_270 = arith.index_cast %add3A_269 : i32 to index
      %swap3A_271 = tpu.vector_load %arg7[%swap3A_270] masked %eq3A_264 {strides = array<i32>} : memref<16640xi32, #tpu.memory_space<vmem>>, vector<16xi32>, vector<16xi1>
      tpu.vector_store %arg7[%swap3A_270], %or3A masked %eq3A_264 {strides = array<i32>} : memref<16640xi32, #tpu.memory_space<vmem>>, vector<16xi32>, vector<16xi1>
      %all_reduce_population_count3A_272 = tpu.all_reduce %eq3A_264 {dim = 0 : i64, kind = #tpu.reduction_kind<sum>} : vector<16xi1> -> vector<16xi32>
      %reduce_max3A_273 = arith.constant true
      %reduce_max3A_274 = vector.broadcast %reduce_max3A_273 : i1 to vector<16xi1>
      %reduce_max3A_275 = arith.constant -2147483648 : i32
      %reduce_max3A_276 = vector.broadcast %reduce_max3A_275 : i32 to vector<16xi32>
      %reduce_max3A_277 = arith.xori %all_reduce_population_count3A_272, %reduce_max3A_276 : vector<16xi32>
      %reduce_max3A_278 = tpu.scan <max>, %reduce_max3A_277 masked %reduce_max3A_274 : vector<16xi32>, vector<16xi1> -> vector<16xi32>
      %reduce_max3A_279 = arith.xori %reduce_max3A_278, %reduce_max3A_276 : vector<16xi32>
      %reduce_max3A_280 = vector.extract %reduce_max3A_279[15] : i32 from vector<16xi32>
      %add3A_281 = arith.addi %get3A_267, %reduce_max3A_280 : i32
      %swap3A_282 = arith.constant 1 : i32
      %swap3A_283 = arith.index_cast %swap3A_282 : i32 to index
      %swap3A_284 = memref.load %arg12[%swap3A_283] : memref<16xi32, #tpu.memory_space<smem>>
      memref.store %add3A_281, %arg12[%swap3A_283] : memref<16xi32, #tpu.memory_space<smem>>
      %mul3A_285 = arith.constant 16 : i32
      %mul3A_286 = arith.muli %arg0, %mul3A_285 : i32
      %add3A_287 = arith.constant 2 : i32
      %add3A_288 = arith.addi %mul3A_286, %add3A_287 : i32
      %eq3A_289 = vector.broadcast %add3A_288 : i32 to vector<16xi32>
      %eq3A_290 = arith.cmpi eq, %select_n3A, %eq3A_289 : vector<16xi32>
      %get3A_291 = arith.constant 2 : i32
      %get3A_292 = arith.index_cast %get3A_291 : i32 to index
      %get3A_293 = memref.load %arg12[%get3A_292] : memref<16xi32, #tpu.memory_space<smem>>
      %add3A_294 = arith.constant 2080 : i32
      %add3A_295 = arith.addi %add3A_294, %get3A_293 : i32
      %swap3A_296 = arith.index_cast %add3A_295 : i32 to index
      %swap3A_297 = tpu.vector_load %arg7[%swap3A_296] masked %eq3A_290 {strides = array<i32>} : memref<16640xi32, #tpu.memory_space<vmem>>, vector<16xi32>, vector<16xi1>
      tpu.vector_store %arg7[%swap3A_296], %or3A masked %eq3A_290 {strides = array<i32>} : memref<16640xi32, #tpu.memory_space<vmem>>, vector<16xi32>, vector<16xi1>
      %all_reduce_population_count3A_298 = tpu.all_reduce %eq3A_290 {dim = 0 : i64, kind = #tpu.reduction_kind<sum>} : vector<16xi1> -> vector<16xi32>
      %reduce_max3A_299 = arith.constant true
      %reduce_max3A_300 = vector.broadcast %reduce_max3A_299 : i1 to vector<16xi1>
      %reduce_max3A_301 = arith.constant -2147483648 : i32
      %reduce_max3A_302 = vector.broadcast %reduce_max3A_301 : i32 to vector<16xi32>
      %reduce_max3A_303 = arith.xori %all_reduce_population_count3A_298, %reduce_max3A_302 : vector<16xi32>
      %reduce_max3A_304 = tpu.scan <max>, %reduce_max3A_303 masked %reduce_max3A_300 : vector<16xi32>, vector<16xi1> -> vector<16xi32>
      %reduce_max3A_305 = arith.xori %reduce_max3A_304, %reduce_max3A_302 : vector<16xi32>
      %reduce_max3A_306 = vector.extract %reduce_max3A_305[15] : i32 from vector<16xi32>
      %add3A_307 = arith.addi %get3A_293, %reduce_max3A_306 : i32
      %swap3A_308 = arith.constant 2 : i32
      %swap3A_309 = arith.index_cast %swap3A_308 : i32 to index
      %swap3A_310 = memref.load %arg12[%swap3A_309] : memref<16xi32, #tpu.memory_space<smem>>
      memref.store %add3A_307, %arg12[%swap3A_309] : memref<16xi32, #tpu.memory_space<smem>>
      %mul3A_311 = arith.constant 16 : i32
      %mul3A_312 = arith.muli %arg0, %mul3A_311 : i32
      %add3A_313 = arith.constant 3 : i32
      %add3A_314 = arith.addi %mul3A_312, %add3A_313 : i32
      %eq3A_315 = vector.broadcast %add3A_314 : i32 to vector<16xi32>
      %eq3A_316 = arith.cmpi eq, %select_n3A, %eq3A_315 : vector<16xi32>
      %get3A_317 = arith.constant 3 : i32
      %get3A_318 = arith.index_cast %get3A_317 : i32 to index
      %get3A_319 = memref.load %arg12[%get3A_318] : memref<16xi32, #tpu.memory_space<smem>>
      %add3A_320 = arith.constant 3120 : i32
      %add3A_321 = arith.addi %add3A_320, %get3A_319 : i32
      %swap3A_322 = arith.index_cast %add3A_321 : i32 to index
      %swap3A_323 = tpu.vector_load %arg7[%swap3A_322] masked %eq3A_316 {strides = array<i32>} : memref<16640xi32, #tpu.memory_space<vmem>>, vector<16xi32>, vector<16xi1>
      tpu.vector_store %arg7[%swap3A_322], %or3A masked %eq3A_316 {strides = array<i32>} : memref<16640xi32, #tpu.memory_space<vmem>>, vector<16xi32>, vector<16xi1>
      %all_reduce_population_count3A_324 = tpu.all_reduce %eq3A_316 {dim = 0 : i64, kind = #tpu.reduction_kind<sum>} : vector<16xi1> -> vector<16xi32>
      %reduce_max3A_325 = arith.constant true
      %reduce_max3A_326 = vector.broadcast %reduce_max3A_325 : i1 to vector<16xi1>
      %reduce_max3A_327 = arith.constant -2147483648 : i32
      %reduce_max3A_328 = vector.broadcast %reduce_max3A_327 : i32 to vector<16xi32>
      %reduce_max3A_329 = arith.xori %all_reduce_population_count3A_324, %reduce_max3A_328 : vector<16xi32>
      %reduce_max3A_330 = tpu.scan <max>, %reduce_max3A_329 masked %reduce_max3A_326 : vector<16xi32>, vector<16xi1> -> vector<16xi32>
      %reduce_max3A_331 = arith.xori %reduce_max3A_330, %reduce_max3A_328 : vector<16xi32>
      %reduce_max3A_332 = vector.extract %reduce_max3A_331[15] : i32 from vector<16xi32>
      %add3A_333 = arith.addi %get3A_319, %reduce_max3A_332 : i32
      %swap3A_334 = arith.constant 3 : i32
      %swap3A_335 = arith.index_cast %swap3A_334 : i32 to index
      %swap3A_336 = memref.load %arg12[%swap3A_335] : memref<16xi32, #tpu.memory_space<smem>>
      memref.store %add3A_333, %arg12[%swap3A_335] : memref<16xi32, #tpu.memory_space<smem>>
      %mul3A_337 = arith.constant 16 : i32
      %mul3A_338 = arith.muli %arg0, %mul3A_337 : i32
      %add3A_339 = arith.constant 4 : i32
      %add3A_340 = arith.addi %mul3A_338, %add3A_339 : i32
      %eq3A_341 = vector.broadcast %add3A_340 : i32 to vector<16xi32>
      %eq3A_342 = arith.cmpi eq, %select_n3A, %eq3A_341 : vector<16xi32>
      %get3A_343 = arith.constant 4 : i32
      %get3A_344 = arith.index_cast %get3A_343 : i32 to index
      %get3A_345 = memref.load %arg12[%get3A_344] : memref<16xi32, #tpu.memory_space<smem>>
      %add3A_346 = arith.constant 4160 : i32
      %add3A_347 = arith.addi %add3A_346, %get3A_345 : i32
      %swap3A_348 = arith.index_cast %add3A_347 : i32 to index
      %swap3A_349 = tpu.vector_load %arg7[%swap3A_348] masked %eq3A_342 {strides = array<i32>} : memref<16640xi32, #tpu.memory_space<vmem>>, vector<16xi32>, vector<16xi1>
      tpu.vector_store %arg7[%swap3A_348], %or3A masked %eq3A_342 {strides = array<i32>} : memref<16640xi32, #tpu.memory_space<vmem>>, vector<16xi32>, vector<16xi1>
      %all_reduce_population_count3A_350 = tpu.all_reduce %eq3A_342 {dim = 0 : i64, kind = #tpu.reduction_kind<sum>} : vector<16xi1> -> vector<16xi32>
      %reduce_max3A_351 = arith.constant true
      %reduce_max3A_352 = vector.broadcast %reduce_max3A_351 : i1 to vector<16xi1>
      %reduce_max3A_353 = arith.constant -2147483648 : i32
      %reduce_max3A_354 = vector.broadcast %reduce_max3A_353 : i32 to vector<16xi32>
      %reduce_max3A_355 = arith.xori %all_reduce_population_count3A_350, %reduce_max3A_354 : vector<16xi32>
      %reduce_max3A_356 = tpu.scan <max>, %reduce_max3A_355 masked %reduce_max3A_352 : vector<16xi32>, vector<16xi1> -> vector<16xi32>
      %reduce_max3A_357 = arith.xori %reduce_max3A_356, %reduce_max3A_354 : vector<16xi32>
      %reduce_max3A_358 = vector.extract %reduce_max3A_357[15] : i32 from vector<16xi32>
      %add3A_359 = arith.addi %get3A_345, %reduce_max3A_358 : i32
      %swap3A_360 = arith.constant 4 : i32
      %swap3A_361 = arith.index_cast %swap3A_360 : i32 to index
      %swap3A_362 = memref.load %arg12[%swap3A_361] : memref<16xi32, #tpu.memory_space<smem>>
      memref.store %add3A_359, %arg12[%swap3A_361] : memref<16xi32, #tpu.memory_space<smem>>
      %mul3A_363 = arith.constant 16 : i32
      %mul3A_364 = arith.muli %arg0, %mul3A_363 : i32
      %add3A_365 = arith.constant 5 : i32
      %add3A_366 = arith.addi %mul3A_364, %add3A_365 : i32
      %eq3A_367 = vector.broadcast %add3A_366 : i32 to vector<16xi32>
      %eq3A_368 = arith.cmpi eq, %select_n3A, %eq3A_367 : vector<16xi32>
      %get3A_369 = arith.constant 5 : i32
      %get3A_370 = arith.index_cast %get3A_369 : i32 to index
      %get3A_371 = memref.load %arg12[%get3A_370] : memref<16xi32, #tpu.memory_space<smem>>
      %add3A_372 = arith.constant 5200 : i32
      %add3A_373 = arith.addi %add3A_372, %get3A_371 : i32
      %swap3A_374 = arith.index_cast %add3A_373 : i32 to index
      %swap3A_375 = tpu.vector_load %arg7[%swap3A_374] masked %eq3A_368 {strides = array<i32>} : memref<16640xi32, #tpu.memory_space<vmem>>, vector<16xi32>, vector<16xi1>
      tpu.vector_store %arg7[%swap3A_374], %or3A masked %eq3A_368 {strides = array<i32>} : memref<16640xi32, #tpu.memory_space<vmem>>, vector<16xi32>, vector<16xi1>
      %all_reduce_population_count3A_376 = tpu.all_reduce %eq3A_368 {dim = 0 : i64, kind = #tpu.reduction_kind<sum>} : vector<16xi1> -> vector<16xi32>
      %reduce_max3A_377 = arith.constant true
      %reduce_max3A_378 = vector.broadcast %reduce_max3A_377 : i1 to vector<16xi1>
      %reduce_max3A_379 = arith.constant -2147483648 : i32
      %reduce_max3A_380 = vector.broadcast %reduce_max3A_379 : i32 to vector<16xi32>
      %reduce_max3A_381 = arith.xori %all_reduce_population_count3A_376, %reduce_max3A_380 : vector<16xi32>
      %reduce_max3A_382 = tpu.scan <max>, %reduce_max3A_381 masked %reduce_max3A_378 : vector<16xi32>, vector<16xi1> -> vector<16xi32>
      %reduce_max3A_383 = arith.xori %reduce_max3A_382, %reduce_max3A_380 : vector<16xi32>
      %reduce_max3A_384 = vector.extract %reduce_max3A_383[15] : i32 from vector<16xi32>
      %add3A_385 = arith.addi %get3A_371, %reduce_max3A_384 : i32
      %swap3A_386 = arith.constant 5 : i32
      %swap3A_387 = arith.index_cast %swap3A_386 : i32 to index
      %swap3A_388 = memref.load %arg12[%swap3A_387] : memref<16xi32, #tpu.memory_space<smem>>
      memref.store %add3A_385, %arg12[%swap3A_387] : memref<16xi32, #tpu.memory_space<smem>>
      %mul3A_389 = arith.constant 16 : i32
      %mul3A_390 = arith.muli %arg0, %mul3A_389 : i32
      %add3A_391 = arith.constant 6 : i32
      %add3A_392 = arith.addi %mul3A_390, %add3A_391 : i32
      %eq3A_393 = vector.broadcast %add3A_392 : i32 to vector<16xi32>
      %eq3A_394 = arith.cmpi eq, %select_n3A, %eq3A_393 : vector<16xi32>
      %get3A_395 = arith.constant 6 : i32
      %get3A_396 = arith.index_cast %get3A_395 : i32 to index
      %get3A_397 = memref.load %arg12[%get3A_396] : memref<16xi32, #tpu.memory_space<smem>>
      %add3A_398 = arith.constant 6240 : i32
      %add3A_399 = arith.addi %add3A_398, %get3A_397 : i32
      %swap3A_400 = arith.index_cast %add3A_399 : i32 to index
      %swap3A_401 = tpu.vector_load %arg7[%swap3A_400] masked %eq3A_394 {strides = array<i32>} : memref<16640xi32, #tpu.memory_space<vmem>>, vector<16xi32>, vector<16xi1>
      tpu.vector_store %arg7[%swap3A_400], %or3A masked %eq3A_394 {strides = array<i32>} : memref<16640xi32, #tpu.memory_space<vmem>>, vector<16xi32>, vector<16xi1>
      %all_reduce_population_count3A_402 = tpu.all_reduce %eq3A_394 {dim = 0 : i64, kind = #tpu.reduction_kind<sum>} : vector<16xi1> -> vector<16xi32>
      %reduce_max3A_403 = arith.constant true
      %reduce_max3A_404 = vector.broadcast %reduce_max3A_403 : i1 to vector<16xi1>
      %reduce_max3A_405 = arith.constant -2147483648 : i32
      %reduce_max3A_406 = vector.broadcast %reduce_max3A_405 : i32 to vector<16xi32>
      %reduce_max3A_407 = arith.xori %all_reduce_population_count3A_402, %reduce_max3A_406 : vector<16xi32>
      %reduce_max3A_408 = tpu.scan <max>, %reduce_max3A_407 masked %reduce_max3A_404 : vector<16xi32>, vector<16xi1> -> vector<16xi32>
      %reduce_max3A_409 = arith.xori %reduce_max3A_408, %reduce_max3A_406 : vector<16xi32>
      %reduce_max3A_410 = vector.extract %reduce_max3A_409[15] : i32 from vector<16xi32>
      %add3A_411 = arith.addi %get3A_397, %reduce_max3A_410 : i32
      %swap3A_412 = arith.constant 6 : i32
      %swap3A_413 = arith.index_cast %swap3A_412 : i32 to index
      %swap3A_414 = memref.load %arg12[%swap3A_413] : memref<16xi32, #tpu.memory_space<smem>>
      memref.store %add3A_411, %arg12[%swap3A_413] : memref<16xi32, #tpu.memory_space<smem>>
      %mul3A_415 = arith.constant 16 : i32
      %mul3A_416 = arith.muli %arg0, %mul3A_415 : i32
      %add3A_417 = arith.constant 7 : i32
      %add3A_418 = arith.addi %mul3A_416, %add3A_417 : i32
      %eq3A_419 = vector.broadcast %add3A_418 : i32 to vector<16xi32>
      %eq3A_420 = arith.cmpi eq, %select_n3A, %eq3A_419 : vector<16xi32>
      %get3A_421 = arith.constant 7 : i32
      %get3A_422 = arith.index_cast %get3A_421 : i32 to index
      %get3A_423 = memref.load %arg12[%get3A_422] : memref<16xi32, #tpu.memory_space<smem>>
      %add3A_424 = arith.constant 7280 : i32
      %add3A_425 = arith.addi %add3A_424, %get3A_423 : i32
      %swap3A_426 = arith.index_cast %add3A_425 : i32 to index
      %swap3A_427 = tpu.vector_load %arg7[%swap3A_426] masked %eq3A_420 {strides = array<i32>} : memref<16640xi32, #tpu.memory_space<vmem>>, vector<16xi32>, vector<16xi1>
      tpu.vector_store %arg7[%swap3A_426], %or3A masked %eq3A_420 {strides = array<i32>} : memref<16640xi32, #tpu.memory_space<vmem>>, vector<16xi32>, vector<16xi1>
      %all_reduce_population_count3A_428 = tpu.all_reduce %eq3A_420 {dim = 0 : i64, kind = #tpu.reduction_kind<sum>} : vector<16xi1> -> vector<16xi32>
      %reduce_max3A_429 = arith.constant true
      %reduce_max3A_430 = vector.broadcast %reduce_max3A_429 : i1 to vector<16xi1>
      %reduce_max3A_431 = arith.constant -2147483648 : i32
      %reduce_max3A_432 = vector.broadcast %reduce_max3A_431 : i32 to vector<16xi32>
      %reduce_max3A_433 = arith.xori %all_reduce_population_count3A_428, %reduce_max3A_432 : vector<16xi32>
      %reduce_max3A_434 = tpu.scan <max>, %reduce_max3A_433 masked %reduce_max3A_430 : vector<16xi32>, vector<16xi1> -> vector<16xi32>
      %reduce_max3A_435 = arith.xori %reduce_max3A_434, %reduce_max3A_432 : vector<16xi32>
      %reduce_max3A_436 = vector.extract %reduce_max3A_435[15] : i32 from vector<16xi32>
      %add3A_437 = arith.addi %get3A_423, %reduce_max3A_436 : i32
      %swap3A_438 = arith.constant 7 : i32
      %swap3A_439 = arith.index_cast %swap3A_438 : i32 to index
      %swap3A_440 = memref.load %arg12[%swap3A_439] : memref<16xi32, #tpu.memory_space<smem>>
      memref.store %add3A_437, %arg12[%swap3A_439] : memref<16xi32, #tpu.memory_space<smem>>
      %mul3A_441 = arith.constant 16 : i32
      %mul3A_442 = arith.muli %arg0, %mul3A_441 : i32
      %add3A_443 = arith.constant 8 : i32
      %add3A_444 = arith.addi %mul3A_442, %add3A_443 : i32
      %eq3A_445 = vector.broadcast %add3A_444 : i32 to vector<16xi32>
      %eq3A_446 = arith.cmpi eq, %select_n3A, %eq3A_445 : vector<16xi32>
      %get3A_447 = arith.constant 8 : i32
      %get3A_448 = arith.index_cast %get3A_447 : i32 to index
      %get3A_449 = memref.load %arg12[%get3A_448] : memref<16xi32, #tpu.memory_space<smem>>
      %add3A_450 = arith.constant 8320 : i32
      %add3A_451 = arith.addi %add3A_450, %get3A_449 : i32
      %swap3A_452 = arith.index_cast %add3A_451 : i32 to index
      %swap3A_453 = tpu.vector_load %arg7[%swap3A_452] masked %eq3A_446 {strides = array<i32>} : memref<16640xi32, #tpu.memory_space<vmem>>, vector<16xi32>, vector<16xi1>
      tpu.vector_store %arg7[%swap3A_452], %or3A masked %eq3A_446 {strides = array<i32>} : memref<16640xi32, #tpu.memory_space<vmem>>, vector<16xi32>, vector<16xi1>
      %all_reduce_population_count3A_454 = tpu.all_reduce %eq3A_446 {dim = 0 : i64, kind = #tpu.reduction_kind<sum>} : vector<16xi1> -> vector<16xi32>
      %reduce_max3A_455 = arith.constant true
      %reduce_max3A_456 = vector.broadcast %reduce_max3A_455 : i1 to vector<16xi1>
      %reduce_max3A_457 = arith.constant -2147483648 : i32
      %reduce_max3A_458 = vector.broadcast %reduce_max3A_457 : i32 to vector<16xi32>
      %reduce_max3A_459 = arith.xori %all_reduce_population_count3A_454, %reduce_max3A_458 : vector<16xi32>
      %reduce_max3A_460 = tpu.scan <max>, %reduce_max3A_459 masked %reduce_max3A_456 : vector<16xi32>, vector<16xi1> -> vector<16xi32>
      %reduce_max3A_461 = arith.xori %reduce_max3A_460, %reduce_max3A_458 : vector<16xi32>
      %reduce_max3A_462 = vector.extract %reduce_max3A_461[15] : i32 from vector<16xi32>
      %add3A_463 = arith.addi %get3A_449, %reduce_max3A_462 : i32
      %swap3A_464 = arith.constant 8 : i32
      %swap3A_465 = arith.index_cast %swap3A_464 : i32 to index
      %swap3A_466 = memref.load %arg12[%swap3A_465] : memref<16xi32, #tpu.memory_space<smem>>
      memref.store %add3A_463, %arg12[%swap3A_465] : memref<16xi32, #tpu.memory_space<smem>>
      %mul3A_467 = arith.constant 16 : i32
      %mul3A_468 = arith.muli %arg0, %mul3A_467 : i32
      %add3A_469 = arith.constant 9 : i32
      %add3A_470 = arith.addi %mul3A_468, %add3A_469 : i32
      %eq3A_471 = vector.broadcast %add3A_470 : i32 to vector<16xi32>
      %eq3A_472 = arith.cmpi eq, %select_n3A, %eq3A_471 : vector<16xi32>
      %get3A_473 = arith.constant 9 : i32
      %get3A_474 = arith.index_cast %get3A_473 : i32 to index
      %get3A_475 = memref.load %arg12[%get3A_474] : memref<16xi32, #tpu.memory_space<smem>>
      %add3A_476 = arith.constant 9360 : i32
      %add3A_477 = arith.addi %add3A_476, %get3A_475 : i32
      %swap3A_478 = arith.index_cast %add3A_477 : i32 to index
      %swap3A_479 = tpu.vector_load %arg7[%swap3A_478] masked %eq3A_472 {strides = array<i32>} : memref<16640xi32, #tpu.memory_space<vmem>>, vector<16xi32>, vector<16xi1>
      tpu.vector_store %arg7[%swap3A_478], %or3A masked %eq3A_472 {strides = array<i32>} : memref<16640xi32, #tpu.memory_space<vmem>>, vector<16xi32>, vector<16xi1>
      %all_reduce_population_count3A_480 = tpu.all_reduce %eq3A_472 {dim = 0 : i64, kind = #tpu.reduction_kind<sum>} : vector<16xi1> -> vector<16xi32>
      %reduce_max3A_481 = arith.constant true
      %reduce_max3A_482 = vector.broadcast %reduce_max3A_481 : i1 to vector<16xi1>
      %reduce_max3A_483 = arith.constant -2147483648 : i32
      %reduce_max3A_484 = vector.broadcast %reduce_max3A_483 : i32 to vector<16xi32>
      %reduce_max3A_485 = arith.xori %all_reduce_population_count3A_480, %reduce_max3A_484 : vector<16xi32>
      %reduce_max3A_486 = tpu.scan <max>, %reduce_max3A_485 masked %reduce_max3A_482 : vector<16xi32>, vector<16xi1> -> vector<16xi32>
      %reduce_max3A_487 = arith.xori %reduce_max3A_486, %reduce_max3A_484 : vector<16xi32>
      %reduce_max3A_488 = vector.extract %reduce_max3A_487[15] : i32 from vector<16xi32>
      %add3A_489 = arith.addi %get3A_475, %reduce_max3A_488 : i32
      %swap3A_490 = arith.constant 9 : i32
      %swap3A_491 = arith.index_cast %swap3A_490 : i32 to index
      %swap3A_492 = memref.load %arg12[%swap3A_491] : memref<16xi32, #tpu.memory_space<smem>>
      memref.store %add3A_489, %arg12[%swap3A_491] : memref<16xi32, #tpu.memory_space<smem>>
      %mul3A_493 = arith.constant 16 : i32
      %mul3A_494 = arith.muli %arg0, %mul3A_493 : i32
      %add3A_495 = arith.constant 10 : i32
      %add3A_496 = arith.addi %mul3A_494, %add3A_495 : i32
      %eq3A_497 = vector.broadcast %add3A_496 : i32 to vector<16xi32>
      %eq3A_498 = arith.cmpi eq, %select_n3A, %eq3A_497 : vector<16xi32>
      %get3A_499 = arith.constant 10 : i32
      %get3A_500 = arith.index_cast %get3A_499 : i32 to index
      %get3A_501 = memref.load %arg12[%get3A_500] : memref<16xi32, #tpu.memory_space<smem>>
      %add3A_502 = arith.constant 10400 : i32
      %add3A_503 = arith.addi %add3A_502, %get3A_501 : i32
      %swap3A_504 = arith.index_cast %add3A_503 : i32 to index
      %swap3A_505 = tpu.vector_load %arg7[%swap3A_504] masked %eq3A_498 {strides = array<i32>} : memref<16640xi32, #tpu.memory_space<vmem>>, vector<16xi32>, vector<16xi1>
      tpu.vector_store %arg7[%swap3A_504], %or3A masked %eq3A_498 {strides = array<i32>} : memref<16640xi32, #tpu.memory_space<vmem>>, vector<16xi32>, vector<16xi1>
      %all_reduce_population_count3A_506 = tpu.all_reduce %eq3A_498 {dim = 0 : i64, kind = #tpu.reduction_kind<sum>} : vector<16xi1> -> vector<16xi32>
      %reduce_max3A_507 = arith.constant true
      %reduce_max3A_508 = vector.broadcast %reduce_max3A_507 : i1 to vector<16xi1>
      %reduce_max3A_509 = arith.constant -2147483648 : i32
      %reduce_max3A_510 = vector.broadcast %reduce_max3A_509 : i32 to vector<16xi32>
      %reduce_max3A_511 = arith.xori %all_reduce_population_count3A_506, %reduce_max3A_510 : vector<16xi32>
      %reduce_max3A_512 = tpu.scan <max>, %reduce_max3A_511 masked %reduce_max3A_508 : vector<16xi32>, vector<16xi1> -> vector<16xi32>
      %reduce_max3A_513 = arith.xori %reduce_max3A_512, %reduce_max3A_510 : vector<16xi32>
      %reduce_max3A_514 = vector.extract %reduce_max3A_513[15] : i32 from vector<16xi32>
      %add3A_515 = arith.addi %get3A_501, %reduce_max3A_514 : i32
      %swap3A_516 = arith.constant 10 : i32
      %swap3A_517 = arith.index_cast %swap3A_516 : i32 to index
      %swap3A_518 = memref.load %arg12[%swap3A_517] : memref<16xi32, #tpu.memory_space<smem>>
      memref.store %add3A_515, %arg12[%swap3A_517] : memref<16xi32, #tpu.memory_space<smem>>
      %mul3A_519 = arith.constant 16 : i32
      %mul3A_520 = arith.muli %arg0, %mul3A_519 : i32
      %add3A_521 = arith.constant 11 : i32
      %add3A_522 = arith.addi %mul3A_520, %add3A_521 : i32
      %eq3A_523 = vector.broadcast %add3A_522 : i32 to vector<16xi32>
      %eq3A_524 = arith.cmpi eq, %select_n3A, %eq3A_523 : vector<16xi32>
      %get3A_525 = arith.constant 11 : i32
      %get3A_526 = arith.index_cast %get3A_525 : i32 to index
      %get3A_527 = memref.load %arg12[%get3A_526] : memref<16xi32, #tpu.memory_space<smem>>
      %add3A_528 = arith.constant 11440 : i32
      %add3A_529 = arith.addi %add3A_528, %get3A_527 : i32
      %swap3A_530 = arith.index_cast %add3A_529 : i32 to index
      %swap3A_531 = tpu.vector_load %arg7[%swap3A_530] masked %eq3A_524 {strides = array<i32>} : memref<16640xi32, #tpu.memory_space<vmem>>, vector<16xi32>, vector<16xi1>
      tpu.vector_store %arg7[%swap3A_530], %or3A masked %eq3A_524 {strides = array<i32>} : memref<16640xi32, #tpu.memory_space<vmem>>, vector<16xi32>, vector<16xi1>
      %all_reduce_population_count3A_532 = tpu.all_reduce %eq3A_524 {dim = 0 : i64, kind = #tpu.reduction_kind<sum>} : vector<16xi1> -> vector<16xi32>
      %reduce_max3A_533 = arith.constant true
      %reduce_max3A_534 = vector.broadcast %reduce_max3A_533 : i1 to vector<16xi1>
      %reduce_max3A_535 = arith.constant -2147483648 : i32
      %reduce_max3A_536 = vector.broadcast %reduce_max3A_535 : i32 to vector<16xi32>
      %reduce_max3A_537 = arith.xori %all_reduce_population_count3A_532, %reduce_max3A_536 : vector<16xi32>
      %reduce_max3A_538 = tpu.scan <max>, %reduce_max3A_537 masked %reduce_max3A_534 : vector<16xi32>, vector<16xi1> -> vector<16xi32>
      %reduce_max3A_539 = arith.xori %reduce_max3A_538, %reduce_max3A_536 : vector<16xi32>
      %reduce_max3A_540 = vector.extract %reduce_max3A_539[15] : i32 from vector<16xi32>
      %add3A_541 = arith.addi %get3A_527, %reduce_max3A_540 : i32
      %swap3A_542 = arith.constant 11 : i32
      %swap3A_543 = arith.index_cast %swap3A_542 : i32 to index
      %swap3A_544 = memref.load %arg12[%swap3A_543] : memref<16xi32, #tpu.memory_space<smem>>
      memref.store %add3A_541, %arg12[%swap3A_543] : memref<16xi32, #tpu.memory_space<smem>>
      %mul3A_545 = arith.constant 16 : i32
      %mul3A_546 = arith.muli %arg0, %mul3A_545 : i32
      %add3A_547 = arith.constant 12 : i32
      %add3A_548 = arith.addi %mul3A_546, %add3A_547 : i32
      %eq3A_549 = vector.broadcast %add3A_548 : i32 to vector<16xi32>
      %eq3A_550 = arith.cmpi eq, %select_n3A, %eq3A_549 : vector<16xi32>
      %get3A_551 = arith.constant 12 : i32
      %get3A_552 = arith.index_cast %get3A_551 : i32 to index
      %get3A_553 = memref.load %arg12[%get3A_552] : memref<16xi32, #tpu.memory_space<smem>>
      %add3A_554 = arith.constant 12480 : i32
      %add3A_555 = arith.addi %add3A_554, %get3A_553 : i32
      %swap3A_556 = arith.index_cast %add3A_555 : i32 to index
      %swap3A_557 = tpu.vector_load %arg7[%swap3A_556] masked %eq3A_550 {strides = array<i32>} : memref<16640xi32, #tpu.memory_space<vmem>>, vector<16xi32>, vector<16xi1>
      tpu.vector_store %arg7[%swap3A_556], %or3A masked %eq3A_550 {strides = array<i32>} : memref<16640xi32, #tpu.memory_space<vmem>>, vector<16xi32>, vector<16xi1>
      %all_reduce_population_count3A_558 = tpu.all_reduce %eq3A_550 {dim = 0 : i64, kind = #tpu.reduction_kind<sum>} : vector<16xi1> -> vector<16xi32>
      %reduce_max3A_559 = arith.constant true
      %reduce_max3A_560 = vector.broadcast %reduce_max3A_559 : i1 to vector<16xi1>
      %reduce_max3A_561 = arith.constant -2147483648 : i32
      %reduce_max3A_562 = vector.broadcast %reduce_max3A_561 : i32 to vector<16xi32>
      %reduce_max3A_563 = arith.xori %all_reduce_population_count3A_558, %reduce_max3A_562 : vector<16xi32>
      %reduce_max3A_564 = tpu.scan <max>, %reduce_max3A_563 masked %reduce_max3A_560 : vector<16xi32>, vector<16xi1> -> vector<16xi32>
      %reduce_max3A_565 = arith.xori %reduce_max3A_564, %reduce_max3A_562 : vector<16xi32>
      %reduce_max3A_566 = vector.extract %reduce_max3A_565[15] : i32 from vector<16xi32>
      %add3A_567 = arith.addi %get3A_553, %reduce_max3A_566 : i32
      %swap3A_568 = arith.constant 12 : i32
      %swap3A_569 = arith.index_cast %swap3A_568 : i32 to index
      %swap3A_570 = memref.load %arg12[%swap3A_569] : memref<16xi32, #tpu.memory_space<smem>>
      memref.store %add3A_567, %arg12[%swap3A_569] : memref<16xi32, #tpu.memory_space<smem>>
      %mul3A_571 = arith.constant 16 : i32
      %mul3A_572 = arith.muli %arg0, %mul3A_571 : i32
      %add3A_573 = arith.constant 13 : i32
      %add3A_574 = arith.addi %mul3A_572, %add3A_573 : i32
      %eq3A_575 = vector.broadcast %add3A_574 : i32 to vector<16xi32>
      %eq3A_576 = arith.cmpi eq, %select_n3A, %eq3A_575 : vector<16xi32>
      %get3A_577 = arith.constant 13 : i32
      %get3A_578 = arith.index_cast %get3A_577 : i32 to index
      %get3A_579 = memref.load %arg12[%get3A_578] : memref<16xi32, #tpu.memory_space<smem>>
      %add3A_580 = arith.constant 13520 : i32
      %add3A_581 = arith.addi %add3A_580, %get3A_579 : i32
      %swap3A_582 = arith.index_cast %add3A_581 : i32 to index
      %swap3A_583 = tpu.vector_load %arg7[%swap3A_582] masked %eq3A_576 {strides = array<i32>} : memref<16640xi32, #tpu.memory_space<vmem>>, vector<16xi32>, vector<16xi1>
      tpu.vector_store %arg7[%swap3A_582], %or3A masked %eq3A_576 {strides = array<i32>} : memref<16640xi32, #tpu.memory_space<vmem>>, vector<16xi32>, vector<16xi1>
      %all_reduce_population_count3A_584 = tpu.all_reduce %eq3A_576 {dim = 0 : i64, kind = #tpu.reduction_kind<sum>} : vector<16xi1> -> vector<16xi32>
      %reduce_max3A_585 = arith.constant true
      %reduce_max3A_586 = vector.broadcast %reduce_max3A_585 : i1 to vector<16xi1>
      %reduce_max3A_587 = arith.constant -2147483648 : i32
      %reduce_max3A_588 = vector.broadcast %reduce_max3A_587 : i32 to vector<16xi32>
      %reduce_max3A_589 = arith.xori %all_reduce_population_count3A_584, %reduce_max3A_588 : vector<16xi32>
      %reduce_max3A_590 = tpu.scan <max>, %reduce_max3A_589 masked %reduce_max3A_586 : vector<16xi32>, vector<16xi1> -> vector<16xi32>
      %reduce_max3A_591 = arith.xori %reduce_max3A_590, %reduce_max3A_588 : vector<16xi32>
      %reduce_max3A_592 = vector.extract %reduce_max3A_591[15] : i32 from vector<16xi32>
      %add3A_593 = arith.addi %get3A_579, %reduce_max3A_592 : i32
      %swap3A_594 = arith.constant 13 : i32
      %swap3A_595 = arith.index_cast %swap3A_594 : i32 to index
      %swap3A_596 = memref.load %arg12[%swap3A_595] : memref<16xi32, #tpu.memory_space<smem>>
      memref.store %add3A_593, %arg12[%swap3A_595] : memref<16xi32, #tpu.memory_space<smem>>
      %mul3A_597 = arith.constant 16 : i32
      %mul3A_598 = arith.muli %arg0, %mul3A_597 : i32
      %add3A_599 = arith.constant 14 : i32
      %add3A_600 = arith.addi %mul3A_598, %add3A_599 : i32
      %eq3A_601 = vector.broadcast %add3A_600 : i32 to vector<16xi32>
      %eq3A_602 = arith.cmpi eq, %select_n3A, %eq3A_601 : vector<16xi32>
      %get3A_603 = arith.constant 14 : i32
      %get3A_604 = arith.index_cast %get3A_603 : i32 to index
      %get3A_605 = memref.load %arg12[%get3A_604] : memref<16xi32, #tpu.memory_space<smem>>
      %add3A_606 = arith.constant 14560 : i32
      %add3A_607 = arith.addi %add3A_606, %get3A_605 : i32
      %swap3A_608 = arith.index_cast %add3A_607 : i32 to index
      %swap3A_609 = tpu.vector_load %arg7[%swap3A_608] masked %eq3A_602 {strides = array<i32>} : memref<16640xi32, #tpu.memory_space<vmem>>, vector<16xi32>, vector<16xi1>
      tpu.vector_store %arg7[%swap3A_608], %or3A masked %eq3A_602 {strides = array<i32>} : memref<16640xi32, #tpu.memory_space<vmem>>, vector<16xi32>, vector<16xi1>
      %all_reduce_population_count3A_610 = tpu.all_reduce %eq3A_602 {dim = 0 : i64, kind = #tpu.reduction_kind<sum>} : vector<16xi1> -> vector<16xi32>
      %reduce_max3A_611 = arith.constant true
      %reduce_max3A_612 = vector.broadcast %reduce_max3A_611 : i1 to vector<16xi1>
      %reduce_max3A_613 = arith.constant -2147483648 : i32
      %reduce_max3A_614 = vector.broadcast %reduce_max3A_613 : i32 to vector<16xi32>
      %reduce_max3A_615 = arith.xori %all_reduce_population_count3A_610, %reduce_max3A_614 : vector<16xi32>
      %reduce_max3A_616 = tpu.scan <max>, %reduce_max3A_615 masked %reduce_max3A_612 : vector<16xi32>, vector<16xi1> -> vector<16xi32>
      %reduce_max3A_617 = arith.xori %reduce_max3A_616, %reduce_max3A_614 : vector<16xi32>
      %reduce_max3A_618 = vector.extract %reduce_max3A_617[15] : i32 from vector<16xi32>
      %add3A_619 = arith.addi %get3A_605, %reduce_max3A_618 : i32
      %swap3A_620 = arith.constant 14 : i32
      %swap3A_621 = arith.index_cast %swap3A_620 : i32 to index
      %swap3A_622 = memref.load %arg12[%swap3A_621] : memref<16xi32, #tpu.memory_space<smem>>
      memref.store %add3A_619, %arg12[%swap3A_621] : memref<16xi32, #tpu.memory_space<smem>>
      %mul3A_623 = arith.constant 16 : i32
      %mul3A_624 = arith.muli %arg0, %mul3A_623 : i32
      %add3A_625 = arith.constant 15 : i32
      %add3A_626 = arith.addi %mul3A_624, %add3A_625 : i32
      %eq3A_627 = vector.broadcast %add3A_626 : i32 to vector<16xi32>
      %eq3A_628 = arith.cmpi eq, %select_n3A, %eq3A_627 : vector<16xi32>
      %get3A_629 = arith.constant 15 : i32
      %get3A_630 = arith.index_cast %get3A_629 : i32 to index
      %get3A_631 = memref.load %arg12[%get3A_630] : memref<16xi32, #tpu.memory_space<smem>>
      %add3A_632 = arith.constant 15600 : i32
      %add3A_633 = arith.addi %add3A_632, %get3A_631 : i32
      %swap3A_634 = arith.index_cast %add3A_633 : i32 to index
      %swap3A_635 = tpu.vector_load %arg7[%swap3A_634] masked %eq3A_628 {strides = array<i32>} : memref<16640xi32, #tpu.memory_space<vmem>>, vector<16xi32>, vector<16xi1>
      tpu.vector_store %arg7[%swap3A_634], %or3A masked %eq3A_628 {strides = array<i32>} : memref<16640xi32, #tpu.memory_space<vmem>>, vector<16xi32>, vector<16xi1>
      %all_reduce_population_count3A_636 = tpu.all_reduce %eq3A_628 {dim = 0 : i64, kind = #tpu.reduction_kind<sum>} : vector<16xi1> -> vector<16xi32>
      %reduce_max3A_637 = arith.constant true
      %reduce_max3A_638 = vector.broadcast %reduce_max3A_637 : i1 to vector<16xi1>
      %reduce_max3A_639 = arith.constant -2147483648 : i32
      %reduce_max3A_640 = vector.broadcast %reduce_max3A_639 : i32 to vector<16xi32>
      %reduce_max3A_641 = arith.xori %all_reduce_population_count3A_636, %reduce_max3A_640 : vector<16xi32>
      %reduce_max3A_642 = tpu.scan <max>, %reduce_max3A_641 masked %reduce_max3A_638 : vector<16xi32>, vector<16xi1> -> vector<16xi32>
      %reduce_max3A_643 = arith.xori %reduce_max3A_642, %reduce_max3A_640 : vector<16xi32>
      %reduce_max3A_644 = vector.extract %reduce_max3A_643[15] : i32 from vector<16xi32>
      %add3A_645 = arith.addi %get3A_631, %reduce_max3A_644 : i32
      %swap3A_646 = arith.constant 15 : i32
      %swap3A_647 = arith.index_cast %swap3A_646 : i32 to index
      %swap3A_648 = memref.load %arg12[%swap3A_647] : memref<16xi32, #tpu.memory_space<smem>>
      memref.store %add3A_645, %arg12[%swap3A_647] : memref<16xi32, #tpu.memory_space<smem>>
    }
    %scan3A_197 = arith.constant 64 : i32
    %scan3A_198 = arith.constant 0 : i32
    %scan3A_199 = arith.constant 0 : i32
    %scan3A_200 = arith.constant 16 : i32
    %scan3A_201 = arith.addi %scan3A_199, %scan3A_200 : i32
    %scan3A_202 = arith.constant 1 : i32
    scf.for %scan3A_204 = %scan3A_199 to %scan3A_201 step %scan3A_202  : i32 {
      %get3A = arith.index_cast %scan3A_204 : i32 to index
      %get3A_205 = memref.load %arg12[%get3A] : memref<16xi32, #tpu.memory_space<smem>>
      %add3A = arith.constant 15 : i32
      %add3A_206 = arith.addi %get3A_205, %add3A : i32
      %jit3A = arith.constant 16 : i32
      %div3A = arith.divsi %add3A_206, %jit3A : i32
      %sign3A = arith.constant 0 : i32
      %sign3A_207 = arith.cmpi sgt, %add3A_206, %sign3A : i32
      %sign3A_208 = arith.extui %sign3A_207 : i1 to i32
      %sign3A_209 = arith.constant 0 : i32
      %sign3A_210 = arith.cmpi slt, %add3A_206, %sign3A_209 : i32
      %sign3A_211 = arith.extui %sign3A_210 : i1 to i32
      %sign3A_212 = arith.subi %sign3A_208, %sign3A_211 : i32
      %sign3A_213 = arith.constant 0 : i32
      %sign3A_214 = arith.cmpi sgt, %jit3A, %sign3A_213 : i32
      %sign3A_215 = arith.extui %sign3A_214 : i1 to i32
      %sign3A_216 = arith.constant 0 : i32
      %sign3A_217 = arith.cmpi slt, %jit3A, %sign3A_216 : i32
      %sign3A_218 = arith.extui %sign3A_217 : i1 to i32
      %sign3A_219 = arith.subi %sign3A_215, %sign3A_218 : i32
      %ne3A = arith.cmpi ne, %sign3A_212, %sign3A_219 : i32
      %rem3A = arith.remsi %add3A_206, %jit3A : i32
      %ne3A_220 = arith.constant 0 : i32
      %ne3A_221 = arith.cmpi ne, %rem3A, %ne3A_220 : i32
      %and3A = arith.andi %ne3A, %ne3A_221 : i1
      %sub3A = arith.constant 1 : i32
      %sub3A_222 = arith.subi %div3A, %sub3A : i32
      %select_n3A = arith.select %and3A, %sub3A_222, %div3A : i32
      %mul3A_223 = arith.constant 16 : i32
      %mul3A_224 = arith.muli %arg0, %mul3A_223 : i32
      %add3A_225 = arith.addi %mul3A_224, %scan3A_204 : i32
      %mul3A_226 = arith.constant 31250 : i32
      %mul3A_227 = arith.muli %add3A_225, %mul3A_226 : i32
      %mul3A_228 = arith.constant 1040 : i32
      %mul3A_229 = arith.muli %scan3A_204, %mul3A_228 : i32
      %while3A = arith.constant 0 : i32
      %while3A_230 = arith.constant 0 : i32
      %while3A_231 = arith.subi %select_n3A, %while3A_230 : i32
      %while3A_232 = arith.addi %while3A_230, %while3A_231 : i32
      %while3A_233 = arith.constant 1 : i32
      %while3A_234 = arith.divsi %while3A_231, %while3A_233 : i32
      %while3A_235 = arith.muli %while3A_234, %while3A_233 : i32
      %while3A_236 = arith.addi %while3A_230, %while3A_235 : i32
      %while3A_237 = arith.constant 1 : i32
      scf.for %while3A_271 = %while3A_230 to %while3A_236 step %while3A_237  : i32 {
        %mul3A_272 = arith.constant 16 : i32
        %mul3A_273 = arith.muli %while3A_271, %mul3A_272 : i32
        %add3A_274 = arith.addi %mul3A_229, %mul3A_273 : i32
        %get3A_275 = arith.index_cast %add3A_274 : i32 to index
        %get3A_276 = tpu.vector_load %arg7[%get3A_275] {strides = array<i32>} : memref<16640xi32, #tpu.memory_space<vmem>>, vector<16xi32>,
        %mul3A_277 = arith.constant 16 : i32
        %mul3A_278 = arith.muli %while3A_271, %mul3A_277 : i32
        %sub3A_279 = arith.subi %get3A_205, %mul3A_278 : i32
        %lt3A = vector.broadcast %sub3A_279 : i32 to vector<16xi32>
        %lt3A_280 = arith.cmpi slt, %iota3A, %lt3A : vector<16xi32>
        %jit3A_281 = arith.constant 0 : i32
        %broadcast_in_dim3A_282 = vector.broadcast %jit3A_281 : i32 to vector<16xi32>
        %select_n3A_283 = arith.select %lt3A_280, %get3A_276, %broadcast_in_dim3A_282 : vector<16xi1>, vector<16xi32>
        %reduce_max3A = arith.constant true
        %reduce_max3A_284 = vector.broadcast %reduce_max3A : i1 to vector<16xi1>
        %reduce_max3A_285 = arith.constant -2147483648 : i32
        %reduce_max3A_286 = vector.broadcast %reduce_max3A_285 : i32 to vector<16xi32>
        %reduce_max3A_287 = arith.xori %select_n3A_283, %reduce_max3A_286 : vector<16xi32>
        %reduce_max3A_288 = tpu.scan <max>, %reduce_max3A_287 masked %reduce_max3A_284 : vector<16xi32>, vector<16xi1> -> vector<16xi32>
        %reduce_max3A_289 = arith.xori %reduce_max3A_288, %reduce_max3A_286 : vector<16xi32>
        %reduce_max3A_290 = vector.extract %reduce_max3A_289[15] : i32 from vector<16xi32>
        %broadcast_in_dim3A_291 = vector.broadcast %reduce_max3A_290 : i32 to vector<16xi32>
        %select_n3A_292 = arith.select %lt3A_280, %get3A_276, %broadcast_in_dim3A_291 : vector<16xi1>, vector<16xi32>
        %shift_right_arithmetic3A = arith.constant 10 : i32
        %shift_right_arithmetic3A_293 = vector.broadcast %shift_right_arithmetic3A : i32 to vector<16xi32>
        %shift_right_arithmetic3A_294 = arith.shrsi %select_n3A_292, %shift_right_arithmetic3A_293 : vector<16xi32>
        %and3A_295 = arith.constant 1023 : i32
        %and3A_296 = vector.broadcast %and3A_295 : i32 to vector<16xi32>
        %and3A_297 = arith.andi %select_n3A_292, %and3A_296 : vector<16xi32>
        %sub3A_298 = vector.broadcast %mul3A_227 : i32 to vector<16xi32>
        %sub3A_299 = arith.subi %shift_right_arithmetic3A_294, %sub3A_298 : vector<16xi32>
        "tpu.region"() ({
          %run_scoped3A = tpu.sem_alloc : memref<!tpu.dma_semaphore, #tpu.memory_space<semaphore_mem>>
          %dma_start3A = arith.constant 0 : i32
          %dma_start3A_300 = arith.constant 0 : i32
          %dma_start3A_301 = tpu.memref_slice %arg13[%dma_start3A, %dma_start3A_300] : memref<31250x32xf32, #tpu.memory_space<vmem_shared>> -> memref<31250x32xf32, #tpu.memory_space<vmem_shared>>
          tpu.enqueue_indirect_dma source(%arg11 : memref<16x32xf32, #tpu.memory_space<vmem>>) target(%dma_start3A_301 : memref<31250x32xf32, #tpu.memory_space<vmem_shared>>) offsets(%sub3A_299 : vector<16xi32>) semaphore(%run_scoped3A : memref<!tpu.dma_semaphore, #tpu.memory_space<semaphore_mem>>)
          %dma_wait3A = arith.constant 0 : i32
          %dma_wait3A_302 = arith.constant 0 : i32
          %dma_wait3A_303 = tpu.memref_slice %arg13[%dma_wait3A, %dma_wait3A_302] : memref<31250x32xf32, #tpu.memory_space<vmem_shared>> -> memref<31250x32xf32, #tpu.memory_space<vmem_shared>>
          tpu.wait_indirect_dma semaphore(%run_scoped3A : memref<!tpu.dma_semaphore, #tpu.memory_space<semaphore_mem>>) src(%arg11 : memref<16x32xf32, #tpu.memory_space<vmem>>) dst(%dma_wait3A_303 : memref<31250x32xf32, #tpu.memory_space<vmem_shared>>)
          tpu.yield
        }) : () -> ()
      }
      %while3A_238 = arith.constant 1 : i32
      scf.for %while3A_271 = %while3A_236 to %while3A_232 step %while3A_238  : i32 {
        %mul3A_272 = arith.constant 16 : i32
        %mul3A_273 = arith.muli %while3A_271, %mul3A_272 : i32
        %add3A_274 = arith.addi %mul3A_229, %mul3A_273 : i32
        %get3A_275 = arith.index_cast %add3A_274 : i32 to index
        %get3A_276 = tpu.vector_load %arg7[%get3A_275] {strides = array<i32>} : memref<16640xi32, #tpu.memory_space<vmem>>, vector<16xi32>,
        %mul3A_277 = arith.constant 16 : i32
        %mul3A_278 = arith.muli %while3A_271, %mul3A_277 : i32
        %sub3A_279 = arith.subi %get3A_205, %mul3A_278 : i32
        %lt3A = vector.broadcast %sub3A_279 : i32 to vector<16xi32>
        %lt3A_280 = arith.cmpi slt, %iota3A, %lt3A : vector<16xi32>
        %jit3A_281 = arith.constant 0 : i32
        %broadcast_in_dim3A_282 = vector.broadcast %jit3A_281 : i32 to vector<16xi32>
        %select_n3A_283 = arith.select %lt3A_280, %get3A_276, %broadcast_in_dim3A_282 : vector<16xi1>, vector<16xi32>
        %reduce_max3A = arith.constant true
        %reduce_max3A_284 = vector.broadcast %reduce_max3A : i1 to vector<16xi1>
        %reduce_max3A_285 = arith.constant -2147483648 : i32
        %reduce_max3A_286 = vector.broadcast %reduce_max3A_285 : i32 to vector<16xi32>
        %reduce_max3A_287 = arith.xori %select_n3A_283, %reduce_max3A_286 : vector<16xi32>
        %reduce_max3A_288 = tpu.scan <max>, %reduce_max3A_287 masked %reduce_max3A_284 : vector<16xi32>, vector<16xi1> -> vector<16xi32>
        %reduce_max3A_289 = arith.xori %reduce_max3A_288, %reduce_max3A_286 : vector<16xi32>
        %reduce_max3A_290 = vector.extract %reduce_max3A_289[15] : i32 from vector<16xi32>
        %broadcast_in_dim3A_291 = vector.broadcast %reduce_max3A_290 : i32 to vector<16xi32>
        %select_n3A_292 = arith.select %lt3A_280, %get3A_276, %broadcast_in_dim3A_291 : vector<16xi1>, vector<16xi32>
        %shift_right_arithmetic3A = arith.constant 10 : i32
        %shift_right_arithmetic3A_293 = vector.broadcast %shift_right_arithmetic3A : i32 to vector<16xi32>
        %shift_right_arithmetic3A_294 = arith.shrsi %select_n3A_292, %shift_right_arithmetic3A_293 : vector<16xi32>
        %and3A_295 = arith.constant 1023 : i32
        %and3A_296 = vector.broadcast %and3A_295 : i32 to vector<16xi32>
        %and3A_297 = arith.andi %select_n3A_292, %and3A_296 : vector<16xi32>
        %sub3A_298 = vector.broadcast %mul3A_227 : i32 to vector<16xi32>
        %sub3A_299 = arith.subi %shift_right_arithmetic3A_294, %sub3A_298 : vector<16xi32>
        "tpu.region"() ({
          %run_scoped3A = tpu.sem_alloc : memref<!tpu.dma_semaphore, #tpu.memory_space<semaphore_mem>>
          %dma_start3A = arith.constant 0 : i32
          %dma_start3A_300 = arith.constant 0 : i32
          %dma_start3A_301 = tpu.memref_slice %arg13[%dma_start3A, %dma_start3A_300] : memref<31250x32xf32, #tpu.memory_space<vmem_shared>> -> memref<31250x32xf32, #tpu.memory_space<vmem_shared>>
          tpu.enqueue_indirect_dma source(%arg11 : memref<16x32xf32, #tpu.memory_space<vmem>>) target(%dma_start3A_301 : memref<31250x32xf32, #tpu.memory_space<vmem_shared>>) offsets(%sub3A_299 : vector<16xi32>) semaphore(%run_scoped3A : memref<!tpu.dma_semaphore, #tpu.memory_space<semaphore_mem>>)
          %dma_wait3A = arith.constant 0 : i32
          %dma_wait3A_302 = arith.constant 0 : i32
          %dma_wait3A_303 = tpu.memref_slice %arg13[%dma_wait3A, %dma_wait3A_302] : memref<31250x32xf32, #tpu.memory_space<vmem_shared>> -> memref<31250x32xf32, #tpu.memory_space<vmem_shared>>
          tpu.wait_indirect_dma semaphore(%run_scoped3A : memref<!tpu.dma_semaphore, #tpu.memory_space<semaphore_mem>>) src(%arg11 : memref<16x32xf32, #tpu.memory_space<vmem>>) dst(%dma_wait3A_303 : memref<31250x32xf32, #tpu.memory_space<vmem_shared>>)
          tpu.yield
        }) : () -> ()
      }
      %barrier3A = arith.constant 0 : index
      tpu.barrier barrier_id(%barrier3A)
      %while3A_239 = arith.constant 0 : i32
      %while3A_240 = arith.constant 0 : i32
      %while3A_241 = arith.subi %select_n3A, %while3A_240 : i32
      %while3A_242 = arith.addi %while3A_240, %while3A_241 : i32
      %while3A_243 = arith.constant 1 : i32
      %while3A_244 = arith.divsi %while3A_241, %while3A_243 : i32
      %while3A_245 = arith.muli %while3A_244, %while3A_243 : i32
      %while3A_246 = arith.addi %while3A_240, %while3A_245 : i32
      %while3A_247 = arith.constant 1 : i32
      scf.for %while3A_271 = %while3A_240 to %while3A_246 step %while3A_247  : i32 {
        %mul3A_272 = arith.constant 16 : i32
        %mul3A_273 = arith.muli %while3A_271, %mul3A_272 : i32
        %add3A_274 = arith.addi %mul3A_229, %mul3A_273 : i32
        %get3A_275 = arith.index_cast %add3A_274 : i32 to index
        %get3A_276 = tpu.vector_load %arg7[%get3A_275] {strides = array<i32>} : memref<16640xi32, #tpu.memory_space<vmem>>, vector<16xi32>,
        %mul3A_277 = arith.constant 16 : i32
        %mul3A_278 = arith.muli %while3A_271, %mul3A_277 : i32
        %sub3A_279 = arith.subi %get3A_205, %mul3A_278 : i32
        %lt3A = vector.broadcast %sub3A_279 : i32 to vector<16xi32>
        %lt3A_280 = arith.cmpi slt, %iota3A, %lt3A : vector<16xi32>
        %jit3A_281 = arith.constant 0 : i32
        %broadcast_in_dim3A_282 = vector.broadcast %jit3A_281 : i32 to vector<16xi32>
        %select_n3A_283 = arith.select %lt3A_280, %get3A_276, %broadcast_in_dim3A_282 : vector<16xi1>, vector<16xi32>
        %reduce_max3A = arith.constant true
        %reduce_max3A_284 = vector.broadcast %reduce_max3A : i1 to vector<16xi1>
        %reduce_max3A_285 = arith.constant -2147483648 : i32
        %reduce_max3A_286 = vector.broadcast %reduce_max3A_285 : i32 to vector<16xi32>
        %reduce_max3A_287 = arith.xori %select_n3A_283, %reduce_max3A_286 : vector<16xi32>
        %reduce_max3A_288 = tpu.scan <max>, %reduce_max3A_287 masked %reduce_max3A_284 : vector<16xi32>, vector<16xi1> -> vector<16xi32>
        %reduce_max3A_289 = arith.xori %reduce_max3A_288, %reduce_max3A_286 : vector<16xi32>
        %reduce_max3A_290 = vector.extract %reduce_max3A_289[15] : i32 from vector<16xi32>
        %broadcast_in_dim3A_291 = vector.broadcast %reduce_max3A_290 : i32 to vector<16xi32>
        %select_n3A_292 = arith.select %lt3A_280, %get3A_276, %broadcast_in_dim3A_291 : vector<16xi1>, vector<16xi32>
        %shift_right_arithmetic3A = arith.constant 10 : i32
        %shift_right_arithmetic3A_293 = vector.broadcast %shift_right_arithmetic3A : i32 to vector<16xi32>
        %shift_right_arithmetic3A_294 = arith.shrsi %select_n3A_292, %shift_right_arithmetic3A_293 : vector<16xi32>
        %and3A_295 = arith.constant 1023 : i32
        %and3A_296 = vector.broadcast %and3A_295 : i32 to vector<16xi32>
        %and3A_297 = arith.andi %select_n3A_292, %and3A_296 : vector<16xi32>
        %mul3A_298 = arith.constant 1024 : i32
        %mul3A_299 = arith.muli %arg1, %mul3A_298 : i32
        %add3A_300 = vector.broadcast %mul3A_299 : i32 to vector<16xi32>
        %add3A_301 = arith.addi %add3A_300, %and3A_297 : vector<16xi32>
        "tpu.region"() ({
          %run_scoped3A = tpu.sem_alloc : memref<!tpu.dma_semaphore, #tpu.memory_space<semaphore_mem>>
          %dma_start3A = arith.constant 0 : i32
          %dma_start3A_743 = arith.constant 0 : i32
          %dma_start3A_744 = tpu.memref_slice %arg3[%dma_start3A, %dma_start3A_743] : memref<16384x32xf32, #tpu.memory_space<hbm>> -> memref<16384x32xf32, #tpu.memory_space<hbm>>
          tpu.enqueue_indirect_dma source(%dma_start3A_744 : memref<16384x32xf32, #tpu.memory_space<hbm>>) target(%arg9 : memref<16x32xf32, #tpu.memory_space<vmem>>) offsets(%add3A_301 : vector<16xi32>) semaphore(%run_scoped3A : memref<!tpu.dma_semaphore, #tpu.memory_space<semaphore_mem>>)
          %dma_wait3A = arith.constant 0 : i32
          %dma_wait3A_745 = arith.constant 0 : i32
          %dma_wait3A_746 = tpu.memref_slice %arg3[%dma_wait3A, %dma_wait3A_745] : memref<16384x32xf32, #tpu.memory_space<hbm>> -> memref<16384x32xf32, #tpu.memory_space<hbm>>
          tpu.wait_indirect_dma semaphore(%run_scoped3A : memref<!tpu.dma_semaphore, #tpu.memory_space<semaphore_mem>>) src(%dma_wait3A_746 : memref<16384x32xf32, #tpu.memory_space<hbm>>) dst(%arg9 : memref<16x32xf32, #tpu.memory_space<vmem>>)
          tpu.yield
        }) : () -> ()
        %broadcast_in_dim3A_302 = arith.constant 0.000000e+00 : f32
        %broadcast_in_dim3A_303 = vector.broadcast %broadcast_in_dim3A_302 : f32 to vector<16xf32>
        %broadcast_in_dim3A_304 = arith.constant 0 : i32
        %broadcast_in_dim3A_305 = vector.broadcast %broadcast_in_dim3A_304 : i32 to vector<16xi32>
        %gather3A = tpu.vector_load_idx %arg9[%iota3A, %broadcast_in_dim3A_305] : memref<16x32xf32, #tpu.memory_space<vmem>>[vector<16xi32>, vector<16xi32>], vector<16xf32>,
        %mul3A_306 = arith.mulf %gather3A, %gather3A : vector<16xf32>
        %add3A_307 = arith.addf %broadcast_in_dim3A_303, %mul3A_306 : vector<16xf32>
        %broadcast_in_dim3A_308 = arith.constant 1 : i32
        %broadcast_in_dim3A_309 = vector.broadcast %broadcast_in_dim3A_308 : i32 to vector<16xi32>
        %gather3A_310 = tpu.vector_load_idx %arg9[%iota3A, %broadcast_in_dim3A_309] : memref<16x32xf32, #tpu.memory_space<vmem>>[vector<16xi32>, vector<16xi32>], vector<16xf32>,
        %mul3A_311 = arith.mulf %gather3A_310, %gather3A_310 : vector<16xf32>
        %add3A_312 = arith.addf %add3A_307, %mul3A_311 : vector<16xf32>
        %broadcast_in_dim3A_313 = arith.constant 2 : i32
        %broadcast_in_dim3A_314 = vector.broadcast %broadcast_in_dim3A_313 : i32 to vector<16xi32>
        %gather3A_315 = tpu.vector_load_idx %arg9[%iota3A, %broadcast_in_dim3A_314] : memref<16x32xf32, #tpu.memory_space<vmem>>[vector<16xi32>, vector<16xi32>], vector<16xf32>,
        %mul3A_316 = arith.mulf %gather3A_315, %gather3A_315 : vector<16xf32>
        %add3A_317 = arith.addf %add3A_312, %mul3A_316 : vector<16xf32>
        %broadcast_in_dim3A_318 = arith.constant 3 : i32
        %broadcast_in_dim3A_319 = vector.broadcast %broadcast_in_dim3A_318 : i32 to vector<16xi32>
        %gather3A_320 = tpu.vector_load_idx %arg9[%iota3A, %broadcast_in_dim3A_319] : memref<16x32xf32, #tpu.memory_space<vmem>>[vector<16xi32>, vector<16xi32>], vector<16xf32>,
        %mul3A_321 = arith.mulf %gather3A_320, %gather3A_320 : vector<16xf32>
        %add3A_322 = arith.addf %add3A_317, %mul3A_321 : vector<16xf32>
        %broadcast_in_dim3A_323 = arith.constant 4 : i32
        %broadcast_in_dim3A_324 = vector.broadcast %broadcast_in_dim3A_323 : i32 to vector<16xi32>
        %gather3A_325 = tpu.vector_load_idx %arg9[%iota3A, %broadcast_in_dim3A_324] : memref<16x32xf32, #tpu.memory_space<vmem>>[vector<16xi32>, vector<16xi32>], vector<16xf32>,
        %mul3A_326 = arith.mulf %gather3A_325, %gather3A_325 : vector<16xf32>
        %add3A_327 = arith.addf %add3A_322, %mul3A_326 : vector<16xf32>
        %broadcast_in_dim3A_328 = arith.constant 5 : i32
        %broadcast_in_dim3A_329 = vector.broadcast %broadcast_in_dim3A_328 : i32 to vector<16xi32>
        %gather3A_330 = tpu.vector_load_idx %arg9[%iota3A, %broadcast_in_dim3A_329] : memref<16x32xf32, #tpu.memory_space<vmem>>[vector<16xi32>, vector<16xi32>], vector<16xf32>,
        %mul3A_331 = arith.mulf %gather3A_330, %gather3A_330 : vector<16xf32>
        %add3A_332 = arith.addf %add3A_327, %mul3A_331 : vector<16xf32>
        %broadcast_in_dim3A_333 = arith.constant 6 : i32
        %broadcast_in_dim3A_334 = vector.broadcast %broadcast_in_dim3A_333 : i32 to vector<16xi32>
        %gather3A_335 = tpu.vector_load_idx %arg9[%iota3A, %broadcast_in_dim3A_334] : memref<16x32xf32, #tpu.memory_space<vmem>>[vector<16xi32>, vector<16xi32>], vector<16xf32>,
        %mul3A_336 = arith.mulf %gather3A_335, %gather3A_335 : vector<16xf32>
        %add3A_337 = arith.addf %add3A_332, %mul3A_336 : vector<16xf32>
        %broadcast_in_dim3A_338 = arith.constant 7 : i32
        %broadcast_in_dim3A_339 = vector.broadcast %broadcast_in_dim3A_338 : i32 to vector<16xi32>
        %gather3A_340 = tpu.vector_load_idx %arg9[%iota3A, %broadcast_in_dim3A_339] : memref<16x32xf32, #tpu.memory_space<vmem>>[vector<16xi32>, vector<16xi32>], vector<16xf32>,
        %mul3A_341 = arith.mulf %gather3A_340, %gather3A_340 : vector<16xf32>
        %add3A_342 = arith.addf %add3A_337, %mul3A_341 : vector<16xf32>
        %broadcast_in_dim3A_343 = arith.constant 8 : i32
        %broadcast_in_dim3A_344 = vector.broadcast %broadcast_in_dim3A_343 : i32 to vector<16xi32>
        %gather3A_345 = tpu.vector_load_idx %arg9[%iota3A, %broadcast_in_dim3A_344] : memref<16x32xf32, #tpu.memory_space<vmem>>[vector<16xi32>, vector<16xi32>], vector<16xf32>,
        %mul3A_346 = arith.mulf %gather3A_345, %gather3A_345 : vector<16xf32>
        %add3A_347 = arith.addf %add3A_342, %mul3A_346 : vector<16xf32>
        %broadcast_in_dim3A_348 = arith.constant 9 : i32
        %broadcast_in_dim3A_349 = vector.broadcast %broadcast_in_dim3A_348 : i32 to vector<16xi32>
        %gather3A_350 = tpu.vector_load_idx %arg9[%iota3A, %broadcast_in_dim3A_349] : memref<16x32xf32, #tpu.memory_space<vmem>>[vector<16xi32>, vector<16xi32>], vector<16xf32>,
        %mul3A_351 = arith.mulf %gather3A_350, %gather3A_350 : vector<16xf32>
        %add3A_352 = arith.addf %add3A_347, %mul3A_351 : vector<16xf32>
        %broadcast_in_dim3A_353 = arith.constant 10 : i32
        %broadcast_in_dim3A_354 = vector.broadcast %broadcast_in_dim3A_353 : i32 to vector<16xi32>
        %gather3A_355 = tpu.vector_load_idx %arg9[%iota3A, %broadcast_in_dim3A_354] : memref<16x32xf32, #tpu.memory_space<vmem>>[vector<16xi32>, vector<16xi32>], vector<16xf32>,
        %mul3A_356 = arith.mulf %gather3A_355, %gather3A_355 : vector<16xf32>
        %add3A_357 = arith.addf %add3A_352, %mul3A_356 : vector<16xf32>
        %broadcast_in_dim3A_358 = arith.constant 11 : i32
        %broadcast_in_dim3A_359 = vector.broadcast %broadcast_in_dim3A_358 : i32 to vector<16xi32>
        %gather3A_360 = tpu.vector_load_idx %arg9[%iota3A, %broadcast_in_dim3A_359] : memref<16x32xf32, #tpu.memory_space<vmem>>[vector<16xi32>, vector<16xi32>], vector<16xf32>,
        %mul3A_361 = arith.mulf %gather3A_360, %gather3A_360 : vector<16xf32>
        %add3A_362 = arith.addf %add3A_357, %mul3A_361 : vector<16xf32>
        %broadcast_in_dim3A_363 = arith.constant 12 : i32
        %broadcast_in_dim3A_364 = vector.broadcast %broadcast_in_dim3A_363 : i32 to vector<16xi32>
        %gather3A_365 = tpu.vector_load_idx %arg9[%iota3A, %broadcast_in_dim3A_364] : memref<16x32xf32, #tpu.memory_space<vmem>>[vector<16xi32>, vector<16xi32>], vector<16xf32>,
        %mul3A_366 = arith.mulf %gather3A_365, %gather3A_365 : vector<16xf32>
        %add3A_367 = arith.addf %add3A_362, %mul3A_366 : vector<16xf32>
        %broadcast_in_dim3A_368 = arith.constant 13 : i32
        %broadcast_in_dim3A_369 = vector.broadcast %broadcast_in_dim3A_368 : i32 to vector<16xi32>
        %gather3A_370 = tpu.vector_load_idx %arg9[%iota3A, %broadcast_in_dim3A_369] : memref<16x32xf32, #tpu.memory_space<vmem>>[vector<16xi32>, vector<16xi32>], vector<16xf32>,
        %mul3A_371 = arith.mulf %gather3A_370, %gather3A_370 : vector<16xf32>
        %add3A_372 = arith.addf %add3A_367, %mul3A_371 : vector<16xf32>
        %broadcast_in_dim3A_373 = arith.constant 14 : i32
        %broadcast_in_dim3A_374 = vector.broadcast %broadcast_in_dim3A_373 : i32 to vector<16xi32>
        %gather3A_375 = tpu.vector_load_idx %arg9[%iota3A, %broadcast_in_dim3A_374] : memref<16x32xf32, #tpu.memory_space<vmem>>[vector<16xi32>, vector<16xi32>], vector<16xf32>,
        %mul3A_376 = arith.mulf %gather3A_375, %gather3A_375 : vector<16xf32>
        %add3A_377 = arith.addf %add3A_372, %mul3A_376 : vector<16xf32>
        %broadcast_in_dim3A_378 = arith.constant 15 : i32
        %broadcast_in_dim3A_379 = vector.broadcast %broadcast_in_dim3A_378 : i32 to vector<16xi32>
        %gather3A_380 = tpu.vector_load_idx %arg9[%iota3A, %broadcast_in_dim3A_379] : memref<16x32xf32, #tpu.memory_space<vmem>>[vector<16xi32>, vector<16xi32>], vector<16xf32>,
        %mul3A_381 = arith.mulf %gather3A_380, %gather3A_380 : vector<16xf32>
        %add3A_382 = arith.addf %add3A_377, %mul3A_381 : vector<16xf32>
        %broadcast_in_dim3A_383 = arith.constant 16 : i32
        %broadcast_in_dim3A_384 = vector.broadcast %broadcast_in_dim3A_383 : i32 to vector<16xi32>
        %gather3A_385 = tpu.vector_load_idx %arg9[%iota3A, %broadcast_in_dim3A_384] : memref<16x32xf32, #tpu.memory_space<vmem>>[vector<16xi32>, vector<16xi32>], vector<16xf32>,
        %mul3A_386 = arith.mulf %gather3A_385, %gather3A_385 : vector<16xf32>
        %add3A_387 = arith.addf %add3A_382, %mul3A_386 : vector<16xf32>
        %broadcast_in_dim3A_388 = arith.constant 17 : i32
        %broadcast_in_dim3A_389 = vector.broadcast %broadcast_in_dim3A_388 : i32 to vector<16xi32>
        %gather3A_390 = tpu.vector_load_idx %arg9[%iota3A, %broadcast_in_dim3A_389] : memref<16x32xf32, #tpu.memory_space<vmem>>[vector<16xi32>, vector<16xi32>], vector<16xf32>,
        %mul3A_391 = arith.mulf %gather3A_390, %gather3A_390 : vector<16xf32>
        %add3A_392 = arith.addf %add3A_387, %mul3A_391 : vector<16xf32>
        %broadcast_in_dim3A_393 = arith.constant 18 : i32
        %broadcast_in_dim3A_394 = vector.broadcast %broadcast_in_dim3A_393 : i32 to vector<16xi32>
        %gather3A_395 = tpu.vector_load_idx %arg9[%iota3A, %broadcast_in_dim3A_394] : memref<16x32xf32, #tpu.memory_space<vmem>>[vector<16xi32>, vector<16xi32>], vector<16xf32>,
        %mul3A_396 = arith.mulf %gather3A_395, %gather3A_395 : vector<16xf32>
        %add3A_397 = arith.addf %add3A_392, %mul3A_396 : vector<16xf32>
        %broadcast_in_dim3A_398 = arith.constant 19 : i32
        %broadcast_in_dim3A_399 = vector.broadcast %broadcast_in_dim3A_398 : i32 to vector<16xi32>
        %gather3A_400 = tpu.vector_load_idx %arg9[%iota3A, %broadcast_in_dim3A_399] : memref<16x32xf32, #tpu.memory_space<vmem>>[vector<16xi32>, vector<16xi32>], vector<16xf32>,
        %mul3A_401 = arith.mulf %gather3A_400, %gather3A_400 : vector<16xf32>
        %add3A_402 = arith.addf %add3A_397, %mul3A_401 : vector<16xf32>
        %broadcast_in_dim3A_403 = arith.constant 20 : i32
        %broadcast_in_dim3A_404 = vector.broadcast %broadcast_in_dim3A_403 : i32 to vector<16xi32>
        %gather3A_405 = tpu.vector_load_idx %arg9[%iota3A, %broadcast_in_dim3A_404] : memref<16x32xf32, #tpu.memory_space<vmem>>[vector<16xi32>, vector<16xi32>], vector<16xf32>,
        %mul3A_406 = arith.mulf %gather3A_405, %gather3A_405 : vector<16xf32>
        %add3A_407 = arith.addf %add3A_402, %mul3A_406 : vector<16xf32>
        %broadcast_in_dim3A_408 = arith.constant 21 : i32
        %broadcast_in_dim3A_409 = vector.broadcast %broadcast_in_dim3A_408 : i32 to vector<16xi32>
        %gather3A_410 = tpu.vector_load_idx %arg9[%iota3A, %broadcast_in_dim3A_409] : memref<16x32xf32, #tpu.memory_space<vmem>>[vector<16xi32>, vector<16xi32>], vector<16xf32>,
        %mul3A_411 = arith.mulf %gather3A_410, %gather3A_410 : vector<16xf32>
        %add3A_412 = arith.addf %add3A_407, %mul3A_411 : vector<16xf32>
        %broadcast_in_dim3A_413 = arith.constant 22 : i32
        %broadcast_in_dim3A_414 = vector.broadcast %broadcast_in_dim3A_413 : i32 to vector<16xi32>
        %gather3A_415 = tpu.vector_load_idx %arg9[%iota3A, %broadcast_in_dim3A_414] : memref<16x32xf32, #tpu.memory_space<vmem>>[vector<16xi32>, vector<16xi32>], vector<16xf32>,
        %mul3A_416 = arith.mulf %gather3A_415, %gather3A_415 : vector<16xf32>
        %add3A_417 = arith.addf %add3A_412, %mul3A_416 : vector<16xf32>
        %broadcast_in_dim3A_418 = arith.constant 23 : i32
        %broadcast_in_dim3A_419 = vector.broadcast %broadcast_in_dim3A_418 : i32 to vector<16xi32>
        %gather3A_420 = tpu.vector_load_idx %arg9[%iota3A, %broadcast_in_dim3A_419] : memref<16x32xf32, #tpu.memory_space<vmem>>[vector<16xi32>, vector<16xi32>], vector<16xf32>,
        %mul3A_421 = arith.mulf %gather3A_420, %gather3A_420 : vector<16xf32>
        %add3A_422 = arith.addf %add3A_417, %mul3A_421 : vector<16xf32>
        %broadcast_in_dim3A_423 = arith.constant 24 : i32
        %broadcast_in_dim3A_424 = vector.broadcast %broadcast_in_dim3A_423 : i32 to vector<16xi32>
        %gather3A_425 = tpu.vector_load_idx %arg9[%iota3A, %broadcast_in_dim3A_424] : memref<16x32xf32, #tpu.memory_space<vmem>>[vector<16xi32>, vector<16xi32>], vector<16xf32>,
        %mul3A_426 = arith.mulf %gather3A_425, %gather3A_425 : vector<16xf32>
        %add3A_427 = arith.addf %add3A_422, %mul3A_426 : vector<16xf32>
        %broadcast_in_dim3A_428 = arith.constant 25 : i32
        %broadcast_in_dim3A_429 = vector.broadcast %broadcast_in_dim3A_428 : i32 to vector<16xi32>
        %gather3A_430 = tpu.vector_load_idx %arg9[%iota3A, %broadcast_in_dim3A_429] : memref<16x32xf32, #tpu.memory_space<vmem>>[vector<16xi32>, vector<16xi32>], vector<16xf32>,
        %mul3A_431 = arith.mulf %gather3A_430, %gather3A_430 : vector<16xf32>
        %add3A_432 = arith.addf %add3A_427, %mul3A_431 : vector<16xf32>
        %broadcast_in_dim3A_433 = arith.constant 26 : i32
        %broadcast_in_dim3A_434 = vector.broadcast %broadcast_in_dim3A_433 : i32 to vector<16xi32>
        %gather3A_435 = tpu.vector_load_idx %arg9[%iota3A, %broadcast_in_dim3A_434] : memref<16x32xf32, #tpu.memory_space<vmem>>[vector<16xi32>, vector<16xi32>], vector<16xf32>,
        %mul3A_436 = arith.mulf %gather3A_435, %gather3A_435 : vector<16xf32>
        %add3A_437 = arith.addf %add3A_432, %mul3A_436 : vector<16xf32>
        %broadcast_in_dim3A_438 = arith.constant 27 : i32
        %broadcast_in_dim3A_439 = vector.broadcast %broadcast_in_dim3A_438 : i32 to vector<16xi32>
        %gather3A_440 = tpu.vector_load_idx %arg9[%iota3A, %broadcast_in_dim3A_439] : memref<16x32xf32, #tpu.memory_space<vmem>>[vector<16xi32>, vector<16xi32>], vector<16xf32>,
        %mul3A_441 = arith.mulf %gather3A_440, %gather3A_440 : vector<16xf32>
        %add3A_442 = arith.addf %add3A_437, %mul3A_441 : vector<16xf32>
        %broadcast_in_dim3A_443 = arith.constant 28 : i32
        %broadcast_in_dim3A_444 = vector.broadcast %broadcast_in_dim3A_443 : i32 to vector<16xi32>
        %gather3A_445 = tpu.vector_load_idx %arg9[%iota3A, %broadcast_in_dim3A_444] : memref<16x32xf32, #tpu.memory_space<vmem>>[vector<16xi32>, vector<16xi32>], vector<16xf32>,
        %mul3A_446 = arith.mulf %gather3A_445, %gather3A_445 : vector<16xf32>
        %add3A_447 = arith.addf %add3A_442, %mul3A_446 : vector<16xf32>
        %broadcast_in_dim3A_448 = arith.constant 29 : i32
        %broadcast_in_dim3A_449 = vector.broadcast %broadcast_in_dim3A_448 : i32 to vector<16xi32>
        %gather3A_450 = tpu.vector_load_idx %arg9[%iota3A, %broadcast_in_dim3A_449] : memref<16x32xf32, #tpu.memory_space<vmem>>[vector<16xi32>, vector<16xi32>], vector<16xf32>,
        %mul3A_451 = arith.mulf %gather3A_450, %gather3A_450 : vector<16xf32>
        %add3A_452 = arith.addf %add3A_447, %mul3A_451 : vector<16xf32>
        %broadcast_in_dim3A_453 = arith.constant 30 : i32
        %broadcast_in_dim3A_454 = vector.broadcast %broadcast_in_dim3A_453 : i32 to vector<16xi32>
        %gather3A_455 = tpu.vector_load_idx %arg9[%iota3A, %broadcast_in_dim3A_454] : memref<16x32xf32, #tpu.memory_space<vmem>>[vector<16xi32>, vector<16xi32>], vector<16xf32>,
        %mul3A_456 = arith.mulf %gather3A_455, %gather3A_455 : vector<16xf32>
        %add3A_457 = arith.addf %add3A_452, %mul3A_456 : vector<16xf32>
        %broadcast_in_dim3A_458 = arith.constant 31 : i32
        %broadcast_in_dim3A_459 = vector.broadcast %broadcast_in_dim3A_458 : i32 to vector<16xi32>
        %gather3A_460 = tpu.vector_load_idx %arg9[%iota3A, %broadcast_in_dim3A_459] : memref<16x32xf32, #tpu.memory_space<vmem>>[vector<16xi32>, vector<16xi32>], vector<16xf32>,
        %mul3A_461 = arith.mulf %gather3A_460, %gather3A_460 : vector<16xf32>
        %add3A_462 = arith.addf %add3A_457, %mul3A_461 : vector<16xf32>
        %gt3A = arith.constant 2.500000e+01 : f32
        %gt3A_463 = vector.broadcast %gt3A : f32 to vector<16xf32>
        %gt3A_464 = arith.cmpf ogt, %add3A_462, %gt3A_463 : vector<16xf32>
        %bitcast3A = vector.bitcast %add3A_462 : vector<16xf32> to vector<16xi32>
        %shift_right_arithmetic3A_465 = arith.constant 1 : i32
        %shift_right_arithmetic3A_466 = vector.broadcast %shift_right_arithmetic3A_465 : i32 to vector<16xi32>
        %shift_right_arithmetic3A_467 = arith.shrsi %bitcast3A, %shift_right_arithmetic3A_466 : vector<16xi32>
        %sub3A_468 = arith.constant 1597463007 : i32
        %sub3A_469 = vector.broadcast %sub3A_468 : i32 to vector<16xi32>
        %sub3A_470 = arith.subi %sub3A_469, %shift_right_arithmetic3A_467 : vector<16xi32>
        %bitcast3A_471 = vector.bitcast %sub3A_470 : vector<16xi32> to vector<16xf32>
        %mul3A_472 = arith.constant 5.000000e-01 : f32
        %mul3A_473 = vector.broadcast %mul3A_472 : f32 to vector<16xf32>
        %mul3A_474 = arith.mulf %mul3A_473, %add3A_462 : vector<16xf32>
        %mul3A_475 = arith.mulf %mul3A_474, %bitcast3A_471 : vector<16xf32>
        %mul3A_476 = arith.mulf %mul3A_475, %bitcast3A_471 : vector<16xf32>
        %sub3A_477 = arith.constant 1.500000e+00 : f32
        %sub3A_478 = vector.broadcast %sub3A_477 : f32 to vector<16xf32>
        %sub3A_479 = arith.subf %sub3A_478, %mul3A_476 : vector<16xf32>
        %mul3A_480 = arith.mulf %bitcast3A_471, %sub3A_479 : vector<16xf32>
        %mul3A_481 = arith.constant 5.000000e-01 : f32
        %mul3A_482 = vector.broadcast %mul3A_481 : f32 to vector<16xf32>
        %mul3A_483 = arith.mulf %mul3A_482, %add3A_462 : vector<16xf32>
        %mul3A_484 = arith.mulf %mul3A_483, %mul3A_480 : vector<16xf32>
        %mul3A_485 = arith.mulf %mul3A_484, %mul3A_480 : vector<16xf32>
        %sub3A_486 = arith.constant 1.500000e+00 : f32
        %sub3A_487 = vector.broadcast %sub3A_486 : f32 to vector<16xf32>
        %sub3A_488 = arith.subf %sub3A_487, %mul3A_485 : vector<16xf32>
        %mul3A_489 = arith.mulf %mul3A_480, %sub3A_488 : vector<16xf32>
        %mul3A_490 = arith.constant 5.000000e-01 : f32
        %mul3A_491 = vector.broadcast %mul3A_490 : f32 to vector<16xf32>
        %mul3A_492 = arith.mulf %mul3A_491, %add3A_462 : vector<16xf32>
        %mul3A_493 = arith.mulf %mul3A_492, %mul3A_489 : vector<16xf32>
        %mul3A_494 = arith.mulf %mul3A_493, %mul3A_489 : vector<16xf32>
        %sub3A_495 = arith.constant 1.500000e+00 : f32
        %sub3A_496 = vector.broadcast %sub3A_495 : f32 to vector<16xf32>
        %sub3A_497 = arith.subf %sub3A_496, %mul3A_494 : vector<16xf32>
        %mul3A_498 = arith.mulf %mul3A_489, %sub3A_497 : vector<16xf32>
        %mul3A_499 = arith.constant 5.000000e-01 : f32
        %mul3A_500 = vector.broadcast %mul3A_499 : f32 to vector<16xf32>
        %mul3A_501 = arith.mulf %mul3A_500, %add3A_462 : vector<16xf32>
        %mul3A_502 = arith.mulf %mul3A_501, %mul3A_498 : vector<16xf32>
        %mul3A_503 = arith.mulf %mul3A_502, %mul3A_498 : vector<16xf32>
        %sub3A_504 = arith.constant 1.500000e+00 : f32
        %sub3A_505 = vector.broadcast %sub3A_504 : f32 to vector<16xf32>
        %sub3A_506 = arith.subf %sub3A_505, %mul3A_503 : vector<16xf32>
        %mul3A_507 = arith.mulf %mul3A_498, %sub3A_506 : vector<16xf32>
        %mul3A_508 = arith.constant 5.000000e+00 : f32
        %mul3A_509 = vector.broadcast %mul3A_508 : f32 to vector<16xf32>
        %mul3A_510 = arith.mulf %mul3A_509, %mul3A_507 : vector<16xf32>
        %jit3A_511 = arith.constant 1.000000e+00 : f32
        %broadcast_in_dim3A_512 = vector.broadcast %jit3A_511 : f32 to vector<16xf32>
        %select_n3A_513 = arith.select %gt3A_464, %mul3A_510, %broadcast_in_dim3A_512 : vector<16xi1>, vector<16xf32>
        %mul3A_514 = arith.constant -0.00999999977 : f32
        %mul3A_515 = vector.broadcast %mul3A_514 : f32 to vector<16xf32>
        %mul3A_516 = arith.mulf %select_n3A_513, %mul3A_515 : vector<16xf32>
        %broadcast_in_dim3A_517 = arith.constant 0 : i32
        %broadcast_in_dim3A_518 = vector.broadcast %broadcast_in_dim3A_517 : i32 to vector<16xi32>
        %gather3A_519 = tpu.vector_load_idx %arg9[%iota3A, %broadcast_in_dim3A_518] : memref<16x32xf32, #tpu.memory_space<vmem>>[vector<16xi32>, vector<16xi32>], vector<16xf32>,
        %mul3A_520 = arith.mulf %gather3A_519, %mul3A_516 : vector<16xf32>
        %jit3A_521 = arith.constant 0.000000e+00 : f32
        %broadcast_in_dim3A_522 = vector.broadcast %jit3A_521 : f32 to vector<16xf32>
        %select_n3A_523 = arith.select %lt3A_280, %mul3A_520, %broadcast_in_dim3A_522 : vector<16xi1>, vector<16xf32>
        tpu.vector_store_idx %arg9[%iota3A, %broadcast_in_dim3A_518], %select_n3A_523 : memref<16x32xf32, #tpu.memory_space<vmem>>[vector<16xi32>, vector<16xi32>], vector<16xf32>,
        %broadcast_in_dim3A_524 = arith.constant 1 : i32
        %broadcast_in_dim3A_525 = vector.broadcast %broadcast_in_dim3A_524 : i32 to vector<16xi32>
        %gather3A_526 = tpu.vector_load_idx %arg9[%iota3A, %broadcast_in_dim3A_525] : memref<16x32xf32, #tpu.memory_space<vmem>>[vector<16xi32>, vector<16xi32>], vector<16xf32>,
        %mul3A_527 = arith.mulf %gather3A_526, %mul3A_516 : vector<16xf32>
        %jit3A_528 = arith.constant 0.000000e+00 : f32
        %broadcast_in_dim3A_529 = vector.broadcast %jit3A_528 : f32 to vector<16xf32>
        %select_n3A_530 = arith.select %lt3A_280, %mul3A_527, %broadcast_in_dim3A_529 : vector<16xi1>, vector<16xf32>
        tpu.vector_store_idx %arg9[%iota3A, %broadcast_in_dim3A_525], %select_n3A_530 : memref<16x32xf32, #tpu.memory_space<vmem>>[vector<16xi32>, vector<16xi32>], vector<16xf32>,
        %broadcast_in_dim3A_531 = arith.constant 2 : i32
        %broadcast_in_dim3A_532 = vector.broadcast %broadcast_in_dim3A_531 : i32 to vector<16xi32>
        %gather3A_533 = tpu.vector_load_idx %arg9[%iota3A, %broadcast_in_dim3A_532] : memref<16x32xf32, #tpu.memory_space<vmem>>[vector<16xi32>, vector<16xi32>], vector<16xf32>,
        %mul3A_534 = arith.mulf %gather3A_533, %mul3A_516 : vector<16xf32>
        %jit3A_535 = arith.constant 0.000000e+00 : f32
        %broadcast_in_dim3A_536 = vector.broadcast %jit3A_535 : f32 to vector<16xf32>
        %select_n3A_537 = arith.select %lt3A_280, %mul3A_534, %broadcast_in_dim3A_536 : vector<16xi1>, vector<16xf32>
        tpu.vector_store_idx %arg9[%iota3A, %broadcast_in_dim3A_532], %select_n3A_537 : memref<16x32xf32, #tpu.memory_space<vmem>>[vector<16xi32>, vector<16xi32>], vector<16xf32>,
        %broadcast_in_dim3A_538 = arith.constant 3 : i32
        %broadcast_in_dim3A_539 = vector.broadcast %broadcast_in_dim3A_538 : i32 to vector<16xi32>
        %gather3A_540 = tpu.vector_load_idx %arg9[%iota3A, %broadcast_in_dim3A_539] : memref<16x32xf32, #tpu.memory_space<vmem>>[vector<16xi32>, vector<16xi32>], vector<16xf32>,
        %mul3A_541 = arith.mulf %gather3A_540, %mul3A_516 : vector<16xf32>
        %jit3A_542 = arith.constant 0.000000e+00 : f32
        %broadcast_in_dim3A_543 = vector.broadcast %jit3A_542 : f32 to vector<16xf32>
        %select_n3A_544 = arith.select %lt3A_280, %mul3A_541, %broadcast_in_dim3A_543 : vector<16xi1>, vector<16xf32>
        tpu.vector_store_idx %arg9[%iota3A, %broadcast_in_dim3A_539], %select_n3A_544 : memref<16x32xf32, #tpu.memory_space<vmem>>[vector<16xi32>, vector<16xi32>], vector<16xf32>,
        %broadcast_in_dim3A_545 = arith.constant 4 : i32
        %broadcast_in_dim3A_546 = vector.broadcast %broadcast_in_dim3A_545 : i32 to vector<16xi32>
        %gather3A_547 = tpu.vector_load_idx %arg9[%iota3A, %broadcast_in_dim3A_546] : memref<16x32xf32, #tpu.memory_space<vmem>>[vector<16xi32>, vector<16xi32>], vector<16xf32>,
        %mul3A_548 = arith.mulf %gather3A_547, %mul3A_516 : vector<16xf32>
        %jit3A_549 = arith.constant 0.000000e+00 : f32
        %broadcast_in_dim3A_550 = vector.broadcast %jit3A_549 : f32 to vector<16xf32>
        %select_n3A_551 = arith.select %lt3A_280, %mul3A_548, %broadcast_in_dim3A_550 : vector<16xi1>, vector<16xf32>
        tpu.vector_store_idx %arg9[%iota3A, %broadcast_in_dim3A_546], %select_n3A_551 : memref<16x32xf32, #tpu.memory_space<vmem>>[vector<16xi32>, vector<16xi32>], vector<16xf32>,
        %broadcast_in_dim3A_552 = arith.constant 5 : i32
        %broadcast_in_dim3A_553 = vector.broadcast %broadcast_in_dim3A_552 : i32 to vector<16xi32>
        %gather3A_554 = tpu.vector_load_idx %arg9[%iota3A, %broadcast_in_dim3A_553] : memref<16x32xf32, #tpu.memory_space<vmem>>[vector<16xi32>, vector<16xi32>], vector<16xf32>,
        %mul3A_555 = arith.mulf %gather3A_554, %mul3A_516 : vector<16xf32>
        %jit3A_556 = arith.constant 0.000000e+00 : f32
        %broadcast_in_dim3A_557 = vector.broadcast %jit3A_556 : f32 to vector<16xf32>
        %select_n3A_558 = arith.select %lt3A_280, %mul3A_555, %broadcast_in_dim3A_557 : vector<16xi1>, vector<16xf32>
        tpu.vector_store_idx %arg9[%iota3A, %broadcast_in_dim3A_553], %select_n3A_558 : memref<16x32xf32, #tpu.memory_space<vmem>>[vector<16xi32>, vector<16xi32>], vector<16xf32>,
        %broadcast_in_dim3A_559 = arith.constant 6 : i32
        %broadcast_in_dim3A_560 = vector.broadcast %broadcast_in_dim3A_559 : i32 to vector<16xi32>
        %gather3A_561 = tpu.vector_load_idx %arg9[%iota3A, %broadcast_in_dim3A_560] : memref<16x32xf32, #tpu.memory_space<vmem>>[vector<16xi32>, vector<16xi32>], vector<16xf32>,
        %mul3A_562 = arith.mulf %gather3A_561, %mul3A_516 : vector<16xf32>
        %jit3A_563 = arith.constant 0.000000e+00 : f32
        %broadcast_in_dim3A_564 = vector.broadcast %jit3A_563 : f32 to vector<16xf32>
        %select_n3A_565 = arith.select %lt3A_280, %mul3A_562, %broadcast_in_dim3A_564 : vector<16xi1>, vector<16xf32>
        tpu.vector_store_idx %arg9[%iota3A, %broadcast_in_dim3A_560], %select_n3A_565 : memref<16x32xf32, #tpu.memory_space<vmem>>[vector<16xi32>, vector<16xi32>], vector<16xf32>,
        %broadcast_in_dim3A_566 = arith.constant 7 : i32
        %broadcast_in_dim3A_567 = vector.broadcast %broadcast_in_dim3A_566 : i32 to vector<16xi32>
        %gather3A_568 = tpu.vector_load_idx %arg9[%iota3A, %broadcast_in_dim3A_567] : memref<16x32xf32, #tpu.memory_space<vmem>>[vector<16xi32>, vector<16xi32>], vector<16xf32>,
        %mul3A_569 = arith.mulf %gather3A_568, %mul3A_516 : vector<16xf32>
        %jit3A_570 = arith.constant 0.000000e+00 : f32
        %broadcast_in_dim3A_571 = vector.broadcast %jit3A_570 : f32 to vector<16xf32>
        %select_n3A_572 = arith.select %lt3A_280, %mul3A_569, %broadcast_in_dim3A_571 : vector<16xi1>, vector<16xf32>
        tpu.vector_store_idx %arg9[%iota3A, %broadcast_in_dim3A_567], %select_n3A_572 : memref<16x32xf32, #tpu.memory_space<vmem>>[vector<16xi32>, vector<16xi32>], vector<16xf32>,
        %broadcast_in_dim3A_573 = arith.constant 8 : i32
        %broadcast_in_dim3A_574 = vector.broadcast %broadcast_in_dim3A_573 : i32 to vector<16xi32>
        %gather3A_575 = tpu.vector_load_idx %arg9[%iota3A, %broadcast_in_dim3A_574] : memref<16x32xf32, #tpu.memory_space<vmem>>[vector<16xi32>, vector<16xi32>], vector<16xf32>,
        %mul3A_576 = arith.mulf %gather3A_575, %mul3A_516 : vector<16xf32>
        %jit3A_577 = arith.constant 0.000000e+00 : f32
        %broadcast_in_dim3A_578 = vector.broadcast %jit3A_577 : f32 to vector<16xf32>
        %select_n3A_579 = arith.select %lt3A_280, %mul3A_576, %broadcast_in_dim3A_578 : vector<16xi1>, vector<16xf32>
        tpu.vector_store_idx %arg9[%iota3A, %broadcast_in_dim3A_574], %select_n3A_579 : memref<16x32xf32, #tpu.memory_space<vmem>>[vector<16xi32>, vector<16xi32>], vector<16xf32>,
        %broadcast_in_dim3A_580 = arith.constant 9 : i32
        %broadcast_in_dim3A_581 = vector.broadcast %broadcast_in_dim3A_580 : i32 to vector<16xi32>
        %gather3A_582 = tpu.vector_load_idx %arg9[%iota3A, %broadcast_in_dim3A_581] : memref<16x32xf32, #tpu.memory_space<vmem>>[vector<16xi32>, vector<16xi32>], vector<16xf32>,
        %mul3A_583 = arith.mulf %gather3A_582, %mul3A_516 : vector<16xf32>
        %jit3A_584 = arith.constant 0.000000e+00 : f32
        %broadcast_in_dim3A_585 = vector.broadcast %jit3A_584 : f32 to vector<16xf32>
        %select_n3A_586 = arith.select %lt3A_280, %mul3A_583, %broadcast_in_dim3A_585 : vector<16xi1>, vector<16xf32>
        tpu.vector_store_idx %arg9[%iota3A, %broadcast_in_dim3A_581], %select_n3A_586 : memref<16x32xf32, #tpu.memory_space<vmem>>[vector<16xi32>, vector<16xi32>], vector<16xf32>,
        %broadcast_in_dim3A_587 = arith.constant 10 : i32
        %broadcast_in_dim3A_588 = vector.broadcast %broadcast_in_dim3A_587 : i32 to vector<16xi32>
        %gather3A_589 = tpu.vector_load_idx %arg9[%iota3A, %broadcast_in_dim3A_588] : memref<16x32xf32, #tpu.memory_space<vmem>>[vector<16xi32>, vector<16xi32>], vector<16xf32>,
        %mul3A_590 = arith.mulf %gather3A_589, %mul3A_516 : vector<16xf32>
        %jit3A_591 = arith.constant 0.000000e+00 : f32
        %broadcast_in_dim3A_592 = vector.broadcast %jit3A_591 : f32 to vector<16xf32>
        %select_n3A_593 = arith.select %lt3A_280, %mul3A_590, %broadcast_in_dim3A_592 : vector<16xi1>, vector<16xf32>
        tpu.vector_store_idx %arg9[%iota3A, %broadcast_in_dim3A_588], %select_n3A_593 : memref<16x32xf32, #tpu.memory_space<vmem>>[vector<16xi32>, vector<16xi32>], vector<16xf32>,
        %broadcast_in_dim3A_594 = arith.constant 11 : i32
        %broadcast_in_dim3A_595 = vector.broadcast %broadcast_in_dim3A_594 : i32 to vector<16xi32>
        %gather3A_596 = tpu.vector_load_idx %arg9[%iota3A, %broadcast_in_dim3A_595] : memref<16x32xf32, #tpu.memory_space<vmem>>[vector<16xi32>, vector<16xi32>], vector<16xf32>,
        %mul3A_597 = arith.mulf %gather3A_596, %mul3A_516 : vector<16xf32>
        %jit3A_598 = arith.constant 0.000000e+00 : f32
        %broadcast_in_dim3A_599 = vector.broadcast %jit3A_598 : f32 to vector<16xf32>
        %select_n3A_600 = arith.select %lt3A_280, %mul3A_597, %broadcast_in_dim3A_599 : vector<16xi1>, vector<16xf32>
        tpu.vector_store_idx %arg9[%iota3A, %broadcast_in_dim3A_595], %select_n3A_600 : memref<16x32xf32, #tpu.memory_space<vmem>>[vector<16xi32>, vector<16xi32>], vector<16xf32>,
        %broadcast_in_dim3A_601 = arith.constant 12 : i32
        %broadcast_in_dim3A_602 = vector.broadcast %broadcast_in_dim3A_601 : i32 to vector<16xi32>
        %gather3A_603 = tpu.vector_load_idx %arg9[%iota3A, %broadcast_in_dim3A_602] : memref<16x32xf32, #tpu.memory_space<vmem>>[vector<16xi32>, vector<16xi32>], vector<16xf32>,
        %mul3A_604 = arith.mulf %gather3A_603, %mul3A_516 : vector<16xf32>
        %jit3A_605 = arith.constant 0.000000e+00 : f32
        %broadcast_in_dim3A_606 = vector.broadcast %jit3A_605 : f32 to vector<16xf32>
        %select_n3A_607 = arith.select %lt3A_280, %mul3A_604, %broadcast_in_dim3A_606 : vector<16xi1>, vector<16xf32>
        tpu.vector_store_idx %arg9[%iota3A, %broadcast_in_dim3A_602], %select_n3A_607 : memref<16x32xf32, #tpu.memory_space<vmem>>[vector<16xi32>, vector<16xi32>], vector<16xf32>,
        %broadcast_in_dim3A_608 = arith.constant 13 : i32
        %broadcast_in_dim3A_609 = vector.broadcast %broadcast_in_dim3A_608 : i32 to vector<16xi32>
        %gather3A_610 = tpu.vector_load_idx %arg9[%iota3A, %broadcast_in_dim3A_609] : memref<16x32xf32, #tpu.memory_space<vmem>>[vector<16xi32>, vector<16xi32>], vector<16xf32>,
        %mul3A_611 = arith.mulf %gather3A_610, %mul3A_516 : vector<16xf32>
        %jit3A_612 = arith.constant 0.000000e+00 : f32
        %broadcast_in_dim3A_613 = vector.broadcast %jit3A_612 : f32 to vector<16xf32>
        %select_n3A_614 = arith.select %lt3A_280, %mul3A_611, %broadcast_in_dim3A_613 : vector<16xi1>, vector<16xf32>
        tpu.vector_store_idx %arg9[%iota3A, %broadcast_in_dim3A_609], %select_n3A_614 : memref<16x32xf32, #tpu.memory_space<vmem>>[vector<16xi32>, vector<16xi32>], vector<16xf32>,
        %broadcast_in_dim3A_615 = arith.constant 14 : i32
        %broadcast_in_dim3A_616 = vector.broadcast %broadcast_in_dim3A_615 : i32 to vector<16xi32>
        %gather3A_617 = tpu.vector_load_idx %arg9[%iota3A, %broadcast_in_dim3A_616] : memref<16x32xf32, #tpu.memory_space<vmem>>[vector<16xi32>, vector<16xi32>], vector<16xf32>,
        %mul3A_618 = arith.mulf %gather3A_617, %mul3A_516 : vector<16xf32>
        %jit3A_619 = arith.constant 0.000000e+00 : f32
        %broadcast_in_dim3A_620 = vector.broadcast %jit3A_619 : f32 to vector<16xf32>
        %select_n3A_621 = arith.select %lt3A_280, %mul3A_618, %broadcast_in_dim3A_620 : vector<16xi1>, vector<16xf32>
        tpu.vector_store_idx %arg9[%iota3A, %broadcast_in_dim3A_616], %select_n3A_621 : memref<16x32xf32, #tpu.memory_space<vmem>>[vector<16xi32>, vector<16xi32>], vector<16xf32>,
        %broadcast_in_dim3A_622 = arith.constant 15 : i32
        %broadcast_in_dim3A_623 = vector.broadcast %broadcast_in_dim3A_622 : i32 to vector<16xi32>
        %gather3A_624 = tpu.vector_load_idx %arg9[%iota3A, %broadcast_in_dim3A_623] : memref<16x32xf32, #tpu.memory_space<vmem>>[vector<16xi32>, vector<16xi32>], vector<16xf32>,
        %mul3A_625 = arith.mulf %gather3A_624, %mul3A_516 : vector<16xf32>
        %jit3A_626 = arith.constant 0.000000e+00 : f32
        %broadcast_in_dim3A_627 = vector.broadcast %jit3A_626 : f32 to vector<16xf32>
        %select_n3A_628 = arith.select %lt3A_280, %mul3A_625, %broadcast_in_dim3A_627 : vector<16xi1>, vector<16xf32>
        tpu.vector_store_idx %arg9[%iota3A, %broadcast_in_dim3A_623], %select_n3A_628 : memref<16x32xf32, #tpu.memory_space<vmem>>[vector<16xi32>, vector<16xi32>], vector<16xf32>,
        %broadcast_in_dim3A_629 = arith.constant 16 : i32
        %broadcast_in_dim3A_630 = vector.broadcast %broadcast_in_dim3A_629 : i32 to vector<16xi32>
        %gather3A_631 = tpu.vector_load_idx %arg9[%iota3A, %broadcast_in_dim3A_630] : memref<16x32xf32, #tpu.memory_space<vmem>>[vector<16xi32>, vector<16xi32>], vector<16xf32>,
        %mul3A_632 = arith.mulf %gather3A_631, %mul3A_516 : vector<16xf32>
        %jit3A_633 = arith.constant 0.000000e+00 : f32
        %broadcast_in_dim3A_634 = vector.broadcast %jit3A_633 : f32 to vector<16xf32>
        %select_n3A_635 = arith.select %lt3A_280, %mul3A_632, %broadcast_in_dim3A_634 : vector<16xi1>, vector<16xf32>
        tpu.vector_store_idx %arg9[%iota3A, %broadcast_in_dim3A_630], %select_n3A_635 : memref<16x32xf32, #tpu.memory_space<vmem>>[vector<16xi32>, vector<16xi32>], vector<16xf32>,
        %broadcast_in_dim3A_636 = arith.constant 17 : i32
        %broadcast_in_dim3A_637 = vector.broadcast %broadcast_in_dim3A_636 : i32 to vector<16xi32>
        %gather3A_638 = tpu.vector_load_idx %arg9[%iota3A, %broadcast_in_dim3A_637] : memref<16x32xf32, #tpu.memory_space<vmem>>[vector<16xi32>, vector<16xi32>], vector<16xf32>,
        %mul3A_639 = arith.mulf %gather3A_638, %mul3A_516 : vector<16xf32>
        %jit3A_640 = arith.constant 0.000000e+00 : f32
        %broadcast_in_dim3A_641 = vector.broadcast %jit3A_640 : f32 to vector<16xf32>
        %select_n3A_642 = arith.select %lt3A_280, %mul3A_639, %broadcast_in_dim3A_641 : vector<16xi1>, vector<16xf32>
        tpu.vector_store_idx %arg9[%iota3A, %broadcast_in_dim3A_637], %select_n3A_642 : memref<16x32xf32, #tpu.memory_space<vmem>>[vector<16xi32>, vector<16xi32>], vector<16xf32>,
        %broadcast_in_dim3A_643 = arith.constant 18 : i32
        %broadcast_in_dim3A_644 = vector.broadcast %broadcast_in_dim3A_643 : i32 to vector<16xi32>
        %gather3A_645 = tpu.vector_load_idx %arg9[%iota3A, %broadcast_in_dim3A_644] : memref<16x32xf32, #tpu.memory_space<vmem>>[vector<16xi32>, vector<16xi32>], vector<16xf32>,
        %mul3A_646 = arith.mulf %gather3A_645, %mul3A_516 : vector<16xf32>
        %jit3A_647 = arith.constant 0.000000e+00 : f32
        %broadcast_in_dim3A_648 = vector.broadcast %jit3A_647 : f32 to vector<16xf32>
        %select_n3A_649 = arith.select %lt3A_280, %mul3A_646, %broadcast_in_dim3A_648 : vector<16xi1>, vector<16xf32>
        tpu.vector_store_idx %arg9[%iota3A, %broadcast_in_dim3A_644], %select_n3A_649 : memref<16x32xf32, #tpu.memory_space<vmem>>[vector<16xi32>, vector<16xi32>], vector<16xf32>,
        %broadcast_in_dim3A_650 = arith.constant 19 : i32
        %broadcast_in_dim3A_651 = vector.broadcast %broadcast_in_dim3A_650 : i32 to vector<16xi32>
        %gather3A_652 = tpu.vector_load_idx %arg9[%iota3A, %broadcast_in_dim3A_651] : memref<16x32xf32, #tpu.memory_space<vmem>>[vector<16xi32>, vector<16xi32>], vector<16xf32>,
        %mul3A_653 = arith.mulf %gather3A_652, %mul3A_516 : vector<16xf32>
        %jit3A_654 = arith.constant 0.000000e+00 : f32
        %broadcast_in_dim3A_655 = vector.broadcast %jit3A_654 : f32 to vector<16xf32>
        %select_n3A_656 = arith.select %lt3A_280, %mul3A_653, %broadcast_in_dim3A_655 : vector<16xi1>, vector<16xf32>
        tpu.vector_store_idx %arg9[%iota3A, %broadcast_in_dim3A_651], %select_n3A_656 : memref<16x32xf32, #tpu.memory_space<vmem>>[vector<16xi32>, vector<16xi32>], vector<16xf32>,
        %broadcast_in_dim3A_657 = arith.constant 20 : i32
        %broadcast_in_dim3A_658 = vector.broadcast %broadcast_in_dim3A_657 : i32 to vector<16xi32>
        %gather3A_659 = tpu.vector_load_idx %arg9[%iota3A, %broadcast_in_dim3A_658] : memref<16x32xf32, #tpu.memory_space<vmem>>[vector<16xi32>, vector<16xi32>], vector<16xf32>,
        %mul3A_660 = arith.mulf %gather3A_659, %mul3A_516 : vector<16xf32>
        %jit3A_661 = arith.constant 0.000000e+00 : f32
        %broadcast_in_dim3A_662 = vector.broadcast %jit3A_661 : f32 to vector<16xf32>
        %select_n3A_663 = arith.select %lt3A_280, %mul3A_660, %broadcast_in_dim3A_662 : vector<16xi1>, vector<16xf32>
        tpu.vector_store_idx %arg9[%iota3A, %broadcast_in_dim3A_658], %select_n3A_663 : memref<16x32xf32, #tpu.memory_space<vmem>>[vector<16xi32>, vector<16xi32>], vector<16xf32>,
        %broadcast_in_dim3A_664 = arith.constant 21 : i32
        %broadcast_in_dim3A_665 = vector.broadcast %broadcast_in_dim3A_664 : i32 to vector<16xi32>
        %gather3A_666 = tpu.vector_load_idx %arg9[%iota3A, %broadcast_in_dim3A_665] : memref<16x32xf32, #tpu.memory_space<vmem>>[vector<16xi32>, vector<16xi32>], vector<16xf32>,
        %mul3A_667 = arith.mulf %gather3A_666, %mul3A_516 : vector<16xf32>
        %jit3A_668 = arith.constant 0.000000e+00 : f32
        %broadcast_in_dim3A_669 = vector.broadcast %jit3A_668 : f32 to vector<16xf32>
        %select_n3A_670 = arith.select %lt3A_280, %mul3A_667, %broadcast_in_dim3A_669 : vector<16xi1>, vector<16xf32>
        tpu.vector_store_idx %arg9[%iota3A, %broadcast_in_dim3A_665], %select_n3A_670 : memref<16x32xf32, #tpu.memory_space<vmem>>[vector<16xi32>, vector<16xi32>], vector<16xf32>,
        %broadcast_in_dim3A_671 = arith.constant 22 : i32
        %broadcast_in_dim3A_672 = vector.broadcast %broadcast_in_dim3A_671 : i32 to vector<16xi32>
        %gather3A_673 = tpu.vector_load_idx %arg9[%iota3A, %broadcast_in_dim3A_672] : memref<16x32xf32, #tpu.memory_space<vmem>>[vector<16xi32>, vector<16xi32>], vector<16xf32>,
        %mul3A_674 = arith.mulf %gather3A_673, %mul3A_516 : vector<16xf32>
        %jit3A_675 = arith.constant 0.000000e+00 : f32
        %broadcast_in_dim3A_676 = vector.broadcast %jit3A_675 : f32 to vector<16xf32>
        %select_n3A_677 = arith.select %lt3A_280, %mul3A_674, %broadcast_in_dim3A_676 : vector<16xi1>, vector<16xf32>
        tpu.vector_store_idx %arg9[%iota3A, %broadcast_in_dim3A_672], %select_n3A_677 : memref<16x32xf32, #tpu.memory_space<vmem>>[vector<16xi32>, vector<16xi32>], vector<16xf32>,
        %broadcast_in_dim3A_678 = arith.constant 23 : i32
        %broadcast_in_dim3A_679 = vector.broadcast %broadcast_in_dim3A_678 : i32 to vector<16xi32>
        %gather3A_680 = tpu.vector_load_idx %arg9[%iota3A, %broadcast_in_dim3A_679] : memref<16x32xf32, #tpu.memory_space<vmem>>[vector<16xi32>, vector<16xi32>], vector<16xf32>,
        %mul3A_681 = arith.mulf %gather3A_680, %mul3A_516 : vector<16xf32>
        %jit3A_682 = arith.constant 0.000000e+00 : f32
        %broadcast_in_dim3A_683 = vector.broadcast %jit3A_682 : f32 to vector<16xf32>
        %select_n3A_684 = arith.select %lt3A_280, %mul3A_681, %broadcast_in_dim3A_683 : vector<16xi1>, vector<16xf32>
        tpu.vector_store_idx %arg9[%iota3A, %broadcast_in_dim3A_679], %select_n3A_684 : memref<16x32xf32, #tpu.memory_space<vmem>>[vector<16xi32>, vector<16xi32>], vector<16xf32>,
        %broadcast_in_dim3A_685 = arith.constant 24 : i32
        %broadcast_in_dim3A_686 = vector.broadcast %broadcast_in_dim3A_685 : i32 to vector<16xi32>
        %gather3A_687 = tpu.vector_load_idx %arg9[%iota3A, %broadcast_in_dim3A_686] : memref<16x32xf32, #tpu.memory_space<vmem>>[vector<16xi32>, vector<16xi32>], vector<16xf32>,
        %mul3A_688 = arith.mulf %gather3A_687, %mul3A_516 : vector<16xf32>
        %jit3A_689 = arith.constant 0.000000e+00 : f32
        %broadcast_in_dim3A_690 = vector.broadcast %jit3A_689 : f32 to vector<16xf32>
        %select_n3A_691 = arith.select %lt3A_280, %mul3A_688, %broadcast_in_dim3A_690 : vector<16xi1>, vector<16xf32>
        tpu.vector_store_idx %arg9[%iota3A, %broadcast_in_dim3A_686], %select_n3A_691 : memref<16x32xf32, #tpu.memory_space<vmem>>[vector<16xi32>, vector<16xi32>], vector<16xf32>,
        %broadcast_in_dim3A_692 = arith.constant 25 : i32
        %broadcast_in_dim3A_693 = vector.broadcast %broadcast_in_dim3A_692 : i32 to vector<16xi32>
        %gather3A_694 = tpu.vector_load_idx %arg9[%iota3A, %broadcast_in_dim3A_693] : memref<16x32xf32, #tpu.memory_space<vmem>>[vector<16xi32>, vector<16xi32>], vector<16xf32>,
        %mul3A_695 = arith.mulf %gather3A_694, %mul3A_516 : vector<16xf32>
        %jit3A_696 = arith.constant 0.000000e+00 : f32
        %broadcast_in_dim3A_697 = vector.broadcast %jit3A_696 : f32 to vector<16xf32>
        %select_n3A_698 = arith.select %lt3A_280, %mul3A_695, %broadcast_in_dim3A_697 : vector<16xi1>, vector<16xf32>
        tpu.vector_store_idx %arg9[%iota3A, %broadcast_in_dim3A_693], %select_n3A_698 : memref<16x32xf32, #tpu.memory_space<vmem>>[vector<16xi32>, vector<16xi32>], vector<16xf32>,
        %broadcast_in_dim3A_699 = arith.constant 26 : i32
        %broadcast_in_dim3A_700 = vector.broadcast %broadcast_in_dim3A_699 : i32 to vector<16xi32>
        %gather3A_701 = tpu.vector_load_idx %arg9[%iota3A, %broadcast_in_dim3A_700] : memref<16x32xf32, #tpu.memory_space<vmem>>[vector<16xi32>, vector<16xi32>], vector<16xf32>,
        %mul3A_702 = arith.mulf %gather3A_701, %mul3A_516 : vector<16xf32>
        %jit3A_703 = arith.constant 0.000000e+00 : f32
        %broadcast_in_dim3A_704 = vector.broadcast %jit3A_703 : f32 to vector<16xf32>
        %select_n3A_705 = arith.select %lt3A_280, %mul3A_702, %broadcast_in_dim3A_704 : vector<16xi1>, vector<16xf32>
        tpu.vector_store_idx %arg9[%iota3A, %broadcast_in_dim3A_700], %select_n3A_705 : memref<16x32xf32, #tpu.memory_space<vmem>>[vector<16xi32>, vector<16xi32>], vector<16xf32>,
        %broadcast_in_dim3A_706 = arith.constant 27 : i32
        %broadcast_in_dim3A_707 = vector.broadcast %broadcast_in_dim3A_706 : i32 to vector<16xi32>
        %gather3A_708 = tpu.vector_load_idx %arg9[%iota3A, %broadcast_in_dim3A_707] : memref<16x32xf32, #tpu.memory_space<vmem>>[vector<16xi32>, vector<16xi32>], vector<16xf32>,
        %mul3A_709 = arith.mulf %gather3A_708, %mul3A_516 : vector<16xf32>
        %jit3A_710 = arith.constant 0.000000e+00 : f32
        %broadcast_in_dim3A_711 = vector.broadcast %jit3A_710 : f32 to vector<16xf32>
        %select_n3A_712 = arith.select %lt3A_280, %mul3A_709, %broadcast_in_dim3A_711 : vector<16xi1>, vector<16xf32>
        tpu.vector_store_idx %arg9[%iota3A, %broadcast_in_dim3A_707], %select_n3A_712 : memref<16x32xf32, #tpu.memory_space<vmem>>[vector<16xi32>, vector<16xi32>], vector<16xf32>,
        %broadcast_in_dim3A_713 = arith.constant 28 : i32
        %broadcast_in_dim3A_714 = vector.broadcast %broadcast_in_dim3A_713 : i32 to vector<16xi32>
        %gather3A_715 = tpu.vector_load_idx %arg9[%iota3A, %broadcast_in_dim3A_714] : memref<16x32xf32, #tpu.memory_space<vmem>>[vector<16xi32>, vector<16xi32>], vector<16xf32>,
        %mul3A_716 = arith.mulf %gather3A_715, %mul3A_516 : vector<16xf32>
        %jit3A_717 = arith.constant 0.000000e+00 : f32
        %broadcast_in_dim3A_718 = vector.broadcast %jit3A_717 : f32 to vector<16xf32>
        %select_n3A_719 = arith.select %lt3A_280, %mul3A_716, %broadcast_in_dim3A_718 : vector<16xi1>, vector<16xf32>
        tpu.vector_store_idx %arg9[%iota3A, %broadcast_in_dim3A_714], %select_n3A_719 : memref<16x32xf32, #tpu.memory_space<vmem>>[vector<16xi32>, vector<16xi32>], vector<16xf32>,
        %broadcast_in_dim3A_720 = arith.constant 29 : i32
        %broadcast_in_dim3A_721 = vector.broadcast %broadcast_in_dim3A_720 : i32 to vector<16xi32>
        %gather3A_722 = tpu.vector_load_idx %arg9[%iota3A, %broadcast_in_dim3A_721] : memref<16x32xf32, #tpu.memory_space<vmem>>[vector<16xi32>, vector<16xi32>], vector<16xf32>,
        %mul3A_723 = arith.mulf %gather3A_722, %mul3A_516 : vector<16xf32>
        %jit3A_724 = arith.constant 0.000000e+00 : f32
        %broadcast_in_dim3A_725 = vector.broadcast %jit3A_724 : f32 to vector<16xf32>
        %select_n3A_726 = arith.select %lt3A_280, %mul3A_723, %broadcast_in_dim3A_725 : vector<16xi1>, vector<16xf32>
        tpu.vector_store_idx %arg9[%iota3A, %broadcast_in_dim3A_721], %select_n3A_726 : memref<16x32xf32, #tpu.memory_space<vmem>>[vector<16xi32>, vector<16xi32>], vector<16xf32>,
        %broadcast_in_dim3A_727 = arith.constant 30 : i32
        %broadcast_in_dim3A_728 = vector.broadcast %broadcast_in_dim3A_727 : i32 to vector<16xi32>
        %gather3A_729 = tpu.vector_load_idx %arg9[%iota3A, %broadcast_in_dim3A_728] : memref<16x32xf32, #tpu.memory_space<vmem>>[vector<16xi32>, vector<16xi32>], vector<16xf32>,
        %mul3A_730 = arith.mulf %gather3A_729, %mul3A_516 : vector<16xf32>
        %jit3A_731 = arith.constant 0.000000e+00 : f32
        %broadcast_in_dim3A_732 = vector.broadcast %jit3A_731 : f32 to vector<16xf32>
        %select_n3A_733 = arith.select %lt3A_280, %mul3A_730, %broadcast_in_dim3A_732 : vector<16xi1>, vector<16xf32>
        tpu.vector_store_idx %arg9[%iota3A, %broadcast_in_dim3A_728], %select_n3A_733 : memref<16x32xf32, #tpu.memory_space<vmem>>[vector<16xi32>, vector<16xi32>], vector<16xf32>,
        %broadcast_in_dim3A_734 = arith.constant 31 : i32
        %broadcast_in_dim3A_735 = vector.broadcast %broadcast_in_dim3A_734 : i32 to vector<16xi32>
        %gather3A_736 = tpu.vector_load_idx %arg9[%iota3A, %broadcast_in_dim3A_735] : memref<16x32xf32, #tpu.memory_space<vmem>>[vector<16xi32>, vector<16xi32>], vector<16xf32>,
        %mul3A_737 = arith.mulf %gather3A_736, %mul3A_516 : vector<16xf32>
        %jit3A_738 = arith.constant 0.000000e+00 : f32
        %broadcast_in_dim3A_739 = vector.broadcast %jit3A_738 : f32 to vector<16xf32>
        %select_n3A_740 = arith.select %lt3A_280, %mul3A_737, %broadcast_in_dim3A_739 : vector<16xi1>, vector<16xf32>
        tpu.vector_store_idx %arg9[%iota3A, %broadcast_in_dim3A_735], %select_n3A_740 : memref<16x32xf32, #tpu.memory_space<vmem>>[vector<16xi32>, vector<16xi32>], vector<16xf32>,
        %sub3A_741 = vector.broadcast %mul3A_227 : i32 to vector<16xi32>
        %sub3A_742 = arith.subi %shift_right_arithmetic3A_294, %sub3A_741 : vector<16xi32>
        "tpu.region"() ({
          %run_scoped3A = tpu.sem_alloc : memref<!tpu.dma_semaphore, #tpu.memory_space<semaphore_mem>>
          %dma_start3A = arith.constant 0 : i32
          %dma_start3A_743 = arith.constant 0 : i32
          %dma_start3A_744 = tpu.memref_slice %arg13[%dma_start3A, %dma_start3A_743] : memref<31250x32xf32, #tpu.memory_space<vmem_shared>> -> memref<31250x32xf32, #tpu.memory_space<vmem_shared>>
          tpu.enqueue_indirect_dma source(%arg9 : memref<16x32xf32, #tpu.memory_space<vmem>>) target(%dma_start3A_744 : memref<31250x32xf32, #tpu.memory_space<vmem_shared>>) offsets(%sub3A_742 : vector<16xi32>) semaphore(%run_scoped3A : memref<!tpu.dma_semaphore, #tpu.memory_space<semaphore_mem>>) {add = true}
          %dma_wait3A = arith.constant 0 : i32
          %dma_wait3A_745 = arith.constant 0 : i32
          %dma_wait3A_746 = tpu.memref_slice %arg13[%dma_wait3A, %dma_wait3A_745] : memref<31250x32xf32, #tpu.memory_space<vmem_shared>> -> memref<31250x32xf32, #tpu.memory_space<vmem_shared>>
          tpu.wait_indirect_dma semaphore(%run_scoped3A : memref<!tpu.dma_semaphore, #tpu.memory_space<semaphore_mem>>) src(%arg9 : memref<16x32xf32, #tpu.memory_space<vmem>>) dst(%dma_wait3A_746 : memref<31250x32xf32, #tpu.memory_space<vmem_shared>>)
          tpu.yield
        }) : () -> ()
      }
      %while3A_248 = arith.constant 1 : i32
      scf.for %while3A_271 = %while3A_246 to %while3A_242 step %while3A_248  : i32 {
        %mul3A_272 = arith.constant 16 : i32
        %mul3A_273 = arith.muli %while3A_271, %mul3A_272 : i32
        %add3A_274 = arith.addi %mul3A_229, %mul3A_273 : i32
        %get3A_275 = arith.index_cast %add3A_274 : i32 to index
        %get3A_276 = tpu.vector_load %arg7[%get3A_275] {strides = array<i32>} : memref<16640xi32, #tpu.memory_space<vmem>>, vector<16xi32>,
        %mul3A_277 = arith.constant 16 : i32
        %mul3A_278 = arith.muli %while3A_271, %mul3A_277 : i32
        %sub3A_279 = arith.subi %get3A_205, %mul3A_278 : i32
        %lt3A = vector.broadcast %sub3A_279 : i32 to vector<16xi32>
        %lt3A_280 = arith.cmpi slt, %iota3A, %lt3A : vector<16xi32>
        %jit3A_281 = arith.constant 0 : i32
        %broadcast_in_dim3A_282 = vector.broadcast %jit3A_281 : i32 to vector<16xi32>
        %select_n3A_283 = arith.select %lt3A_280, %get3A_276, %broadcast_in_dim3A_282 : vector<16xi1>, vector<16xi32>
        %reduce_max3A = arith.constant true
        %reduce_max3A_284 = vector.broadcast %reduce_max3A : i1 to vector<16xi1>
        %reduce_max3A_285 = arith.constant -2147483648 : i32
        %reduce_max3A_286 = vector.broadcast %reduce_max3A_285 : i32 to vector<16xi32>
        %reduce_max3A_287 = arith.xori %select_n3A_283, %reduce_max3A_286 : vector<16xi32>
        %reduce_max3A_288 = tpu.scan <max>, %reduce_max3A_287 masked %reduce_max3A_284 : vector<16xi32>, vector<16xi1> -> vector<16xi32>
        %reduce_max3A_289 = arith.xori %reduce_max3A_288, %reduce_max3A_286 : vector<16xi32>
        %reduce_max3A_290 = vector.extract %reduce_max3A_289[15] : i32 from vector<16xi32>
        %broadcast_in_dim3A_291 = vector.broadcast %reduce_max3A_290 : i32 to vector<16xi32>
        %select_n3A_292 = arith.select %lt3A_280, %get3A_276, %broadcast_in_dim3A_291 : vector<16xi1>, vector<16xi32>
        %shift_right_arithmetic3A = arith.constant 10 : i32
        %shift_right_arithmetic3A_293 = vector.broadcast %shift_right_arithmetic3A : i32 to vector<16xi32>
        %shift_right_arithmetic3A_294 = arith.shrsi %select_n3A_292, %shift_right_arithmetic3A_293 : vector<16xi32>
        %and3A_295 = arith.constant 1023 : i32
        %and3A_296 = vector.broadcast %and3A_295 : i32 to vector<16xi32>
        %and3A_297 = arith.andi %select_n3A_292, %and3A_296 : vector<16xi32>
        %mul3A_298 = arith.constant 1024 : i32
        %mul3A_299 = arith.muli %arg1, %mul3A_298 : i32
        %add3A_300 = vector.broadcast %mul3A_299 : i32 to vector<16xi32>
        %add3A_301 = arith.addi %add3A_300, %and3A_297 : vector<16xi32>
        "tpu.region"() ({
          %run_scoped3A = tpu.sem_alloc : memref<!tpu.dma_semaphore, #tpu.memory_space<semaphore_mem>>
          %dma_start3A = arith.constant 0 : i32
          %dma_start3A_743 = arith.constant 0 : i32
          %dma_start3A_744 = tpu.memref_slice %arg3[%dma_start3A, %dma_start3A_743] : memref<16384x32xf32, #tpu.memory_space<hbm>> -> memref<16384x32xf32, #tpu.memory_space<hbm>>
          tpu.enqueue_indirect_dma source(%dma_start3A_744 : memref<16384x32xf32, #tpu.memory_space<hbm>>) target(%arg9 : memref<16x32xf32, #tpu.memory_space<vmem>>) offsets(%add3A_301 : vector<16xi32>) semaphore(%run_scoped3A : memref<!tpu.dma_semaphore, #tpu.memory_space<semaphore_mem>>)
          %dma_wait3A = arith.constant 0 : i32
          %dma_wait3A_745 = arith.constant 0 : i32
          %dma_wait3A_746 = tpu.memref_slice %arg3[%dma_wait3A, %dma_wait3A_745] : memref<16384x32xf32, #tpu.memory_space<hbm>> -> memref<16384x32xf32, #tpu.memory_space<hbm>>
          tpu.wait_indirect_dma semaphore(%run_scoped3A : memref<!tpu.dma_semaphore, #tpu.memory_space<semaphore_mem>>) src(%dma_wait3A_746 : memref<16384x32xf32, #tpu.memory_space<hbm>>) dst(%arg9 : memref<16x32xf32, #tpu.memory_space<vmem>>)
          tpu.yield
        }) : () -> ()
        %broadcast_in_dim3A_302 = arith.constant 0.000000e+00 : f32
        %broadcast_in_dim3A_303 = vector.broadcast %broadcast_in_dim3A_302 : f32 to vector<16xf32>
        %broadcast_in_dim3A_304 = arith.constant 0 : i32
        %broadcast_in_dim3A_305 = vector.broadcast %broadcast_in_dim3A_304 : i32 to vector<16xi32>
        %gather3A = tpu.vector_load_idx %arg9[%iota3A, %broadcast_in_dim3A_305] : memref<16x32xf32, #tpu.memory_space<vmem>>[vector<16xi32>, vector<16xi32>], vector<16xf32>,
        %mul3A_306 = arith.mulf %gather3A, %gather3A : vector<16xf32>
        %add3A_307 = arith.addf %broadcast_in_dim3A_303, %mul3A_306 : vector<16xf32>
        %broadcast_in_dim3A_308 = arith.constant 1 : i32
        %broadcast_in_dim3A_309 = vector.broadcast %broadcast_in_dim3A_308 : i32 to vector<16xi32>
        %gather3A_310 = tpu.vector_load_idx %arg9[%iota3A, %broadcast_in_dim3A_309] : memref<16x32xf32, #tpu.memory_space<vmem>>[vector<16xi32>, vector<16xi32>], vector<16xf32>,
        %mul3A_311 = arith.mulf %gather3A_310, %gather3A_310 : vector<16xf32>
        %add3A_312 = arith.addf %add3A_307, %mul3A_311 : vector<16xf32>
        %broadcast_in_dim3A_313 = arith.constant 2 : i32
        %broadcast_in_dim3A_314 = vector.broadcast %broadcast_in_dim3A_313 : i32 to vector<16xi32>
        %gather3A_315 = tpu.vector_load_idx %arg9[%iota3A, %broadcast_in_dim3A_314] : memref<16x32xf32, #tpu.memory_space<vmem>>[vector<16xi32>, vector<16xi32>], vector<16xf32>,
        %mul3A_316 = arith.mulf %gather3A_315, %gather3A_315 : vector<16xf32>
        %add3A_317 = arith.addf %add3A_312, %mul3A_316 : vector<16xf32>
        %broadcast_in_dim3A_318 = arith.constant 3 : i32
        %broadcast_in_dim3A_319 = vector.broadcast %broadcast_in_dim3A_318 : i32 to vector<16xi32>
        %gather3A_320 = tpu.vector_load_idx %arg9[%iota3A, %broadcast_in_dim3A_319] : memref<16x32xf32, #tpu.memory_space<vmem>>[vector<16xi32>, vector<16xi32>], vector<16xf32>,
        %mul3A_321 = arith.mulf %gather3A_320, %gather3A_320 : vector<16xf32>
        %add3A_322 = arith.addf %add3A_317, %mul3A_321 : vector<16xf32>
        %broadcast_in_dim3A_323 = arith.constant 4 : i32
        %broadcast_in_dim3A_324 = vector.broadcast %broadcast_in_dim3A_323 : i32 to vector<16xi32>
        %gather3A_325 = tpu.vector_load_idx %arg9[%iota3A, %broadcast_in_dim3A_324] : memref<16x32xf32, #tpu.memory_space<vmem>>[vector<16xi32>, vector<16xi32>], vector<16xf32>,
        %mul3A_326 = arith.mulf %gather3A_325, %gather3A_325 : vector<16xf32>
        %add3A_327 = arith.addf %add3A_322, %mul3A_326 : vector<16xf32>
        %broadcast_in_dim3A_328 = arith.constant 5 : i32
        %broadcast_in_dim3A_329 = vector.broadcast %broadcast_in_dim3A_328 : i32 to vector<16xi32>
        %gather3A_330 = tpu.vector_load_idx %arg9[%iota3A, %broadcast_in_dim3A_329] : memref<16x32xf32, #tpu.memory_space<vmem>>[vector<16xi32>, vector<16xi32>], vector<16xf32>,
        %mul3A_331 = arith.mulf %gather3A_330, %gather3A_330 : vector<16xf32>
        %add3A_332 = arith.addf %add3A_327, %mul3A_331 : vector<16xf32>
        %broadcast_in_dim3A_333 = arith.constant 6 : i32
        %broadcast_in_dim3A_334 = vector.broadcast %broadcast_in_dim3A_333 : i32 to vector<16xi32>
        %gather3A_335 = tpu.vector_load_idx %arg9[%iota3A, %broadcast_in_dim3A_334] : memref<16x32xf32, #tpu.memory_space<vmem>>[vector<16xi32>, vector<16xi32>], vector<16xf32>,
        %mul3A_336 = arith.mulf %gather3A_335, %gather3A_335 : vector<16xf32>
        %add3A_337 = arith.addf %add3A_332, %mul3A_336 : vector<16xf32>
        %broadcast_in_dim3A_338 = arith.constant 7 : i32
        %broadcast_in_dim3A_339 = vector.broadcast %broadcast_in_dim3A_338 : i32 to vector<16xi32>
        %gather3A_340 = tpu.vector_load_idx %arg9[%iota3A, %broadcast_in_dim3A_339] : memref<16x32xf32, #tpu.memory_space<vmem>>[vector<16xi32>, vector<16xi32>], vector<16xf32>,
        %mul3A_341 = arith.mulf %gather3A_340, %gather3A_340 : vector<16xf32>
        %add3A_342 = arith.addf %add3A_337, %mul3A_341 : vector<16xf32>
        %broadcast_in_dim3A_343 = arith.constant 8 : i32
        %broadcast_in_dim3A_344 = vector.broadcast %broadcast_in_dim3A_343 : i32 to vector<16xi32>
        %gather3A_345 = tpu.vector_load_idx %arg9[%iota3A, %broadcast_in_dim3A_344] : memref<16x32xf32, #tpu.memory_space<vmem>>[vector<16xi32>, vector<16xi32>], vector<16xf32>,
        %mul3A_346 = arith.mulf %gather3A_345, %gather3A_345 : vector<16xf32>
        %add3A_347 = arith.addf %add3A_342, %mul3A_346 : vector<16xf32>
        %broadcast_in_dim3A_348 = arith.constant 9 : i32
        %broadcast_in_dim3A_349 = vector.broadcast %broadcast_in_dim3A_348 : i32 to vector<16xi32>
        %gather3A_350 = tpu.vector_load_idx %arg9[%iota3A, %broadcast_in_dim3A_349] : memref<16x32xf32, #tpu.memory_space<vmem>>[vector<16xi32>, vector<16xi32>], vector<16xf32>,
        %mul3A_351 = arith.mulf %gather3A_350, %gather3A_350 : vector<16xf32>
        %add3A_352 = arith.addf %add3A_347, %mul3A_351 : vector<16xf32>
        %broadcast_in_dim3A_353 = arith.constant 10 : i32
        %broadcast_in_dim3A_354 = vector.broadcast %broadcast_in_dim3A_353 : i32 to vector<16xi32>
        %gather3A_355 = tpu.vector_load_idx %arg9[%iota3A, %broadcast_in_dim3A_354] : memref<16x32xf32, #tpu.memory_space<vmem>>[vector<16xi32>, vector<16xi32>], vector<16xf32>,
        %mul3A_356 = arith.mulf %gather3A_355, %gather3A_355 : vector<16xf32>
        %add3A_357 = arith.addf %add3A_352, %mul3A_356 : vector<16xf32>
        %broadcast_in_dim3A_358 = arith.constant 11 : i32
        %broadcast_in_dim3A_359 = vector.broadcast %broadcast_in_dim3A_358 : i32 to vector<16xi32>
        %gather3A_360 = tpu.vector_load_idx %arg9[%iota3A, %broadcast_in_dim3A_359] : memref<16x32xf32, #tpu.memory_space<vmem>>[vector<16xi32>, vector<16xi32>], vector<16xf32>,
        %mul3A_361 = arith.mulf %gather3A_360, %gather3A_360 : vector<16xf32>
        %add3A_362 = arith.addf %add3A_357, %mul3A_361 : vector<16xf32>
        %broadcast_in_dim3A_363 = arith.constant 12 : i32
        %broadcast_in_dim3A_364 = vector.broadcast %broadcast_in_dim3A_363 : i32 to vector<16xi32>
        %gather3A_365 = tpu.vector_load_idx %arg9[%iota3A, %broadcast_in_dim3A_364] : memref<16x32xf32, #tpu.memory_space<vmem>>[vector<16xi32>, vector<16xi32>], vector<16xf32>,
        %mul3A_366 = arith.mulf %gather3A_365, %gather3A_365 : vector<16xf32>
        %add3A_367 = arith.addf %add3A_362, %mul3A_366 : vector<16xf32>
        %broadcast_in_dim3A_368 = arith.constant 13 : i32
        %broadcast_in_dim3A_369 = vector.broadcast %broadcast_in_dim3A_368 : i32 to vector<16xi32>
        %gather3A_370 = tpu.vector_load_idx %arg9[%iota3A, %broadcast_in_dim3A_369] : memref<16x32xf32, #tpu.memory_space<vmem>>[vector<16xi32>, vector<16xi32>], vector<16xf32>,
        %mul3A_371 = arith.mulf %gather3A_370, %gather3A_370 : vector<16xf32>
        %add3A_372 = arith.addf %add3A_367, %mul3A_371 : vector<16xf32>
        %broadcast_in_dim3A_373 = arith.constant 14 : i32
        %broadcast_in_dim3A_374 = vector.broadcast %broadcast_in_dim3A_373 : i32 to vector<16xi32>
        %gather3A_375 = tpu.vector_load_idx %arg9[%iota3A, %broadcast_in_dim3A_374] : memref<16x32xf32, #tpu.memory_space<vmem>>[vector<16xi32>, vector<16xi32>], vector<16xf32>,
        %mul3A_376 = arith.mulf %gather3A_375, %gather3A_375 : vector<16xf32>
        %add3A_377 = arith.addf %add3A_372, %mul3A_376 : vector<16xf32>
        %broadcast_in_dim3A_378 = arith.constant 15 : i32
        %broadcast_in_dim3A_379 = vector.broadcast %broadcast_in_dim3A_378 : i32 to vector<16xi32>
        %gather3A_380 = tpu.vector_load_idx %arg9[%iota3A, %broadcast_in_dim3A_379] : memref<16x32xf32, #tpu.memory_space<vmem>>[vector<16xi32>, vector<16xi32>], vector<16xf32>,
        %mul3A_381 = arith.mulf %gather3A_380, %gather3A_380 : vector<16xf32>
        %add3A_382 = arith.addf %add3A_377, %mul3A_381 : vector<16xf32>
        %broadcast_in_dim3A_383 = arith.constant 16 : i32
        %broadcast_in_dim3A_384 = vector.broadcast %broadcast_in_dim3A_383 : i32 to vector<16xi32>
        %gather3A_385 = tpu.vector_load_idx %arg9[%iota3A, %broadcast_in_dim3A_384] : memref<16x32xf32, #tpu.memory_space<vmem>>[vector<16xi32>, vector<16xi32>], vector<16xf32>,
        %mul3A_386 = arith.mulf %gather3A_385, %gather3A_385 : vector<16xf32>
        %add3A_387 = arith.addf %add3A_382, %mul3A_386 : vector<16xf32>
        %broadcast_in_dim3A_388 = arith.constant 17 : i32
        %broadcast_in_dim3A_389 = vector.broadcast %broadcast_in_dim3A_388 : i32 to vector<16xi32>
        %gather3A_390 = tpu.vector_load_idx %arg9[%iota3A, %broadcast_in_dim3A_389] : memref<16x32xf32, #tpu.memory_space<vmem>>[vector<16xi32>, vector<16xi32>], vector<16xf32>,
        %mul3A_391 = arith.mulf %gather3A_390, %gather3A_390 : vector<16xf32>
        %add3A_392 = arith.addf %add3A_387, %mul3A_391 : vector<16xf32>
        %broadcast_in_dim3A_393 = arith.constant 18 : i32
        %broadcast_in_dim3A_394 = vector.broadcast %broadcast_in_dim3A_393 : i32 to vector<16xi32>
        %gather3A_395 = tpu.vector_load_idx %arg9[%iota3A, %broadcast_in_dim3A_394] : memref<16x32xf32, #tpu.memory_space<vmem>>[vector<16xi32>, vector<16xi32>], vector<16xf32>,
        %mul3A_396 = arith.mulf %gather3A_395, %gather3A_395 : vector<16xf32>
        %add3A_397 = arith.addf %add3A_392, %mul3A_396 : vector<16xf32>
        %broadcast_in_dim3A_398 = arith.constant 19 : i32
        %broadcast_in_dim3A_399 = vector.broadcast %broadcast_in_dim3A_398 : i32 to vector<16xi32>
        %gather3A_400 = tpu.vector_load_idx %arg9[%iota3A, %broadcast_in_dim3A_399] : memref<16x32xf32, #tpu.memory_space<vmem>>[vector<16xi32>, vector<16xi32>], vector<16xf32>,
        %mul3A_401 = arith.mulf %gather3A_400, %gather3A_400 : vector<16xf32>
        %add3A_402 = arith.addf %add3A_397, %mul3A_401 : vector<16xf32>
        %broadcast_in_dim3A_403 = arith.constant 20 : i32
        %broadcast_in_dim3A_404 = vector.broadcast %broadcast_in_dim3A_403 : i32 to vector<16xi32>
        %gather3A_405 = tpu.vector_load_idx %arg9[%iota3A, %broadcast_in_dim3A_404] : memref<16x32xf32, #tpu.memory_space<vmem>>[vector<16xi32>, vector<16xi32>], vector<16xf32>,
        %mul3A_406 = arith.mulf %gather3A_405, %gather3A_405 : vector<16xf32>
        %add3A_407 = arith.addf %add3A_402, %mul3A_406 : vector<16xf32>
        %broadcast_in_dim3A_408 = arith.constant 21 : i32
        %broadcast_in_dim3A_409 = vector.broadcast %broadcast_in_dim3A_408 : i32 to vector<16xi32>
        %gather3A_410 = tpu.vector_load_idx %arg9[%iota3A, %broadcast_in_dim3A_409] : memref<16x32xf32, #tpu.memory_space<vmem>>[vector<16xi32>, vector<16xi32>], vector<16xf32>,
        %mul3A_411 = arith.mulf %gather3A_410, %gather3A_410 : vector<16xf32>
        %add3A_412 = arith.addf %add3A_407, %mul3A_411 : vector<16xf32>
        %broadcast_in_dim3A_413 = arith.constant 22 : i32
        %broadcast_in_dim3A_414 = vector.broadcast %broadcast_in_dim3A_413 : i32 to vector<16xi32>
        %gather3A_415 = tpu.vector_load_idx %arg9[%iota3A, %broadcast_in_dim3A_414] : memref<16x32xf32, #tpu.memory_space<vmem>>[vector<16xi32>, vector<16xi32>], vector<16xf32>,
        %mul3A_416 = arith.mulf %gather3A_415, %gather3A_415 : vector<16xf32>
        %add3A_417 = arith.addf %add3A_412, %mul3A_416 : vector<16xf32>
        %broadcast_in_dim3A_418 = arith.constant 23 : i32
        %broadcast_in_dim3A_419 = vector.broadcast %broadcast_in_dim3A_418 : i32 to vector<16xi32>
        %gather3A_420 = tpu.vector_load_idx %arg9[%iota3A, %broadcast_in_dim3A_419] : memref<16x32xf32, #tpu.memory_space<vmem>>[vector<16xi32>, vector<16xi32>], vector<16xf32>,
        %mul3A_421 = arith.mulf %gather3A_420, %gather3A_420 : vector<16xf32>
        %add3A_422 = arith.addf %add3A_417, %mul3A_421 : vector<16xf32>
        %broadcast_in_dim3A_423 = arith.constant 24 : i32
        %broadcast_in_dim3A_424 = vector.broadcast %broadcast_in_dim3A_423 : i32 to vector<16xi32>
        %gather3A_425 = tpu.vector_load_idx %arg9[%iota3A, %broadcast_in_dim3A_424] : memref<16x32xf32, #tpu.memory_space<vmem>>[vector<16xi32>, vector<16xi32>], vector<16xf32>,
        %mul3A_426 = arith.mulf %gather3A_425, %gather3A_425 : vector<16xf32>
        %add3A_427 = arith.addf %add3A_422, %mul3A_426 : vector<16xf32>
        %broadcast_in_dim3A_428 = arith.constant 25 : i32
        %broadcast_in_dim3A_429 = vector.broadcast %broadcast_in_dim3A_428 : i32 to vector<16xi32>
        %gather3A_430 = tpu.vector_load_idx %arg9[%iota3A, %broadcast_in_dim3A_429] : memref<16x32xf32, #tpu.memory_space<vmem>>[vector<16xi32>, vector<16xi32>], vector<16xf32>,
        %mul3A_431 = arith.mulf %gather3A_430, %gather3A_430 : vector<16xf32>
        %add3A_432 = arith.addf %add3A_427, %mul3A_431 : vector<16xf32>
        %broadcast_in_dim3A_433 = arith.constant 26 : i32
        %broadcast_in_dim3A_434 = vector.broadcast %broadcast_in_dim3A_433 : i32 to vector<16xi32>
        %gather3A_435 = tpu.vector_load_idx %arg9[%iota3A, %broadcast_in_dim3A_434] : memref<16x32xf32, #tpu.memory_space<vmem>>[vector<16xi32>, vector<16xi32>], vector<16xf32>,
        %mul3A_436 = arith.mulf %gather3A_435, %gather3A_435 : vector<16xf32>
        %add3A_437 = arith.addf %add3A_432, %mul3A_436 : vector<16xf32>
        %broadcast_in_dim3A_438 = arith.constant 27 : i32
        %broadcast_in_dim3A_439 = vector.broadcast %broadcast_in_dim3A_438 : i32 to vector<16xi32>
        %gather3A_440 = tpu.vector_load_idx %arg9[%iota3A, %broadcast_in_dim3A_439] : memref<16x32xf32, #tpu.memory_space<vmem>>[vector<16xi32>, vector<16xi32>], vector<16xf32>,
        %mul3A_441 = arith.mulf %gather3A_440, %gather3A_440 : vector<16xf32>
        %add3A_442 = arith.addf %add3A_437, %mul3A_441 : vector<16xf32>
        %broadcast_in_dim3A_443 = arith.constant 28 : i32
        %broadcast_in_dim3A_444 = vector.broadcast %broadcast_in_dim3A_443 : i32 to vector<16xi32>
        %gather3A_445 = tpu.vector_load_idx %arg9[%iota3A, %broadcast_in_dim3A_444] : memref<16x32xf32, #tpu.memory_space<vmem>>[vector<16xi32>, vector<16xi32>], vector<16xf32>,
        %mul3A_446 = arith.mulf %gather3A_445, %gather3A_445 : vector<16xf32>
        %add3A_447 = arith.addf %add3A_442, %mul3A_446 : vector<16xf32>
        %broadcast_in_dim3A_448 = arith.constant 29 : i32
        %broadcast_in_dim3A_449 = vector.broadcast %broadcast_in_dim3A_448 : i32 to vector<16xi32>
        %gather3A_450 = tpu.vector_load_idx %arg9[%iota3A, %broadcast_in_dim3A_449] : memref<16x32xf32, #tpu.memory_space<vmem>>[vector<16xi32>, vector<16xi32>], vector<16xf32>,
        %mul3A_451 = arith.mulf %gather3A_450, %gather3A_450 : vector<16xf32>
        %add3A_452 = arith.addf %add3A_447, %mul3A_451 : vector<16xf32>
        %broadcast_in_dim3A_453 = arith.constant 30 : i32
        %broadcast_in_dim3A_454 = vector.broadcast %broadcast_in_dim3A_453 : i32 to vector<16xi32>
        %gather3A_455 = tpu.vector_load_idx %arg9[%iota3A, %broadcast_in_dim3A_454] : memref<16x32xf32, #tpu.memory_space<vmem>>[vector<16xi32>, vector<16xi32>], vector<16xf32>,
        %mul3A_456 = arith.mulf %gather3A_455, %gather3A_455 : vector<16xf32>
        %add3A_457 = arith.addf %add3A_452, %mul3A_456 : vector<16xf32>
        %broadcast_in_dim3A_458 = arith.constant 31 : i32
        %broadcast_in_dim3A_459 = vector.broadcast %broadcast_in_dim3A_458 : i32 to vector<16xi32>
        %gather3A_460 = tpu.vector_load_idx %arg9[%iota3A, %broadcast_in_dim3A_459] : memref<16x32xf32, #tpu.memory_space<vmem>>[vector<16xi32>, vector<16xi32>], vector<16xf32>,
        %mul3A_461 = arith.mulf %gather3A_460, %gather3A_460 : vector<16xf32>
        %add3A_462 = arith.addf %add3A_457, %mul3A_461 : vector<16xf32>
        %gt3A = arith.constant 2.500000e+01 : f32
        %gt3A_463 = vector.broadcast %gt3A : f32 to vector<16xf32>
        %gt3A_464 = arith.cmpf ogt, %add3A_462, %gt3A_463 : vector<16xf32>
        %bitcast3A = vector.bitcast %add3A_462 : vector<16xf32> to vector<16xi32>
        %shift_right_arithmetic3A_465 = arith.constant 1 : i32
        %shift_right_arithmetic3A_466 = vector.broadcast %shift_right_arithmetic3A_465 : i32 to vector<16xi32>
        %shift_right_arithmetic3A_467 = arith.shrsi %bitcast3A, %shift_right_arithmetic3A_466 : vector<16xi32>
        %sub3A_468 = arith.constant 1597463007 : i32
        %sub3A_469 = vector.broadcast %sub3A_468 : i32 to vector<16xi32>
        %sub3A_470 = arith.subi %sub3A_469, %shift_right_arithmetic3A_467 : vector<16xi32>
        %bitcast3A_471 = vector.bitcast %sub3A_470 : vector<16xi32> to vector<16xf32>
        %mul3A_472 = arith.constant 5.000000e-01 : f32
        %mul3A_473 = vector.broadcast %mul3A_472 : f32 to vector<16xf32>
        %mul3A_474 = arith.mulf %mul3A_473, %add3A_462 : vector<16xf32>
        %mul3A_475 = arith.mulf %mul3A_474, %bitcast3A_471 : vector<16xf32>
        %mul3A_476 = arith.mulf %mul3A_475, %bitcast3A_471 : vector<16xf32>
        %sub3A_477 = arith.constant 1.500000e+00 : f32
        %sub3A_478 = vector.broadcast %sub3A_477 : f32 to vector<16xf32>
        %sub3A_479 = arith.subf %sub3A_478, %mul3A_476 : vector<16xf32>
        %mul3A_480 = arith.mulf %bitcast3A_471, %sub3A_479 : vector<16xf32>
        %mul3A_481 = arith.constant 5.000000e-01 : f32
        %mul3A_482 = vector.broadcast %mul3A_481 : f32 to vector<16xf32>
        %mul3A_483 = arith.mulf %mul3A_482, %add3A_462 : vector<16xf32>
        %mul3A_484 = arith.mulf %mul3A_483, %mul3A_480 : vector<16xf32>
        %mul3A_485 = arith.mulf %mul3A_484, %mul3A_480 : vector<16xf32>
        %sub3A_486 = arith.constant 1.500000e+00 : f32
        %sub3A_487 = vector.broadcast %sub3A_486 : f32 to vector<16xf32>
        %sub3A_488 = arith.subf %sub3A_487, %mul3A_485 : vector<16xf32>
        %mul3A_489 = arith.mulf %mul3A_480, %sub3A_488 : vector<16xf32>
        %mul3A_490 = arith.constant 5.000000e-01 : f32
        %mul3A_491 = vector.broadcast %mul3A_490 : f32 to vector<16xf32>
        %mul3A_492 = arith.mulf %mul3A_491, %add3A_462 : vector<16xf32>
        %mul3A_493 = arith.mulf %mul3A_492, %mul3A_489 : vector<16xf32>
        %mul3A_494 = arith.mulf %mul3A_493, %mul3A_489 : vector<16xf32>
        %sub3A_495 = arith.constant 1.500000e+00 : f32
        %sub3A_496 = vector.broadcast %sub3A_495 : f32 to vector<16xf32>
        %sub3A_497 = arith.subf %sub3A_496, %mul3A_494 : vector<16xf32>
        %mul3A_498 = arith.mulf %mul3A_489, %sub3A_497 : vector<16xf32>
        %mul3A_499 = arith.constant 5.000000e-01 : f32
        %mul3A_500 = vector.broadcast %mul3A_499 : f32 to vector<16xf32>
        %mul3A_501 = arith.mulf %mul3A_500, %add3A_462 : vector<16xf32>
        %mul3A_502 = arith.mulf %mul3A_501, %mul3A_498 : vector<16xf32>
        %mul3A_503 = arith.mulf %mul3A_502, %mul3A_498 : vector<16xf32>
        %sub3A_504 = arith.constant 1.500000e+00 : f32
        %sub3A_505 = vector.broadcast %sub3A_504 : f32 to vector<16xf32>
        %sub3A_506 = arith.subf %sub3A_505, %mul3A_503 : vector<16xf32>
        %mul3A_507 = arith.mulf %mul3A_498, %sub3A_506 : vector<16xf32>
        %mul3A_508 = arith.constant 5.000000e+00 : f32
        %mul3A_509 = vector.broadcast %mul3A_508 : f32 to vector<16xf32>
        %mul3A_510 = arith.mulf %mul3A_509, %mul3A_507 : vector<16xf32>
        %jit3A_511 = arith.constant 1.000000e+00 : f32
        %broadcast_in_dim3A_512 = vector.broadcast %jit3A_511 : f32 to vector<16xf32>
        %select_n3A_513 = arith.select %gt3A_464, %mul3A_510, %broadcast_in_dim3A_512 : vector<16xi1>, vector<16xf32>
        %mul3A_514 = arith.constant -0.00999999977 : f32
        %mul3A_515 = vector.broadcast %mul3A_514 : f32 to vector<16xf32>
        %mul3A_516 = arith.mulf %select_n3A_513, %mul3A_515 : vector<16xf32>
        %broadcast_in_dim3A_517 = arith.constant 0 : i32
        %broadcast_in_dim3A_518 = vector.broadcast %broadcast_in_dim3A_517 : i32 to vector<16xi32>
        %gather3A_519 = tpu.vector_load_idx %arg9[%iota3A, %broadcast_in_dim3A_518] : memref<16x32xf32, #tpu.memory_space<vmem>>[vector<16xi32>, vector<16xi32>], vector<16xf32>,
        %mul3A_520 = arith.mulf %gather3A_519, %mul3A_516 : vector<16xf32>
        %jit3A_521 = arith.constant 0.000000e+00 : f32
        %broadcast_in_dim3A_522 = vector.broadcast %jit3A_521 : f32 to vector<16xf32>
        %select_n3A_523 = arith.select %lt3A_280, %mul3A_520, %broadcast_in_dim3A_522 : vector<16xi1>, vector<16xf32>
        tpu.vector_store_idx %arg9[%iota3A, %broadcast_in_dim3A_518], %select_n3A_523 : memref<16x32xf32, #tpu.memory_space<vmem>>[vector<16xi32>, vector<16xi32>], vector<16xf32>,
        %broadcast_in_dim3A_524 = arith.constant 1 : i32
        %broadcast_in_dim3A_525 = vector.broadcast %broadcast_in_dim3A_524 : i32 to vector<16xi32>
        %gather3A_526 = tpu.vector_load_idx %arg9[%iota3A, %broadcast_in_dim3A_525] : memref<16x32xf32, #tpu.memory_space<vmem>>[vector<16xi32>, vector<16xi32>], vector<16xf32>,
        %mul3A_527 = arith.mulf %gather3A_526, %mul3A_516 : vector<16xf32>
        %jit3A_528 = arith.constant 0.000000e+00 : f32
        %broadcast_in_dim3A_529 = vector.broadcast %jit3A_528 : f32 to vector<16xf32>
        %select_n3A_530 = arith.select %lt3A_280, %mul3A_527, %broadcast_in_dim3A_529 : vector<16xi1>, vector<16xf32>
        tpu.vector_store_idx %arg9[%iota3A, %broadcast_in_dim3A_525], %select_n3A_530 : memref<16x32xf32, #tpu.memory_space<vmem>>[vector<16xi32>, vector<16xi32>], vector<16xf32>,
        %broadcast_in_dim3A_531 = arith.constant 2 : i32
        %broadcast_in_dim3A_532 = vector.broadcast %broadcast_in_dim3A_531 : i32 to vector<16xi32>
        %gather3A_533 = tpu.vector_load_idx %arg9[%iota3A, %broadcast_in_dim3A_532] : memref<16x32xf32, #tpu.memory_space<vmem>>[vector<16xi32>, vector<16xi32>], vector<16xf32>,
        %mul3A_534 = arith.mulf %gather3A_533, %mul3A_516 : vector<16xf32>
        %jit3A_535 = arith.constant 0.000000e+00 : f32
        %broadcast_in_dim3A_536 = vector.broadcast %jit3A_535 : f32 to vector<16xf32>
        %select_n3A_537 = arith.select %lt3A_280, %mul3A_534, %broadcast_in_dim3A_536 : vector<16xi1>, vector<16xf32>
        tpu.vector_store_idx %arg9[%iota3A, %broadcast_in_dim3A_532], %select_n3A_537 : memref<16x32xf32, #tpu.memory_space<vmem>>[vector<16xi32>, vector<16xi32>], vector<16xf32>,
        %broadcast_in_dim3A_538 = arith.constant 3 : i32
        %broadcast_in_dim3A_539 = vector.broadcast %broadcast_in_dim3A_538 : i32 to vector<16xi32>
        %gather3A_540 = tpu.vector_load_idx %arg9[%iota3A, %broadcast_in_dim3A_539] : memref<16x32xf32, #tpu.memory_space<vmem>>[vector<16xi32>, vector<16xi32>], vector<16xf32>,
        %mul3A_541 = arith.mulf %gather3A_540, %mul3A_516 : vector<16xf32>
        %jit3A_542 = arith.constant 0.000000e+00 : f32
        %broadcast_in_dim3A_543 = vector.broadcast %jit3A_542 : f32 to vector<16xf32>
        %select_n3A_544 = arith.select %lt3A_280, %mul3A_541, %broadcast_in_dim3A_543 : vector<16xi1>, vector<16xf32>
        tpu.vector_store_idx %arg9[%iota3A, %broadcast_in_dim3A_539], %select_n3A_544 : memref<16x32xf32, #tpu.memory_space<vmem>>[vector<16xi32>, vector<16xi32>], vector<16xf32>,
        %broadcast_in_dim3A_545 = arith.constant 4 : i32
        %broadcast_in_dim3A_546 = vector.broadcast %broadcast_in_dim3A_545 : i32 to vector<16xi32>
        %gather3A_547 = tpu.vector_load_idx %arg9[%iota3A, %broadcast_in_dim3A_546] : memref<16x32xf32, #tpu.memory_space<vmem>>[vector<16xi32>, vector<16xi32>], vector<16xf32>,
        %mul3A_548 = arith.mulf %gather3A_547, %mul3A_516 : vector<16xf32>
        %jit3A_549 = arith.constant 0.000000e+00 : f32
        %broadcast_in_dim3A_550 = vector.broadcast %jit3A_549 : f32 to vector<16xf32>
        %select_n3A_551 = arith.select %lt3A_280, %mul3A_548, %broadcast_in_dim3A_550 : vector<16xi1>, vector<16xf32>
        tpu.vector_store_idx %arg9[%iota3A, %broadcast_in_dim3A_546], %select_n3A_551 : memref<16x32xf32, #tpu.memory_space<vmem>>[vector<16xi32>, vector<16xi32>], vector<16xf32>,
        %broadcast_in_dim3A_552 = arith.constant 5 : i32
        %broadcast_in_dim3A_553 = vector.broadcast %broadcast_in_dim3A_552 : i32 to vector<16xi32>
        %gather3A_554 = tpu.vector_load_idx %arg9[%iota3A, %broadcast_in_dim3A_553] : memref<16x32xf32, #tpu.memory_space<vmem>>[vector<16xi32>, vector<16xi32>], vector<16xf32>,
        %mul3A_555 = arith.mulf %gather3A_554, %mul3A_516 : vector<16xf32>
        %jit3A_556 = arith.constant 0.000000e+00 : f32
        %broadcast_in_dim3A_557 = vector.broadcast %jit3A_556 : f32 to vector<16xf32>
        %select_n3A_558 = arith.select %lt3A_280, %mul3A_555, %broadcast_in_dim3A_557 : vector<16xi1>, vector<16xf32>
        tpu.vector_store_idx %arg9[%iota3A, %broadcast_in_dim3A_553], %select_n3A_558 : memref<16x32xf32, #tpu.memory_space<vmem>>[vector<16xi32>, vector<16xi32>], vector<16xf32>,
        %broadcast_in_dim3A_559 = arith.constant 6 : i32
        %broadcast_in_dim3A_560 = vector.broadcast %broadcast_in_dim3A_559 : i32 to vector<16xi32>
        %gather3A_561 = tpu.vector_load_idx %arg9[%iota3A, %broadcast_in_dim3A_560] : memref<16x32xf32, #tpu.memory_space<vmem>>[vector<16xi32>, vector<16xi32>], vector<16xf32>,
        %mul3A_562 = arith.mulf %gather3A_561, %mul3A_516 : vector<16xf32>
        %jit3A_563 = arith.constant 0.000000e+00 : f32
        %broadcast_in_dim3A_564 = vector.broadcast %jit3A_563 : f32 to vector<16xf32>
        %select_n3A_565 = arith.select %lt3A_280, %mul3A_562, %broadcast_in_dim3A_564 : vector<16xi1>, vector<16xf32>
        tpu.vector_store_idx %arg9[%iota3A, %broadcast_in_dim3A_560], %select_n3A_565 : memref<16x32xf32, #tpu.memory_space<vmem>>[vector<16xi32>, vector<16xi32>], vector<16xf32>,
        %broadcast_in_dim3A_566 = arith.constant 7 : i32
        %broadcast_in_dim3A_567 = vector.broadcast %broadcast_in_dim3A_566 : i32 to vector<16xi32>
        %gather3A_568 = tpu.vector_load_idx %arg9[%iota3A, %broadcast_in_dim3A_567] : memref<16x32xf32, #tpu.memory_space<vmem>>[vector<16xi32>, vector<16xi32>], vector<16xf32>,
        %mul3A_569 = arith.mulf %gather3A_568, %mul3A_516 : vector<16xf32>
        %jit3A_570 = arith.constant 0.000000e+00 : f32
        %broadcast_in_dim3A_571 = vector.broadcast %jit3A_570 : f32 to vector<16xf32>
        %select_n3A_572 = arith.select %lt3A_280, %mul3A_569, %broadcast_in_dim3A_571 : vector<16xi1>, vector<16xf32>
        tpu.vector_store_idx %arg9[%iota3A, %broadcast_in_dim3A_567], %select_n3A_572 : memref<16x32xf32, #tpu.memory_space<vmem>>[vector<16xi32>, vector<16xi32>], vector<16xf32>,
        %broadcast_in_dim3A_573 = arith.constant 8 : i32
        %broadcast_in_dim3A_574 = vector.broadcast %broadcast_in_dim3A_573 : i32 to vector<16xi32>
        %gather3A_575 = tpu.vector_load_idx %arg9[%iota3A, %broadcast_in_dim3A_574] : memref<16x32xf32, #tpu.memory_space<vmem>>[vector<16xi32>, vector<16xi32>], vector<16xf32>,
        %mul3A_576 = arith.mulf %gather3A_575, %mul3A_516 : vector<16xf32>
        %jit3A_577 = arith.constant 0.000000e+00 : f32
        %broadcast_in_dim3A_578 = vector.broadcast %jit3A_577 : f32 to vector<16xf32>
        %select_n3A_579 = arith.select %lt3A_280, %mul3A_576, %broadcast_in_dim3A_578 : vector<16xi1>, vector<16xf32>
        tpu.vector_store_idx %arg9[%iota3A, %broadcast_in_dim3A_574], %select_n3A_579 : memref<16x32xf32, #tpu.memory_space<vmem>>[vector<16xi32>, vector<16xi32>], vector<16xf32>,
        %broadcast_in_dim3A_580 = arith.constant 9 : i32
        %broadcast_in_dim3A_581 = vector.broadcast %broadcast_in_dim3A_580 : i32 to vector<16xi32>
        %gather3A_582 = tpu.vector_load_idx %arg9[%iota3A, %broadcast_in_dim3A_581] : memref<16x32xf32, #tpu.memory_space<vmem>>[vector<16xi32>, vector<16xi32>], vector<16xf32>,
        %mul3A_583 = arith.mulf %gather3A_582, %mul3A_516 : vector<16xf32>
        %jit3A_584 = arith.constant 0.000000e+00 : f32
        %broadcast_in_dim3A_585 = vector.broadcast %jit3A_584 : f32 to vector<16xf32>
        %select_n3A_586 = arith.select %lt3A_280, %mul3A_583, %broadcast_in_dim3A_585 : vector<16xi1>, vector<16xf32>
        tpu.vector_store_idx %arg9[%iota3A, %broadcast_in_dim3A_581], %select_n3A_586 : memref<16x32xf32, #tpu.memory_space<vmem>>[vector<16xi32>, vector<16xi32>], vector<16xf32>,
        %broadcast_in_dim3A_587 = arith.constant 10 : i32
        %broadcast_in_dim3A_588 = vector.broadcast %broadcast_in_dim3A_587 : i32 to vector<16xi32>
        %gather3A_589 = tpu.vector_load_idx %arg9[%iota3A, %broadcast_in_dim3A_588] : memref<16x32xf32, #tpu.memory_space<vmem>>[vector<16xi32>, vector<16xi32>], vector<16xf32>,
        %mul3A_590 = arith.mulf %gather3A_589, %mul3A_516 : vector<16xf32>
        %jit3A_591 = arith.constant 0.000000e+00 : f32
        %broadcast_in_dim3A_592 = vector.broadcast %jit3A_591 : f32 to vector<16xf32>
        %select_n3A_593 = arith.select %lt3A_280, %mul3A_590, %broadcast_in_dim3A_592 : vector<16xi1>, vector<16xf32>
        tpu.vector_store_idx %arg9[%iota3A, %broadcast_in_dim3A_588], %select_n3A_593 : memref<16x32xf32, #tpu.memory_space<vmem>>[vector<16xi32>, vector<16xi32>], vector<16xf32>,
        %broadcast_in_dim3A_594 = arith.constant 11 : i32
        %broadcast_in_dim3A_595 = vector.broadcast %broadcast_in_dim3A_594 : i32 to vector<16xi32>
        %gather3A_596 = tpu.vector_load_idx %arg9[%iota3A, %broadcast_in_dim3A_595] : memref<16x32xf32, #tpu.memory_space<vmem>>[vector<16xi32>, vector<16xi32>], vector<16xf32>,
        %mul3A_597 = arith.mulf %gather3A_596, %mul3A_516 : vector<16xf32>
        %jit3A_598 = arith.constant 0.000000e+00 : f32
        %broadcast_in_dim3A_599 = vector.broadcast %jit3A_598 : f32 to vector<16xf32>
        %select_n3A_600 = arith.select %lt3A_280, %mul3A_597, %broadcast_in_dim3A_599 : vector<16xi1>, vector<16xf32>
        tpu.vector_store_idx %arg9[%iota3A, %broadcast_in_dim3A_595], %select_n3A_600 : memref<16x32xf32, #tpu.memory_space<vmem>>[vector<16xi32>, vector<16xi32>], vector<16xf32>,
        %broadcast_in_dim3A_601 = arith.constant 12 : i32
        %broadcast_in_dim3A_602 = vector.broadcast %broadcast_in_dim3A_601 : i32 to vector<16xi32>
        %gather3A_603 = tpu.vector_load_idx %arg9[%iota3A, %broadcast_in_dim3A_602] : memref<16x32xf32, #tpu.memory_space<vmem>>[vector<16xi32>, vector<16xi32>], vector<16xf32>,
        %mul3A_604 = arith.mulf %gather3A_603, %mul3A_516 : vector<16xf32>
        %jit3A_605 = arith.constant 0.000000e+00 : f32
        %broadcast_in_dim3A_606 = vector.broadcast %jit3A_605 : f32 to vector<16xf32>
        %select_n3A_607 = arith.select %lt3A_280, %mul3A_604, %broadcast_in_dim3A_606 : vector<16xi1>, vector<16xf32>
        tpu.vector_store_idx %arg9[%iota3A, %broadcast_in_dim3A_602], %select_n3A_607 : memref<16x32xf32, #tpu.memory_space<vmem>>[vector<16xi32>, vector<16xi32>], vector<16xf32>,
        %broadcast_in_dim3A_608 = arith.constant 13 : i32
        %broadcast_in_dim3A_609 = vector.broadcast %broadcast_in_dim3A_608 : i32 to vector<16xi32>
        %gather3A_610 = tpu.vector_load_idx %arg9[%iota3A, %broadcast_in_dim3A_609] : memref<16x32xf32, #tpu.memory_space<vmem>>[vector<16xi32>, vector<16xi32>], vector<16xf32>,
        %mul3A_611 = arith.mulf %gather3A_610, %mul3A_516 : vector<16xf32>
        %jit3A_612 = arith.constant 0.000000e+00 : f32
        %broadcast_in_dim3A_613 = vector.broadcast %jit3A_612 : f32 to vector<16xf32>
        %select_n3A_614 = arith.select %lt3A_280, %mul3A_611, %broadcast_in_dim3A_613 : vector<16xi1>, vector<16xf32>
        tpu.vector_store_idx %arg9[%iota3A, %broadcast_in_dim3A_609], %select_n3A_614 : memref<16x32xf32, #tpu.memory_space<vmem>>[vector<16xi32>, vector<16xi32>], vector<16xf32>,
        %broadcast_in_dim3A_615 = arith.constant 14 : i32
        %broadcast_in_dim3A_616 = vector.broadcast %broadcast_in_dim3A_615 : i32 to vector<16xi32>
        %gather3A_617 = tpu.vector_load_idx %arg9[%iota3A, %broadcast_in_dim3A_616] : memref<16x32xf32, #tpu.memory_space<vmem>>[vector<16xi32>, vector<16xi32>], vector<16xf32>,
        %mul3A_618 = arith.mulf %gather3A_617, %mul3A_516 : vector<16xf32>
        %jit3A_619 = arith.constant 0.000000e+00 : f32
        %broadcast_in_dim3A_620 = vector.broadcast %jit3A_619 : f32 to vector<16xf32>
        %select_n3A_621 = arith.select %lt3A_280, %mul3A_618, %broadcast_in_dim3A_620 : vector<16xi1>, vector<16xf32>
        tpu.vector_store_idx %arg9[%iota3A, %broadcast_in_dim3A_616], %select_n3A_621 : memref<16x32xf32, #tpu.memory_space<vmem>>[vector<16xi32>, vector<16xi32>], vector<16xf32>,
        %broadcast_in_dim3A_622 = arith.constant 15 : i32
        %broadcast_in_dim3A_623 = vector.broadcast %broadcast_in_dim3A_622 : i32 to vector<16xi32>
        %gather3A_624 = tpu.vector_load_idx %arg9[%iota3A, %broadcast_in_dim3A_623] : memref<16x32xf32, #tpu.memory_space<vmem>>[vector<16xi32>, vector<16xi32>], vector<16xf32>,
        %mul3A_625 = arith.mulf %gather3A_624, %mul3A_516 : vector<16xf32>
        %jit3A_626 = arith.constant 0.000000e+00 : f32
        %broadcast_in_dim3A_627 = vector.broadcast %jit3A_626 : f32 to vector<16xf32>
        %select_n3A_628 = arith.select %lt3A_280, %mul3A_625, %broadcast_in_dim3A_627 : vector<16xi1>, vector<16xf32>
        tpu.vector_store_idx %arg9[%iota3A, %broadcast_in_dim3A_623], %select_n3A_628 : memref<16x32xf32, #tpu.memory_space<vmem>>[vector<16xi32>, vector<16xi32>], vector<16xf32>,
        %broadcast_in_dim3A_629 = arith.constant 16 : i32
        %broadcast_in_dim3A_630 = vector.broadcast %broadcast_in_dim3A_629 : i32 to vector<16xi32>
        %gather3A_631 = tpu.vector_load_idx %arg9[%iota3A, %broadcast_in_dim3A_630] : memref<16x32xf32, #tpu.memory_space<vmem>>[vector<16xi32>, vector<16xi32>], vector<16xf32>,
        %mul3A_632 = arith.mulf %gather3A_631, %mul3A_516 : vector<16xf32>
        %jit3A_633 = arith.constant 0.000000e+00 : f32
        %broadcast_in_dim3A_634 = vector.broadcast %jit3A_633 : f32 to vector<16xf32>
        %select_n3A_635 = arith.select %lt3A_280, %mul3A_632, %broadcast_in_dim3A_634 : vector<16xi1>, vector<16xf32>
        tpu.vector_store_idx %arg9[%iota3A, %broadcast_in_dim3A_630], %select_n3A_635 : memref<16x32xf32, #tpu.memory_space<vmem>>[vector<16xi32>, vector<16xi32>], vector<16xf32>,
        %broadcast_in_dim3A_636 = arith.constant 17 : i32
        %broadcast_in_dim3A_637 = vector.broadcast %broadcast_in_dim3A_636 : i32 to vector<16xi32>
        %gather3A_638 = tpu.vector_load_idx %arg9[%iota3A, %broadcast_in_dim3A_637] : memref<16x32xf32, #tpu.memory_space<vmem>>[vector<16xi32>, vector<16xi32>], vector<16xf32>,
        %mul3A_639 = arith.mulf %gather3A_638, %mul3A_516 : vector<16xf32>
        %jit3A_640 = arith.constant 0.000000e+00 : f32
        %broadcast_in_dim3A_641 = vector.broadcast %jit3A_640 : f32 to vector<16xf32>
        %select_n3A_642 = arith.select %lt3A_280, %mul3A_639, %broadcast_in_dim3A_641 : vector<16xi1>, vector<16xf32>
        tpu.vector_store_idx %arg9[%iota3A, %broadcast_in_dim3A_637], %select_n3A_642 : memref<16x32xf32, #tpu.memory_space<vmem>>[vector<16xi32>, vector<16xi32>], vector<16xf32>,
        %broadcast_in_dim3A_643 = arith.constant 18 : i32
        %broadcast_in_dim3A_644 = vector.broadcast %broadcast_in_dim3A_643 : i32 to vector<16xi32>
        %gather3A_645 = tpu.vector_load_idx %arg9[%iota3A, %broadcast_in_dim3A_644] : memref<16x32xf32, #tpu.memory_space<vmem>>[vector<16xi32>, vector<16xi32>], vector<16xf32>,
        %mul3A_646 = arith.mulf %gather3A_645, %mul3A_516 : vector<16xf32>
        %jit3A_647 = arith.constant 0.000000e+00 : f32
        %broadcast_in_dim3A_648 = vector.broadcast %jit3A_647 : f32 to vector<16xf32>
        %select_n3A_649 = arith.select %lt3A_280, %mul3A_646, %broadcast_in_dim3A_648 : vector<16xi1>, vector<16xf32>
        tpu.vector_store_idx %arg9[%iota3A, %broadcast_in_dim3A_644], %select_n3A_649 : memref<16x32xf32, #tpu.memory_space<vmem>>[vector<16xi32>, vector<16xi32>], vector<16xf32>,
        %broadcast_in_dim3A_650 = arith.constant 19 : i32
        %broadcast_in_dim3A_651 = vector.broadcast %broadcast_in_dim3A_650 : i32 to vector<16xi32>
        %gather3A_652 = tpu.vector_load_idx %arg9[%iota3A, %broadcast_in_dim3A_651] : memref<16x32xf32, #tpu.memory_space<vmem>>[vector<16xi32>, vector<16xi32>], vector<16xf32>,
        %mul3A_653 = arith.mulf %gather3A_652, %mul3A_516 : vector<16xf32>
        %jit3A_654 = arith.constant 0.000000e+00 : f32
        %broadcast_in_dim3A_655 = vector.broadcast %jit3A_654 : f32 to vector<16xf32>
        %select_n3A_656 = arith.select %lt3A_280, %mul3A_653, %broadcast_in_dim3A_655 : vector<16xi1>, vector<16xf32>
        tpu.vector_store_idx %arg9[%iota3A, %broadcast_in_dim3A_651], %select_n3A_656 : memref<16x32xf32, #tpu.memory_space<vmem>>[vector<16xi32>, vector<16xi32>], vector<16xf32>,
        %broadcast_in_dim3A_657 = arith.constant 20 : i32
        %broadcast_in_dim3A_658 = vector.broadcast %broadcast_in_dim3A_657 : i32 to vector<16xi32>
        %gather3A_659 = tpu.vector_load_idx %arg9[%iota3A, %broadcast_in_dim3A_658] : memref<16x32xf32, #tpu.memory_space<vmem>>[vector<16xi32>, vector<16xi32>], vector<16xf32>,
        %mul3A_660 = arith.mulf %gather3A_659, %mul3A_516 : vector<16xf32>
        %jit3A_661 = arith.constant 0.000000e+00 : f32
        %broadcast_in_dim3A_662 = vector.broadcast %jit3A_661 : f32 to vector<16xf32>
        %select_n3A_663 = arith.select %lt3A_280, %mul3A_660, %broadcast_in_dim3A_662 : vector<16xi1>, vector<16xf32>
        tpu.vector_store_idx %arg9[%iota3A, %broadcast_in_dim3A_658], %select_n3A_663 : memref<16x32xf32, #tpu.memory_space<vmem>>[vector<16xi32>, vector<16xi32>], vector<16xf32>,
        %broadcast_in_dim3A_664 = arith.constant 21 : i32
        %broadcast_in_dim3A_665 = vector.broadcast %broadcast_in_dim3A_664 : i32 to vector<16xi32>
        %gather3A_666 = tpu.vector_load_idx %arg9[%iota3A, %broadcast_in_dim3A_665] : memref<16x32xf32, #tpu.memory_space<vmem>>[vector<16xi32>, vector<16xi32>], vector<16xf32>,
        %mul3A_667 = arith.mulf %gather3A_666, %mul3A_516 : vector<16xf32>
        %jit3A_668 = arith.constant 0.000000e+00 : f32
        %broadcast_in_dim3A_669 = vector.broadcast %jit3A_668 : f32 to vector<16xf32>
        %select_n3A_670 = arith.select %lt3A_280, %mul3A_667, %broadcast_in_dim3A_669 : vector<16xi1>, vector<16xf32>
        tpu.vector_store_idx %arg9[%iota3A, %broadcast_in_dim3A_665], %select_n3A_670 : memref<16x32xf32, #tpu.memory_space<vmem>>[vector<16xi32>, vector<16xi32>], vector<16xf32>,
        %broadcast_in_dim3A_671 = arith.constant 22 : i32
        %broadcast_in_dim3A_672 = vector.broadcast %broadcast_in_dim3A_671 : i32 to vector<16xi32>
        %gather3A_673 = tpu.vector_load_idx %arg9[%iota3A, %broadcast_in_dim3A_672] : memref<16x32xf32, #tpu.memory_space<vmem>>[vector<16xi32>, vector<16xi32>], vector<16xf32>,
        %mul3A_674 = arith.mulf %gather3A_673, %mul3A_516 : vector<16xf32>
        %jit3A_675 = arith.constant 0.000000e+00 : f32
        %broadcast_in_dim3A_676 = vector.broadcast %jit3A_675 : f32 to vector<16xf32>
        %select_n3A_677 = arith.select %lt3A_280, %mul3A_674, %broadcast_in_dim3A_676 : vector<16xi1>, vector<16xf32>
        tpu.vector_store_idx %arg9[%iota3A, %broadcast_in_dim3A_672], %select_n3A_677 : memref<16x32xf32, #tpu.memory_space<vmem>>[vector<16xi32>, vector<16xi32>], vector<16xf32>,
        %broadcast_in_dim3A_678 = arith.constant 23 : i32
        %broadcast_in_dim3A_679 = vector.broadcast %broadcast_in_dim3A_678 : i32 to vector<16xi32>
        %gather3A_680 = tpu.vector_load_idx %arg9[%iota3A, %broadcast_in_dim3A_679] : memref<16x32xf32, #tpu.memory_space<vmem>>[vector<16xi32>, vector<16xi32>], vector<16xf32>,
        %mul3A_681 = arith.mulf %gather3A_680, %mul3A_516 : vector<16xf32>
        %jit3A_682 = arith.constant 0.000000e+00 : f32
        %broadcast_in_dim3A_683 = vector.broadcast %jit3A_682 : f32 to vector<16xf32>
        %select_n3A_684 = arith.select %lt3A_280, %mul3A_681, %broadcast_in_dim3A_683 : vector<16xi1>, vector<16xf32>
        tpu.vector_store_idx %arg9[%iota3A, %broadcast_in_dim3A_679], %select_n3A_684 : memref<16x32xf32, #tpu.memory_space<vmem>>[vector<16xi32>, vector<16xi32>], vector<16xf32>,
        %broadcast_in_dim3A_685 = arith.constant 24 : i32
        %broadcast_in_dim3A_686 = vector.broadcast %broadcast_in_dim3A_685 : i32 to vector<16xi32>
        %gather3A_687 = tpu.vector_load_idx %arg9[%iota3A, %broadcast_in_dim3A_686] : memref<16x32xf32, #tpu.memory_space<vmem>>[vector<16xi32>, vector<16xi32>], vector<16xf32>,
        %mul3A_688 = arith.mulf %gather3A_687, %mul3A_516 : vector<16xf32>
        %jit3A_689 = arith.constant 0.000000e+00 : f32
        %broadcast_in_dim3A_690 = vector.broadcast %jit3A_689 : f32 to vector<16xf32>
        %select_n3A_691 = arith.select %lt3A_280, %mul3A_688, %broadcast_in_dim3A_690 : vector<16xi1>, vector<16xf32>
        tpu.vector_store_idx %arg9[%iota3A, %broadcast_in_dim3A_686], %select_n3A_691 : memref<16x32xf32, #tpu.memory_space<vmem>>[vector<16xi32>, vector<16xi32>], vector<16xf32>,
        %broadcast_in_dim3A_692 = arith.constant 25 : i32
        %broadcast_in_dim3A_693 = vector.broadcast %broadcast_in_dim3A_692 : i32 to vector<16xi32>
        %gather3A_694 = tpu.vector_load_idx %arg9[%iota3A, %broadcast_in_dim3A_693] : memref<16x32xf32, #tpu.memory_space<vmem>>[vector<16xi32>, vector<16xi32>], vector<16xf32>,
        %mul3A_695 = arith.mulf %gather3A_694, %mul3A_516 : vector<16xf32>
        %jit3A_696 = arith.constant 0.000000e+00 : f32
        %broadcast_in_dim3A_697 = vector.broadcast %jit3A_696 : f32 to vector<16xf32>
        %select_n3A_698 = arith.select %lt3A_280, %mul3A_695, %broadcast_in_dim3A_697 : vector<16xi1>, vector<16xf32>
        tpu.vector_store_idx %arg9[%iota3A, %broadcast_in_dim3A_693], %select_n3A_698 : memref<16x32xf32, #tpu.memory_space<vmem>>[vector<16xi32>, vector<16xi32>], vector<16xf32>,
        %broadcast_in_dim3A_699 = arith.constant 26 : i32
        %broadcast_in_dim3A_700 = vector.broadcast %broadcast_in_dim3A_699 : i32 to vector<16xi32>
        %gather3A_701 = tpu.vector_load_idx %arg9[%iota3A, %broadcast_in_dim3A_700] : memref<16x32xf32, #tpu.memory_space<vmem>>[vector<16xi32>, vector<16xi32>], vector<16xf32>,
        %mul3A_702 = arith.mulf %gather3A_701, %mul3A_516 : vector<16xf32>
        %jit3A_703 = arith.constant 0.000000e+00 : f32
        %broadcast_in_dim3A_704 = vector.broadcast %jit3A_703 : f32 to vector<16xf32>
        %select_n3A_705 = arith.select %lt3A_280, %mul3A_702, %broadcast_in_dim3A_704 : vector<16xi1>, vector<16xf32>
        tpu.vector_store_idx %arg9[%iota3A, %broadcast_in_dim3A_700], %select_n3A_705 : memref<16x32xf32, #tpu.memory_space<vmem>>[vector<16xi32>, vector<16xi32>], vector<16xf32>,
        %broadcast_in_dim3A_706 = arith.constant 27 : i32
        %broadcast_in_dim3A_707 = vector.broadcast %broadcast_in_dim3A_706 : i32 to vector<16xi32>
        %gather3A_708 = tpu.vector_load_idx %arg9[%iota3A, %broadcast_in_dim3A_707] : memref<16x32xf32, #tpu.memory_space<vmem>>[vector<16xi32>, vector<16xi32>], vector<16xf32>,
        %mul3A_709 = arith.mulf %gather3A_708, %mul3A_516 : vector<16xf32>
        %jit3A_710 = arith.constant 0.000000e+00 : f32
        %broadcast_in_dim3A_711 = vector.broadcast %jit3A_710 : f32 to vector<16xf32>
        %select_n3A_712 = arith.select %lt3A_280, %mul3A_709, %broadcast_in_dim3A_711 : vector<16xi1>, vector<16xf32>
        tpu.vector_store_idx %arg9[%iota3A, %broadcast_in_dim3A_707], %select_n3A_712 : memref<16x32xf32, #tpu.memory_space<vmem>>[vector<16xi32>, vector<16xi32>], vector<16xf32>,
        %broadcast_in_dim3A_713 = arith.constant 28 : i32
        %broadcast_in_dim3A_714 = vector.broadcast %broadcast_in_dim3A_713 : i32 to vector<16xi32>
        %gather3A_715 = tpu.vector_load_idx %arg9[%iota3A, %broadcast_in_dim3A_714] : memref<16x32xf32, #tpu.memory_space<vmem>>[vector<16xi32>, vector<16xi32>], vector<16xf32>,
        %mul3A_716 = arith.mulf %gather3A_715, %mul3A_516 : vector<16xf32>
        %jit3A_717 = arith.constant 0.000000e+00 : f32
        %broadcast_in_dim3A_718 = vector.broadcast %jit3A_717 : f32 to vector<16xf32>
        %select_n3A_719 = arith.select %lt3A_280, %mul3A_716, %broadcast_in_dim3A_718 : vector<16xi1>, vector<16xf32>
        tpu.vector_store_idx %arg9[%iota3A, %broadcast_in_dim3A_714], %select_n3A_719 : memref<16x32xf32, #tpu.memory_space<vmem>>[vector<16xi32>, vector<16xi32>], vector<16xf32>,
        %broadcast_in_dim3A_720 = arith.constant 29 : i32
        %broadcast_in_dim3A_721 = vector.broadcast %broadcast_in_dim3A_720 : i32 to vector<16xi32>
        %gather3A_722 = tpu.vector_load_idx %arg9[%iota3A, %broadcast_in_dim3A_721] : memref<16x32xf32, #tpu.memory_space<vmem>>[vector<16xi32>, vector<16xi32>], vector<16xf32>,
        %mul3A_723 = arith.mulf %gather3A_722, %mul3A_516 : vector<16xf32>
        %jit3A_724 = arith.constant 0.000000e+00 : f32
        %broadcast_in_dim3A_725 = vector.broadcast %jit3A_724 : f32 to vector<16xf32>
        %select_n3A_726 = arith.select %lt3A_280, %mul3A_723, %broadcast_in_dim3A_725 : vector<16xi1>, vector<16xf32>
        tpu.vector_store_idx %arg9[%iota3A, %broadcast_in_dim3A_721], %select_n3A_726 : memref<16x32xf32, #tpu.memory_space<vmem>>[vector<16xi32>, vector<16xi32>], vector<16xf32>,
        %broadcast_in_dim3A_727 = arith.constant 30 : i32
        %broadcast_in_dim3A_728 = vector.broadcast %broadcast_in_dim3A_727 : i32 to vector<16xi32>
        %gather3A_729 = tpu.vector_load_idx %arg9[%iota3A, %broadcast_in_dim3A_728] : memref<16x32xf32, #tpu.memory_space<vmem>>[vector<16xi32>, vector<16xi32>], vector<16xf32>,
        %mul3A_730 = arith.mulf %gather3A_729, %mul3A_516 : vector<16xf32>
        %jit3A_731 = arith.constant 0.000000e+00 : f32
        %broadcast_in_dim3A_732 = vector.broadcast %jit3A_731 : f32 to vector<16xf32>
        %select_n3A_733 = arith.select %lt3A_280, %mul3A_730, %broadcast_in_dim3A_732 : vector<16xi1>, vector<16xf32>
        tpu.vector_store_idx %arg9[%iota3A, %broadcast_in_dim3A_728], %select_n3A_733 : memref<16x32xf32, #tpu.memory_space<vmem>>[vector<16xi32>, vector<16xi32>], vector<16xf32>,
        %broadcast_in_dim3A_734 = arith.constant 31 : i32
        %broadcast_in_dim3A_735 = vector.broadcast %broadcast_in_dim3A_734 : i32 to vector<16xi32>
        %gather3A_736 = tpu.vector_load_idx %arg9[%iota3A, %broadcast_in_dim3A_735] : memref<16x32xf32, #tpu.memory_space<vmem>>[vector<16xi32>, vector<16xi32>], vector<16xf32>,
        %mul3A_737 = arith.mulf %gather3A_736, %mul3A_516 : vector<16xf32>
        %jit3A_738 = arith.constant 0.000000e+00 : f32
        %broadcast_in_dim3A_739 = vector.broadcast %jit3A_738 : f32 to vector<16xf32>
        %select_n3A_740 = arith.select %lt3A_280, %mul3A_737, %broadcast_in_dim3A_739 : vector<16xi1>, vector<16xf32>
        tpu.vector_store_idx %arg9[%iota3A, %broadcast_in_dim3A_735], %select_n3A_740 : memref<16x32xf32, #tpu.memory_space<vmem>>[vector<16xi32>, vector<16xi32>], vector<16xf32>,
        %sub3A_741 = vector.broadcast %mul3A_227 : i32 to vector<16xi32>
        %sub3A_742 = arith.subi %shift_right_arithmetic3A_294, %sub3A_741 : vector<16xi32>
        "tpu.region"() ({
          %run_scoped3A = tpu.sem_alloc : memref<!tpu.dma_semaphore, #tpu.memory_space<semaphore_mem>>
          %dma_start3A = arith.constant 0 : i32
          %dma_start3A_743 = arith.constant 0 : i32
          %dma_start3A_744 = tpu.memref_slice %arg13[%dma_start3A, %dma_start3A_743] : memref<31250x32xf32, #tpu.memory_space<vmem_shared>> -> memref<31250x32xf32, #tpu.memory_space<vmem_shared>>
          tpu.enqueue_indirect_dma source(%arg9 : memref<16x32xf32, #tpu.memory_space<vmem>>) target(%dma_start3A_744 : memref<31250x32xf32, #tpu.memory_space<vmem_shared>>) offsets(%sub3A_742 : vector<16xi32>) semaphore(%run_scoped3A : memref<!tpu.dma_semaphore, #tpu.memory_space<semaphore_mem>>) {add = true}
          %dma_wait3A = arith.constant 0 : i32
          %dma_wait3A_745 = arith.constant 0 : i32
          %dma_wait3A_746 = tpu.memref_slice %arg13[%dma_wait3A, %dma_wait3A_745] : memref<31250x32xf32, #tpu.memory_space<vmem_shared>> -> memref<31250x32xf32, #tpu.memory_space<vmem_shared>>
          tpu.wait_indirect_dma semaphore(%run_scoped3A : memref<!tpu.dma_semaphore, #tpu.memory_space<semaphore_mem>>) src(%arg9 : memref<16x32xf32, #tpu.memory_space<vmem>>) dst(%dma_wait3A_746 : memref<31250x32xf32, #tpu.memory_space<vmem_shared>>)
          tpu.yield
        }) : () -> ()
      }
      %barrier3A_249 = arith.constant 0 : index
      tpu.barrier barrier_id(%barrier3A_249)
      %while3A_250 = arith.constant 0 : i32
      %while3A_251 = arith.constant 0 : i32
      %while3A_252 = arith.subi %select_n3A, %while3A_251 : i32
      %while3A_253 = arith.addi %while3A_251, %while3A_252 : i32
      %while3A_254 = arith.constant 1 : i32
      %while3A_255 = arith.divsi %while3A_252, %while3A_254 : i32
      %while3A_256 = arith.muli %while3A_255, %while3A_254 : i32
      %while3A_257 = arith.addi %while3A_251, %while3A_256 : i32
      %while3A_258 = arith.constant 1 : i32
      scf.for %while3A_271 = %while3A_251 to %while3A_257 step %while3A_258  : i32 {
        %mul3A_272 = arith.constant 16 : i32
        %mul3A_273 = arith.muli %while3A_271, %mul3A_272 : i32
        %add3A_274 = arith.addi %mul3A_229, %mul3A_273 : i32
        %get3A_275 = arith.index_cast %add3A_274 : i32 to index
        %get3A_276 = tpu.vector_load %arg7[%get3A_275] {strides = array<i32>} : memref<16640xi32, #tpu.memory_space<vmem>>, vector<16xi32>,
        %mul3A_277 = arith.constant 16 : i32
        %mul3A_278 = arith.muli %while3A_271, %mul3A_277 : i32
        %sub3A_279 = arith.subi %get3A_205, %mul3A_278 : i32
        %lt3A = vector.broadcast %sub3A_279 : i32 to vector<16xi32>
        %lt3A_280 = arith.cmpi slt, %iota3A, %lt3A : vector<16xi32>
        %jit3A_281 = arith.constant 0 : i32
        %broadcast_in_dim3A_282 = vector.broadcast %jit3A_281 : i32 to vector<16xi32>
        %select_n3A_283 = arith.select %lt3A_280, %get3A_276, %broadcast_in_dim3A_282 : vector<16xi1>, vector<16xi32>
        %reduce_max3A = arith.constant true
        %reduce_max3A_284 = vector.broadcast %reduce_max3A : i1 to vector<16xi1>
        %reduce_max3A_285 = arith.constant -2147483648 : i32
        %reduce_max3A_286 = vector.broadcast %reduce_max3A_285 : i32 to vector<16xi32>
        %reduce_max3A_287 = arith.xori %select_n3A_283, %reduce_max3A_286 : vector<16xi32>
        %reduce_max3A_288 = tpu.scan <max>, %reduce_max3A_287 masked %reduce_max3A_284 : vector<16xi32>, vector<16xi1> -> vector<16xi32>
        %reduce_max3A_289 = arith.xori %reduce_max3A_288, %reduce_max3A_286 : vector<16xi32>
        %reduce_max3A_290 = vector.extract %reduce_max3A_289[15] : i32 from vector<16xi32>
        %broadcast_in_dim3A_291 = vector.broadcast %reduce_max3A_290 : i32 to vector<16xi32>
        %select_n3A_292 = arith.select %lt3A_280, %get3A_276, %broadcast_in_dim3A_291 : vector<16xi1>, vector<16xi32>
        %shift_right_arithmetic3A = arith.constant 10 : i32
        %shift_right_arithmetic3A_293 = vector.broadcast %shift_right_arithmetic3A : i32 to vector<16xi32>
        %shift_right_arithmetic3A_294 = arith.shrsi %select_n3A_292, %shift_right_arithmetic3A_293 : vector<16xi32>
        %and3A_295 = arith.constant 1023 : i32
        %and3A_296 = vector.broadcast %and3A_295 : i32 to vector<16xi32>
        %and3A_297 = arith.andi %select_n3A_292, %and3A_296 : vector<16xi32>
        %mul3A_298 = arith.constant 16 : i32
        %mul3A_299 = arith.muli %while3A_271, %mul3A_298 : i32
        "tpu.region"() ({
          %run_scoped3A = tpu.sem_alloc : memref<!tpu.dma_semaphore, #tpu.memory_space<semaphore_mem>>
          %dma_start3A = arith.constant 0 : i32
          %dma_start3A_910 = tpu.memref_slice %arg8[%mul3A_299, %dma_start3A] : memref<1024x32xf32, #tpu.memory_space<vmem>> -> memref<16x32xf32, #tpu.memory_space<vmem>>
          %dma_start3A_911 = arith.constant 0 : i32
          %dma_start3A_912 = arith.constant 0 : i32
          %dma_start3A_913 = tpu.memref_slice %arg2[%dma_start3A_911, %dma_start3A_912] : memref<1000000x32xf32, #tpu.memory_space<hbm>> -> memref<1000000x32xf32, #tpu.memory_space<hbm>>
          tpu.enqueue_indirect_dma source(%dma_start3A_913 : memref<1000000x32xf32, #tpu.memory_space<hbm>>) target(%dma_start3A_910 : memref<16x32xf32, #tpu.memory_space<vmem>>) offsets(%shift_right_arithmetic3A_294 : vector<16xi32>) semaphore(%run_scoped3A : memref<!tpu.dma_semaphore, #tpu.memory_space<semaphore_mem>>)
          %dma_wait3A = arith.constant 0 : i32
          %dma_wait3A_914 = tpu.memref_slice %arg8[%mul3A_299, %dma_wait3A] : memref<1024x32xf32, #tpu.memory_space<vmem>> -> memref<16x32xf32, #tpu.memory_space<vmem>>
          %dma_wait3A_915 = arith.constant 0 : i32
          %dma_wait3A_916 = arith.constant 0 : i32
          %dma_wait3A_917 = tpu.memref_slice %arg2[%dma_wait3A_915, %dma_wait3A_916] : memref<1000000x32xf32, #tpu.memory_space<hbm>> -> memref<1000000x32xf32, #tpu.memory_space<hbm>>
          tpu.wait_indirect_dma semaphore(%run_scoped3A : memref<!tpu.dma_semaphore, #tpu.memory_space<semaphore_mem>>) src(%dma_wait3A_917 : memref<1000000x32xf32, #tpu.memory_space<hbm>>) dst(%dma_wait3A_914 : memref<16x32xf32, #tpu.memory_space<vmem>>)
          tpu.yield
        }) : () -> ()
        %sub3A_300 = vector.broadcast %mul3A_227 : i32 to vector<16xi32>
        %sub3A_301 = arith.subi %shift_right_arithmetic3A_294, %sub3A_300 : vector<16xi32>
        "tpu.region"() ({
          %run_scoped3A = tpu.sem_alloc : memref<!tpu.dma_semaphore, #tpu.memory_space<semaphore_mem>>
          %dma_start3A = arith.constant 0 : i32
          %dma_start3A_910 = arith.constant 0 : i32
          %dma_start3A_911 = tpu.memref_slice %arg13[%dma_start3A, %dma_start3A_910] : memref<31250x32xf32, #tpu.memory_space<vmem_shared>> -> memref<31250x32xf32, #tpu.memory_space<vmem_shared>>
          tpu.enqueue_indirect_dma source(%dma_start3A_911 : memref<31250x32xf32, #tpu.memory_space<vmem_shared>>) target(%arg10 : memref<16x32xf32, #tpu.memory_space<vmem>>) offsets(%sub3A_301 : vector<16xi32>) semaphore(%run_scoped3A : memref<!tpu.dma_semaphore, #tpu.memory_space<semaphore_mem>>)
          %dma_wait3A = arith.constant 0 : i32
          %dma_wait3A_912 = arith.constant 0 : i32
          %dma_wait3A_913 = tpu.memref_slice %arg13[%dma_wait3A, %dma_wait3A_912] : memref<31250x32xf32, #tpu.memory_space<vmem_shared>> -> memref<31250x32xf32, #tpu.memory_space<vmem_shared>>
          tpu.wait_indirect_dma semaphore(%run_scoped3A : memref<!tpu.dma_semaphore, #tpu.memory_space<semaphore_mem>>) src(%dma_wait3A_913 : memref<31250x32xf32, #tpu.memory_space<vmem_shared>>) dst(%arg10 : memref<16x32xf32, #tpu.memory_space<vmem>>)
          tpu.yield
        }) : () -> ()
        %mul3A_302 = arith.constant 16 : i32
        %mul3A_303 = arith.muli %while3A_271, %mul3A_302 : i32
        %add3A_304 = arith.constant 0 : i32
        %add3A_305 = arith.addi %mul3A_303, %add3A_304 : i32
        %get3A_306 = arith.index_cast %add3A_305 : i32 to index
        %get3A_307 = arith.constant 0 : index
        %get3A_308 = tpu.vector_load %arg8[%get3A_306, %get3A_307] {strides = array<i32>} : memref<1024x32xf32, #tpu.memory_space<vmem>>, vector<16xf32>,
        %get3A_309 = arith.constant 0 : i32
        %get3A_310 = arith.index_cast %get3A_309 : i32 to index
        %get3A_311 = arith.constant 0 : index
        %get3A_312 = tpu.vector_load %arg10[%get3A_310, %get3A_311] {strides = array<i32>} : memref<16x32xf32, #tpu.memory_space<vmem>>, vector<16xf32>,
        %add3A_313 = arith.addf %get3A_308, %get3A_312 : vector<16xf32>
        %mul3A_314 = arith.constant 16 : i32
        %mul3A_315 = arith.muli %while3A_271, %mul3A_314 : i32
        %add3A_316 = arith.constant 0 : i32
        %add3A_317 = arith.addi %mul3A_315, %add3A_316 : i32
        %swap3A_318 = arith.index_cast %add3A_317 : i32 to index
        %swap3A_319 = arith.constant 0 : index
        %swap3A_320 = tpu.vector_load %arg8[%swap3A_318, %swap3A_319] {strides = array<i32>} : memref<1024x32xf32, #tpu.memory_space<vmem>>, vector<16xf32>,
        tpu.vector_store %arg8[%swap3A_318, %swap3A_319], %add3A_313 {strides = array<i32>} : memref<1024x32xf32, #tpu.memory_space<vmem>>, vector<16xf32>,
        %mul3A_321 = arith.constant 16 : i32
        %mul3A_322 = arith.muli %while3A_271, %mul3A_321 : i32
        %add3A_323 = arith.constant 0 : i32
        %add3A_324 = arith.addi %mul3A_322, %add3A_323 : i32
        %get3A_325 = arith.index_cast %add3A_324 : i32 to index
        %get3A_326 = arith.constant 16 : index
        %get3A_327 = tpu.vector_load %arg8[%get3A_325, %get3A_326] {strides = array<i32>} : memref<1024x32xf32, #tpu.memory_space<vmem>>, vector<16xf32>,
        %get3A_328 = arith.constant 0 : i32
        %get3A_329 = arith.index_cast %get3A_328 : i32 to index
        %get3A_330 = arith.constant 16 : index
        %get3A_331 = tpu.vector_load %arg10[%get3A_329, %get3A_330] {strides = array<i32>} : memref<16x32xf32, #tpu.memory_space<vmem>>, vector<16xf32>,
        %add3A_332 = arith.addf %get3A_327, %get3A_331 : vector<16xf32>
        %mul3A_333 = arith.constant 16 : i32
        %mul3A_334 = arith.muli %while3A_271, %mul3A_333 : i32
        %add3A_335 = arith.constant 0 : i32
        %add3A_336 = arith.addi %mul3A_334, %add3A_335 : i32
        %swap3A_337 = arith.index_cast %add3A_336 : i32 to index
        %swap3A_338 = arith.constant 16 : index
        %swap3A_339 = tpu.vector_load %arg8[%swap3A_337, %swap3A_338] {strides = array<i32>} : memref<1024x32xf32, #tpu.memory_space<vmem>>, vector<16xf32>,
        tpu.vector_store %arg8[%swap3A_337, %swap3A_338], %add3A_332 {strides = array<i32>} : memref<1024x32xf32, #tpu.memory_space<vmem>>, vector<16xf32>,
        %mul3A_340 = arith.constant 16 : i32
        %mul3A_341 = arith.muli %while3A_271, %mul3A_340 : i32
        %add3A_342 = arith.constant 1 : i32
        %add3A_343 = arith.addi %mul3A_341, %add3A_342 : i32
        %get3A_344 = arith.index_cast %add3A_343 : i32 to index
        %get3A_345 = arith.constant 0 : index
        %get3A_346 = tpu.vector_load %arg8[%get3A_344, %get3A_345] {strides = array<i32>} : memref<1024x32xf32, #tpu.memory_space<vmem>>, vector<16xf32>,
        %get3A_347 = arith.constant 1 : i32
        %get3A_348 = arith.index_cast %get3A_347 : i32 to index
        %get3A_349 = arith.constant 0 : index
        %get3A_350 = tpu.vector_load %arg10[%get3A_348, %get3A_349] {strides = array<i32>} : memref<16x32xf32, #tpu.memory_space<vmem>>, vector<16xf32>,
        %add3A_351 = arith.addf %get3A_346, %get3A_350 : vector<16xf32>
        %mul3A_352 = arith.constant 16 : i32
        %mul3A_353 = arith.muli %while3A_271, %mul3A_352 : i32
        %add3A_354 = arith.constant 1 : i32
        %add3A_355 = arith.addi %mul3A_353, %add3A_354 : i32
        %swap3A_356 = arith.index_cast %add3A_355 : i32 to index
        %swap3A_357 = arith.constant 0 : index
        %swap3A_358 = tpu.vector_load %arg8[%swap3A_356, %swap3A_357] {strides = array<i32>} : memref<1024x32xf32, #tpu.memory_space<vmem>>, vector<16xf32>,
        tpu.vector_store %arg8[%swap3A_356, %swap3A_357], %add3A_351 {strides = array<i32>} : memref<1024x32xf32, #tpu.memory_space<vmem>>, vector<16xf32>,
        %mul3A_359 = arith.constant 16 : i32
        %mul3A_360 = arith.muli %while3A_271, %mul3A_359 : i32
        %add3A_361 = arith.constant 1 : i32
        %add3A_362 = arith.addi %mul3A_360, %add3A_361 : i32
        %get3A_363 = arith.index_cast %add3A_362 : i32 to index
        %get3A_364 = arith.constant 16 : index
        %get3A_365 = tpu.vector_load %arg8[%get3A_363, %get3A_364] {strides = array<i32>} : memref<1024x32xf32, #tpu.memory_space<vmem>>, vector<16xf32>,
        %get3A_366 = arith.constant 1 : i32
        %get3A_367 = arith.index_cast %get3A_366 : i32 to index
        %get3A_368 = arith.constant 16 : index
        %get3A_369 = tpu.vector_load %arg10[%get3A_367, %get3A_368] {strides = array<i32>} : memref<16x32xf32, #tpu.memory_space<vmem>>, vector<16xf32>,
        %add3A_370 = arith.addf %get3A_365, %get3A_369 : vector<16xf32>
        %mul3A_371 = arith.constant 16 : i32
        %mul3A_372 = arith.muli %while3A_271, %mul3A_371 : i32
        %add3A_373 = arith.constant 1 : i32
        %add3A_374 = arith.addi %mul3A_372, %add3A_373 : i32
        %swap3A_375 = arith.index_cast %add3A_374 : i32 to index
        %swap3A_376 = arith.constant 16 : index
        %swap3A_377 = tpu.vector_load %arg8[%swap3A_375, %swap3A_376] {strides = array<i32>} : memref<1024x32xf32, #tpu.memory_space<vmem>>, vector<16xf32>,
        tpu.vector_store %arg8[%swap3A_375, %swap3A_376], %add3A_370 {strides = array<i32>} : memref<1024x32xf32, #tpu.memory_space<vmem>>, vector<16xf32>,
        %mul3A_378 = arith.constant 16 : i32
        %mul3A_379 = arith.muli %while3A_271, %mul3A_378 : i32
        %add3A_380 = arith.constant 2 : i32
        %add3A_381 = arith.addi %mul3A_379, %add3A_380 : i32
        %get3A_382 = arith.index_cast %add3A_381 : i32 to index
        %get3A_383 = arith.constant 0 : index
        %get3A_384 = tpu.vector_load %arg8[%get3A_382, %get3A_383] {strides = array<i32>} : memref<1024x32xf32, #tpu.memory_space<vmem>>, vector<16xf32>,
        %get3A_385 = arith.constant 2 : i32
        %get3A_386 = arith.index_cast %get3A_385 : i32 to index
        %get3A_387 = arith.constant 0 : index
        %get3A_388 = tpu.vector_load %arg10[%get3A_386, %get3A_387] {strides = array<i32>} : memref<16x32xf32, #tpu.memory_space<vmem>>, vector<16xf32>,
        %add3A_389 = arith.addf %get3A_384, %get3A_388 : vector<16xf32>
        %mul3A_390 = arith.constant 16 : i32
        %mul3A_391 = arith.muli %while3A_271, %mul3A_390 : i32
        %add3A_392 = arith.constant 2 : i32
        %add3A_393 = arith.addi %mul3A_391, %add3A_392 : i32
        %swap3A_394 = arith.index_cast %add3A_393 : i32 to index
        %swap3A_395 = arith.constant 0 : index
        %swap3A_396 = tpu.vector_load %arg8[%swap3A_394, %swap3A_395] {strides = array<i32>} : memref<1024x32xf32, #tpu.memory_space<vmem>>, vector<16xf32>,
        tpu.vector_store %arg8[%swap3A_394, %swap3A_395], %add3A_389 {strides = array<i32>} : memref<1024x32xf32, #tpu.memory_space<vmem>>, vector<16xf32>,
        %mul3A_397 = arith.constant 16 : i32
        %mul3A_398 = arith.muli %while3A_271, %mul3A_397 : i32
        %add3A_399 = arith.constant 2 : i32
        %add3A_400 = arith.addi %mul3A_398, %add3A_399 : i32
        %get3A_401 = arith.index_cast %add3A_400 : i32 to index
        %get3A_402 = arith.constant 16 : index
        %get3A_403 = tpu.vector_load %arg8[%get3A_401, %get3A_402] {strides = array<i32>} : memref<1024x32xf32, #tpu.memory_space<vmem>>, vector<16xf32>,
        %get3A_404 = arith.constant 2 : i32
        %get3A_405 = arith.index_cast %get3A_404 : i32 to index
        %get3A_406 = arith.constant 16 : index
        %get3A_407 = tpu.vector_load %arg10[%get3A_405, %get3A_406] {strides = array<i32>} : memref<16x32xf32, #tpu.memory_space<vmem>>, vector<16xf32>,
        %add3A_408 = arith.addf %get3A_403, %get3A_407 : vector<16xf32>
        %mul3A_409 = arith.constant 16 : i32
        %mul3A_410 = arith.muli %while3A_271, %mul3A_409 : i32
        %add3A_411 = arith.constant 2 : i32
        %add3A_412 = arith.addi %mul3A_410, %add3A_411 : i32
        %swap3A_413 = arith.index_cast %add3A_412 : i32 to index
        %swap3A_414 = arith.constant 16 : index
        %swap3A_415 = tpu.vector_load %arg8[%swap3A_413, %swap3A_414] {strides = array<i32>} : memref<1024x32xf32, #tpu.memory_space<vmem>>, vector<16xf32>,
        tpu.vector_store %arg8[%swap3A_413, %swap3A_414], %add3A_408 {strides = array<i32>} : memref<1024x32xf32, #tpu.memory_space<vmem>>, vector<16xf32>,
        %mul3A_416 = arith.constant 16 : i32
        %mul3A_417 = arith.muli %while3A_271, %mul3A_416 : i32
        %add3A_418 = arith.constant 3 : i32
        %add3A_419 = arith.addi %mul3A_417, %add3A_418 : i32
        %get3A_420 = arith.index_cast %add3A_419 : i32 to index
        %get3A_421 = arith.constant 0 : index
        %get3A_422 = tpu.vector_load %arg8[%get3A_420, %get3A_421] {strides = array<i32>} : memref<1024x32xf32, #tpu.memory_space<vmem>>, vector<16xf32>,
        %get3A_423 = arith.constant 3 : i32
        %get3A_424 = arith.index_cast %get3A_423 : i32 to index
        %get3A_425 = arith.constant 0 : index
        %get3A_426 = tpu.vector_load %arg10[%get3A_424, %get3A_425] {strides = array<i32>} : memref<16x32xf32, #tpu.memory_space<vmem>>, vector<16xf32>,
        %add3A_427 = arith.addf %get3A_422, %get3A_426 : vector<16xf32>
        %mul3A_428 = arith.constant 16 : i32
        %mul3A_429 = arith.muli %while3A_271, %mul3A_428 : i32
        %add3A_430 = arith.constant 3 : i32
        %add3A_431 = arith.addi %mul3A_429, %add3A_430 : i32
        %swap3A_432 = arith.index_cast %add3A_431 : i32 to index
        %swap3A_433 = arith.constant 0 : index
        %swap3A_434 = tpu.vector_load %arg8[%swap3A_432, %swap3A_433] {strides = array<i32>} : memref<1024x32xf32, #tpu.memory_space<vmem>>, vector<16xf32>,
        tpu.vector_store %arg8[%swap3A_432, %swap3A_433], %add3A_427 {strides = array<i32>} : memref<1024x32xf32, #tpu.memory_space<vmem>>, vector<16xf32>,
        %mul3A_435 = arith.constant 16 : i32
        %mul3A_436 = arith.muli %while3A_271, %mul3A_435 : i32
        %add3A_437 = arith.constant 3 : i32
        %add3A_438 = arith.addi %mul3A_436, %add3A_437 : i32
        %get3A_439 = arith.index_cast %add3A_438 : i32 to index
        %get3A_440 = arith.constant 16 : index
        %get3A_441 = tpu.vector_load %arg8[%get3A_439, %get3A_440] {strides = array<i32>} : memref<1024x32xf32, #tpu.memory_space<vmem>>, vector<16xf32>,
        %get3A_442 = arith.constant 3 : i32
        %get3A_443 = arith.index_cast %get3A_442 : i32 to index
        %get3A_444 = arith.constant 16 : index
        %get3A_445 = tpu.vector_load %arg10[%get3A_443, %get3A_444] {strides = array<i32>} : memref<16x32xf32, #tpu.memory_space<vmem>>, vector<16xf32>,
        %add3A_446 = arith.addf %get3A_441, %get3A_445 : vector<16xf32>
        %mul3A_447 = arith.constant 16 : i32
        %mul3A_448 = arith.muli %while3A_271, %mul3A_447 : i32
        %add3A_449 = arith.constant 3 : i32
        %add3A_450 = arith.addi %mul3A_448, %add3A_449 : i32
        %swap3A_451 = arith.index_cast %add3A_450 : i32 to index
        %swap3A_452 = arith.constant 16 : index
        %swap3A_453 = tpu.vector_load %arg8[%swap3A_451, %swap3A_452] {strides = array<i32>} : memref<1024x32xf32, #tpu.memory_space<vmem>>, vector<16xf32>,
        tpu.vector_store %arg8[%swap3A_451, %swap3A_452], %add3A_446 {strides = array<i32>} : memref<1024x32xf32, #tpu.memory_space<vmem>>, vector<16xf32>,
        %mul3A_454 = arith.constant 16 : i32
        %mul3A_455 = arith.muli %while3A_271, %mul3A_454 : i32
        %add3A_456 = arith.constant 4 : i32
        %add3A_457 = arith.addi %mul3A_455, %add3A_456 : i32
        %get3A_458 = arith.index_cast %add3A_457 : i32 to index
        %get3A_459 = arith.constant 0 : index
        %get3A_460 = tpu.vector_load %arg8[%get3A_458, %get3A_459] {strides = array<i32>} : memref<1024x32xf32, #tpu.memory_space<vmem>>, vector<16xf32>,
        %get3A_461 = arith.constant 4 : i32
        %get3A_462 = arith.index_cast %get3A_461 : i32 to index
        %get3A_463 = arith.constant 0 : index
        %get3A_464 = tpu.vector_load %arg10[%get3A_462, %get3A_463] {strides = array<i32>} : memref<16x32xf32, #tpu.memory_space<vmem>>, vector<16xf32>,
        %add3A_465 = arith.addf %get3A_460, %get3A_464 : vector<16xf32>
        %mul3A_466 = arith.constant 16 : i32
        %mul3A_467 = arith.muli %while3A_271, %mul3A_466 : i32
        %add3A_468 = arith.constant 4 : i32
        %add3A_469 = arith.addi %mul3A_467, %add3A_468 : i32
        %swap3A_470 = arith.index_cast %add3A_469 : i32 to index
        %swap3A_471 = arith.constant 0 : index
        %swap3A_472 = tpu.vector_load %arg8[%swap3A_470, %swap3A_471] {strides = array<i32>} : memref<1024x32xf32, #tpu.memory_space<vmem>>, vector<16xf32>,
        tpu.vector_store %arg8[%swap3A_470, %swap3A_471], %add3A_465 {strides = array<i32>} : memref<1024x32xf32, #tpu.memory_space<vmem>>, vector<16xf32>,
        %mul3A_473 = arith.constant 16 : i32
        %mul3A_474 = arith.muli %while3A_271, %mul3A_473 : i32
        %add3A_475 = arith.constant 4 : i32
        %add3A_476 = arith.addi %mul3A_474, %add3A_475 : i32
        %get3A_477 = arith.index_cast %add3A_476 : i32 to index
        %get3A_478 = arith.constant 16 : index
        %get3A_479 = tpu.vector_load %arg8[%get3A_477, %get3A_478] {strides = array<i32>} : memref<1024x32xf32, #tpu.memory_space<vmem>>, vector<16xf32>,
        %get3A_480 = arith.constant 4 : i32
        %get3A_481 = arith.index_cast %get3A_480 : i32 to index
        %get3A_482 = arith.constant 16 : index
        %get3A_483 = tpu.vector_load %arg10[%get3A_481, %get3A_482] {strides = array<i32>} : memref<16x32xf32, #tpu.memory_space<vmem>>, vector<16xf32>,
        %add3A_484 = arith.addf %get3A_479, %get3A_483 : vector<16xf32>
        %mul3A_485 = arith.constant 16 : i32
        %mul3A_486 = arith.muli %while3A_271, %mul3A_485 : i32
        %add3A_487 = arith.constant 4 : i32
        %add3A_488 = arith.addi %mul3A_486, %add3A_487 : i32
        %swap3A_489 = arith.index_cast %add3A_488 : i32 to index
        %swap3A_490 = arith.constant 16 : index
        %swap3A_491 = tpu.vector_load %arg8[%swap3A_489, %swap3A_490] {strides = array<i32>} : memref<1024x32xf32, #tpu.memory_space<vmem>>, vector<16xf32>,
        tpu.vector_store %arg8[%swap3A_489, %swap3A_490], %add3A_484 {strides = array<i32>} : memref<1024x32xf32, #tpu.memory_space<vmem>>, vector<16xf32>,
        %mul3A_492 = arith.constant 16 : i32
        %mul3A_493 = arith.muli %while3A_271, %mul3A_492 : i32
        %add3A_494 = arith.constant 5 : i32
        %add3A_495 = arith.addi %mul3A_493, %add3A_494 : i32
        %get3A_496 = arith.index_cast %add3A_495 : i32 to index
        %get3A_497 = arith.constant 0 : index
        %get3A_498 = tpu.vector_load %arg8[%get3A_496, %get3A_497] {strides = array<i32>} : memref<1024x32xf32, #tpu.memory_space<vmem>>, vector<16xf32>,
        %get3A_499 = arith.constant 5 : i32
        %get3A_500 = arith.index_cast %get3A_499 : i32 to index
        %get3A_501 = arith.constant 0 : index
        %get3A_502 = tpu.vector_load %arg10[%get3A_500, %get3A_501] {strides = array<i32>} : memref<16x32xf32, #tpu.memory_space<vmem>>, vector<16xf32>,
        %add3A_503 = arith.addf %get3A_498, %get3A_502 : vector<16xf32>
        %mul3A_504 = arith.constant 16 : i32
        %mul3A_505 = arith.muli %while3A_271, %mul3A_504 : i32
        %add3A_506 = arith.constant 5 : i32
        %add3A_507 = arith.addi %mul3A_505, %add3A_506 : i32
        %swap3A_508 = arith.index_cast %add3A_507 : i32 to index
        %swap3A_509 = arith.constant 0 : index
        %swap3A_510 = tpu.vector_load %arg8[%swap3A_508, %swap3A_509] {strides = array<i32>} : memref<1024x32xf32, #tpu.memory_space<vmem>>, vector<16xf32>,
        tpu.vector_store %arg8[%swap3A_508, %swap3A_509], %add3A_503 {strides = array<i32>} : memref<1024x32xf32, #tpu.memory_space<vmem>>, vector<16xf32>,
        %mul3A_511 = arith.constant 16 : i32
        %mul3A_512 = arith.muli %while3A_271, %mul3A_511 : i32
        %add3A_513 = arith.constant 5 : i32
        %add3A_514 = arith.addi %mul3A_512, %add3A_513 : i32
        %get3A_515 = arith.index_cast %add3A_514 : i32 to index
        %get3A_516 = arith.constant 16 : index
        %get3A_517 = tpu.vector_load %arg8[%get3A_515, %get3A_516] {strides = array<i32>} : memref<1024x32xf32, #tpu.memory_space<vmem>>, vector<16xf32>,
        %get3A_518 = arith.constant 5 : i32
        %get3A_519 = arith.index_cast %get3A_518 : i32 to index
        %get3A_520 = arith.constant 16 : index
        %get3A_521 = tpu.vector_load %arg10[%get3A_519, %get3A_520] {strides = array<i32>} : memref<16x32xf32, #tpu.memory_space<vmem>>, vector<16xf32>,
        %add3A_522 = arith.addf %get3A_517, %get3A_521 : vector<16xf32>
        %mul3A_523 = arith.constant 16 : i32
        %mul3A_524 = arith.muli %while3A_271, %mul3A_523 : i32
        %add3A_525 = arith.constant 5 : i32
        %add3A_526 = arith.addi %mul3A_524, %add3A_525 : i32
        %swap3A_527 = arith.index_cast %add3A_526 : i32 to index
        %swap3A_528 = arith.constant 16 : index
        %swap3A_529 = tpu.vector_load %arg8[%swap3A_527, %swap3A_528] {strides = array<i32>} : memref<1024x32xf32, #tpu.memory_space<vmem>>, vector<16xf32>,
        tpu.vector_store %arg8[%swap3A_527, %swap3A_528], %add3A_522 {strides = array<i32>} : memref<1024x32xf32, #tpu.memory_space<vmem>>, vector<16xf32>,
        %mul3A_530 = arith.constant 16 : i32
        %mul3A_531 = arith.muli %while3A_271, %mul3A_530 : i32
        %add3A_532 = arith.constant 6 : i32
        %add3A_533 = arith.addi %mul3A_531, %add3A_532 : i32
        %get3A_534 = arith.index_cast %add3A_533 : i32 to index
        %get3A_535 = arith.constant 0 : index
        %get3A_536 = tpu.vector_load %arg8[%get3A_534, %get3A_535] {strides = array<i32>} : memref<1024x32xf32, #tpu.memory_space<vmem>>, vector<16xf32>,
        %get3A_537 = arith.constant 6 : i32
        %get3A_538 = arith.index_cast %get3A_537 : i32 to index
        %get3A_539 = arith.constant 0 : index
        %get3A_540 = tpu.vector_load %arg10[%get3A_538, %get3A_539] {strides = array<i32>} : memref<16x32xf32, #tpu.memory_space<vmem>>, vector<16xf32>,
        %add3A_541 = arith.addf %get3A_536, %get3A_540 : vector<16xf32>
        %mul3A_542 = arith.constant 16 : i32
        %mul3A_543 = arith.muli %while3A_271, %mul3A_542 : i32
        %add3A_544 = arith.constant 6 : i32
        %add3A_545 = arith.addi %mul3A_543, %add3A_544 : i32
        %swap3A_546 = arith.index_cast %add3A_545 : i32 to index
        %swap3A_547 = arith.constant 0 : index
        %swap3A_548 = tpu.vector_load %arg8[%swap3A_546, %swap3A_547] {strides = array<i32>} : memref<1024x32xf32, #tpu.memory_space<vmem>>, vector<16xf32>,
        tpu.vector_store %arg8[%swap3A_546, %swap3A_547], %add3A_541 {strides = array<i32>} : memref<1024x32xf32, #tpu.memory_space<vmem>>, vector<16xf32>,
        %mul3A_549 = arith.constant 16 : i32
        %mul3A_550 = arith.muli %while3A_271, %mul3A_549 : i32
        %add3A_551 = arith.constant 6 : i32
        %add3A_552 = arith.addi %mul3A_550, %add3A_551 : i32
        %get3A_553 = arith.index_cast %add3A_552 : i32 to index
        %get3A_554 = arith.constant 16 : index
        %get3A_555 = tpu.vector_load %arg8[%get3A_553, %get3A_554] {strides = array<i32>} : memref<1024x32xf32, #tpu.memory_space<vmem>>, vector<16xf32>,
        %get3A_556 = arith.constant 6 : i32
        %get3A_557 = arith.index_cast %get3A_556 : i32 to index
        %get3A_558 = arith.constant 16 : index
        %get3A_559 = tpu.vector_load %arg10[%get3A_557, %get3A_558] {strides = array<i32>} : memref<16x32xf32, #tpu.memory_space<vmem>>, vector<16xf32>,
        %add3A_560 = arith.addf %get3A_555, %get3A_559 : vector<16xf32>
        %mul3A_561 = arith.constant 16 : i32
        %mul3A_562 = arith.muli %while3A_271, %mul3A_561 : i32
        %add3A_563 = arith.constant 6 : i32
        %add3A_564 = arith.addi %mul3A_562, %add3A_563 : i32
        %swap3A_565 = arith.index_cast %add3A_564 : i32 to index
        %swap3A_566 = arith.constant 16 : index
        %swap3A_567 = tpu.vector_load %arg8[%swap3A_565, %swap3A_566] {strides = array<i32>} : memref<1024x32xf32, #tpu.memory_space<vmem>>, vector<16xf32>,
        tpu.vector_store %arg8[%swap3A_565, %swap3A_566], %add3A_560 {strides = array<i32>} : memref<1024x32xf32, #tpu.memory_space<vmem>>, vector<16xf32>,
        %mul3A_568 = arith.constant 16 : i32
        %mul3A_569 = arith.muli %while3A_271, %mul3A_568 : i32
        %add3A_570 = arith.constant 7 : i32
        %add3A_571 = arith.addi %mul3A_569, %add3A_570 : i32
        %get3A_572 = arith.index_cast %add3A_571 : i32 to index
        %get3A_573 = arith.constant 0 : index
        %get3A_574 = tpu.vector_load %arg8[%get3A_572, %get3A_573] {strides = array<i32>} : memref<1024x32xf32, #tpu.memory_space<vmem>>, vector<16xf32>,
        %get3A_575 = arith.constant 7 : i32
        %get3A_576 = arith.index_cast %get3A_575 : i32 to index
        %get3A_577 = arith.constant 0 : index
        %get3A_578 = tpu.vector_load %arg10[%get3A_576, %get3A_577] {strides = array<i32>} : memref<16x32xf32, #tpu.memory_space<vmem>>, vector<16xf32>,
        %add3A_579 = arith.addf %get3A_574, %get3A_578 : vector<16xf32>
        %mul3A_580 = arith.constant 16 : i32
        %mul3A_581 = arith.muli %while3A_271, %mul3A_580 : i32
        %add3A_582 = arith.constant 7 : i32
        %add3A_583 = arith.addi %mul3A_581, %add3A_582 : i32
        %swap3A_584 = arith.index_cast %add3A_583 : i32 to index
        %swap3A_585 = arith.constant 0 : index
        %swap3A_586 = tpu.vector_load %arg8[%swap3A_584, %swap3A_585] {strides = array<i32>} : memref<1024x32xf32, #tpu.memory_space<vmem>>, vector<16xf32>,
        tpu.vector_store %arg8[%swap3A_584, %swap3A_585], %add3A_579 {strides = array<i32>} : memref<1024x32xf32, #tpu.memory_space<vmem>>, vector<16xf32>,
        %mul3A_587 = arith.constant 16 : i32
        %mul3A_588 = arith.muli %while3A_271, %mul3A_587 : i32
        %add3A_589 = arith.constant 7 : i32
        %add3A_590 = arith.addi %mul3A_588, %add3A_589 : i32
        %get3A_591 = arith.index_cast %add3A_590 : i32 to index
        %get3A_592 = arith.constant 16 : index
        %get3A_593 = tpu.vector_load %arg8[%get3A_591, %get3A_592] {strides = array<i32>} : memref<1024x32xf32, #tpu.memory_space<vmem>>, vector<16xf32>,
        %get3A_594 = arith.constant 7 : i32
        %get3A_595 = arith.index_cast %get3A_594 : i32 to index
        %get3A_596 = arith.constant 16 : index
        %get3A_597 = tpu.vector_load %arg10[%get3A_595, %get3A_596] {strides = array<i32>} : memref<16x32xf32, #tpu.memory_space<vmem>>, vector<16xf32>,
        %add3A_598 = arith.addf %get3A_593, %get3A_597 : vector<16xf32>
        %mul3A_599 = arith.constant 16 : i32
        %mul3A_600 = arith.muli %while3A_271, %mul3A_599 : i32
        %add3A_601 = arith.constant 7 : i32
        %add3A_602 = arith.addi %mul3A_600, %add3A_601 : i32
        %swap3A_603 = arith.index_cast %add3A_602 : i32 to index
        %swap3A_604 = arith.constant 16 : index
        %swap3A_605 = tpu.vector_load %arg8[%swap3A_603, %swap3A_604] {strides = array<i32>} : memref<1024x32xf32, #tpu.memory_space<vmem>>, vector<16xf32>,
        tpu.vector_store %arg8[%swap3A_603, %swap3A_604], %add3A_598 {strides = array<i32>} : memref<1024x32xf32, #tpu.memory_space<vmem>>, vector<16xf32>,
        %mul3A_606 = arith.constant 16 : i32
        %mul3A_607 = arith.muli %while3A_271, %mul3A_606 : i32
        %add3A_608 = arith.constant 8 : i32
        %add3A_609 = arith.addi %mul3A_607, %add3A_608 : i32
        %get3A_610 = arith.index_cast %add3A_609 : i32 to index
        %get3A_611 = arith.constant 0 : index
        %get3A_612 = tpu.vector_load %arg8[%get3A_610, %get3A_611] {strides = array<i32>} : memref<1024x32xf32, #tpu.memory_space<vmem>>, vector<16xf32>,
        %get3A_613 = arith.constant 8 : i32
        %get3A_614 = arith.index_cast %get3A_613 : i32 to index
        %get3A_615 = arith.constant 0 : index
        %get3A_616 = tpu.vector_load %arg10[%get3A_614, %get3A_615] {strides = array<i32>} : memref<16x32xf32, #tpu.memory_space<vmem>>, vector<16xf32>,
        %add3A_617 = arith.addf %get3A_612, %get3A_616 : vector<16xf32>
        %mul3A_618 = arith.constant 16 : i32
        %mul3A_619 = arith.muli %while3A_271, %mul3A_618 : i32
        %add3A_620 = arith.constant 8 : i32
        %add3A_621 = arith.addi %mul3A_619, %add3A_620 : i32
        %swap3A_622 = arith.index_cast %add3A_621 : i32 to index
        %swap3A_623 = arith.constant 0 : index
        %swap3A_624 = tpu.vector_load %arg8[%swap3A_622, %swap3A_623] {strides = array<i32>} : memref<1024x32xf32, #tpu.memory_space<vmem>>, vector<16xf32>,
        tpu.vector_store %arg8[%swap3A_622, %swap3A_623], %add3A_617 {strides = array<i32>} : memref<1024x32xf32, #tpu.memory_space<vmem>>, vector<16xf32>,
        %mul3A_625 = arith.constant 16 : i32
        %mul3A_626 = arith.muli %while3A_271, %mul3A_625 : i32
        %add3A_627 = arith.constant 8 : i32
        %add3A_628 = arith.addi %mul3A_626, %add3A_627 : i32
        %get3A_629 = arith.index_cast %add3A_628 : i32 to index
        %get3A_630 = arith.constant 16 : index
        %get3A_631 = tpu.vector_load %arg8[%get3A_629, %get3A_630] {strides = array<i32>} : memref<1024x32xf32, #tpu.memory_space<vmem>>, vector<16xf32>,
        %get3A_632 = arith.constant 8 : i32
        %get3A_633 = arith.index_cast %get3A_632 : i32 to index
        %get3A_634 = arith.constant 16 : index
        %get3A_635 = tpu.vector_load %arg10[%get3A_633, %get3A_634] {strides = array<i32>} : memref<16x32xf32, #tpu.memory_space<vmem>>, vector<16xf32>,
        %add3A_636 = arith.addf %get3A_631, %get3A_635 : vector<16xf32>
        %mul3A_637 = arith.constant 16 : i32
        %mul3A_638 = arith.muli %while3A_271, %mul3A_637 : i32
        %add3A_639 = arith.constant 8 : i32
        %add3A_640 = arith.addi %mul3A_638, %add3A_639 : i32
        %swap3A_641 = arith.index_cast %add3A_640 : i32 to index
        %swap3A_642 = arith.constant 16 : index
        %swap3A_643 = tpu.vector_load %arg8[%swap3A_641, %swap3A_642] {strides = array<i32>} : memref<1024x32xf32, #tpu.memory_space<vmem>>, vector<16xf32>,
        tpu.vector_store %arg8[%swap3A_641, %swap3A_642], %add3A_636 {strides = array<i32>} : memref<1024x32xf32, #tpu.memory_space<vmem>>, vector<16xf32>,
        %mul3A_644 = arith.constant 16 : i32
        %mul3A_645 = arith.muli %while3A_271, %mul3A_644 : i32
        %add3A_646 = arith.constant 9 : i32
        %add3A_647 = arith.addi %mul3A_645, %add3A_646 : i32
        %get3A_648 = arith.index_cast %add3A_647 : i32 to index
        %get3A_649 = arith.constant 0 : index
        %get3A_650 = tpu.vector_load %arg8[%get3A_648, %get3A_649] {strides = array<i32>} : memref<1024x32xf32, #tpu.memory_space<vmem>>, vector<16xf32>,
        %get3A_651 = arith.constant 9 : i32
        %get3A_652 = arith.index_cast %get3A_651 : i32 to index
        %get3A_653 = arith.constant 0 : index
        %get3A_654 = tpu.vector_load %arg10[%get3A_652, %get3A_653] {strides = array<i32>} : memref<16x32xf32, #tpu.memory_space<vmem>>, vector<16xf32>,
        %add3A_655 = arith.addf %get3A_650, %get3A_654 : vector<16xf32>
        %mul3A_656 = arith.constant 16 : i32
        %mul3A_657 = arith.muli %while3A_271, %mul3A_656 : i32
        %add3A_658 = arith.constant 9 : i32
        %add3A_659 = arith.addi %mul3A_657, %add3A_658 : i32
        %swap3A_660 = arith.index_cast %add3A_659 : i32 to index
        %swap3A_661 = arith.constant 0 : index
        %swap3A_662 = tpu.vector_load %arg8[%swap3A_660, %swap3A_661] {strides = array<i32>} : memref<1024x32xf32, #tpu.memory_space<vmem>>, vector<16xf32>,
        tpu.vector_store %arg8[%swap3A_660, %swap3A_661], %add3A_655 {strides = array<i32>} : memref<1024x32xf32, #tpu.memory_space<vmem>>, vector<16xf32>,
        %mul3A_663 = arith.constant 16 : i32
        %mul3A_664 = arith.muli %while3A_271, %mul3A_663 : i32
        %add3A_665 = arith.constant 9 : i32
        %add3A_666 = arith.addi %mul3A_664, %add3A_665 : i32
        %get3A_667 = arith.index_cast %add3A_666 : i32 to index
        %get3A_668 = arith.constant 16 : index
        %get3A_669 = tpu.vector_load %arg8[%get3A_667, %get3A_668] {strides = array<i32>} : memref<1024x32xf32, #tpu.memory_space<vmem>>, vector<16xf32>,
        %get3A_670 = arith.constant 9 : i32
        %get3A_671 = arith.index_cast %get3A_670 : i32 to index
        %get3A_672 = arith.constant 16 : index
        %get3A_673 = tpu.vector_load %arg10[%get3A_671, %get3A_672] {strides = array<i32>} : memref<16x32xf32, #tpu.memory_space<vmem>>, vector<16xf32>,
        %add3A_674 = arith.addf %get3A_669, %get3A_673 : vector<16xf32>
        %mul3A_675 = arith.constant 16 : i32
        %mul3A_676 = arith.muli %while3A_271, %mul3A_675 : i32
        %add3A_677 = arith.constant 9 : i32
        %add3A_678 = arith.addi %mul3A_676, %add3A_677 : i32
        %swap3A_679 = arith.index_cast %add3A_678 : i32 to index
        %swap3A_680 = arith.constant 16 : index
        %swap3A_681 = tpu.vector_load %arg8[%swap3A_679, %swap3A_680] {strides = array<i32>} : memref<1024x32xf32, #tpu.memory_space<vmem>>, vector<16xf32>,
        tpu.vector_store %arg8[%swap3A_679, %swap3A_680], %add3A_674 {strides = array<i32>} : memref<1024x32xf32, #tpu.memory_space<vmem>>, vector<16xf32>,
        %mul3A_682 = arith.constant 16 : i32
        %mul3A_683 = arith.muli %while3A_271, %mul3A_682 : i32
        %add3A_684 = arith.constant 10 : i32
        %add3A_685 = arith.addi %mul3A_683, %add3A_684 : i32
        %get3A_686 = arith.index_cast %add3A_685 : i32 to index
        %get3A_687 = arith.constant 0 : index
        %get3A_688 = tpu.vector_load %arg8[%get3A_686, %get3A_687] {strides = array<i32>} : memref<1024x32xf32, #tpu.memory_space<vmem>>, vector<16xf32>,
        %get3A_689 = arith.constant 10 : i32
        %get3A_690 = arith.index_cast %get3A_689 : i32 to index
        %get3A_691 = arith.constant 0 : index
        %get3A_692 = tpu.vector_load %arg10[%get3A_690, %get3A_691] {strides = array<i32>} : memref<16x32xf32, #tpu.memory_space<vmem>>, vector<16xf32>,
        %add3A_693 = arith.addf %get3A_688, %get3A_692 : vector<16xf32>
        %mul3A_694 = arith.constant 16 : i32
        %mul3A_695 = arith.muli %while3A_271, %mul3A_694 : i32
        %add3A_696 = arith.constant 10 : i32
        %add3A_697 = arith.addi %mul3A_695, %add3A_696 : i32
        %swap3A_698 = arith.index_cast %add3A_697 : i32 to index
        %swap3A_699 = arith.constant 0 : index
        %swap3A_700 = tpu.vector_load %arg8[%swap3A_698, %swap3A_699] {strides = array<i32>} : memref<1024x32xf32, #tpu.memory_space<vmem>>, vector<16xf32>,
        tpu.vector_store %arg8[%swap3A_698, %swap3A_699], %add3A_693 {strides = array<i32>} : memref<1024x32xf32, #tpu.memory_space<vmem>>, vector<16xf32>,
        %mul3A_701 = arith.constant 16 : i32
        %mul3A_702 = arith.muli %while3A_271, %mul3A_701 : i32
        %add3A_703 = arith.constant 10 : i32
        %add3A_704 = arith.addi %mul3A_702, %add3A_703 : i32
        %get3A_705 = arith.index_cast %add3A_704 : i32 to index
        %get3A_706 = arith.constant 16 : index
        %get3A_707 = tpu.vector_load %arg8[%get3A_705, %get3A_706] {strides = array<i32>} : memref<1024x32xf32, #tpu.memory_space<vmem>>, vector<16xf32>,
        %get3A_708 = arith.constant 10 : i32
        %get3A_709 = arith.index_cast %get3A_708 : i32 to index
        %get3A_710 = arith.constant 16 : index
        %get3A_711 = tpu.vector_load %arg10[%get3A_709, %get3A_710] {strides = array<i32>} : memref<16x32xf32, #tpu.memory_space<vmem>>, vector<16xf32>,
        %add3A_712 = arith.addf %get3A_707, %get3A_711 : vector<16xf32>
        %mul3A_713 = arith.constant 16 : i32
        %mul3A_714 = arith.muli %while3A_271, %mul3A_713 : i32
        %add3A_715 = arith.constant 10 : i32
        %add3A_716 = arith.addi %mul3A_714, %add3A_715 : i32
        %swap3A_717 = arith.index_cast %add3A_716 : i32 to index
        %swap3A_718 = arith.constant 16 : index
        %swap3A_719 = tpu.vector_load %arg8[%swap3A_717, %swap3A_718] {strides = array<i32>} : memref<1024x32xf32, #tpu.memory_space<vmem>>, vector<16xf32>,
        tpu.vector_store %arg8[%swap3A_717, %swap3A_718], %add3A_712 {strides = array<i32>} : memref<1024x32xf32, #tpu.memory_space<vmem>>, vector<16xf32>,
        %mul3A_720 = arith.constant 16 : i32
        %mul3A_721 = arith.muli %while3A_271, %mul3A_720 : i32
        %add3A_722 = arith.constant 11 : i32
        %add3A_723 = arith.addi %mul3A_721, %add3A_722 : i32
        %get3A_724 = arith.index_cast %add3A_723 : i32 to index
        %get3A_725 = arith.constant 0 : index
        %get3A_726 = tpu.vector_load %arg8[%get3A_724, %get3A_725] {strides = array<i32>} : memref<1024x32xf32, #tpu.memory_space<vmem>>, vector<16xf32>,
        %get3A_727 = arith.constant 11 : i32
        %get3A_728 = arith.index_cast %get3A_727 : i32 to index
        %get3A_729 = arith.constant 0 : index
        %get3A_730 = tpu.vector_load %arg10[%get3A_728, %get3A_729] {strides = array<i32>} : memref<16x32xf32, #tpu.memory_space<vmem>>, vector<16xf32>,
        %add3A_731 = arith.addf %get3A_726, %get3A_730 : vector<16xf32>
        %mul3A_732 = arith.constant 16 : i32
        %mul3A_733 = arith.muli %while3A_271, %mul3A_732 : i32
        %add3A_734 = arith.constant 11 : i32
        %add3A_735 = arith.addi %mul3A_733, %add3A_734 : i32
        %swap3A_736 = arith.index_cast %add3A_735 : i32 to index
        %swap3A_737 = arith.constant 0 : index
        %swap3A_738 = tpu.vector_load %arg8[%swap3A_736, %swap3A_737] {strides = array<i32>} : memref<1024x32xf32, #tpu.memory_space<vmem>>, vector<16xf32>,
        tpu.vector_store %arg8[%swap3A_736, %swap3A_737], %add3A_731 {strides = array<i32>} : memref<1024x32xf32, #tpu.memory_space<vmem>>, vector<16xf32>,
        %mul3A_739 = arith.constant 16 : i32
        %mul3A_740 = arith.muli %while3A_271, %mul3A_739 : i32
        %add3A_741 = arith.constant 11 : i32
        %add3A_742 = arith.addi %mul3A_740, %add3A_741 : i32
        %get3A_743 = arith.index_cast %add3A_742 : i32 to index
        %get3A_744 = arith.constant 16 : index
        %get3A_745 = tpu.vector_load %arg8[%get3A_743, %get3A_744] {strides = array<i32>} : memref<1024x32xf32, #tpu.memory_space<vmem>>, vector<16xf32>,
        %get3A_746 = arith.constant 11 : i32
        %get3A_747 = arith.index_cast %get3A_746 : i32 to index
        %get3A_748 = arith.constant 16 : index
        %get3A_749 = tpu.vector_load %arg10[%get3A_747, %get3A_748] {strides = array<i32>} : memref<16x32xf32, #tpu.memory_space<vmem>>, vector<16xf32>,
        %add3A_750 = arith.addf %get3A_745, %get3A_749 : vector<16xf32>
        %mul3A_751 = arith.constant 16 : i32
        %mul3A_752 = arith.muli %while3A_271, %mul3A_751 : i32
        %add3A_753 = arith.constant 11 : i32
        %add3A_754 = arith.addi %mul3A_752, %add3A_753 : i32
        %swap3A_755 = arith.index_cast %add3A_754 : i32 to index
        %swap3A_756 = arith.constant 16 : index
        %swap3A_757 = tpu.vector_load %arg8[%swap3A_755, %swap3A_756] {strides = array<i32>} : memref<1024x32xf32, #tpu.memory_space<vmem>>, vector<16xf32>,
        tpu.vector_store %arg8[%swap3A_755, %swap3A_756], %add3A_750 {strides = array<i32>} : memref<1024x32xf32, #tpu.memory_space<vmem>>, vector<16xf32>,
        %mul3A_758 = arith.constant 16 : i32
        %mul3A_759 = arith.muli %while3A_271, %mul3A_758 : i32
        %add3A_760 = arith.constant 12 : i32
        %add3A_761 = arith.addi %mul3A_759, %add3A_760 : i32
        %get3A_762 = arith.index_cast %add3A_761 : i32 to index
        %get3A_763 = arith.constant 0 : index
        %get3A_764 = tpu.vector_load %arg8[%get3A_762, %get3A_763] {strides = array<i32>} : memref<1024x32xf32, #tpu.memory_space<vmem>>, vector<16xf32>,
        %get3A_765 = arith.constant 12 : i32
        %get3A_766 = arith.index_cast %get3A_765 : i32 to index
        %get3A_767 = arith.constant 0 : index
        %get3A_768 = tpu.vector_load %arg10[%get3A_766, %get3A_767] {strides = array<i32>} : memref<16x32xf32, #tpu.memory_space<vmem>>, vector<16xf32>,
        %add3A_769 = arith.addf %get3A_764, %get3A_768 : vector<16xf32>
        %mul3A_770 = arith.constant 16 : i32
        %mul3A_771 = arith.muli %while3A_271, %mul3A_770 : i32
        %add3A_772 = arith.constant 12 : i32
        %add3A_773 = arith.addi %mul3A_771, %add3A_772 : i32
        %swap3A_774 = arith.index_cast %add3A_773 : i32 to index
        %swap3A_775 = arith.constant 0 : index
        %swap3A_776 = tpu.vector_load %arg8[%swap3A_774, %swap3A_775] {strides = array<i32>} : memref<1024x32xf32, #tpu.memory_space<vmem>>, vector<16xf32>,
        tpu.vector_store %arg8[%swap3A_774, %swap3A_775], %add3A_769 {strides = array<i32>} : memref<1024x32xf32, #tpu.memory_space<vmem>>, vector<16xf32>,
        %mul3A_777 = arith.constant 16 : i32
        %mul3A_778 = arith.muli %while3A_271, %mul3A_777 : i32
        %add3A_779 = arith.constant 12 : i32
        %add3A_780 = arith.addi %mul3A_778, %add3A_779 : i32
        %get3A_781 = arith.index_cast %add3A_780 : i32 to index
        %get3A_782 = arith.constant 16 : index
        %get3A_783 = tpu.vector_load %arg8[%get3A_781, %get3A_782] {strides = array<i32>} : memref<1024x32xf32, #tpu.memory_space<vmem>>, vector<16xf32>,
        %get3A_784 = arith.constant 12 : i32
        %get3A_785 = arith.index_cast %get3A_784 : i32 to index
        %get3A_786 = arith.constant 16 : index
        %get3A_787 = tpu.vector_load %arg10[%get3A_785, %get3A_786] {strides = array<i32>} : memref<16x32xf32, #tpu.memory_space<vmem>>, vector<16xf32>,
        %add3A_788 = arith.addf %get3A_783, %get3A_787 : vector<16xf32>
        %mul3A_789 = arith.constant 16 : i32
        %mul3A_790 = arith.muli %while3A_271, %mul3A_789 : i32
        %add3A_791 = arith.constant 12 : i32
        %add3A_792 = arith.addi %mul3A_790, %add3A_791 : i32
        %swap3A_793 = arith.index_cast %add3A_792 : i32 to index
        %swap3A_794 = arith.constant 16 : index
        %swap3A_795 = tpu.vector_load %arg8[%swap3A_793, %swap3A_794] {strides = array<i32>} : memref<1024x32xf32, #tpu.memory_space<vmem>>, vector<16xf32>,
        tpu.vector_store %arg8[%swap3A_793, %swap3A_794], %add3A_788 {strides = array<i32>} : memref<1024x32xf32, #tpu.memory_space<vmem>>, vector<16xf32>,
        %mul3A_796 = arith.constant 16 : i32
        %mul3A_797 = arith.muli %while3A_271, %mul3A_796 : i32
        %add3A_798 = arith.constant 13 : i32
        %add3A_799 = arith.addi %mul3A_797, %add3A_798 : i32
        %get3A_800 = arith.index_cast %add3A_799 : i32 to index
        %get3A_801 = arith.constant 0 : index
        %get3A_802 = tpu.vector_load %arg8[%get3A_800, %get3A_801] {strides = array<i32>} : memref<1024x32xf32, #tpu.memory_space<vmem>>, vector<16xf32>,
        %get3A_803 = arith.constant 13 : i32
        %get3A_804 = arith.index_cast %get3A_803 : i32 to index
        %get3A_805 = arith.constant 0 : index
        %get3A_806 = tpu.vector_load %arg10[%get3A_804, %get3A_805] {strides = array<i32>} : memref<16x32xf32, #tpu.memory_space<vmem>>, vector<16xf32>,
        %add3A_807 = arith.addf %get3A_802, %get3A_806 : vector<16xf32>
        %mul3A_808 = arith.constant 16 : i32
        %mul3A_809 = arith.muli %while3A_271, %mul3A_808 : i32
        %add3A_810 = arith.constant 13 : i32
        %add3A_811 = arith.addi %mul3A_809, %add3A_810 : i32
        %swap3A_812 = arith.index_cast %add3A_811 : i32 to index
        %swap3A_813 = arith.constant 0 : index
        %swap3A_814 = tpu.vector_load %arg8[%swap3A_812, %swap3A_813] {strides = array<i32>} : memref<1024x32xf32, #tpu.memory_space<vmem>>, vector<16xf32>,
        tpu.vector_store %arg8[%swap3A_812, %swap3A_813], %add3A_807 {strides = array<i32>} : memref<1024x32xf32, #tpu.memory_space<vmem>>, vector<16xf32>,
        %mul3A_815 = arith.constant 16 : i32
        %mul3A_816 = arith.muli %while3A_271, %mul3A_815 : i32
        %add3A_817 = arith.constant 13 : i32
        %add3A_818 = arith.addi %mul3A_816, %add3A_817 : i32
        %get3A_819 = arith.index_cast %add3A_818 : i32 to index
        %get3A_820 = arith.constant 16 : index
        %get3A_821 = tpu.vector_load %arg8[%get3A_819, %get3A_820] {strides = array<i32>} : memref<1024x32xf32, #tpu.memory_space<vmem>>, vector<16xf32>,
        %get3A_822 = arith.constant 13 : i32
        %get3A_823 = arith.index_cast %get3A_822 : i32 to index
        %get3A_824 = arith.constant 16 : index
        %get3A_825 = tpu.vector_load %arg10[%get3A_823, %get3A_824] {strides = array<i32>} : memref<16x32xf32, #tpu.memory_space<vmem>>, vector<16xf32>,
        %add3A_826 = arith.addf %get3A_821, %get3A_825 : vector<16xf32>
        %mul3A_827 = arith.constant 16 : i32
        %mul3A_828 = arith.muli %while3A_271, %mul3A_827 : i32
        %add3A_829 = arith.constant 13 : i32
        %add3A_830 = arith.addi %mul3A_828, %add3A_829 : i32
        %swap3A_831 = arith.index_cast %add3A_830 : i32 to index
        %swap3A_832 = arith.constant 16 : index
        %swap3A_833 = tpu.vector_load %arg8[%swap3A_831, %swap3A_832] {strides = array<i32>} : memref<1024x32xf32, #tpu.memory_space<vmem>>, vector<16xf32>,
        tpu.vector_store %arg8[%swap3A_831, %swap3A_832], %add3A_826 {strides = array<i32>} : memref<1024x32xf32, #tpu.memory_space<vmem>>, vector<16xf32>,
        %mul3A_834 = arith.constant 16 : i32
        %mul3A_835 = arith.muli %while3A_271, %mul3A_834 : i32
        %add3A_836 = arith.constant 14 : i32
        %add3A_837 = arith.addi %mul3A_835, %add3A_836 : i32
        %get3A_838 = arith.index_cast %add3A_837 : i32 to index
        %get3A_839 = arith.constant 0 : index
        %get3A_840 = tpu.vector_load %arg8[%get3A_838, %get3A_839] {strides = array<i32>} : memref<1024x32xf32, #tpu.memory_space<vmem>>, vector<16xf32>,
        %get3A_841 = arith.constant 14 : i32
        %get3A_842 = arith.index_cast %get3A_841 : i32 to index
        %get3A_843 = arith.constant 0 : index
        %get3A_844 = tpu.vector_load %arg10[%get3A_842, %get3A_843] {strides = array<i32>} : memref<16x32xf32, #tpu.memory_space<vmem>>, vector<16xf32>,
        %add3A_845 = arith.addf %get3A_840, %get3A_844 : vector<16xf32>
        %mul3A_846 = arith.constant 16 : i32
        %mul3A_847 = arith.muli %while3A_271, %mul3A_846 : i32
        %add3A_848 = arith.constant 14 : i32
        %add3A_849 = arith.addi %mul3A_847, %add3A_848 : i32
        %swap3A_850 = arith.index_cast %add3A_849 : i32 to index
        %swap3A_851 = arith.constant 0 : index
        %swap3A_852 = tpu.vector_load %arg8[%swap3A_850, %swap3A_851] {strides = array<i32>} : memref<1024x32xf32, #tpu.memory_space<vmem>>, vector<16xf32>,
        tpu.vector_store %arg8[%swap3A_850, %swap3A_851], %add3A_845 {strides = array<i32>} : memref<1024x32xf32, #tpu.memory_space<vmem>>, vector<16xf32>,
        %mul3A_853 = arith.constant 16 : i32
        %mul3A_854 = arith.muli %while3A_271, %mul3A_853 : i32
        %add3A_855 = arith.constant 14 : i32
        %add3A_856 = arith.addi %mul3A_854, %add3A_855 : i32
        %get3A_857 = arith.index_cast %add3A_856 : i32 to index
        %get3A_858 = arith.constant 16 : index
        %get3A_859 = tpu.vector_load %arg8[%get3A_857, %get3A_858] {strides = array<i32>} : memref<1024x32xf32, #tpu.memory_space<vmem>>, vector<16xf32>,
        %get3A_860 = arith.constant 14 : i32
        %get3A_861 = arith.index_cast %get3A_860 : i32 to index
        %get3A_862 = arith.constant 16 : index
        %get3A_863 = tpu.vector_load %arg10[%get3A_861, %get3A_862] {strides = array<i32>} : memref<16x32xf32, #tpu.memory_space<vmem>>, vector<16xf32>,
        %add3A_864 = arith.addf %get3A_859, %get3A_863 : vector<16xf32>
        %mul3A_865 = arith.constant 16 : i32
        %mul3A_866 = arith.muli %while3A_271, %mul3A_865 : i32
        %add3A_867 = arith.constant 14 : i32
        %add3A_868 = arith.addi %mul3A_866, %add3A_867 : i32
        %swap3A_869 = arith.index_cast %add3A_868 : i32 to index
        %swap3A_870 = arith.constant 16 : index
        %swap3A_871 = tpu.vector_load %arg8[%swap3A_869, %swap3A_870] {strides = array<i32>} : memref<1024x32xf32, #tpu.memory_space<vmem>>, vector<16xf32>,
        tpu.vector_store %arg8[%swap3A_869, %swap3A_870], %add3A_864 {strides = array<i32>} : memref<1024x32xf32, #tpu.memory_space<vmem>>, vector<16xf32>,
        %mul3A_872 = arith.constant 16 : i32
        %mul3A_873 = arith.muli %while3A_271, %mul3A_872 : i32
        %add3A_874 = arith.constant 15 : i32
        %add3A_875 = arith.addi %mul3A_873, %add3A_874 : i32
        %get3A_876 = arith.index_cast %add3A_875 : i32 to index
        %get3A_877 = arith.constant 0 : index
        %get3A_878 = tpu.vector_load %arg8[%get3A_876, %get3A_877] {strides = array<i32>} : memref<1024x32xf32, #tpu.memory_space<vmem>>, vector<16xf32>,
        %get3A_879 = arith.constant 15 : i32
        %get3A_880 = arith.index_cast %get3A_879 : i32 to index
        %get3A_881 = arith.constant 0 : index
        %get3A_882 = tpu.vector_load %arg10[%get3A_880, %get3A_881] {strides = array<i32>} : memref<16x32xf32, #tpu.memory_space<vmem>>, vector<16xf32>,
        %add3A_883 = arith.addf %get3A_878, %get3A_882 : vector<16xf32>
        %mul3A_884 = arith.constant 16 : i32
        %mul3A_885 = arith.muli %while3A_271, %mul3A_884 : i32
        %add3A_886 = arith.constant 15 : i32
        %add3A_887 = arith.addi %mul3A_885, %add3A_886 : i32
        %swap3A_888 = arith.index_cast %add3A_887 : i32 to index
        %swap3A_889 = arith.constant 0 : index
        %swap3A_890 = tpu.vector_load %arg8[%swap3A_888, %swap3A_889] {strides = array<i32>} : memref<1024x32xf32, #tpu.memory_space<vmem>>, vector<16xf32>,
        tpu.vector_store %arg8[%swap3A_888, %swap3A_889], %add3A_883 {strides = array<i32>} : memref<1024x32xf32, #tpu.memory_space<vmem>>, vector<16xf32>,
        %mul3A_891 = arith.constant 16 : i32
        %mul3A_892 = arith.muli %while3A_271, %mul3A_891 : i32
        %add3A_893 = arith.constant 15 : i32
        %add3A_894 = arith.addi %mul3A_892, %add3A_893 : i32
        %get3A_895 = arith.index_cast %add3A_894 : i32 to index
        %get3A_896 = arith.constant 16 : index
        %get3A_897 = tpu.vector_load %arg8[%get3A_895, %get3A_896] {strides = array<i32>} : memref<1024x32xf32, #tpu.memory_space<vmem>>, vector<16xf32>,
        %get3A_898 = arith.constant 15 : i32
        %get3A_899 = arith.index_cast %get3A_898 : i32 to index
        %get3A_900 = arith.constant 16 : index
        %get3A_901 = tpu.vector_load %arg10[%get3A_899, %get3A_900] {strides = array<i32>} : memref<16x32xf32, #tpu.memory_space<vmem>>, vector<16xf32>,
        %add3A_902 = arith.addf %get3A_897, %get3A_901 : vector<16xf32>
        %mul3A_903 = arith.constant 16 : i32
        %mul3A_904 = arith.muli %while3A_271, %mul3A_903 : i32
        %add3A_905 = arith.constant 15 : i32
        %add3A_906 = arith.addi %mul3A_904, %add3A_905 : i32
        %swap3A_907 = arith.index_cast %add3A_906 : i32 to index
        %swap3A_908 = arith.constant 16 : index
        %swap3A_909 = tpu.vector_load %arg8[%swap3A_907, %swap3A_908] {strides = array<i32>} : memref<1024x32xf32, #tpu.memory_space<vmem>>, vector<16xf32>,
        tpu.vector_store %arg8[%swap3A_907, %swap3A_908], %add3A_902 {strides = array<i32>} : memref<1024x32xf32, #tpu.memory_space<vmem>>, vector<16xf32>,
      }
      %while3A_259 = arith.constant 1 : i32
      scf.for %while3A_271 = %while3A_257 to %while3A_253 step %while3A_259  : i32 {
        %mul3A_272 = arith.constant 16 : i32
        %mul3A_273 = arith.muli %while3A_271, %mul3A_272 : i32
        %add3A_274 = arith.addi %mul3A_229, %mul3A_273 : i32
        %get3A_275 = arith.index_cast %add3A_274 : i32 to index
        %get3A_276 = tpu.vector_load %arg7[%get3A_275] {strides = array<i32>} : memref<16640xi32, #tpu.memory_space<vmem>>, vector<16xi32>,
        %mul3A_277 = arith.constant 16 : i32
        %mul3A_278 = arith.muli %while3A_271, %mul3A_277 : i32
        %sub3A_279 = arith.subi %get3A_205, %mul3A_278 : i32
        %lt3A = vector.broadcast %sub3A_279 : i32 to vector<16xi32>
        %lt3A_280 = arith.cmpi slt, %iota3A, %lt3A : vector<16xi32>
        %jit3A_281 = arith.constant 0 : i32
        %broadcast_in_dim3A_282 = vector.broadcast %jit3A_281 : i32 to vector<16xi32>
        %select_n3A_283 = arith.select %lt3A_280, %get3A_276, %broadcast_in_dim3A_282 : vector<16xi1>, vector<16xi32>
        %reduce_max3A = arith.constant true
        %reduce_max3A_284 = vector.broadcast %reduce_max3A : i1 to vector<16xi1>
        %reduce_max3A_285 = arith.constant -2147483648 : i32
        %reduce_max3A_286 = vector.broadcast %reduce_max3A_285 : i32 to vector<16xi32>
        %reduce_max3A_287 = arith.xori %select_n3A_283, %reduce_max3A_286 : vector<16xi32>
        %reduce_max3A_288 = tpu.scan <max>, %reduce_max3A_287 masked %reduce_max3A_284 : vector<16xi32>, vector<16xi1> -> vector<16xi32>
        %reduce_max3A_289 = arith.xori %reduce_max3A_288, %reduce_max3A_286 : vector<16xi32>
        %reduce_max3A_290 = vector.extract %reduce_max3A_289[15] : i32 from vector<16xi32>
        %broadcast_in_dim3A_291 = vector.broadcast %reduce_max3A_290 : i32 to vector<16xi32>
        %select_n3A_292 = arith.select %lt3A_280, %get3A_276, %broadcast_in_dim3A_291 : vector<16xi1>, vector<16xi32>
        %shift_right_arithmetic3A = arith.constant 10 : i32
        %shift_right_arithmetic3A_293 = vector.broadcast %shift_right_arithmetic3A : i32 to vector<16xi32>
        %shift_right_arithmetic3A_294 = arith.shrsi %select_n3A_292, %shift_right_arithmetic3A_293 : vector<16xi32>
        %and3A_295 = arith.constant 1023 : i32
        %and3A_296 = vector.broadcast %and3A_295 : i32 to vector<16xi32>
        %and3A_297 = arith.andi %select_n3A_292, %and3A_296 : vector<16xi32>
        %mul3A_298 = arith.constant 16 : i32
        %mul3A_299 = arith.muli %while3A_271, %mul3A_298 : i32
        "tpu.region"() ({
          %run_scoped3A = tpu.sem_alloc : memref<!tpu.dma_semaphore, #tpu.memory_space<semaphore_mem>>
          %dma_start3A = arith.constant 0 : i32
          %dma_start3A_910 = tpu.memref_slice %arg8[%mul3A_299, %dma_start3A] : memref<1024x32xf32, #tpu.memory_space<vmem>> -> memref<16x32xf32, #tpu.memory_space<vmem>>
          %dma_start3A_911 = arith.constant 0 : i32
          %dma_start3A_912 = arith.constant 0 : i32
          %dma_start3A_913 = tpu.memref_slice %arg2[%dma_start3A_911, %dma_start3A_912] : memref<1000000x32xf32, #tpu.memory_space<hbm>> -> memref<1000000x32xf32, #tpu.memory_space<hbm>>
          tpu.enqueue_indirect_dma source(%dma_start3A_913 : memref<1000000x32xf32, #tpu.memory_space<hbm>>) target(%dma_start3A_910 : memref<16x32xf32, #tpu.memory_space<vmem>>) offsets(%shift_right_arithmetic3A_294 : vector<16xi32>) semaphore(%run_scoped3A : memref<!tpu.dma_semaphore, #tpu.memory_space<semaphore_mem>>)
          %dma_wait3A = arith.constant 0 : i32
          %dma_wait3A_914 = tpu.memref_slice %arg8[%mul3A_299, %dma_wait3A] : memref<1024x32xf32, #tpu.memory_space<vmem>> -> memref<16x32xf32, #tpu.memory_space<vmem>>
          %dma_wait3A_915 = arith.constant 0 : i32
          %dma_wait3A_916 = arith.constant 0 : i32
          %dma_wait3A_917 = tpu.memref_slice %arg2[%dma_wait3A_915, %dma_wait3A_916] : memref<1000000x32xf32, #tpu.memory_space<hbm>> -> memref<1000000x32xf32, #tpu.memory_space<hbm>>
          tpu.wait_indirect_dma semaphore(%run_scoped3A : memref<!tpu.dma_semaphore, #tpu.memory_space<semaphore_mem>>) src(%dma_wait3A_917 : memref<1000000x32xf32, #tpu.memory_space<hbm>>) dst(%dma_wait3A_914 : memref<16x32xf32, #tpu.memory_space<vmem>>)
          tpu.yield
        }) : () -> ()
        %sub3A_300 = vector.broadcast %mul3A_227 : i32 to vector<16xi32>
        %sub3A_301 = arith.subi %shift_right_arithmetic3A_294, %sub3A_300 : vector<16xi32>
        "tpu.region"() ({
          %run_scoped3A = tpu.sem_alloc : memref<!tpu.dma_semaphore, #tpu.memory_space<semaphore_mem>>
          %dma_start3A = arith.constant 0 : i32
          %dma_start3A_910 = arith.constant 0 : i32
          %dma_start3A_911 = tpu.memref_slice %arg13[%dma_start3A, %dma_start3A_910] : memref<31250x32xf32, #tpu.memory_space<vmem_shared>> -> memref<31250x32xf32, #tpu.memory_space<vmem_shared>>
          tpu.enqueue_indirect_dma source(%dma_start3A_911 : memref<31250x32xf32, #tpu.memory_space<vmem_shared>>) target(%arg10 : memref<16x32xf32, #tpu.memory_space<vmem>>) offsets(%sub3A_301 : vector<16xi32>) semaphore(%run_scoped3A : memref<!tpu.dma_semaphore, #tpu.memory_space<semaphore_mem>>)
          %dma_wait3A = arith.constant 0 : i32
          %dma_wait3A_912 = arith.constant 0 : i32
          %dma_wait3A_913 = tpu.memref_slice %arg13[%dma_wait3A, %dma_wait3A_912] : memref<31250x32xf32, #tpu.memory_space<vmem_shared>> -> memref<31250x32xf32, #tpu.memory_space<vmem_shared>>
          tpu.wait_indirect_dma semaphore(%run_scoped3A : memref<!tpu.dma_semaphore, #tpu.memory_space<semaphore_mem>>) src(%dma_wait3A_913 : memref<31250x32xf32, #tpu.memory_space<vmem_shared>>) dst(%arg10 : memref<16x32xf32, #tpu.memory_space<vmem>>)
          tpu.yield
        }) : () -> ()
        %mul3A_302 = arith.constant 16 : i32
        %mul3A_303 = arith.muli %while3A_271, %mul3A_302 : i32
        %add3A_304 = arith.constant 0 : i32
        %add3A_305 = arith.addi %mul3A_303, %add3A_304 : i32
        %get3A_306 = arith.index_cast %add3A_305 : i32 to index
        %get3A_307 = arith.constant 0 : index
        %get3A_308 = tpu.vector_load %arg8[%get3A_306, %get3A_307] {strides = array<i32>} : memref<1024x32xf32, #tpu.memory_space<vmem>>, vector<16xf32>,
        %get3A_309 = arith.constant 0 : i32
        %get3A_310 = arith.index_cast %get3A_309 : i32 to index
        %get3A_311 = arith.constant 0 : index
        %get3A_312 = tpu.vector_load %arg10[%get3A_310, %get3A_311] {strides = array<i32>} : memref<16x32xf32, #tpu.memory_space<vmem>>, vector<16xf32>,
        %add3A_313 = arith.addf %get3A_308, %get3A_312 : vector<16xf32>
        %mul3A_314 = arith.constant 16 : i32
        %mul3A_315 = arith.muli %while3A_271, %mul3A_314 : i32
        %add3A_316 = arith.constant 0 : i32
        %add3A_317 = arith.addi %mul3A_315, %add3A_316 : i32
        %swap3A_318 = arith.index_cast %add3A_317 : i32 to index
        %swap3A_319 = arith.constant 0 : index
        %swap3A_320 = tpu.vector_load %arg8[%swap3A_318, %swap3A_319] {strides = array<i32>} : memref<1024x32xf32, #tpu.memory_space<vmem>>, vector<16xf32>,
        tpu.vector_store %arg8[%swap3A_318, %swap3A_319], %add3A_313 {strides = array<i32>} : memref<1024x32xf32, #tpu.memory_space<vmem>>, vector<16xf32>,
        %mul3A_321 = arith.constant 16 : i32
        %mul3A_322 = arith.muli %while3A_271, %mul3A_321 : i32
        %add3A_323 = arith.constant 0 : i32
        %add3A_324 = arith.addi %mul3A_322, %add3A_323 : i32
        %get3A_325 = arith.index_cast %add3A_324 : i32 to index
        %get3A_326 = arith.constant 16 : index
        %get3A_327 = tpu.vector_load %arg8[%get3A_325, %get3A_326] {strides = array<i32>} : memref<1024x32xf32, #tpu.memory_space<vmem>>, vector<16xf32>,
        %get3A_328 = arith.constant 0 : i32
        %get3A_329 = arith.index_cast %get3A_328 : i32 to index
        %get3A_330 = arith.constant 16 : index
        %get3A_331 = tpu.vector_load %arg10[%get3A_329, %get3A_330] {strides = array<i32>} : memref<16x32xf32, #tpu.memory_space<vmem>>, vector<16xf32>,
        %add3A_332 = arith.addf %get3A_327, %get3A_331 : vector<16xf32>
        %mul3A_333 = arith.constant 16 : i32
        %mul3A_334 = arith.muli %while3A_271, %mul3A_333 : i32
        %add3A_335 = arith.constant 0 : i32
        %add3A_336 = arith.addi %mul3A_334, %add3A_335 : i32
        %swap3A_337 = arith.index_cast %add3A_336 : i32 to index
        %swap3A_338 = arith.constant 16 : index
        %swap3A_339 = tpu.vector_load %arg8[%swap3A_337, %swap3A_338] {strides = array<i32>} : memref<1024x32xf32, #tpu.memory_space<vmem>>, vector<16xf32>,
        tpu.vector_store %arg8[%swap3A_337, %swap3A_338], %add3A_332 {strides = array<i32>} : memref<1024x32xf32, #tpu.memory_space<vmem>>, vector<16xf32>,
        %mul3A_340 = arith.constant 16 : i32
        %mul3A_341 = arith.muli %while3A_271, %mul3A_340 : i32
        %add3A_342 = arith.constant 1 : i32
        %add3A_343 = arith.addi %mul3A_341, %add3A_342 : i32
        %get3A_344 = arith.index_cast %add3A_343 : i32 to index
        %get3A_345 = arith.constant 0 : index
        %get3A_346 = tpu.vector_load %arg8[%get3A_344, %get3A_345] {strides = array<i32>} : memref<1024x32xf32, #tpu.memory_space<vmem>>, vector<16xf32>,
        %get3A_347 = arith.constant 1 : i32
        %get3A_348 = arith.index_cast %get3A_347 : i32 to index
        %get3A_349 = arith.constant 0 : index
        %get3A_350 = tpu.vector_load %arg10[%get3A_348, %get3A_349] {strides = array<i32>} : memref<16x32xf32, #tpu.memory_space<vmem>>, vector<16xf32>,
        %add3A_351 = arith.addf %get3A_346, %get3A_350 : vector<16xf32>
        %mul3A_352 = arith.constant 16 : i32
        %mul3A_353 = arith.muli %while3A_271, %mul3A_352 : i32
        %add3A_354 = arith.constant 1 : i32
        %add3A_355 = arith.addi %mul3A_353, %add3A_354 : i32
        %swap3A_356 = arith.index_cast %add3A_355 : i32 to index
        %swap3A_357 = arith.constant 0 : index
        %swap3A_358 = tpu.vector_load %arg8[%swap3A_356, %swap3A_357] {strides = array<i32>} : memref<1024x32xf32, #tpu.memory_space<vmem>>, vector<16xf32>,
        tpu.vector_store %arg8[%swap3A_356, %swap3A_357], %add3A_351 {strides = array<i32>} : memref<1024x32xf32, #tpu.memory_space<vmem>>, vector<16xf32>,
        %mul3A_359 = arith.constant 16 : i32
        %mul3A_360 = arith.muli %while3A_271, %mul3A_359 : i32
        %add3A_361 = arith.constant 1 : i32
        %add3A_362 = arith.addi %mul3A_360, %add3A_361 : i32
        %get3A_363 = arith.index_cast %add3A_362 : i32 to index
        %get3A_364 = arith.constant 16 : index
        %get3A_365 = tpu.vector_load %arg8[%get3A_363, %get3A_364] {strides = array<i32>} : memref<1024x32xf32, #tpu.memory_space<vmem>>, vector<16xf32>,
        %get3A_366 = arith.constant 1 : i32
        %get3A_367 = arith.index_cast %get3A_366 : i32 to index
        %get3A_368 = arith.constant 16 : index
        %get3A_369 = tpu.vector_load %arg10[%get3A_367, %get3A_368] {strides = array<i32>} : memref<16x32xf32, #tpu.memory_space<vmem>>, vector<16xf32>,
        %add3A_370 = arith.addf %get3A_365, %get3A_369 : vector<16xf32>
        %mul3A_371 = arith.constant 16 : i32
        %mul3A_372 = arith.muli %while3A_271, %mul3A_371 : i32
        %add3A_373 = arith.constant 1 : i32
        %add3A_374 = arith.addi %mul3A_372, %add3A_373 : i32
        %swap3A_375 = arith.index_cast %add3A_374 : i32 to index
        %swap3A_376 = arith.constant 16 : index
        %swap3A_377 = tpu.vector_load %arg8[%swap3A_375, %swap3A_376] {strides = array<i32>} : memref<1024x32xf32, #tpu.memory_space<vmem>>, vector<16xf32>,
        tpu.vector_store %arg8[%swap3A_375, %swap3A_376], %add3A_370 {strides = array<i32>} : memref<1024x32xf32, #tpu.memory_space<vmem>>, vector<16xf32>,
        %mul3A_378 = arith.constant 16 : i32
        %mul3A_379 = arith.muli %while3A_271, %mul3A_378 : i32
        %add3A_380 = arith.constant 2 : i32
        %add3A_381 = arith.addi %mul3A_379, %add3A_380 : i32
        %get3A_382 = arith.index_cast %add3A_381 : i32 to index
        %get3A_383 = arith.constant 0 : index
        %get3A_384 = tpu.vector_load %arg8[%get3A_382, %get3A_383] {strides = array<i32>} : memref<1024x32xf32, #tpu.memory_space<vmem>>, vector<16xf32>,
        %get3A_385 = arith.constant 2 : i32
        %get3A_386 = arith.index_cast %get3A_385 : i32 to index
        %get3A_387 = arith.constant 0 : index
        %get3A_388 = tpu.vector_load %arg10[%get3A_386, %get3A_387] {strides = array<i32>} : memref<16x32xf32, #tpu.memory_space<vmem>>, vector<16xf32>,
        %add3A_389 = arith.addf %get3A_384, %get3A_388 : vector<16xf32>
        %mul3A_390 = arith.constant 16 : i32
        %mul3A_391 = arith.muli %while3A_271, %mul3A_390 : i32
        %add3A_392 = arith.constant 2 : i32
        %add3A_393 = arith.addi %mul3A_391, %add3A_392 : i32
        %swap3A_394 = arith.index_cast %add3A_393 : i32 to index
        %swap3A_395 = arith.constant 0 : index
        %swap3A_396 = tpu.vector_load %arg8[%swap3A_394, %swap3A_395] {strides = array<i32>} : memref<1024x32xf32, #tpu.memory_space<vmem>>, vector<16xf32>,
        tpu.vector_store %arg8[%swap3A_394, %swap3A_395], %add3A_389 {strides = array<i32>} : memref<1024x32xf32, #tpu.memory_space<vmem>>, vector<16xf32>,
        %mul3A_397 = arith.constant 16 : i32
        %mul3A_398 = arith.muli %while3A_271, %mul3A_397 : i32
        %add3A_399 = arith.constant 2 : i32
        %add3A_400 = arith.addi %mul3A_398, %add3A_399 : i32
        %get3A_401 = arith.index_cast %add3A_400 : i32 to index
        %get3A_402 = arith.constant 16 : index
        %get3A_403 = tpu.vector_load %arg8[%get3A_401, %get3A_402] {strides = array<i32>} : memref<1024x32xf32, #tpu.memory_space<vmem>>, vector<16xf32>,
        %get3A_404 = arith.constant 2 : i32
        %get3A_405 = arith.index_cast %get3A_404 : i32 to index
        %get3A_406 = arith.constant 16 : index
        %get3A_407 = tpu.vector_load %arg10[%get3A_405, %get3A_406] {strides = array<i32>} : memref<16x32xf32, #tpu.memory_space<vmem>>, vector<16xf32>,
        %add3A_408 = arith.addf %get3A_403, %get3A_407 : vector<16xf32>
        %mul3A_409 = arith.constant 16 : i32
        %mul3A_410 = arith.muli %while3A_271, %mul3A_409 : i32
        %add3A_411 = arith.constant 2 : i32
        %add3A_412 = arith.addi %mul3A_410, %add3A_411 : i32
        %swap3A_413 = arith.index_cast %add3A_412 : i32 to index
        %swap3A_414 = arith.constant 16 : index
        %swap3A_415 = tpu.vector_load %arg8[%swap3A_413, %swap3A_414] {strides = array<i32>} : memref<1024x32xf32, #tpu.memory_space<vmem>>, vector<16xf32>,
        tpu.vector_store %arg8[%swap3A_413, %swap3A_414], %add3A_408 {strides = array<i32>} : memref<1024x32xf32, #tpu.memory_space<vmem>>, vector<16xf32>,
        %mul3A_416 = arith.constant 16 : i32
        %mul3A_417 = arith.muli %while3A_271, %mul3A_416 : i32
        %add3A_418 = arith.constant 3 : i32
        %add3A_419 = arith.addi %mul3A_417, %add3A_418 : i32
        %get3A_420 = arith.index_cast %add3A_419 : i32 to index
        %get3A_421 = arith.constant 0 : index
        %get3A_422 = tpu.vector_load %arg8[%get3A_420, %get3A_421] {strides = array<i32>} : memref<1024x32xf32, #tpu.memory_space<vmem>>, vector<16xf32>,
        %get3A_423 = arith.constant 3 : i32
        %get3A_424 = arith.index_cast %get3A_423 : i32 to index
        %get3A_425 = arith.constant 0 : index
        %get3A_426 = tpu.vector_load %arg10[%get3A_424, %get3A_425] {strides = array<i32>} : memref<16x32xf32, #tpu.memory_space<vmem>>, vector<16xf32>,
        %add3A_427 = arith.addf %get3A_422, %get3A_426 : vector<16xf32>
        %mul3A_428 = arith.constant 16 : i32
        %mul3A_429 = arith.muli %while3A_271, %mul3A_428 : i32
        %add3A_430 = arith.constant 3 : i32
        %add3A_431 = arith.addi %mul3A_429, %add3A_430 : i32
        %swap3A_432 = arith.index_cast %add3A_431 : i32 to index
        %swap3A_433 = arith.constant 0 : index
        %swap3A_434 = tpu.vector_load %arg8[%swap3A_432, %swap3A_433] {strides = array<i32>} : memref<1024x32xf32, #tpu.memory_space<vmem>>, vector<16xf32>,
        tpu.vector_store %arg8[%swap3A_432, %swap3A_433], %add3A_427 {strides = array<i32>} : memref<1024x32xf32, #tpu.memory_space<vmem>>, vector<16xf32>,
        %mul3A_435 = arith.constant 16 : i32
        %mul3A_436 = arith.muli %while3A_271, %mul3A_435 : i32
        %add3A_437 = arith.constant 3 : i32
        %add3A_438 = arith.addi %mul3A_436, %add3A_437 : i32
        %get3A_439 = arith.index_cast %add3A_438 : i32 to index
        %get3A_440 = arith.constant 16 : index
        %get3A_441 = tpu.vector_load %arg8[%get3A_439, %get3A_440] {strides = array<i32>} : memref<1024x32xf32, #tpu.memory_space<vmem>>, vector<16xf32>,
        %get3A_442 = arith.constant 3 : i32
        %get3A_443 = arith.index_cast %get3A_442 : i32 to index
        %get3A_444 = arith.constant 16 : index
        %get3A_445 = tpu.vector_load %arg10[%get3A_443, %get3A_444] {strides = array<i32>} : memref<16x32xf32, #tpu.memory_space<vmem>>, vector<16xf32>,
        %add3A_446 = arith.addf %get3A_441, %get3A_445 : vector<16xf32>
        %mul3A_447 = arith.constant 16 : i32
        %mul3A_448 = arith.muli %while3A_271, %mul3A_447 : i32
        %add3A_449 = arith.constant 3 : i32
        %add3A_450 = arith.addi %mul3A_448, %add3A_449 : i32
        %swap3A_451 = arith.index_cast %add3A_450 : i32 to index
        %swap3A_452 = arith.constant 16 : index
        %swap3A_453 = tpu.vector_load %arg8[%swap3A_451, %swap3A_452] {strides = array<i32>} : memref<1024x32xf32, #tpu.memory_space<vmem>>, vector<16xf32>,
        tpu.vector_store %arg8[%swap3A_451, %swap3A_452], %add3A_446 {strides = array<i32>} : memref<1024x32xf32, #tpu.memory_space<vmem>>, vector<16xf32>,
        %mul3A_454 = arith.constant 16 : i32
        %mul3A_455 = arith.muli %while3A_271, %mul3A_454 : i32
        %add3A_456 = arith.constant 4 : i32
        %add3A_457 = arith.addi %mul3A_455, %add3A_456 : i32
        %get3A_458 = arith.index_cast %add3A_457 : i32 to index
        %get3A_459 = arith.constant 0 : index
        %get3A_460 = tpu.vector_load %arg8[%get3A_458, %get3A_459] {strides = array<i32>} : memref<1024x32xf32, #tpu.memory_space<vmem>>, vector<16xf32>,
        %get3A_461 = arith.constant 4 : i32
        %get3A_462 = arith.index_cast %get3A_461 : i32 to index
        %get3A_463 = arith.constant 0 : index
        %get3A_464 = tpu.vector_load %arg10[%get3A_462, %get3A_463] {strides = array<i32>} : memref<16x32xf32, #tpu.memory_space<vmem>>, vector<16xf32>,
        %add3A_465 = arith.addf %get3A_460, %get3A_464 : vector<16xf32>
        %mul3A_466 = arith.constant 16 : i32
        %mul3A_467 = arith.muli %while3A_271, %mul3A_466 : i32
        %add3A_468 = arith.constant 4 : i32
        %add3A_469 = arith.addi %mul3A_467, %add3A_468 : i32
        %swap3A_470 = arith.index_cast %add3A_469 : i32 to index
        %swap3A_471 = arith.constant 0 : index
        %swap3A_472 = tpu.vector_load %arg8[%swap3A_470, %swap3A_471] {strides = array<i32>} : memref<1024x32xf32, #tpu.memory_space<vmem>>, vector<16xf32>,
        tpu.vector_store %arg8[%swap3A_470, %swap3A_471], %add3A_465 {strides = array<i32>} : memref<1024x32xf32, #tpu.memory_space<vmem>>, vector<16xf32>,
        %mul3A_473 = arith.constant 16 : i32
        %mul3A_474 = arith.muli %while3A_271, %mul3A_473 : i32
        %add3A_475 = arith.constant 4 : i32
        %add3A_476 = arith.addi %mul3A_474, %add3A_475 : i32
        %get3A_477 = arith.index_cast %add3A_476 : i32 to index
        %get3A_478 = arith.constant 16 : index
        %get3A_479 = tpu.vector_load %arg8[%get3A_477, %get3A_478] {strides = array<i32>} : memref<1024x32xf32, #tpu.memory_space<vmem>>, vector<16xf32>,
        %get3A_480 = arith.constant 4 : i32
        %get3A_481 = arith.index_cast %get3A_480 : i32 to index
        %get3A_482 = arith.constant 16 : index
        %get3A_483 = tpu.vector_load %arg10[%get3A_481, %get3A_482] {strides = array<i32>} : memref<16x32xf32, #tpu.memory_space<vmem>>, vector<16xf32>,
        %add3A_484 = arith.addf %get3A_479, %get3A_483 : vector<16xf32>
        %mul3A_485 = arith.constant 16 : i32
        %mul3A_486 = arith.muli %while3A_271, %mul3A_485 : i32
        %add3A_487 = arith.constant 4 : i32
        %add3A_488 = arith.addi %mul3A_486, %add3A_487 : i32
        %swap3A_489 = arith.index_cast %add3A_488 : i32 to index
        %swap3A_490 = arith.constant 16 : index
        %swap3A_491 = tpu.vector_load %arg8[%swap3A_489, %swap3A_490] {strides = array<i32>} : memref<1024x32xf32, #tpu.memory_space<vmem>>, vector<16xf32>,
        tpu.vector_store %arg8[%swap3A_489, %swap3A_490], %add3A_484 {strides = array<i32>} : memref<1024x32xf32, #tpu.memory_space<vmem>>, vector<16xf32>,
        %mul3A_492 = arith.constant 16 : i32
        %mul3A_493 = arith.muli %while3A_271, %mul3A_492 : i32
        %add3A_494 = arith.constant 5 : i32
        %add3A_495 = arith.addi %mul3A_493, %add3A_494 : i32
        %get3A_496 = arith.index_cast %add3A_495 : i32 to index
        %get3A_497 = arith.constant 0 : index
        %get3A_498 = tpu.vector_load %arg8[%get3A_496, %get3A_497] {strides = array<i32>} : memref<1024x32xf32, #tpu.memory_space<vmem>>, vector<16xf32>,
        %get3A_499 = arith.constant 5 : i32
        %get3A_500 = arith.index_cast %get3A_499 : i32 to index
        %get3A_501 = arith.constant 0 : index
        %get3A_502 = tpu.vector_load %arg10[%get3A_500, %get3A_501] {strides = array<i32>} : memref<16x32xf32, #tpu.memory_space<vmem>>, vector<16xf32>,
        %add3A_503 = arith.addf %get3A_498, %get3A_502 : vector<16xf32>
        %mul3A_504 = arith.constant 16 : i32
        %mul3A_505 = arith.muli %while3A_271, %mul3A_504 : i32
        %add3A_506 = arith.constant 5 : i32
        %add3A_507 = arith.addi %mul3A_505, %add3A_506 : i32
        %swap3A_508 = arith.index_cast %add3A_507 : i32 to index
        %swap3A_509 = arith.constant 0 : index
        %swap3A_510 = tpu.vector_load %arg8[%swap3A_508, %swap3A_509] {strides = array<i32>} : memref<1024x32xf32, #tpu.memory_space<vmem>>, vector<16xf32>,
        tpu.vector_store %arg8[%swap3A_508, %swap3A_509], %add3A_503 {strides = array<i32>} : memref<1024x32xf32, #tpu.memory_space<vmem>>, vector<16xf32>,
        %mul3A_511 = arith.constant 16 : i32
        %mul3A_512 = arith.muli %while3A_271, %mul3A_511 : i32
        %add3A_513 = arith.constant 5 : i32
        %add3A_514 = arith.addi %mul3A_512, %add3A_513 : i32
        %get3A_515 = arith.index_cast %add3A_514 : i32 to index
        %get3A_516 = arith.constant 16 : index
        %get3A_517 = tpu.vector_load %arg8[%get3A_515, %get3A_516] {strides = array<i32>} : memref<1024x32xf32, #tpu.memory_space<vmem>>, vector<16xf32>,
        %get3A_518 = arith.constant 5 : i32
        %get3A_519 = arith.index_cast %get3A_518 : i32 to index
        %get3A_520 = arith.constant 16 : index
        %get3A_521 = tpu.vector_load %arg10[%get3A_519, %get3A_520] {strides = array<i32>} : memref<16x32xf32, #tpu.memory_space<vmem>>, vector<16xf32>,
        %add3A_522 = arith.addf %get3A_517, %get3A_521 : vector<16xf32>
        %mul3A_523 = arith.constant 16 : i32
        %mul3A_524 = arith.muli %while3A_271, %mul3A_523 : i32
        %add3A_525 = arith.constant 5 : i32
        %add3A_526 = arith.addi %mul3A_524, %add3A_525 : i32
        %swap3A_527 = arith.index_cast %add3A_526 : i32 to index
        %swap3A_528 = arith.constant 16 : index
        %swap3A_529 = tpu.vector_load %arg8[%swap3A_527, %swap3A_528] {strides = array<i32>} : memref<1024x32xf32, #tpu.memory_space<vmem>>, vector<16xf32>,
        tpu.vector_store %arg8[%swap3A_527, %swap3A_528], %add3A_522 {strides = array<i32>} : memref<1024x32xf32, #tpu.memory_space<vmem>>, vector<16xf32>,
        %mul3A_530 = arith.constant 16 : i32
        %mul3A_531 = arith.muli %while3A_271, %mul3A_530 : i32
        %add3A_532 = arith.constant 6 : i32
        %add3A_533 = arith.addi %mul3A_531, %add3A_532 : i32
        %get3A_534 = arith.index_cast %add3A_533 : i32 to index
        %get3A_535 = arith.constant 0 : index
        %get3A_536 = tpu.vector_load %arg8[%get3A_534, %get3A_535] {strides = array<i32>} : memref<1024x32xf32, #tpu.memory_space<vmem>>, vector<16xf32>,
        %get3A_537 = arith.constant 6 : i32
        %get3A_538 = arith.index_cast %get3A_537 : i32 to index
        %get3A_539 = arith.constant 0 : index
        %get3A_540 = tpu.vector_load %arg10[%get3A_538, %get3A_539] {strides = array<i32>} : memref<16x32xf32, #tpu.memory_space<vmem>>, vector<16xf32>,
        %add3A_541 = arith.addf %get3A_536, %get3A_540 : vector<16xf32>
        %mul3A_542 = arith.constant 16 : i32
        %mul3A_543 = arith.muli %while3A_271, %mul3A_542 : i32
        %add3A_544 = arith.constant 6 : i32
        %add3A_545 = arith.addi %mul3A_543, %add3A_544 : i32
        %swap3A_546 = arith.index_cast %add3A_545 : i32 to index
        %swap3A_547 = arith.constant 0 : index
        %swap3A_548 = tpu.vector_load %arg8[%swap3A_546, %swap3A_547] {strides = array<i32>} : memref<1024x32xf32, #tpu.memory_space<vmem>>, vector<16xf32>,
        tpu.vector_store %arg8[%swap3A_546, %swap3A_547], %add3A_541 {strides = array<i32>} : memref<1024x32xf32, #tpu.memory_space<vmem>>, vector<16xf32>,
        %mul3A_549 = arith.constant 16 : i32
        %mul3A_550 = arith.muli %while3A_271, %mul3A_549 : i32
        %add3A_551 = arith.constant 6 : i32
        %add3A_552 = arith.addi %mul3A_550, %add3A_551 : i32
        %get3A_553 = arith.index_cast %add3A_552 : i32 to index
        %get3A_554 = arith.constant 16 : index
        %get3A_555 = tpu.vector_load %arg8[%get3A_553, %get3A_554] {strides = array<i32>} : memref<1024x32xf32, #tpu.memory_space<vmem>>, vector<16xf32>,
        %get3A_556 = arith.constant 6 : i32
        %get3A_557 = arith.index_cast %get3A_556 : i32 to index
        %get3A_558 = arith.constant 16 : index
        %get3A_559 = tpu.vector_load %arg10[%get3A_557, %get3A_558] {strides = array<i32>} : memref<16x32xf32, #tpu.memory_space<vmem>>, vector<16xf32>,
        %add3A_560 = arith.addf %get3A_555, %get3A_559 : vector<16xf32>
        %mul3A_561 = arith.constant 16 : i32
        %mul3A_562 = arith.muli %while3A_271, %mul3A_561 : i32
        %add3A_563 = arith.constant 6 : i32
        %add3A_564 = arith.addi %mul3A_562, %add3A_563 : i32
        %swap3A_565 = arith.index_cast %add3A_564 : i32 to index
        %swap3A_566 = arith.constant 16 : index
        %swap3A_567 = tpu.vector_load %arg8[%swap3A_565, %swap3A_566] {strides = array<i32>} : memref<1024x32xf32, #tpu.memory_space<vmem>>, vector<16xf32>,
        tpu.vector_store %arg8[%swap3A_565, %swap3A_566], %add3A_560 {strides = array<i32>} : memref<1024x32xf32, #tpu.memory_space<vmem>>, vector<16xf32>,
        %mul3A_568 = arith.constant 16 : i32
        %mul3A_569 = arith.muli %while3A_271, %mul3A_568 : i32
        %add3A_570 = arith.constant 7 : i32
        %add3A_571 = arith.addi %mul3A_569, %add3A_570 : i32
        %get3A_572 = arith.index_cast %add3A_571 : i32 to index
        %get3A_573 = arith.constant 0 : index
        %get3A_574 = tpu.vector_load %arg8[%get3A_572, %get3A_573] {strides = array<i32>} : memref<1024x32xf32, #tpu.memory_space<vmem>>, vector<16xf32>,
        %get3A_575 = arith.constant 7 : i32
        %get3A_576 = arith.index_cast %get3A_575 : i32 to index
        %get3A_577 = arith.constant 0 : index
        %get3A_578 = tpu.vector_load %arg10[%get3A_576, %get3A_577] {strides = array<i32>} : memref<16x32xf32, #tpu.memory_space<vmem>>, vector<16xf32>,
        %add3A_579 = arith.addf %get3A_574, %get3A_578 : vector<16xf32>
        %mul3A_580 = arith.constant 16 : i32
        %mul3A_581 = arith.muli %while3A_271, %mul3A_580 : i32
        %add3A_582 = arith.constant 7 : i32
        %add3A_583 = arith.addi %mul3A_581, %add3A_582 : i32
        %swap3A_584 = arith.index_cast %add3A_583 : i32 to index
        %swap3A_585 = arith.constant 0 : index
        %swap3A_586 = tpu.vector_load %arg8[%swap3A_584, %swap3A_585] {strides = array<i32>} : memref<1024x32xf32, #tpu.memory_space<vmem>>, vector<16xf32>,
        tpu.vector_store %arg8[%swap3A_584, %swap3A_585], %add3A_579 {strides = array<i32>} : memref<1024x32xf32, #tpu.memory_space<vmem>>, vector<16xf32>,
        %mul3A_587 = arith.constant 16 : i32
        %mul3A_588 = arith.muli %while3A_271, %mul3A_587 : i32
        %add3A_589 = arith.constant 7 : i32
        %add3A_590 = arith.addi %mul3A_588, %add3A_589 : i32
        %get3A_591 = arith.index_cast %add3A_590 : i32 to index
        %get3A_592 = arith.constant 16 : index
        %get3A_593 = tpu.vector_load %arg8[%get3A_591, %get3A_592] {strides = array<i32>} : memref<1024x32xf32, #tpu.memory_space<vmem>>, vector<16xf32>,
        %get3A_594 = arith.constant 7 : i32
        %get3A_595 = arith.index_cast %get3A_594 : i32 to index
        %get3A_596 = arith.constant 16 : index
        %get3A_597 = tpu.vector_load %arg10[%get3A_595, %get3A_596] {strides = array<i32>} : memref<16x32xf32, #tpu.memory_space<vmem>>, vector<16xf32>,
        %add3A_598 = arith.addf %get3A_593, %get3A_597 : vector<16xf32>
        %mul3A_599 = arith.constant 16 : i32
        %mul3A_600 = arith.muli %while3A_271, %mul3A_599 : i32
        %add3A_601 = arith.constant 7 : i32
        %add3A_602 = arith.addi %mul3A_600, %add3A_601 : i32
        %swap3A_603 = arith.index_cast %add3A_602 : i32 to index
        %swap3A_604 = arith.constant 16 : index
        %swap3A_605 = tpu.vector_load %arg8[%swap3A_603, %swap3A_604] {strides = array<i32>} : memref<1024x32xf32, #tpu.memory_space<vmem>>, vector<16xf32>,
        tpu.vector_store %arg8[%swap3A_603, %swap3A_604], %add3A_598 {strides = array<i32>} : memref<1024x32xf32, #tpu.memory_space<vmem>>, vector<16xf32>,
        %mul3A_606 = arith.constant 16 : i32
        %mul3A_607 = arith.muli %while3A_271, %mul3A_606 : i32
        %add3A_608 = arith.constant 8 : i32
        %add3A_609 = arith.addi %mul3A_607, %add3A_608 : i32
        %get3A_610 = arith.index_cast %add3A_609 : i32 to index
        %get3A_611 = arith.constant 0 : index
        %get3A_612 = tpu.vector_load %arg8[%get3A_610, %get3A_611] {strides = array<i32>} : memref<1024x32xf32, #tpu.memory_space<vmem>>, vector<16xf32>,
        %get3A_613 = arith.constant 8 : i32
        %get3A_614 = arith.index_cast %get3A_613 : i32 to index
        %get3A_615 = arith.constant 0 : index
        %get3A_616 = tpu.vector_load %arg10[%get3A_614, %get3A_615] {strides = array<i32>} : memref<16x32xf32, #tpu.memory_space<vmem>>, vector<16xf32>,
        %add3A_617 = arith.addf %get3A_612, %get3A_616 : vector<16xf32>
        %mul3A_618 = arith.constant 16 : i32
        %mul3A_619 = arith.muli %while3A_271, %mul3A_618 : i32
        %add3A_620 = arith.constant 8 : i32
        %add3A_621 = arith.addi %mul3A_619, %add3A_620 : i32
        %swap3A_622 = arith.index_cast %add3A_621 : i32 to index
        %swap3A_623 = arith.constant 0 : index
        %swap3A_624 = tpu.vector_load %arg8[%swap3A_622, %swap3A_623] {strides = array<i32>} : memref<1024x32xf32, #tpu.memory_space<vmem>>, vector<16xf32>,
        tpu.vector_store %arg8[%swap3A_622, %swap3A_623], %add3A_617 {strides = array<i32>} : memref<1024x32xf32, #tpu.memory_space<vmem>>, vector<16xf32>,
        %mul3A_625 = arith.constant 16 : i32
        %mul3A_626 = arith.muli %while3A_271, %mul3A_625 : i32
        %add3A_627 = arith.constant 8 : i32
        %add3A_628 = arith.addi %mul3A_626, %add3A_627 : i32
        %get3A_629 = arith.index_cast %add3A_628 : i32 to index
        %get3A_630 = arith.constant 16 : index
        %get3A_631 = tpu.vector_load %arg8[%get3A_629, %get3A_630] {strides = array<i32>} : memref<1024x32xf32, #tpu.memory_space<vmem>>, vector<16xf32>,
        %get3A_632 = arith.constant 8 : i32
        %get3A_633 = arith.index_cast %get3A_632 : i32 to index
        %get3A_634 = arith.constant 16 : index
        %get3A_635 = tpu.vector_load %arg10[%get3A_633, %get3A_634] {strides = array<i32>} : memref<16x32xf32, #tpu.memory_space<vmem>>, vector<16xf32>,
        %add3A_636 = arith.addf %get3A_631, %get3A_635 : vector<16xf32>
        %mul3A_637 = arith.constant 16 : i32
        %mul3A_638 = arith.muli %while3A_271, %mul3A_637 : i32
        %add3A_639 = arith.constant 8 : i32
        %add3A_640 = arith.addi %mul3A_638, %add3A_639 : i32
        %swap3A_641 = arith.index_cast %add3A_640 : i32 to index
        %swap3A_642 = arith.constant 16 : index
        %swap3A_643 = tpu.vector_load %arg8[%swap3A_641, %swap3A_642] {strides = array<i32>} : memref<1024x32xf32, #tpu.memory_space<vmem>>, vector<16xf32>,
        tpu.vector_store %arg8[%swap3A_641, %swap3A_642], %add3A_636 {strides = array<i32>} : memref<1024x32xf32, #tpu.memory_space<vmem>>, vector<16xf32>,
        %mul3A_644 = arith.constant 16 : i32
        %mul3A_645 = arith.muli %while3A_271, %mul3A_644 : i32
        %add3A_646 = arith.constant 9 : i32
        %add3A_647 = arith.addi %mul3A_645, %add3A_646 : i32
        %get3A_648 = arith.index_cast %add3A_647 : i32 to index
        %get3A_649 = arith.constant 0 : index
        %get3A_650 = tpu.vector_load %arg8[%get3A_648, %get3A_649] {strides = array<i32>} : memref<1024x32xf32, #tpu.memory_space<vmem>>, vector<16xf32>,
        %get3A_651 = arith.constant 9 : i32
        %get3A_652 = arith.index_cast %get3A_651 : i32 to index
        %get3A_653 = arith.constant 0 : index
        %get3A_654 = tpu.vector_load %arg10[%get3A_652, %get3A_653] {strides = array<i32>} : memref<16x32xf32, #tpu.memory_space<vmem>>, vector<16xf32>,
        %add3A_655 = arith.addf %get3A_650, %get3A_654 : vector<16xf32>
        %mul3A_656 = arith.constant 16 : i32
        %mul3A_657 = arith.muli %while3A_271, %mul3A_656 : i32
        %add3A_658 = arith.constant 9 : i32
        %add3A_659 = arith.addi %mul3A_657, %add3A_658 : i32
        %swap3A_660 = arith.index_cast %add3A_659 : i32 to index
        %swap3A_661 = arith.constant 0 : index
        %swap3A_662 = tpu.vector_load %arg8[%swap3A_660, %swap3A_661] {strides = array<i32>} : memref<1024x32xf32, #tpu.memory_space<vmem>>, vector<16xf32>,
        tpu.vector_store %arg8[%swap3A_660, %swap3A_661], %add3A_655 {strides = array<i32>} : memref<1024x32xf32, #tpu.memory_space<vmem>>, vector<16xf32>,
        %mul3A_663 = arith.constant 16 : i32
        %mul3A_664 = arith.muli %while3A_271, %mul3A_663 : i32
        %add3A_665 = arith.constant 9 : i32
        %add3A_666 = arith.addi %mul3A_664, %add3A_665 : i32
        %get3A_667 = arith.index_cast %add3A_666 : i32 to index
        %get3A_668 = arith.constant 16 : index
        %get3A_669 = tpu.vector_load %arg8[%get3A_667, %get3A_668] {strides = array<i32>} : memref<1024x32xf32, #tpu.memory_space<vmem>>, vector<16xf32>,
        %get3A_670 = arith.constant 9 : i32
        %get3A_671 = arith.index_cast %get3A_670 : i32 to index
        %get3A_672 = arith.constant 16 : index
        %get3A_673 = tpu.vector_load %arg10[%get3A_671, %get3A_672] {strides = array<i32>} : memref<16x32xf32, #tpu.memory_space<vmem>>, vector<16xf32>,
        %add3A_674 = arith.addf %get3A_669, %get3A_673 : vector<16xf32>
        %mul3A_675 = arith.constant 16 : i32
        %mul3A_676 = arith.muli %while3A_271, %mul3A_675 : i32
        %add3A_677 = arith.constant 9 : i32
        %add3A_678 = arith.addi %mul3A_676, %add3A_677 : i32
        %swap3A_679 = arith.index_cast %add3A_678 : i32 to index
        %swap3A_680 = arith.constant 16 : index
        %swap3A_681 = tpu.vector_load %arg8[%swap3A_679, %swap3A_680] {strides = array<i32>} : memref<1024x32xf32, #tpu.memory_space<vmem>>, vector<16xf32>,
        tpu.vector_store %arg8[%swap3A_679, %swap3A_680], %add3A_674 {strides = array<i32>} : memref<1024x32xf32, #tpu.memory_space<vmem>>, vector<16xf32>,
        %mul3A_682 = arith.constant 16 : i32
        %mul3A_683 = arith.muli %while3A_271, %mul3A_682 : i32
        %add3A_684 = arith.constant 10 : i32
        %add3A_685 = arith.addi %mul3A_683, %add3A_684 : i32
        %get3A_686 = arith.index_cast %add3A_685 : i32 to index
        %get3A_687 = arith.constant 0 : index
        %get3A_688 = tpu.vector_load %arg8[%get3A_686, %get3A_687] {strides = array<i32>} : memref<1024x32xf32, #tpu.memory_space<vmem>>, vector<16xf32>,
        %get3A_689 = arith.constant 10 : i32
        %get3A_690 = arith.index_cast %get3A_689 : i32 to index
        %get3A_691 = arith.constant 0 : index
        %get3A_692 = tpu.vector_load %arg10[%get3A_690, %get3A_691] {strides = array<i32>} : memref<16x32xf32, #tpu.memory_space<vmem>>, vector<16xf32>,
        %add3A_693 = arith.addf %get3A_688, %get3A_692 : vector<16xf32>
        %mul3A_694 = arith.constant 16 : i32
        %mul3A_695 = arith.muli %while3A_271, %mul3A_694 : i32
        %add3A_696 = arith.constant 10 : i32
        %add3A_697 = arith.addi %mul3A_695, %add3A_696 : i32
        %swap3A_698 = arith.index_cast %add3A_697 : i32 to index
        %swap3A_699 = arith.constant 0 : index
        %swap3A_700 = tpu.vector_load %arg8[%swap3A_698, %swap3A_699] {strides = array<i32>} : memref<1024x32xf32, #tpu.memory_space<vmem>>, vector<16xf32>,
        tpu.vector_store %arg8[%swap3A_698, %swap3A_699], %add3A_693 {strides = array<i32>} : memref<1024x32xf32, #tpu.memory_space<vmem>>, vector<16xf32>,
        %mul3A_701 = arith.constant 16 : i32
        %mul3A_702 = arith.muli %while3A_271, %mul3A_701 : i32
        %add3A_703 = arith.constant 10 : i32
        %add3A_704 = arith.addi %mul3A_702, %add3A_703 : i32
        %get3A_705 = arith.index_cast %add3A_704 : i32 to index
        %get3A_706 = arith.constant 16 : index
        %get3A_707 = tpu.vector_load %arg8[%get3A_705, %get3A_706] {strides = array<i32>} : memref<1024x32xf32, #tpu.memory_space<vmem>>, vector<16xf32>,
        %get3A_708 = arith.constant 10 : i32
        %get3A_709 = arith.index_cast %get3A_708 : i32 to index
        %get3A_710 = arith.constant 16 : index
        %get3A_711 = tpu.vector_load %arg10[%get3A_709, %get3A_710] {strides = array<i32>} : memref<16x32xf32, #tpu.memory_space<vmem>>, vector<16xf32>,
        %add3A_712 = arith.addf %get3A_707, %get3A_711 : vector<16xf32>
        %mul3A_713 = arith.constant 16 : i32
        %mul3A_714 = arith.muli %while3A_271, %mul3A_713 : i32
        %add3A_715 = arith.constant 10 : i32
        %add3A_716 = arith.addi %mul3A_714, %add3A_715 : i32
        %swap3A_717 = arith.index_cast %add3A_716 : i32 to index
        %swap3A_718 = arith.constant 16 : index
        %swap3A_719 = tpu.vector_load %arg8[%swap3A_717, %swap3A_718] {strides = array<i32>} : memref<1024x32xf32, #tpu.memory_space<vmem>>, vector<16xf32>,
        tpu.vector_store %arg8[%swap3A_717, %swap3A_718], %add3A_712 {strides = array<i32>} : memref<1024x32xf32, #tpu.memory_space<vmem>>, vector<16xf32>,
        %mul3A_720 = arith.constant 16 : i32
        %mul3A_721 = arith.muli %while3A_271, %mul3A_720 : i32
        %add3A_722 = arith.constant 11 : i32
        %add3A_723 = arith.addi %mul3A_721, %add3A_722 : i32
        %get3A_724 = arith.index_cast %add3A_723 : i32 to index
        %get3A_725 = arith.constant 0 : index
        %get3A_726 = tpu.vector_load %arg8[%get3A_724, %get3A_725] {strides = array<i32>} : memref<1024x32xf32, #tpu.memory_space<vmem>>, vector<16xf32>,
        %get3A_727 = arith.constant 11 : i32
        %get3A_728 = arith.index_cast %get3A_727 : i32 to index
        %get3A_729 = arith.constant 0 : index
        %get3A_730 = tpu.vector_load %arg10[%get3A_728, %get3A_729] {strides = array<i32>} : memref<16x32xf32, #tpu.memory_space<vmem>>, vector<16xf32>,
        %add3A_731 = arith.addf %get3A_726, %get3A_730 : vector<16xf32>
        %mul3A_732 = arith.constant 16 : i32
        %mul3A_733 = arith.muli %while3A_271, %mul3A_732 : i32
        %add3A_734 = arith.constant 11 : i32
        %add3A_735 = arith.addi %mul3A_733, %add3A_734 : i32
        %swap3A_736 = arith.index_cast %add3A_735 : i32 to index
        %swap3A_737 = arith.constant 0 : index
        %swap3A_738 = tpu.vector_load %arg8[%swap3A_736, %swap3A_737] {strides = array<i32>} : memref<1024x32xf32, #tpu.memory_space<vmem>>, vector<16xf32>,
        tpu.vector_store %arg8[%swap3A_736, %swap3A_737], %add3A_731 {strides = array<i32>} : memref<1024x32xf32, #tpu.memory_space<vmem>>, vector<16xf32>,
        %mul3A_739 = arith.constant 16 : i32
        %mul3A_740 = arith.muli %while3A_271, %mul3A_739 : i32
        %add3A_741 = arith.constant 11 : i32
        %add3A_742 = arith.addi %mul3A_740, %add3A_741 : i32
        %get3A_743 = arith.index_cast %add3A_742 : i32 to index
        %get3A_744 = arith.constant 16 : index
        %get3A_745 = tpu.vector_load %arg8[%get3A_743, %get3A_744] {strides = array<i32>} : memref<1024x32xf32, #tpu.memory_space<vmem>>, vector<16xf32>,
        %get3A_746 = arith.constant 11 : i32
        %get3A_747 = arith.index_cast %get3A_746 : i32 to index
        %get3A_748 = arith.constant 16 : index
        %get3A_749 = tpu.vector_load %arg10[%get3A_747, %get3A_748] {strides = array<i32>} : memref<16x32xf32, #tpu.memory_space<vmem>>, vector<16xf32>,
        %add3A_750 = arith.addf %get3A_745, %get3A_749 : vector<16xf32>
        %mul3A_751 = arith.constant 16 : i32
        %mul3A_752 = arith.muli %while3A_271, %mul3A_751 : i32
        %add3A_753 = arith.constant 11 : i32
        %add3A_754 = arith.addi %mul3A_752, %add3A_753 : i32
        %swap3A_755 = arith.index_cast %add3A_754 : i32 to index
        %swap3A_756 = arith.constant 16 : index
        %swap3A_757 = tpu.vector_load %arg8[%swap3A_755, %swap3A_756] {strides = array<i32>} : memref<1024x32xf32, #tpu.memory_space<vmem>>, vector<16xf32>,
        tpu.vector_store %arg8[%swap3A_755, %swap3A_756], %add3A_750 {strides = array<i32>} : memref<1024x32xf32, #tpu.memory_space<vmem>>, vector<16xf32>,
        %mul3A_758 = arith.constant 16 : i32
        %mul3A_759 = arith.muli %while3A_271, %mul3A_758 : i32
        %add3A_760 = arith.constant 12 : i32
        %add3A_761 = arith.addi %mul3A_759, %add3A_760 : i32
        %get3A_762 = arith.index_cast %add3A_761 : i32 to index
        %get3A_763 = arith.constant 0 : index
        %get3A_764 = tpu.vector_load %arg8[%get3A_762, %get3A_763] {strides = array<i32>} : memref<1024x32xf32, #tpu.memory_space<vmem>>, vector<16xf32>,
        %get3A_765 = arith.constant 12 : i32
        %get3A_766 = arith.index_cast %get3A_765 : i32 to index
        %get3A_767 = arith.constant 0 : index
        %get3A_768 = tpu.vector_load %arg10[%get3A_766, %get3A_767] {strides = array<i32>} : memref<16x32xf32, #tpu.memory_space<vmem>>, vector<16xf32>,
        %add3A_769 = arith.addf %get3A_764, %get3A_768 : vector<16xf32>
        %mul3A_770 = arith.constant 16 : i32
        %mul3A_771 = arith.muli %while3A_271, %mul3A_770 : i32
        %add3A_772 = arith.constant 12 : i32
        %add3A_773 = arith.addi %mul3A_771, %add3A_772 : i32
        %swap3A_774 = arith.index_cast %add3A_773 : i32 to index
        %swap3A_775 = arith.constant 0 : index
        %swap3A_776 = tpu.vector_load %arg8[%swap3A_774, %swap3A_775] {strides = array<i32>} : memref<1024x32xf32, #tpu.memory_space<vmem>>, vector<16xf32>,
        tpu.vector_store %arg8[%swap3A_774, %swap3A_775], %add3A_769 {strides = array<i32>} : memref<1024x32xf32, #tpu.memory_space<vmem>>, vector<16xf32>,
        %mul3A_777 = arith.constant 16 : i32
        %mul3A_778 = arith.muli %while3A_271, %mul3A_777 : i32
        %add3A_779 = arith.constant 12 : i32
        %add3A_780 = arith.addi %mul3A_778, %add3A_779 : i32
        %get3A_781 = arith.index_cast %add3A_780 : i32 to index
        %get3A_782 = arith.constant 16 : index
        %get3A_783 = tpu.vector_load %arg8[%get3A_781, %get3A_782] {strides = array<i32>} : memref<1024x32xf32, #tpu.memory_space<vmem>>, vector<16xf32>,
        %get3A_784 = arith.constant 12 : i32
        %get3A_785 = arith.index_cast %get3A_784 : i32 to index
        %get3A_786 = arith.constant 16 : index
        %get3A_787 = tpu.vector_load %arg10[%get3A_785, %get3A_786] {strides = array<i32>} : memref<16x32xf32, #tpu.memory_space<vmem>>, vector<16xf32>,
        %add3A_788 = arith.addf %get3A_783, %get3A_787 : vector<16xf32>
        %mul3A_789 = arith.constant 16 : i32
        %mul3A_790 = arith.muli %while3A_271, %mul3A_789 : i32
        %add3A_791 = arith.constant 12 : i32
        %add3A_792 = arith.addi %mul3A_790, %add3A_791 : i32
        %swap3A_793 = arith.index_cast %add3A_792 : i32 to index
        %swap3A_794 = arith.constant 16 : index
        %swap3A_795 = tpu.vector_load %arg8[%swap3A_793, %swap3A_794] {strides = array<i32>} : memref<1024x32xf32, #tpu.memory_space<vmem>>, vector<16xf32>,
        tpu.vector_store %arg8[%swap3A_793, %swap3A_794], %add3A_788 {strides = array<i32>} : memref<1024x32xf32, #tpu.memory_space<vmem>>, vector<16xf32>,
        %mul3A_796 = arith.constant 16 : i32
        %mul3A_797 = arith.muli %while3A_271, %mul3A_796 : i32
        %add3A_798 = arith.constant 13 : i32
        %add3A_799 = arith.addi %mul3A_797, %add3A_798 : i32
        %get3A_800 = arith.index_cast %add3A_799 : i32 to index
        %get3A_801 = arith.constant 0 : index
        %get3A_802 = tpu.vector_load %arg8[%get3A_800, %get3A_801] {strides = array<i32>} : memref<1024x32xf32, #tpu.memory_space<vmem>>, vector<16xf32>,
        %get3A_803 = arith.constant 13 : i32
        %get3A_804 = arith.index_cast %get3A_803 : i32 to index
        %get3A_805 = arith.constant 0 : index
        %get3A_806 = tpu.vector_load %arg10[%get3A_804, %get3A_805] {strides = array<i32>} : memref<16x32xf32, #tpu.memory_space<vmem>>, vector<16xf32>,
        %add3A_807 = arith.addf %get3A_802, %get3A_806 : vector<16xf32>
        %mul3A_808 = arith.constant 16 : i32
        %mul3A_809 = arith.muli %while3A_271, %mul3A_808 : i32
        %add3A_810 = arith.constant 13 : i32
        %add3A_811 = arith.addi %mul3A_809, %add3A_810 : i32
        %swap3A_812 = arith.index_cast %add3A_811 : i32 to index
        %swap3A_813 = arith.constant 0 : index
        %swap3A_814 = tpu.vector_load %arg8[%swap3A_812, %swap3A_813] {strides = array<i32>} : memref<1024x32xf32, #tpu.memory_space<vmem>>, vector<16xf32>,
        tpu.vector_store %arg8[%swap3A_812, %swap3A_813], %add3A_807 {strides = array<i32>} : memref<1024x32xf32, #tpu.memory_space<vmem>>, vector<16xf32>,
        %mul3A_815 = arith.constant 16 : i32
        %mul3A_816 = arith.muli %while3A_271, %mul3A_815 : i32
        %add3A_817 = arith.constant 13 : i32
        %add3A_818 = arith.addi %mul3A_816, %add3A_817 : i32
        %get3A_819 = arith.index_cast %add3A_818 : i32 to index
        %get3A_820 = arith.constant 16 : index
        %get3A_821 = tpu.vector_load %arg8[%get3A_819, %get3A_820] {strides = array<i32>} : memref<1024x32xf32, #tpu.memory_space<vmem>>, vector<16xf32>,
        %get3A_822 = arith.constant 13 : i32
        %get3A_823 = arith.index_cast %get3A_822 : i32 to index
        %get3A_824 = arith.constant 16 : index
        %get3A_825 = tpu.vector_load %arg10[%get3A_823, %get3A_824] {strides = array<i32>} : memref<16x32xf32, #tpu.memory_space<vmem>>, vector<16xf32>,
        %add3A_826 = arith.addf %get3A_821, %get3A_825 : vector<16xf32>
        %mul3A_827 = arith.constant 16 : i32
        %mul3A_828 = arith.muli %while3A_271, %mul3A_827 : i32
        %add3A_829 = arith.constant 13 : i32
        %add3A_830 = arith.addi %mul3A_828, %add3A_829 : i32
        %swap3A_831 = arith.index_cast %add3A_830 : i32 to index
        %swap3A_832 = arith.constant 16 : index
        %swap3A_833 = tpu.vector_load %arg8[%swap3A_831, %swap3A_832] {strides = array<i32>} : memref<1024x32xf32, #tpu.memory_space<vmem>>, vector<16xf32>,
        tpu.vector_store %arg8[%swap3A_831, %swap3A_832], %add3A_826 {strides = array<i32>} : memref<1024x32xf32, #tpu.memory_space<vmem>>, vector<16xf32>,
        %mul3A_834 = arith.constant 16 : i32
        %mul3A_835 = arith.muli %while3A_271, %mul3A_834 : i32
        %add3A_836 = arith.constant 14 : i32
        %add3A_837 = arith.addi %mul3A_835, %add3A_836 : i32
        %get3A_838 = arith.index_cast %add3A_837 : i32 to index
        %get3A_839 = arith.constant 0 : index
        %get3A_840 = tpu.vector_load %arg8[%get3A_838, %get3A_839] {strides = array<i32>} : memref<1024x32xf32, #tpu.memory_space<vmem>>, vector<16xf32>,
        %get3A_841 = arith.constant 14 : i32
        %get3A_842 = arith.index_cast %get3A_841 : i32 to index
        %get3A_843 = arith.constant 0 : index
        %get3A_844 = tpu.vector_load %arg10[%get3A_842, %get3A_843] {strides = array<i32>} : memref<16x32xf32, #tpu.memory_space<vmem>>, vector<16xf32>,
        %add3A_845 = arith.addf %get3A_840, %get3A_844 : vector<16xf32>
        %mul3A_846 = arith.constant 16 : i32
        %mul3A_847 = arith.muli %while3A_271, %mul3A_846 : i32
        %add3A_848 = arith.constant 14 : i32
        %add3A_849 = arith.addi %mul3A_847, %add3A_848 : i32
        %swap3A_850 = arith.index_cast %add3A_849 : i32 to index
        %swap3A_851 = arith.constant 0 : index
        %swap3A_852 = tpu.vector_load %arg8[%swap3A_850, %swap3A_851] {strides = array<i32>} : memref<1024x32xf32, #tpu.memory_space<vmem>>, vector<16xf32>,
        tpu.vector_store %arg8[%swap3A_850, %swap3A_851], %add3A_845 {strides = array<i32>} : memref<1024x32xf32, #tpu.memory_space<vmem>>, vector<16xf32>,
        %mul3A_853 = arith.constant 16 : i32
        %mul3A_854 = arith.muli %while3A_271, %mul3A_853 : i32
        %add3A_855 = arith.constant 14 : i32
        %add3A_856 = arith.addi %mul3A_854, %add3A_855 : i32
        %get3A_857 = arith.index_cast %add3A_856 : i32 to index
        %get3A_858 = arith.constant 16 : index
        %get3A_859 = tpu.vector_load %arg8[%get3A_857, %get3A_858] {strides = array<i32>} : memref<1024x32xf32, #tpu.memory_space<vmem>>, vector<16xf32>,
        %get3A_860 = arith.constant 14 : i32
        %get3A_861 = arith.index_cast %get3A_860 : i32 to index
        %get3A_862 = arith.constant 16 : index
        %get3A_863 = tpu.vector_load %arg10[%get3A_861, %get3A_862] {strides = array<i32>} : memref<16x32xf32, #tpu.memory_space<vmem>>, vector<16xf32>,
        %add3A_864 = arith.addf %get3A_859, %get3A_863 : vector<16xf32>
        %mul3A_865 = arith.constant 16 : i32
        %mul3A_866 = arith.muli %while3A_271, %mul3A_865 : i32
        %add3A_867 = arith.constant 14 : i32
        %add3A_868 = arith.addi %mul3A_866, %add3A_867 : i32
        %swap3A_869 = arith.index_cast %add3A_868 : i32 to index
        %swap3A_870 = arith.constant 16 : index
        %swap3A_871 = tpu.vector_load %arg8[%swap3A_869, %swap3A_870] {strides = array<i32>} : memref<1024x32xf32, #tpu.memory_space<vmem>>, vector<16xf32>,
        tpu.vector_store %arg8[%swap3A_869, %swap3A_870], %add3A_864 {strides = array<i32>} : memref<1024x32xf32, #tpu.memory_space<vmem>>, vector<16xf32>,
        %mul3A_872 = arith.constant 16 : i32
        %mul3A_873 = arith.muli %while3A_271, %mul3A_872 : i32
        %add3A_874 = arith.constant 15 : i32
        %add3A_875 = arith.addi %mul3A_873, %add3A_874 : i32
        %get3A_876 = arith.index_cast %add3A_875 : i32 to index
        %get3A_877 = arith.constant 0 : index
        %get3A_878 = tpu.vector_load %arg8[%get3A_876, %get3A_877] {strides = array<i32>} : memref<1024x32xf32, #tpu.memory_space<vmem>>, vector<16xf32>,
        %get3A_879 = arith.constant 15 : i32
        %get3A_880 = arith.index_cast %get3A_879 : i32 to index
        %get3A_881 = arith.constant 0 : index
        %get3A_882 = tpu.vector_load %arg10[%get3A_880, %get3A_881] {strides = array<i32>} : memref<16x32xf32, #tpu.memory_space<vmem>>, vector<16xf32>,
        %add3A_883 = arith.addf %get3A_878, %get3A_882 : vector<16xf32>
        %mul3A_884 = arith.constant 16 : i32
        %mul3A_885 = arith.muli %while3A_271, %mul3A_884 : i32
        %add3A_886 = arith.constant 15 : i32
        %add3A_887 = arith.addi %mul3A_885, %add3A_886 : i32
        %swap3A_888 = arith.index_cast %add3A_887 : i32 to index
        %swap3A_889 = arith.constant 0 : index
        %swap3A_890 = tpu.vector_load %arg8[%swap3A_888, %swap3A_889] {strides = array<i32>} : memref<1024x32xf32, #tpu.memory_space<vmem>>, vector<16xf32>,
        tpu.vector_store %arg8[%swap3A_888, %swap3A_889], %add3A_883 {strides = array<i32>} : memref<1024x32xf32, #tpu.memory_space<vmem>>, vector<16xf32>,
        %mul3A_891 = arith.constant 16 : i32
        %mul3A_892 = arith.muli %while3A_271, %mul3A_891 : i32
        %add3A_893 = arith.constant 15 : i32
        %add3A_894 = arith.addi %mul3A_892, %add3A_893 : i32
        %get3A_895 = arith.index_cast %add3A_894 : i32 to index
        %get3A_896 = arith.constant 16 : index
        %get3A_897 = tpu.vector_load %arg8[%get3A_895, %get3A_896] {strides = array<i32>} : memref<1024x32xf32, #tpu.memory_space<vmem>>, vector<16xf32>,
        %get3A_898 = arith.constant 15 : i32
        %get3A_899 = arith.index_cast %get3A_898 : i32 to index
        %get3A_900 = arith.constant 16 : index
        %get3A_901 = tpu.vector_load %arg10[%get3A_899, %get3A_900] {strides = array<i32>} : memref<16x32xf32, #tpu.memory_space<vmem>>, vector<16xf32>,
        %add3A_902 = arith.addf %get3A_897, %get3A_901 : vector<16xf32>
        %mul3A_903 = arith.constant 16 : i32
        %mul3A_904 = arith.muli %while3A_271, %mul3A_903 : i32
        %add3A_905 = arith.constant 15 : i32
        %add3A_906 = arith.addi %mul3A_904, %add3A_905 : i32
        %swap3A_907 = arith.index_cast %add3A_906 : i32 to index
        %swap3A_908 = arith.constant 16 : index
        %swap3A_909 = tpu.vector_load %arg8[%swap3A_907, %swap3A_908] {strides = array<i32>} : memref<1024x32xf32, #tpu.memory_space<vmem>>, vector<16xf32>,
        tpu.vector_store %arg8[%swap3A_907, %swap3A_908], %add3A_902 {strides = array<i32>} : memref<1024x32xf32, #tpu.memory_space<vmem>>, vector<16xf32>,
      }
      %barrier3A_260 = arith.constant 0 : index
      tpu.barrier barrier_id(%barrier3A_260)
      %while3A_261 = arith.constant 0 : i32
      %while3A_262 = arith.constant 0 : i32
      %while3A_263 = arith.subi %select_n3A, %while3A_262 : i32
      %while3A_264 = arith.addi %while3A_262, %while3A_263 : i32
      %while3A_265 = arith.constant 1 : i32
      %while3A_266 = arith.divsi %while3A_263, %while3A_265 : i32
      %while3A_267 = arith.muli %while3A_266, %while3A_265 : i32
      %while3A_268 = arith.addi %while3A_262, %while3A_267 : i32
      %while3A_269 = arith.constant 1 : i32
      scf.for %while3A_271 = %while3A_262 to %while3A_268 step %while3A_269  : i32 {
        %mul3A_272 = arith.constant 16 : i32
        %mul3A_273 = arith.muli %while3A_271, %mul3A_272 : i32
        %add3A_274 = arith.addi %mul3A_229, %mul3A_273 : i32
        %get3A_275 = arith.index_cast %add3A_274 : i32 to index
        %get3A_276 = tpu.vector_load %arg7[%get3A_275] {strides = array<i32>} : memref<16640xi32, #tpu.memory_space<vmem>>, vector<16xi32>,
        %mul3A_277 = arith.constant 16 : i32
        %mul3A_278 = arith.muli %while3A_271, %mul3A_277 : i32
        %sub3A_279 = arith.subi %get3A_205, %mul3A_278 : i32
        %lt3A = vector.broadcast %sub3A_279 : i32 to vector<16xi32>
        %lt3A_280 = arith.cmpi slt, %iota3A, %lt3A : vector<16xi32>
        %jit3A_281 = arith.constant 0 : i32
        %broadcast_in_dim3A_282 = vector.broadcast %jit3A_281 : i32 to vector<16xi32>
        %select_n3A_283 = arith.select %lt3A_280, %get3A_276, %broadcast_in_dim3A_282 : vector<16xi1>, vector<16xi32>
        %reduce_max3A = arith.constant true
        %reduce_max3A_284 = vector.broadcast %reduce_max3A : i1 to vector<16xi1>
        %reduce_max3A_285 = arith.constant -2147483648 : i32
        %reduce_max3A_286 = vector.broadcast %reduce_max3A_285 : i32 to vector<16xi32>
        %reduce_max3A_287 = arith.xori %select_n3A_283, %reduce_max3A_286 : vector<16xi32>
        %reduce_max3A_288 = tpu.scan <max>, %reduce_max3A_287 masked %reduce_max3A_284 : vector<16xi32>, vector<16xi1> -> vector<16xi32>
        %reduce_max3A_289 = arith.xori %reduce_max3A_288, %reduce_max3A_286 : vector<16xi32>
        %reduce_max3A_290 = vector.extract %reduce_max3A_289[15] : i32 from vector<16xi32>
        %broadcast_in_dim3A_291 = vector.broadcast %reduce_max3A_290 : i32 to vector<16xi32>
        %select_n3A_292 = arith.select %lt3A_280, %get3A_276, %broadcast_in_dim3A_291 : vector<16xi1>, vector<16xi32>
        %shift_right_arithmetic3A = arith.constant 10 : i32
        %shift_right_arithmetic3A_293 = vector.broadcast %shift_right_arithmetic3A : i32 to vector<16xi32>
        %shift_right_arithmetic3A_294 = arith.shrsi %select_n3A_292, %shift_right_arithmetic3A_293 : vector<16xi32>
        %and3A_295 = arith.constant 1023 : i32
        %and3A_296 = vector.broadcast %and3A_295 : i32 to vector<16xi32>
        %and3A_297 = arith.andi %select_n3A_292, %and3A_296 : vector<16xi32>
        %mul3A_298 = arith.constant 16 : i32
        %mul3A_299 = arith.muli %while3A_271, %mul3A_298 : i32
        "tpu.region"() ({
          %run_scoped3A = tpu.sem_alloc : memref<!tpu.dma_semaphore, #tpu.memory_space<semaphore_mem>>
          %dma_start3A = arith.constant 0 : i32
          %dma_start3A_300 = tpu.memref_slice %arg8[%mul3A_299, %dma_start3A] : memref<1024x32xf32, #tpu.memory_space<vmem>> -> memref<16x32xf32, #tpu.memory_space<vmem>>
          %dma_start3A_301 = arith.constant 0 : i32
          %dma_start3A_302 = arith.constant 0 : i32
          %dma_start3A_303 = tpu.memref_slice %arg2[%dma_start3A_301, %dma_start3A_302] : memref<1000000x32xf32, #tpu.memory_space<hbm>> -> memref<1000000x32xf32, #tpu.memory_space<hbm>>
          tpu.enqueue_indirect_dma source(%dma_start3A_300 : memref<16x32xf32, #tpu.memory_space<vmem>>) target(%dma_start3A_303 : memref<1000000x32xf32, #tpu.memory_space<hbm>>) offsets(%shift_right_arithmetic3A_294 : vector<16xi32>) semaphore(%run_scoped3A : memref<!tpu.dma_semaphore, #tpu.memory_space<semaphore_mem>>)
          %dma_wait3A = arith.constant 0 : i32
          %dma_wait3A_304 = tpu.memref_slice %arg8[%mul3A_299, %dma_wait3A] : memref<1024x32xf32, #tpu.memory_space<vmem>> -> memref<16x32xf32, #tpu.memory_space<vmem>>
          %dma_wait3A_305 = arith.constant 0 : i32
          %dma_wait3A_306 = arith.constant 0 : i32
          %dma_wait3A_307 = tpu.memref_slice %arg2[%dma_wait3A_305, %dma_wait3A_306] : memref<1000000x32xf32, #tpu.memory_space<hbm>> -> memref<1000000x32xf32, #tpu.memory_space<hbm>>
          tpu.wait_indirect_dma semaphore(%run_scoped3A : memref<!tpu.dma_semaphore, #tpu.memory_space<semaphore_mem>>) src(%dma_wait3A_304 : memref<16x32xf32, #tpu.memory_space<vmem>>) dst(%dma_wait3A_307 : memref<1000000x32xf32, #tpu.memory_space<hbm>>)
          tpu.yield
        }) : () -> ()
      }
      %while3A_270 = arith.constant 1 : i32
      scf.for %while3A_271 = %while3A_268 to %while3A_264 step %while3A_270  : i32 {
        %mul3A_272 = arith.constant 16 : i32
        %mul3A_273 = arith.muli %while3A_271, %mul3A_272 : i32
        %add3A_274 = arith.addi %mul3A_229, %mul3A_273 : i32
        %get3A_275 = arith.index_cast %add3A_274 : i32 to index
        %get3A_276 = tpu.vector_load %arg7[%get3A_275] {strides = array<i32>} : memref<16640xi32, #tpu.memory_space<vmem>>, vector<16xi32>,
        %mul3A_277 = arith.constant 16 : i32
        %mul3A_278 = arith.muli %while3A_271, %mul3A_277 : i32
        %sub3A_279 = arith.subi %get3A_205, %mul3A_278 : i32
        %lt3A = vector.broadcast %sub3A_279 : i32 to vector<16xi32>
        %lt3A_280 = arith.cmpi slt, %iota3A, %lt3A : vector<16xi32>
        %jit3A_281 = arith.constant 0 : i32
        %broadcast_in_dim3A_282 = vector.broadcast %jit3A_281 : i32 to vector<16xi32>
        %select_n3A_283 = arith.select %lt3A_280, %get3A_276, %broadcast_in_dim3A_282 : vector<16xi1>, vector<16xi32>
        %reduce_max3A = arith.constant true
        %reduce_max3A_284 = vector.broadcast %reduce_max3A : i1 to vector<16xi1>
        %reduce_max3A_285 = arith.constant -2147483648 : i32
        %reduce_max3A_286 = vector.broadcast %reduce_max3A_285 : i32 to vector<16xi32>
        %reduce_max3A_287 = arith.xori %select_n3A_283, %reduce_max3A_286 : vector<16xi32>
        %reduce_max3A_288 = tpu.scan <max>, %reduce_max3A_287 masked %reduce_max3A_284 : vector<16xi32>, vector<16xi1> -> vector<16xi32>
        %reduce_max3A_289 = arith.xori %reduce_max3A_288, %reduce_max3A_286 : vector<16xi32>
        %reduce_max3A_290 = vector.extract %reduce_max3A_289[15] : i32 from vector<16xi32>
        %broadcast_in_dim3A_291 = vector.broadcast %reduce_max3A_290 : i32 to vector<16xi32>
        %select_n3A_292 = arith.select %lt3A_280, %get3A_276, %broadcast_in_dim3A_291 : vector<16xi1>, vector<16xi32>
        %shift_right_arithmetic3A = arith.constant 10 : i32
        %shift_right_arithmetic3A_293 = vector.broadcast %shift_right_arithmetic3A : i32 to vector<16xi32>
        %shift_right_arithmetic3A_294 = arith.shrsi %select_n3A_292, %shift_right_arithmetic3A_293 : vector<16xi32>
        %and3A_295 = arith.constant 1023 : i32
        %and3A_296 = vector.broadcast %and3A_295 : i32 to vector<16xi32>
        %and3A_297 = arith.andi %select_n3A_292, %and3A_296 : vector<16xi32>
        %mul3A_298 = arith.constant 16 : i32
        %mul3A_299 = arith.muli %while3A_271, %mul3A_298 : i32
        "tpu.region"() ({
          %run_scoped3A = tpu.sem_alloc : memref<!tpu.dma_semaphore, #tpu.memory_space<semaphore_mem>>
          %dma_start3A = arith.constant 0 : i32
          %dma_start3A_300 = tpu.memref_slice %arg8[%mul3A_299, %dma_start3A] : memref<1024x32xf32, #tpu.memory_space<vmem>> -> memref<16x32xf32, #tpu.memory_space<vmem>>
          %dma_start3A_301 = arith.constant 0 : i32
          %dma_start3A_302 = arith.constant 0 : i32
          %dma_start3A_303 = tpu.memref_slice %arg2[%dma_start3A_301, %dma_start3A_302] : memref<1000000x32xf32, #tpu.memory_space<hbm>> -> memref<1000000x32xf32, #tpu.memory_space<hbm>>
          tpu.enqueue_indirect_dma source(%dma_start3A_300 : memref<16x32xf32, #tpu.memory_space<vmem>>) target(%dma_start3A_303 : memref<1000000x32xf32, #tpu.memory_space<hbm>>) offsets(%shift_right_arithmetic3A_294 : vector<16xi32>) semaphore(%run_scoped3A : memref<!tpu.dma_semaphore, #tpu.memory_space<semaphore_mem>>)
          %dma_wait3A = arith.constant 0 : i32
          %dma_wait3A_304 = tpu.memref_slice %arg8[%mul3A_299, %dma_wait3A] : memref<1024x32xf32, #tpu.memory_space<vmem>> -> memref<16x32xf32, #tpu.memory_space<vmem>>
          %dma_wait3A_305 = arith.constant 0 : i32
          %dma_wait3A_306 = arith.constant 0 : i32
          %dma_wait3A_307 = tpu.memref_slice %arg2[%dma_wait3A_305, %dma_wait3A_306] : memref<1000000x32xf32, #tpu.memory_space<hbm>> -> memref<1000000x32xf32, #tpu.memory_space<hbm>>
          tpu.wait_indirect_dma semaphore(%run_scoped3A : memref<!tpu.dma_semaphore, #tpu.memory_space<semaphore_mem>>) src(%dma_wait3A_304 : memref<16x32xf32, #tpu.memory_space<vmem>>) dst(%dma_wait3A_307 : memref<1000000x32xf32, #tpu.memory_space<hbm>>)
          tpu.yield
        }) : () -> ()
      }
    }
    %scan3A_203 = arith.constant 16 : i32
    return
  }
}

</mosaic_0001>

<sc_bundles>
// kernel: kernel.3.cloned.1.call-start
scs
__scs_entry_jumppad:
0x0: {  	(pc) =	sbr.rel $0x88, $3  }
0x1: {  	(tag) =	ssettag $0x0;
	lr =	simm.s32 $0x1  }
0x2: {  	[smem:$0x3F9E] =	sst lr;
	_ =	strace $0xD0000000  }
0x3: {  	_ = 	snop  }
0x4: {  	_ = 	snop  }
0x5: {  	_ = 	snop  }
0x6: {  	_ = 	snop  }
0x7: {  	_ = 	snop  }
__scs_overlays_trampoline_lowered:
0x8: {  	[smem:$0x3FAD] =	sst s0  }
0x9: {  	[smem:$0x3FAE] =	sst s1  }
0xa: {  	[smem:$0x3FAF] =	sst s2  }
0xb: {  	[smem:$0x3FB0] =	sst s3  }
0xc: {  	[smem:$0x3FB1] =	sst s4  }
0xd: {  	[smem:$0x3FB2] =	sst s5  }
0xe: {  	[smem:$0x3FB3] =	sst s6  }
0xf: {  	[smem:$0x3FB4] =	sst s7  }
0x10: {  	[smem:$0x3FB5] =	sst s8  }
0x11: {  	[smem:$0x3FB6] =	sst s9;
	s0 =	simm.s32 @!p0 $0x0  }
0x12: {  	s1 =	sld [smem:$0x3F9C];
	s0 =	simm.s32 @p0 $0x1  }
0x13: {  	[smem:$0x3FB7] =	sst s0;
	s0 =	simm.s32 @!p1 $0x0  }
0x14: {  	s2 =	sld [smem:$0x3F9B];
	s0 =	simm.s32 @p1 $0x1  }
0x15: {  	[smem:$0x3FB8] =	sst s0;
	s0 =	simm.s32 @!p2 $0x0  }
0x16: {  	s3 =	sld [smem:$0x3FDB];
	s0 =	simm.s32 @p2 $0x1  }
0x17: {  	s4 =	simm.s32 $0x1BF5;
	[smem:$0x3FBA] =	sst s0  }
0x18: {  	s0 =	sld [smem:$0x3F9D];
	_ =	swait.ge [sflag:s4], $0x0  }
0x19: {  	s7 =	sld [smem:$0x3F9E]  }
0x1a: {  	s8 =	sadd.s32 $0xFFFFE003, lr  }
0x1b: {  	s9 =	sadd.s32 $0xFFFFFEF7, lr;
	s5 =	simm.s32 $0xFFFFFFFF;
	p2 =	slt.u32 s8, $0xFFFFF086  }
0x1c: {  	p1 =	slt.u32 s9, $0xF7A;
	s5 =	simm.s32 @!p2 $0x0  }
0x1d: {  	s5 =	simm.s32 @p1 $0x1;
	p0 =	seq.s32 s7, s2  }
0x1e: {  	s7 =	smul.u32 @!p0 $0xF7A, s2;
	p2 =	seq.s32 @!p0 s5, $0x0  }
0x1f: {  	s9 =	smul.u32 $0xF7A, s1;
	s8 =	simm.s32 @!p0 $0x1BF5;
	p2 =	por !p2, p0  }
0x20: {  	[sflag:s8] =	ssyncset.s32 @!p0 $0xFFFFF086;
	s6 =	sadd.s32 @!p0 s3, s7;
	s7 =	simm.s32 @!p0 $0x108  }
0x21: {  	s3 =	sadd.s32 s3, s9;
	s6 =	sadd.s32 @!p0 $0x88, s6;
	s7 =	simm.s32 @p2 $0x1082  }
0x22: {  	[simem:s7], [sflag:s8] =	dma.local @!p0 [hbm:s6], $0xF7A  }
0x23: {  	s9 =	sor.u32 $0xD0000000, s2;
	s6 =	simm.s32 $0x108;
	_ =	swait.ge @!p0 [sflag:s8], $0x0  }
0x24: {  	s3 =	sadd.s32 $0x88, s3;
	s6 =	simm.s32 @!p1 $0x1082;
	[sflag:s4] =	ssyncset.s32 $0xFFFFF086  }
0x25: {  	[simem:s6], [sflag:s4] =	dma.local [hbm:s3], $0xF7A  }
0x26: {  	[smem:$0x3F9E] =	sst s1;
	(tag) =	ssettag s2;
	_ =	strace s9  }
0x27: {  	s1 =	sld [smem:$0x3FAE]  }
0x28: {  	s2 =	sld [smem:$0x3FAF]  }
0x29: {  	s4 =	sld [smem:$0x3FB1]  }
0x2a: {  	p0 =	seq.s32 s5, $0x0;
	s5 =	sld [smem:$0x3FB2]  }
0x2b: {  	s6 =	sld [smem:$0x3FB3]  }
0x2c: {  	s7 =	sld [smem:$0x3FB4]  }
0x2d: {  	s3 =	simm.s32 $0x108;
	s8 =	sld [smem:$0x3FB5]  }
0x2e: {  	s3 =	simm.s32 @!p0 $0x1082;
	s9 =	sld [smem:$0x3FB6]  }
0x2f: {  	lr =	sadd.s32 s0, s3;
	s0 =	sld [smem:$0x3FAD]  }
0x30: {  	s3 =	sld [smem:$0x3FB0]  }
0x31: {  	[smem:$0x3FB9] =	sst s10  }
0x32: {  	s10 =	sld [smem:$0x3FB7];
	_ =	sdelay $0x3  }
0x33: {  	p0 =	seq.s32 s10, $0x1;
	s10 =	sld [smem:$0x3FB9];
	_ =	sdelay $0x3  }
0x34: {  	[smem:$0x3FB9] =	sst s10  }
0x35: {  	s10 =	sld [smem:$0x3FB8];
	_ =	sdelay $0x3  }
0x36: {  	p1 =	seq.s32 s10, $0x1;
	s10 =	sld [smem:$0x3FB9];
	_ =	sdelay $0x3  }
0x37: {  	[smem:$0x3FB9] =	sst s10  }
0x38: {  	s10 =	sld [smem:$0x3FBA]  }
0x39: {  	_ = 	snop;
	(pc) =	sbr.ind lr, $3  }
0x3a: {  	_ = 	snop  }
0x3b: {  	_ = 	snop  }
0x3c: {  	p2 =	seq.s32 s10, $0x1;
	s10 =	sld [smem:$0x3FB9]  }
0x3d: {  	_ =	shalt  }
0x3e: {  	_ =	shalt  }
0x3f: {  	_ =	shalt  }
0x40: {  	_ =	shalt  }
0x41: {  	_ =	shalt  }
0x42: {  	_ =	shalt  }
0x43: {  	_ =	shalt  }
0x44: {  	_ =	shalt  }
0x45: {  	_ =	shalt  }
0x46: {  	_ =	shalt  }
0x47: {  	_ =	shalt  }
0x48: {  	_ =	shalt  }
0x49: {  	_ =	shalt  }
0x4a: {  	_ =	shalt  }
0x4b: {  	_ =	shalt  }
0x4c: {  	_ =	shalt  }
0x4d: {  	_ =	shalt  }
0x4e: {  	_ =	shalt  }
0x4f: {  	_ =	shalt  }
0x50: {  	_ =	shalt  }
0x51: {  	_ =	shalt  }
0x52: {  	_ =	shalt  }
0x53: {  	_ =	shalt  }
0x54: {  	_ =	shalt  }
0x55: {  	_ =	shalt  }
0x56: {  	_ =	shalt  }
0x57: {  	_ =	shalt  }
0x58: {  	_ =	shalt  }
0x59: {  	_ =	shalt  }
0x5a: {  	_ =	shalt  }
0x5b: {  	_ =	shalt  }
0x5c: {  	_ =	shalt  }
0x5d: {  	_ =	shalt  }
0x5e: {  	_ =	shalt  }
0x5f: {  	_ =	shalt  }
0x60: {  	_ =	shalt  }
0x61: {  	_ =	shalt  }
0x62: {  	_ =	shalt  }
0x63: {  	_ =	shalt  }
0x64: {  	_ =	shalt  }
0x65: {  	_ =	shalt  }
0x66: {  	_ =	shalt  }
0x67: {  	_ =	shalt  }
0x68: {  	_ =	shalt  }
0x69: {  	_ =	shalt  }
0x6a: {  	_ =	shalt  }
0x6b: {  	_ =	shalt  }
0x6c: {  	_ =	shalt  }
0x6d: {  	_ =	shalt  }
0x6e: {  	_ =	shalt  }
0x6f: {  	_ =	shalt  }
0x70: {  	_ =	shalt  }
0x71: {  	_ =	shalt  }
0x72: {  	_ =	shalt  }
0x73: {  	_ =	shalt  }
0x74: {  	_ =	shalt  }
0x75: {  	_ =	shalt  }
0x76: {  	_ =	shalt  }
0x77: {  	_ =	shalt  }
0x78: {  	_ =	shalt  }
0x79: {  	_ =	shalt  }
0x7a: {  	_ =	shalt  }
0x7b: {  	_ =	shalt  }
0x7c: {  	_ =	shalt  }
0x7d: {  	_ =	shalt  }
0x7e: {  	_ =	shalt  }
0x7f: {  	_ =	shalt  }
0x80: {  	_ =	shalt  }
0x81: {  	_ =	shalt  }
0x82: {  	_ =	shalt  }
0x83: {  	_ =	shalt  }
0x84: {  	_ =	shalt  }
0x85: {  	_ =	shalt  }
0x86: {  	_ =	shalt  }
0x87: {  	_ =	shalt  }
.Lfunc_end0:
.L_simem_size_0:
called_computation.1_lowered:
.L_overlay_start_0:
0x88: {  	s2 =	sld [smem:$0x3FD9]  }
0x89: {  	s3 =	sld [smem:$0x3FFE];
	_ =	sdelay $0x1  }
0x8a: {  	s1 =	srdreg.scid  }
0x8b: {  	s0 =	sand.u32 $0x1, s1  }
0x8c: {  	s17 =	sshll.u32 s0, $0xA;
	s2 =	sadd.s32 s3, s2  }
0x8d: {  	s2 =	sadd.s32 s2, s17  }
0x8e: {  	[smem:$0x3FC5] =	sst s2  }
0x8f: {  	_ = 	snop  }
0x90: {  	s2 =	sld [smem:$0x3FC7]  }
0x91: {  	s18 =	sld [smem:$0x3FD0];
	(tm) =	ssettm $0x1  }
0x92: {  	s4 =	sld [smem:$0x3FFB];
	_ =	sdelay $0x3  }
0x93: {  	_ =	strace s4  }
0x94: {  	s4 =	sld [smem:$0x3FFC];
	_ =	sdelay $0x3  }
0x95: {  	_ =	strace s4  }
0x96: {  	s4 =	sld [smem:$0x3FFD];
	_ =	sdelay $0x3  }
0x97: {  	_ =	strace s4  }
0x98: {  	_ =	strace $0x8FFFFFFF  }
0x99: {  	s19 =	sld [smem:$0x3FDB];
	_ =	sdelay $0x1  }
0x9a: {  	s5 =	simm.s32 $_scs_section_size  }
0x9b: {  	s6 =	simm.s32 $_size__tile_overlayer_lowered;
	s7 =	simm.s32 $_tile_overlayer_lowered  }
0x9c: {  	s22 =	simm.s32 $0x1BFF;
	s21 =	sshll.u32 s7, $0x1;
	s4 =	sadd.s32 s5, s19  }
0x9d: {  	s8 =	simm.s32 $0x0;
	s20 =	sshll.u32 s6, $0x1;
	s6 =	sadd.s32 s21, s4  }
0x9e: {  	[timem:s8], [sflag:s22] =	dma.local [hbm:s6], s20  }
0x9f: {  	_ =	swait.ge [sflag:s22], s20  }
0xa0: {  	s5 =	ssub.s32 $0x0, s20;
	[sflag:s22] =	ssyncset.done $0x0  }
0xa1: {  	[sflag:s22] =	ssyncadd.s32 s5;
	_ =	sdelay $0x1  }
0xa2: {  	s23 =	simm.s32 $0x1B8B  }
0xa3: {  	_ =	swait.ge [sflag:s23], $0x1  }
0xa4: {  	[sflag:s23] =	ssyncset.done $0x0  }
0xa5: {  	s25 =	simm.s32 $0x1B8E;
	s24 =	sld [smem:$0x3FFE];
	[sflag:s23] =	ssyncadd.s32 $0xFFFFFFFF  }
0xa6: {  	s26 =	simm.s32 $execute0_lowered;
	[smem:$0x3FD2] =	sst s25  }
0xa7: {  	s6 =	sshll.u32 s26, $0x1;
	_ =	strace $0x80000046;
	[dreg:$0x1] =	wrdreg $0xFFFFFFFF  }
0xa8: {  	s28 =	simm.s32 $_size_execute0_lowered;
	s4 =	sadd.s32 s4, s6;
	[dreg:$0x0] =	wrdreg $0x0  }
0xa9: {  	s6 =	sshll.u32 s28, $0x1;
	[dreg:$0x2] =	wrdreg s4  }
0xaa: {  	[dreg:$0x3] =	wrdreg s6  }
0xab: {  	[dreg:$0x4] =	wrdreg $0xC0  }
0xac: {  	_ =	task [dreg:s8], $0x5FFFF  }
0xad: {  	[dreg:$0x1] =	wrdreg $0xFFFFFFFF  }
0xae: {  	[dreg:$0x0] =	wrdreg $0x60  }
0xaf: {  	[dreg:$0x2] =	wrdreg s18  }
0xb0: {  	[dreg:$0x3] =	wrdreg s24  }
0xb1: {  	[dreg:$0x4] =	wrdreg s2  }
0xb2: {  	[dreg:$0x5] =	wrdreg $0xCB000  }
0xb3: {  	[dreg:$0x6] =	wrdreg $0x9  }
0xb4: {  	_ =	task.clear_ibuf [dreg:s8], $0x7FFFF;
	_ =	strace $0x90000046  }
0xb5: {  	s29 =	simm.s32 $0x9;
	_ =	strace $0x80000048  }
0xb6: {  	_ =	swait.ge [sflag:s29], $0x1  }
0xb7: {  	[sflag:s29] =	ssyncadd.s32 $0xFFFFFFFF  }
0xb8: {  	_ =	strace $0x90000048  }
0xb9: {  	_ =	sfence  }
0xba: {  	s30 =	sld [smem:$0x0];
	_ =	sdelay $0x2  }
0xbb: {  	s31 =	sshll.u32 s1, $0xD;
	s1 =	sshrl.u32 s1, $0x2  }
0xbc: {  	s3 =	sand.u32 $0x4000, s31;
	s1 =	sadd.s32 s1, s30  }
0xbd: {  	s0 =	sor.u32 s3, s0;
	s1 =	sshll.u32 s1, $0x11  }
0xbe: {  	s0 =	sor.u32 s1, s0  }
0xbf: {  	s0 =	sadd.s32 $0x8F2B, s0  }
0xc0: {  	[sflag:s0] =	ssyncadd.remote.s32 $0x1  }
0xc1: {  	_ =	sfence.sel $0xFFFF  }
0xc2: {  	[dreg:$0x0] =	wrdreg $0xFFFFFFFF;
	(pc) =	sbr.abs _section_cstart, $3  }
0xc3: {  	[dreg:$0x1] =	wrdreg $0xFFFFFFFF  }
0xc4: {  	_ =	task.clear_ibuf [dreg:s8], $0x2FFFF;
	_ =	strace $0x9FFFFFFF  }
0xc5: {  	(tm) =	ssettm $0x7FFFFFFF  }
tec
execute0_lowered:
.L_overlay_start_1:
0x0: {  	(tag) =	ssettag $0x1  }
0x1: {  	v0 =	vimm.s32 $0xECA86420;
	vm1 =	vcmask $0xB08;
	vm2 =	vcmask $0x1310  }
0x2: {  	vm3 =	vcmask $0x1B18;
	vm4 =	vcmask $0x300;
	vm5 =	vcmask $0x2320  }
0x3: {  	vm6 =	vcmask $0x2B28;
	vm7 =	vcmask $0x3330;
	v19 =	vlaneseq.u32  }
0x4: {  	vm8 =	vcmask $0x3B38;
	vm12 =	vmmov $0xff;
	vm13 =	vcmask $0x704  }
0x5: {  	s0 =	srdreg.scid;
	vm14 =	vcmask $0xF0C;
	vm15 =	vcmask $0x1714;
	vm0 =	vcmask $0x1F1C  }
0x6: {  	s25 =	stileid.u32;
	vm9 =	vcmask $0x2724;
	vm10 =	vcmask $0x2F2C;
	vm11 =	vcmask $0x3734;
	s6 =	sand.u32 $0x1, s0  }
0x7: {  	s7 =	rddreg [dreg:$0x1];
	v51 =	vimm.s32 $0x0;
	s29 =	sshll.u32 s25, $0xA;
	v0 =	vunpack.c.l.s4.s8 v0;
	v21 =	vmul.u32 $0x20, v19;
	s13 =	sshll.u32 s6, $0x4  }
0x8: {  	s8 =	rddreg [dreg:$0x2];
	s5 =	simm.s32 $0x0;
	v50 =	vmul.u32 $0x2, v19;
	s28 =	sshllo.u32 s6, $0x4;
	v16 =	vmov s29;
	v11 =	vmov s13  }
0x9: {  	[smem:$0x7FF] =	sst s5;
	s2 =	sor.u32 $0x3, s13;
	v48 =	vmov s28;
	v49 =	vunpack.c.0.s8.s32 v0;
	v23 =	vor.u32 $0x1, v21  }
0xa: {  	s4 =	sor.u32 $0xD, s13;
	v24 =	vor.u32 $0x2, v21;
	v25 =	vor.u32 $0x3, v21;
	v14 =	vmov s2;
	s2 =	rddreg [dreg:$0x0]  }
0xb: {  	s19 =	sor.u32 $0x7, s13;
	v26 =	vor.u32 $0x4, v21;
	v27 =	vor.u32 $0x5, v21;
	v9 =	vmov s4;
	s4 =	rddreg [dreg:$0x3];
	_ =	strace $0x80000047;
	[tilespmem:$0x1FFC0] =	vst v48  }
0xc: {  	s20 =	sor.u32 $0x8, s13;
	v28 =	vor.u32 $0x6, v21;
	v29 =	vor.u32 $0x7, v21;
	v3 =	vmov s19;
	[tilespmem:$0x1FFE0] =	vst v50  }
0xd: {  	s21 =	sor.u32 $0x9, s13;
	v30 =	vor.u32 $0x8, v21;
	v31 =	vor.u32 $0x9, v21;
	v4 =	vmov s20;
	[tilespmem:$0x1FF40] =	vst v3  }
0xe: {  	s12 =	simm.s32 $0xC700;
	s22 =	sor.u32 $0xA, s13;
	v32 =	vor.u32 $0xA, v21;
	v33 =	vor.u32 $0xB, v21;
	v5 =	vmov s21;
	[tilespmem:$0x1FF50] =	vst v4  }
0xf: {  	s11 =	sshll.u32 s25, $0x7;
	s30 =	sadd.s32 $0xA00, s7;
	s23 =	sor.u32 $0xB, s13;
	v34 =	vor.u32 $0xC, v21;
	v35 =	vor.u32 $0xD, v21;
	v6 =	vmov s22;
	[tilespmem:$0x1FF60] =	vst v5  }
0x10: {  	s7 =	simm.s32 $0x0;
	s9 =	ssub.s32 $0x2, s6;
	s24 =	sor.u32 $0xC, s13;
	v36 =	vor.u32 $0xE, v21;
	v37 =	vor.u32 $0xF, v21;
	v7 =	vmov s23;
	[tilespmem:$0x1FF70] =	vst v6  }
0x11: {  	s0 =	sadd.s32 s8, s11;
	s11 =	simm.s32 $0xC500;
	s1 =	sor.u32 $0x1, s13;
	v38 =	vor.u32 $0x10, v21;
	v39 =	vor.u32 $0x11, v21;
	v8 =	vmov s24;
	[tilespmem:$0x1FF80] =	vst v7  }
.Ltmp0:
0x12: {  	s16 =	sor.u32 $0x2, s13;
	s26 =	sor.u32 $0xE, s13;
	v40 =	vor.u32 $0x12, v21;
	v41 =	vor.u32 $0x13, v21;
	v42 =	vor.u32 $0x14, v21;
	[tilespmem:$0x1FF90] =	vst v8;
	(pc) =	sbr.rel .LBB2_1-.Ltmp0, $4  }
0x13: {  	s3 =	sor.u32 $0x4, s13;
	s10 =	sshrl.u32 s9, $0x1;
	v43 =	vor.u32 $0x15, v21;
	v44 =	vor.u32 $0x16, v21;
	v10 =	vmov s26;
	[dreg:$0x7] =	wrdreg s0;
	[tilespmem:$0x1FFA0] =	vst v9  }
0x14: {  	s17 =	sor.u32 $0x5, s13;
	v45 =	vor.u32 $0x17, v21;
	v46 =	vor.u32 $0x18, v21;
	v0 =	vimm.s32 $0x0;
	s9 =	ssub.s32 s9, s10;
	[dreg:$0x5] =	wrdreg s13;
	[tilespmem:$0x1FFB0] =	vst v10  }
0x15: {  	s18 =	sor.u32 $0x6, s13;
	v12 =	vmov s1;
	v13 =	vmov s16;
	v0 =	vsel vm12, $0xFFFFFFFF, v0;
	[dreg:$0x6] =	wrdreg s30;
	s31 =	smax.u32 s9, $0x1;
	[tilespmem:$0x1FFD0] =	vst v49  }
0x16: {  	v15 =	vmov s3;
	v18 =	vmov s17;
	v20 =	vmov s18;
	s10 =	simm.s32 $0xC900;
	s9 =	simm.s32 $0x1;
	[tilespmem:$0x1FFF0] =	vst v0;
	[dreg:$0x8] =	wrdreg s31  }
.LBB2_15:
0x17: {  	s7 =	sadd.s32 $0x1, s7;
	s0 =	rddreg [dreg:$0x8]  }
0x18: {  	p0 =	sne.s32 s7, s0  }
.Ltmp1:
0x19: {  	_ = 	snop;
	(pc) =	sbr.rel @!p0 .LBB2_16-.Ltmp1, $1  }
0x1a: {  	_ =	sdelay $0x3  }
.LBB2_1:
0x1b: {  	[dreg:$0x9] =	wrdreg s7  }
0x1c: {  	s0 =	rddreg [dreg:$0x7]  }
0x1d: {  	[tilespmem:s5], [sflag:$0x1] =	stream.linear.gather [hbm4b:s0+s5], $0x400, $0x38;
	[tilespmem:$0x1BF28] =	vst v63  }
0x1e: {  	_ =	swait.ge [sflag:s9], $0x400  }
0x1f: {  	[sflag:s9] =	ssyncset.done $0x0  }
0x20: {  	v0 =	vimm.f32 $0.0e+00;
	[sflag:s9] =	ssyncadd.s32 $0xFFFFFC00  }
0x21: {  	[tilespmem:$0xC900] =	vst v0  }
0x22: {  	[tilespmem:$0xC910] =	vst v0  }
0x23: {  	[tilespmem:$0xC920] =	vst v0  }
0x24: {  	[tilespmem:$0xC930] =	vst v0  }
0x25: {  	[tilespmem:$0xC940] =	vst v0  }
0x26: {  	[tilespmem:$0xC950] =	vst v0  }
0x27: {  	[tilespmem:$0xC960] =	vst v0  }
0x28: {  	[tilespmem:$0xC970] =	vst v0  }
0x29: {  	[tilespmem:$0xC980] =	vst v0  }
0x2a: {  	[tilespmem:$0xC990] =	vst v0  }
0x2b: {  	[tilespmem:$0xC9A0] =	vst v0  }
0x2c: {  	[tilespmem:$0xC9B0] =	vst v0  }
0x2d: {  	[tilespmem:$0xC9C0] =	vst v0  }
0x2e: {  	[tilespmem:$0xC9D0] =	vst v0  }
0x2f: {  	[tilespmem:$0xC9E0] =	vst v0  }
0x30: {  	[tilespmem:$0xC9F0] =	vst v0  }
0x31: {  	[tilespmem:$0xCA00] =	vst v0  }
0x32: {  	[smem:$0x1] =	sst s5;
	[tilespmem:$0xCA10] =	vst v0  }
0x33: {  	[tilespmem:$0xCA20] =	vst v0;
	[smem:$0x2] =	sst s5  }
0x34: {  	[tilespmem:$0xCA30] =	vst v0;
	[smem:$0x3] =	sst s5  }
0x35: {  	[tilespmem:$0xCA40] =	vst v0;
	[smem:$0x4] =	sst s5  }
0x36: {  	[tilespmem:$0xCA50] =	vst v0;
	[smem:$0x5] =	sst s5  }
0x37: {  	[tilespmem:$0xCA60] =	vst v0;
	[smem:$0x6] =	sst s5  }
0x38: {  	[tilespmem:$0xCA70] =	vst v0;
	[smem:$0x7] =	sst s5  }
0x39: {  	[tilespmem:$0xCA80] =	vst v0;
	[smem:$0x8] =	sst s5  }
0x3a: {  	[tilespmem:$0xCA90] =	vst v0;
	[smem:$0x9] =	sst s5  }
0x3b: {  	[tilespmem:$0xCAA0] =	vst v0;
	[smem:$0xA] =	sst s5  }
0x3c: {  	[tilespmem:$0xCAB0] =	vst v0;
	[smem:$0xB] =	sst s5  }
0x3d: {  	[tilespmem:$0xCAC0] =	vst v0;
	[smem:$0xC] =	sst s5  }
0x3e: {  	[tilespmem:$0xCAD0] =	vst v0;
	[smem:$0xD] =	sst s5  }
0x3f: {  	s14 =	simm.s32 $0x0;
	[tilespmem:$0xCAE0] =	vst v0;
	[smem:$0xE] =	sst s5  }
0x40: {  	s15 =	simm.s32 $0x0;
	s0 =	simm.s32 $0x0;
	[tilespmem:$0xCAF0] =	vst v0;
	[smem:$0xF] =	sst s5  }
.LBB2_2:
0x41: {  	v47 =	vld [tilespmem:s0+$0x0];
	_ =	sdelay $0x4  }
0x42: {  	(v2sf) =	vpush v47, $0xD;
	_ =	sdelay $0x1  }
0x43: {  	(v2sf) =	vpush v47, $0xC;
	_ =	sdelay $0x1  }
0x44: {  	(v2sf) =	vpush v47, $0xE;
	_ =	sdelay $0x1  }
0x45: {  	(v2sf) =	vpush v47, $0xF;
	_ =	sdelay $0x1  }
0x46: {  	(v2sf) =	vpush v47, $0x9;
	_ =	sdelay $0x1  }
0x47: {  	(v2sf) =	vpush v47, $0x8;
	_ =	sdelay $0x1  }
0x48: {  	(v2sf) =	vpush v47, $0xA  }
0x49: {  	(v2sf) =	vpush v47, $0xB;
	_ =	sdelay $0x1  }
0x4a: {  	s17 =	spop (v2sf)  }
0x4b: {  	(v2sf) =	vpush v47, $0x0;
	s18 =	smulhi.u32 $0x431BDE83, s17;
	s17 =	sshra.s32 s17, $0x1F  }
0x4c: {  	s19 =	spop (v2sf);
	s17 =	smul.u32 $0x431BDE83, s17  }
0x4d: {  	(v2sf) =	vpush v47, $0x1;
	s20 =	smulhi.u32 $0x431BDE83, s19;
	s19 =	sshra.s32 s19, $0x1F  }
0x4e: {  	s21 =	spop (v2sf);
	s22 =	smul.u32 $0x431BDE83, s19  }
0x4f: {  	[dreg:$0xc] =	wrdreg s15;
	(v2sf) =	vpush v47, $0x2;
	s23 =	smulhi.u32 $0x431BDE83, s21;
	s21 =	sshra.s32 s21, $0x1F  }
0x50: {  	(v2sf) =	vpush v47, $0x3;
	s15 =	spop (v2sf);
	s21 =	smul.u32 $0x431BDE83, s21  }
0x51: {  	[dreg:$0xb] =	wrdreg s14;
	(v2sf) =	vpush v47, $0x4;
	s25 =	smulhi.u32 $0x431BDE83, s15;
	s19 =	sshra.s32 s15, $0x1F  }
0x52: {  	(v2sf) =	vpush v47, $0x5;
	s24 =	spop (v2sf);
	s28 =	smul.u32 $0x431BDE83, s19  }
0x53: {  	[dreg:$0xa] =	wrdreg s0;
	(v2sf) =	vpush v47, $0x6;
	s29 =	smulhi.u32 $0x431BDE83, s24;
	s24 =	sshra.s32 s24, $0x1F  }
0x54: {  	(v2sf) =	vpush v47, $0x7;
	s18 =	sadd.s32 s17, s18;
	s26 =	spop (v2sf);
	s24 =	smul.u32 $0x431BDE83, s24  }
0x55: {  	[dreg:$0xe] =	wrdreg s18;
	s1 =	smulhi.u32 $0x431BDE83, s26;
	s26 =	sshra.s32 s26, $0x1F  }
0x56: {  	s16 =	spop (v2sf);
	s21 =	sadd.s32 s21, s23;
	s26 =	smul.u32 $0x431BDE83, s26  }
0x57: {  	s30 =	spop (v2sf);
	s13 =	smulhi.u32 $0x431BDE83, s16;
	s19 =	sshra.s32 s16, $0x1F  }
0x58: {  	s20 =	sadd.s32 s22, s20;
	[dreg:$0xd] =	wrdreg s21;
	s6 =	smul.u32 $0x431BDE83, s19  }
0x59: {  	s15 =	sshrl.u32 s21, $0x1F;
	s16 =	smulhi.u32 $0x431BDE83, s30;
	s19 =	sshra.s32 s30, $0x1F  }
0x5a: {  	s28 =	sadd.s32 s28, s25;
	s31 =	spop (v2sf);
	s22 =	smul.u32 $0x431BDE83, s19  }
0x5b: {  	s30 =	sshrl.u32 s18, $0x1F;
	s14 =	smulhi.u32 $0x431BDE83, s31;
	s23 =	sshra.s32 s31, $0x1F  }
0x5c: {  	s17 =	sshrl.u32 s28, $0x1F;
	s3 =	spop (v2sf);
	s18 =	smul.u32 $0x431BDE83, s23  }
0x5d: {  	s25 =	sadd.s32 s26, s1;
	s21 =	smulhi.u32 $0x431BDE83, s3;
	s3 =	sshra.s32 s3, $0x1F  }
0x5e: {  	s7 =	spop (v2sf);
	s23 =	sadd.s32 s24, s29;
	s3 =	smul.u32 $0x431BDE83, s3  }
0x5f: {  	s8 =	spop (v2sf);
	s24 =	smulhi.u32 $0x431BDE83, s7;
	s7 =	sshra.s32 s7, $0x1F  }
0x60: {  	s19 =	sadd.s32 s6, s13;
	s0 =	spop (v2sf);
	s6 =	smul.u32 $0x431BDE83, s7  }
0x61: {  	s13 =	smulhi.u32 $0x431BDE83, s8;
	s8 =	sshra.s32 s8, $0x1F;
	s7 =	spop (v2sf)  }
0x62: {  	s22 =	sadd.s32 s22, s16;
	s8 =	smul.u32 $0x431BDE83, s8;
	s26 =	spop (v2sf)  }
0x63: {  	s3 =	sadd.s32 s3, s21;
	s21 =	smulhi.u32 $0x431BDE83, s0;
	s1 =	spop (v2sf)  }
0x64: {  	s14 =	sadd.s32 s18, s14;
	s18 =	smulhi.u32 $0x431BDE83, s1;
	s16 =	sshra.s32 s1, $0x1F  }
0x65: {  	s31 =	sshrl.u32 s20, $0x1F;
	s29 =	sshrl.u32 s23, $0x1F;
	s16 =	smul.u32 $0x431BDE83, s16  }
0x66: {  	v1 =	vmov s31;
	s0 =	sshra.s32 s0, $0x1F;
	s31 =	sshrl.u32 s14, $0x1F;
	s6 =	sadd.s32 s6, s24  }
0x67: {  	v1 =	vsel vm1, s30, v1;
	s0 =	smul.u32 $0x431BDE83, s0;
	v2 =	vmov s31;
	s31 =	sshra.s32 s3, $0xD;
	s24 =	sadd.s32 s16, s18  }
0x68: {  	v1 =	vsel vm2, s15, v1;
	s8 =	sadd.s32 s8, s13;
	s15 =	sshrl.u32 s6, $0x1F;
	s13 =	sshra.s32 s24, $0x1F  }
0x69: {  	s0 =	sadd.s32 s0, s21;
	s21 =	sshra.s32 s14, $0xD;
	s1 =	sshrl.u32 s25, $0x1F;
	v0 =	vmov s13  }
0x6a: {  	v1 =	vsel vm3, s17, v1;
	s14 =	sshra.s32 s14, $0x1F;
	s17 =	sshrl.u32 s8, $0x1F;
	s30 =	sshra.s32 s26, $0x1F;
	v17 =	vmov s1;
	v0 =	vsel vm4, s21, v0  }
0x6b: {  	v17 =	vsel vm1, s29, v17;
	s29 =	sshrl.u32 s0, $0x1F;
	s16 =	sshrl.u32 s19, $0x1F;
	s18 =	sshrl.u32 s22, $0x1F;
	v0 =	vsel vm13, s14, v0  }
0x6c: {  	v2 =	vnsel vm4, $0x0, v2;
	s13 =	sshrl.u32 s3, $0x1F;
	s3 =	sshra.s32 s3, $0x1F;
	s21 =	smulhi.u32 $0x431BDE83, s7;
	v0 =	vsel vm1, s31, v0  }
0x6d: {  	v17 =	vsel vm2, s16, v17;
	s16 =	sshra.s32 s0, $0xD;
	v2 =	vsel vm1, s13, v2;
	s13 =	smulhi.u32 $0x431BDE83, s26;
	s31 =	sshra.s32 s6, $0xD;
	v0 =	vsel vm14, s3, v0  }
0x6e: {  	s7 =	sshra.s32 s7, $0x1F;
	s26 =	smul.u32 $0x431BDE83, s30;
	s6 =	sshra.s32 s6, $0x1F;
	v0 =	vsel vm2, s31, v0  }
0x6f: {  	s0 =	sshra.s32 s0, $0x1F;
	v17 =	vsel vm3, s18, v17;
	s30 =	sshra.s32 s8, $0xD;
	s7 =	smul.u32 $0x431BDE83, s7;
	v0 =	vsel vm15, s6, v0  }
0x70: {  	s18 =	sshra.s32 s25, $0xD;
	v1 =	vcombine.low v17, v1;
	v2 =	vsel vm2, s15, v2;
	s3 =	sadd.s32 s26, s13;
	s13 =	sshra.s32 s8, $0x1F;
	v0 =	vsel vm3, s30, v0  }
0x71: {  	s25 =	rddreg [dreg:$0xd];
	v22 =	vmov s18;
	v2 =	vsel vm3, s17, v2;
	s17 =	sshra.s32 s20, $0xD;
	s1 =	sadd.s32 s7, s21;
	v0 =	vsel vm0, s13, v0  }
0x72: {  	s20 =	rddreg [dreg:$0xe];
	v2 =	vsel vm5, s29, v2;
	v17 =	vmov s17;
	s21 =	sshra.s32 s23, $0xD;
	s31 =	sshrl.u32 s1, $0x1F;
	v0 =	vsel vm5, s16, v0  }
0x73: {  	s26 =	sshra.s32 s19, $0xD;
	s23 =	sshra.s32 s1, $0xD;
	v22 =	vsel vm1, s21, v22;
	v2 =	vsel vm6, s31, v2;
	s6 =	sshra.s32 s20, $0xD;
	v0 =	vsel vm9, s0, v0  }
0x74: {  	s15 =	sshrl.u32 s3, $0x1F;
	s29 =	sshra.s32 s1, $0x1F;
	v22 =	vsel vm2, s26, v22;
	v17 =	vsel vm1, s6, v17;
	s6 =	sshra.s32 s25, $0xD;
	v0 =	vsel vm6, s23, v0  }
0x75: {  	s7 =	sshra.s32 s3, $0xD;
	s31 =	sshra.s32 s22, $0xD;
	v2 =	vsel vm7, s15, v2;
	s30 =	sshra.s32 s28, $0xD;
	v17 =	vsel vm2, s6, v17;
	v0 =	vsel vm10, s29, v0  }
0x76: {  	s8 =	sshrl.u32 s24, $0x1F;
	v22 =	vsel vm3, s31, v22;
	s13 =	sshra.s32 s3, $0x1F;
	v17 =	vsel vm3, s30, v17;
	v0 =	vsel vm7, s7, v0  }
0x77: {  	s15 =	sshra.s32 s24, $0xD;
	v2 =	vsel vm8, s8, v2;
	v17 =	vcombine.low v22, v17;
	v0 =	vsel vm11, s13, v0  }
0x78: {  	v1 =	vperm.xlane v1, v49;
	v2 =	vperm.xlane v2, v50;
	v0 =	vsel vm8, s15, v0  }
0x79: {  	v17 =	vperm.xlane v17, v49;
	v0 =	vperm.xlane v0, v50;
	_ =	sdelay $0x1  }
0x7a: {  	v1 =	vsel vm12, v2, v1;
	v0 =	vsel vm12, v0, v17  }
0x7b: {  	v0 =	vadd.s32 v1, v0  }
0x7c: {  	v1 =	vmul.u32 $0xFFFF85EE, v0  }
0x7d: {  	v2 =	vsub.s32 $0x0, v47  }
0x7e: {  	vm0 =	vlt.s32 v47, $0x1;
	vm1 =	vne.s32 v1, v2  }
0x7f: {  	vm0 =	vmand vm0, vm1  }
0x80: {  	v1 =	vsel vm0, $0xFFFFFFFF, v51  }
0x81: {  	v0 =	vadd.s32 v1, v0  }
0x82: {  	vm0 =	veq.s32 v0, v11  }
0x83: {  	v1 =	vmpcnt.ones.xlane vm0;
	_ =	sdelay $0x1  }
0x84: {  	v1 =	vxor.u32 $0x80000000, v1  }
0x85: {  	(xrf0) =	vmax.scan.msk.u32 $0xffff, v1  }
0x86: {  	vm1 =	veq.s32 v0, v12;
	v1 =	vimm.s32 $0x0  }
0x87: {  	v1 =	vsel vm1, $0xFFFFFFFF, v1  }
0x88: {  	[tilespmem:$0x1FF00] =	vst v1;
	v1 =	vmpcnt.ones.xlane vm1;
	_ =	sdelay $0x1  }
0x89: {  	v1 =	vxor.u32 $0x80000000, v1  }
0x8a: {  	v2, _, _ =	vpop (xrf0);
	(xrf0) =	vmax.scan.msk.u32 $0xffff, v1  }
0x8b: {  	vm1 =	veq.s32 v0, v13;
	v1 =	vimm.s32 $0x0  }
0x8c: {  	v1 =	vsel vm1, $0xFFFFFFFF, v1  }
0x8d: {  	[tilespmem:$0x1FF10] =	vst v1;
	v1 =	vmpcnt.ones.xlane vm1;
	_ =	sdelay $0x1  }
0x8e: {  	v1 =	vxor.u32 $0x80000000, v1  }
0x8f: {  	(v2sf) =	vpush v2, $0xF;
	v2, _, _ =	vpop (xrf0);
	(xrf0) =	vmax.scan.msk.u32 $0xffff, v1;
	_ =	sdelay $0x1  }
0x90: {  	vm1 =	veq.s32 v0, v14;
	v1 =	vimm.s32 $0x0  }
0x91: {  	v1 =	vsel vm1, $0xFFFFFFFF, v1  }
0x92: {  	[tilespmem:$0x1FF20] =	vst v1;
	v1 =	vmpcnt.ones.xlane vm1;
	_ =	sdelay $0x1  }
0x93: {  	(v2sf) =	vpush v2, $0xF;
	v1 =	vxor.u32 $0x80000000, v1;
	v2, _, _ =	vpop (xrf0)  }
0x94: {  	vm1 =	veq.s32 v0, v15;
	(xrf0) =	vmax.scan.msk.u32 $0xffff, v1;
	(v2sf) =	vpush v2, $0xF;
	v2 =	vimm.s32 $0x0  }
0x95: {  	v2 =	vsel vm1, $0xFFFFFFFF, v2  }
0x96: {  	[tilespmem:$0x1FF30] =	vst v2;
	v2 =	vmpcnt.ones.xlane vm1  }
0x97: {  	s14 =	rddreg [dreg:$0xb];
	v1 =	vshll.u32 v47, $0xA  }
0x98: {  	v1 =	vadd.s32 s14, v1  }
0x99: {  	v63 =	vadd.s32 v19, v1;
	v1 =	vxor.u32 $0x80000000, v2  }
0x9a: {  	v2, _, _ =	vpop (xrf0);
	(xrf0) =	vmax.scan.msk.u32 $0xffff, v1;
	_ =	sdelay $0x1  }
0x9b: {  	vm13 =	veq.s32 v0, v18  }
0x9c: {  	v1 =	vmpcnt.ones.xlane vm13;
	_ =	sdelay $0x1  }
0x9d: {  	v1 =	vxor.u32 $0x80000000, v1  }
0x9e: {  	s16 =	spop (v2sf);
	(v2sf) =	vpush v2, $0xF;
	v2, _, _ =	vpop (xrf0);
	(xrf0) =	vmax.scan.msk.u32 $0xffff, v1;
	_ =	sdelay $0x1  }
0x9f: {  	vm14 =	veq.s32 v0, v20  }
0xa0: {  	v1 =	vmpcnt.ones.xlane vm14;
	_ =	sdelay $0x1  }
0xa1: {  	v1 =	vxor.u32 $0x80000000, v1  }
0xa2: {  	s17 =	rddreg [dreg:$0xc];
	s18 =	spop (v2sf);
	(v2sf) =	vpush v2, $0xF;
	v2, _, _ =	vpop (xrf0);
	(xrf0) =	vmax.scan.msk.u32 $0xffff, v1  }
0xa3: {  	s0 =	sadd.s32 s16, s17  }
0xa4: {  	vm15 =	veq.s32 v0, v3;
	s15 =	sadd.s32 $0x80000000, s0  }
0xa5: {  	[smem:$0x0] =	sst s15;
	v1 =	vmpcnt.ones.xlane vm15  }
0xa6: {  	[tilespmem:s17+$0x400] =	vst.msk vm0, v63;
	s17 =	sld [smem:$0x1]  }
0xa7: {  	v1 =	vxor.u32 $0x80000000, v1  }
0xa8: {  	s19 =	spop (v2sf);
	(v2sf) =	vpush v2, $0xF;
	v2, _, _ =	vpop (xrf0);
	(xrf0) =	vmax.scan.msk.u32 $0xffff, v1  }
0xa9: {  	s0 =	sadd.s32 s18, s17  }
0xaa: {  	vm3 =	veq.s32 v0, v4;
	s0 =	sadd.s32 $0x80000000, s0  }
0xab: {  	[smem:$0x1] =	sst s0;
	v1 =	vmpcnt.ones.xlane vm3  }
0xac: {  	s18 =	sld [smem:$0x2]  }
0xad: {  	v1 =	vxor.u32 $0x80000000, v1  }
0xae: {  	s20 =	spop (v2sf);
	(v2sf) =	vpush v2, $0xF;
	v2, _, _ =	vpop (xrf0);
	(xrf0) =	vmax.scan.msk.u32 $0xffff, v1  }
0xaf: {  	s0 =	sadd.s32 s19, s18  }
0xb0: {  	vm4 =	veq.s32 v0, v5;
	s0 =	sadd.s32 $0x80000000, s0  }
0xb1: {  	[smem:$0x2] =	sst s0;
	v1 =	vmpcnt.ones.xlane vm4  }
0xb2: {  	s19 =	sld [smem:$0x3]  }
0xb3: {  	v1 =	vxor.u32 $0x80000000, v1  }
0xb4: {  	s21 =	spop (v2sf);
	(v2sf) =	vpush v2, $0xF;
	v2, _, _ =	vpop (xrf0);
	(xrf0) =	vmax.scan.msk.u32 $0xffff, v1  }
0xb5: {  	s0 =	sadd.s32 s20, s19  }
0xb6: {  	vm11 =	vmmov vm5;
	vm5 =	veq.s32 v0, v6;
	s0 =	sadd.s32 $0x80000000, s0  }
0xb7: {  	[smem:$0x3] =	sst s0;
	v1 =	vmpcnt.ones.xlane vm5  }
0xb8: {  	s20 =	sld [smem:$0x4]  }
0xb9: {  	v1 =	vxor.u32 $0x80000000, v1  }
0xba: {  	s23 =	spop (v2sf);
	(v2sf) =	vpush v2, $0xF;
	v2, _, _ =	vpop (xrf0);
	(xrf0) =	vmax.scan.msk.u32 $0xffff, v1  }
0xbb: {  	s0 =	sadd.s32 s21, s20  }
0xbc: {  	vm10 =	vmmov vm6;
	vm6 =	veq.s32 v0, v7;
	s0 =	sadd.s32 $0x80000000, s0  }
0xbd: {  	[smem:$0x4] =	sst s0;
	v1 =	vmpcnt.ones.xlane vm6  }
0xbe: {  	s22 =	sld [smem:$0x5]  }
0xbf: {  	v1 =	vxor.u32 $0x80000000, v1  }
0xc0: {  	s28 =	spop (v2sf);
	(v2sf) =	vpush v2, $0xF;
	v2, _, _ =	vpop (xrf0);
	(xrf0) =	vmax.scan.msk.u32 $0xffff, v1  }
0xc1: {  	s0 =	sadd.s32 s23, s22  }
0xc2: {  	vm9 =	vmmov vm7;
	vm7 =	veq.s32 v0, v8;
	s0 =	sadd.s32 $0x80000000, s0  }
0xc3: {  	[smem:$0x5] =	sst s0;
	v1 =	vmpcnt.ones.xlane vm7  }
0xc4: {  	s24 =	sld [smem:$0x6]  }
0xc5: {  	v1 =	vxor.u32 $0x80000000, v1  }
0xc6: {  	s30 =	spop (v2sf);
	(v2sf) =	vpush v2, $0xF;
	v2, _, _ =	vpop (xrf0);
	(xrf0) =	vmax.scan.msk.u32 $0xffff, v1  }
0xc7: {  	s0 =	sadd.s32 s28, s24  }
0xc8: {  	vm2 =	vmmov vm8;
	vm8 =	veq.s32 v0, v9;
	s0 =	sadd.s32 $0x80000000, s0  }
0xc9: {  	[smem:$0x6] =	sst s0;
	v1 =	vmpcnt.ones.xlane vm8  }
0xca: {  	s29 =	sld [smem:$0x7]  }
0xcb: {  	v1 =	vxor.u32 $0x80000000, v1  }
0xcc: {  	s7 =	spop (v2sf);
	(v2sf) =	vpush v2, $0xF;
	v2, _, _ =	vpop (xrf0);
	(xrf0) =	vmax.scan.msk.u32 $0xffff, v1  }
0xcd: {  	s0 =	sadd.s32 s30, s29  }
0xce: {  	vm0 =	veq.s32 v0, v10;
	s0 =	sadd.s32 $0x80000000, s0  }
0xcf: {  	[smem:$0x7] =	sst s0;
	v1 =	vmpcnt.ones.xlane vm0  }
0xd0: {  	s31 =	sld [smem:$0x8];
	s8 =	spop (v2sf);
	(v2sf) =	vpush v2, $0xF  }
0xd1: {  	v1 =	vxor.u32 $0x80000000, v1  }
0xd2: {  	v2, _, _ =	vpop (xrf0);
	(xrf0) =	vmax.scan.msk.u32 $0xffff, v1  }
0xd3: {  	s0 =	sadd.s32 s7, s31  }
0xd4: {  	vm1 =	veq.s32 v0, v48;
	s0 =	sadd.s32 $0x80000000, s0  }
0xd5: {  	v0 =	vmpcnt.ones.xlane vm1;
	[smem:$0x8] =	sst s0  }
0xd6: {  	s0 =	sld [smem:$0x9]  }
0xd7: {  	v0 =	vxor.u32 $0x80000000, v0  }
0xd8: {  	v1, _, _ =	vpop (xrf0);
	(xrf0) =	vmax.scan.msk.u32 $0xffff, v0  }
0xd9: {  	s1 =	sadd.s32 s8, s0  }
0xda: {  	s1 =	sadd.s32 $0x80000000, s1  }
0xdb: {  	[smem:$0x9] =	sst s1  }
0xdc: {  	s1 =	sld [smem:$0xA]  }
0xdd: {  	s13 =	spop (v2sf);
	(v2sf) =	vpush v2, $0xF  }
0xde: {  	s16 =	spop (v2sf);
	(v2sf) =	vpush v1, $0xF;
	v0, _, _ =	vpop (xrf0)  }
0xdf: {  	s3 =	sadd.s32 s13, s1;
	s25 =	spop (v2sf);
	(v2sf) =	vpush v0, $0xF;
	v0 =	vld [tilespmem:$0x1FF00]  }
0xe0: {  	s3 =	sadd.s32 $0x80000000, s3  }
0xe1: {  	[smem:$0xA] =	sst s3  }
0xe2: {  	s3 =	sld [smem:$0xB];
	_ =	sdelay $0x1  }
0xe3: {  	vm12 =	vnez.u8 v0;
	v0 =	vld [tilespmem:$0x1FF10]  }
0xe4: {  	s6 =	sadd.s32 s16, s3  }
0xe5: {  	s6 =	sadd.s32 $0x80000000, s6  }
0xe6: {  	[smem:$0xB] =	sst s6  }
0xe7: {  	s6 =	sld [smem:$0xC]  }
0xe8: {  	[tilespmem:s17+$0x810] =	vst.msk vm12, v63;
	vm12 =	vnez.u8 v0;
	v0 =	vld [tilespmem:$0x1FF20];
	_ =	sdelay $0x1  }
0xe9: {  	s7 =	sadd.s32 s25, s6  }
0xea: {  	s7 =	sadd.s32 $0x80000000, s7  }
0xeb: {  	[smem:$0xC] =	sst s7  }
0xec: {  	s7 =	sld [smem:$0xD];
	[tilespmem:s18+$0xC20] =	vst.msk vm12, v63;
	vm12 =	vnez.u8 v0;
	v0 =	vld [tilespmem:$0x1FF30];
	_ =	sdelay $0x1  }
0xed: {  	s26 =	spop (v2sf)  }
0xee: {  	s8 =	sadd.s32 s26, s7  }
0xef: {  	s8 =	sadd.s32 $0x80000000, s8  }
0xf0: {  	[smem:$0xD] =	sst s8;
	[tilespmem:s19+$0x1030] =	vst.msk vm12, v63;
	vm12 =	vnez.u8 v0  }
0xf1: {  	s8 =	sld [smem:$0xE];
	[tilespmem:s20+$0x1440] =	vst.msk vm12, v63  }
0xf2: {  	[tilespmem:s22+$0x1850] =	vst.msk vm13, v63  }
0xf3: {  	s28 =	spop (v2sf);
	v0 =	vld [tilespmem:$0x1FFF0];
	[tilespmem:s24+$0x1C60] =	vst.msk vm14, v63  }
0xf4: {  	s13 =	sadd.s32 s28, s8;
	[tilespmem:s29+$0x2070] =	vst.msk vm15, v63  }
0xf5: {  	s13 =	sadd.s32 $0x80000000, s13;
	[tilespmem:s31+$0x2480] =	vst.msk vm3, v63  }
0xf6: {  	[smem:$0xE] =	sst s13;
	[tilespmem:s0+$0x2890] =	vst.msk vm4, v63  }
0xf7: {  	p0 =	sne.s32 s14, $0x3F0;
	vm13 =	vcmask $0x704;
	s29 =	sld [smem:$0xF];
	[tilespmem:s1+$0x2CA0] =	vst.msk vm5, v63  }
.Ltmp2:
0xf8: {  	vm14 =	vcmask $0xF0C;
	vm15 =	vcmask $0x1714;
	vm12 =	vnez.u8 v0;
	[tilespmem:s3+$0x30B0] =	vst.msk vm6, v63;
	(pc) =	sbr.rel @p0 .LBB2_2-.Ltmp2, $4  }
0xf9: {  	s30 =	spop (v2sf);
	vm3 =	vcmask $0x1B18;
	vm4 =	vcmask $0x300;
	vm5 =	vmmov vm11;
	[tilespmem:s6+$0x34C0] =	vst.msk vm7, v63  }
0xfa: {  	vm11 =	vcmask $0x3734;
	s1 =	sadd.s32 s30, s29;
	vm6 =	vmmov vm10;
	vm10 =	vcmask $0x2F2C;
	[tilespmem:s7+$0x38D0] =	vst.msk vm8, v63  }
0xfb: {  	s31 =	rddreg [dreg:$0xa];
	s1 =	sadd.s32 $0x80000000, s1;
	vm7 =	vmmov vm9;
	vm9 =	vcmask $0x2724;
	vm8 =	vmmov vm2;
	[tilespmem:s8+$0x3CE0] =	vst.msk vm0, v63  }
0xfc: {  	s14 =	sadd.s32 $0x10, s14;
	s0 =	sadd.s32 $0x10, s31;
	[smem:$0xF] =	sst s1;
	vm2 =	vcmask $0x1310;
	vm0 =	vcmask $0x1F1C;
	[tilespmem:s29+$0x40F0] =	vst.msk vm1, v63;
	vm1 =	vcmask $0xB08  }
.Ltmp3:
0xfd: {  	(pc) =	sbr.rel .LBB2_4-.Ltmp3, $4  }
0xfe: {  	_ = 	snop  }
0xff: {  	s13 =	rddreg [dreg:$0x5]  }
0x100: {  	s6 =	rddreg [dreg:$0x6]  }
0x101: {  	s14 =	simm.s32 $0x0;
	s15 =	simm.s32 $0x400;
	s7 =	rddreg [dreg:$0x9]  }
.LBB2_17:
0x102: {  	[bflag:$0x0] =	sbarrier.arrive $0xFFFF  }
0x103: {  	[bflag:$0x0] =	sbarrier.arrive $0xFFFF  }
0x104: {  	[bflag:$0x0] =	sbarrier.arrive $0xFFFF  }
.LBB2_14:
0x105: {  	s14 =	sadd.s32 $0x1, s14  }
0x106: {  	p0 =	sne.s32 s14, $0x10  }
.Ltmp4:
0x107: {  	_ = 	snop;
	(pc) =	sbr.rel @!p0 .LBB2_15-.Ltmp4, $2  }
0x108: {  	_ =	sdelay $0x2  }
0x109: {  	s15 =	sadd.s32 $0x410, s15  }
.LBB2_4:
0x10a: {  	s16 =	sld [smem:s14+$0x0];
	_ =	sdelay $0x2  }
0x10b: {  	s0 =	sadd.s32 $0xF, s16  }
0x10c: {  	s1 =	sand.u32 $0xF, s0  }
0x10d: {  	s3 =	sshra.s32 s0, $0x1F;
	p0 =	slt.s32 s0, $0x1;
	p1 =	sne.s32 s1, $0x0  }
0x10e: {  	s31 =	sshrl.u32 s3, $0x1C;
	p0 =	por !p0, !p1  }
0x10f: {  	s1 =	simm.s32 $0x1;
	s0 =	sadd.s32 s31, s0;
	p0 =	por !p0, !p0  }
0x110: {  	s0 =	sshra.s32 s0, $0x4;
	s1 =	simm.s32 @!p0 $0x0  }
0x111: {  	s17 =	ssub.s32 s0, s1  }
0x112: {  	p0 =	slt.s32 s17, $0x1  }
.Ltmp5:
0x113: {  	_ = 	snop;
	(pc) =	sbr.rel @p0 .LBB2_17-.Ltmp5, $1  }
0x114: {  	_ =	sdelay $0x3  }
0x115: {  	v0 =	vld [tilespmem:s15+$0x0];
	_ =	sdelay $0x3  }
0x116: {  	v1 =	vmov s16  }
0x117: {  	vm10 =	vgt.s32 v1, v19;
	v63 =	vxor.u32 $0x80000000, v0  }
0x118: {  	v1 =	vnsel vm10, $0x80000000, v63  }
0x119: {  	(xrf0) =	vmax.scan.msk.u32 $0xffff, v1;
	_ =	sdelay $0x5  }
0x11a: {  	v1, _, _ =	vpop (xrf0)  }
0x11b: {  	(v2sf) =	vpush v1, $0xF;
	_ =	sdelay $0xe  }
0x11c: {  	s0 =	sadd.s32 s13, s14;
	s1 =	spop (v2sf)  }
0x11d: {  	s0 =	smul.u32 $0x7A12, s0;
	s1 =	sxor.u32 $0x80000000, s1  }
0x11e: {  	v0 =	vnsel vm10, s1, v0  }
0x11f: {  	v47 =	vmov s0;
	v0 =	vshra.s32 v0, $0xA  }
0x120: {  	v0 =	vsub.s32 v0, v47;
	_ =	sdelay $0x1  }
0x121: {  	p0 =	sne.s32 s17, $0x1  }
.Ltmp6:
0x122: {  	_ = 	snop;
	(pc) =	sbr.rel @!p0 .LBB2_7-.Ltmp6, $4  }
0x123: {  	vm9 =	vmmov $0xffff  }
0x124: {  	[spmem:s4] =	stream.indirect_vreg.scatter [tilespmem:s10], [sflag:$0x1], $0x20, v0, vm9, $0xb8;
	[tilespmem:$0x1BF28] =	vst v63  }
0x125: {  	s18 =	sadd.s32 $0xFFFFFFFF, s17;
	_ =	swait.ge [sflag:s9], $0x200  }
0x126: {  	s19 =	smov.u32 s15;
	s20 =	smov.u32 s16;
	[sflag:s9] =	ssyncset.done $0x0  }
.LBB2_6:
0x127: {  	[sflag:s9] =	ssyncadd.s32 $0xFFFFFE00;
	s19 =	sadd.s32 $0x10, s19;
	s20 =	sadd.s32 $0xFFFFFFF0, s20  }
0x128: {  	p1 =	sne.s32 s18, $0x1;
	s18 =	sadd.s32 $0xFFFFFFFF, s18;
	v0 =	vld [tilespmem:s19+$0x0];
	_ =	sdelay $0x3  }
0x129: {  	v1 =	vmov s20  }
0x12a: {  	vm0 =	vgt.s32 v1, v19;
	v1 =	vxor.u32 $0x80000000, v0  }
0x12b: {  	v1 =	vnsel vm0, $0x80000000, v1  }
0x12c: {  	(xrf0) =	vmax.scan.msk.u32 $0xffff, v1;
	_ =	sdelay $0x5  }
0x12d: {  	v1, _, _ =	vpop (xrf0)  }
0x12e: {  	(v2sf) =	vpush v1, $0xF;
	_ =	sdelay $0xe  }
0x12f: {  	s0 =	spop (v2sf)  }
0x130: {  	s0 =	sxor.u32 $0x80000000, s0  }
0x131: {  	v0 =	vnsel vm0, s0, v0  }
0x132: {  	v0 =	vshra.s32 v0, $0xA  }
0x133: {  	v0 =	vsub.s32 v0, v47;
	_ =	sdelay $0x2  }
.Ltmp7:
0x134: {  	(pc) =	sbr.rel @p1 .LBB2_6-.Ltmp7, $4  }
0x135: {  	vm9 =	vmmov $0xffff  }
0x136: {  	[spmem:s4] =	stream.indirect_vreg.scatter [tilespmem:s10], [sflag:$0x1], $0x20, v0, vm9, $0xb8;
	[tilespmem:$0x1BF28] =	vst v63  }
0x137: {  	_ =	swait.ge [sflag:s9], $0x200  }
0x138: {  	[sflag:s9] =	ssyncset.done $0x0  }
.LBB2_7:
0x139: {  	[sflag:s9] =	ssyncadd.s32 $0xFFFFFE00;
	s18 =	smov.u32 s16  }
0x13a: {  	s19 =	smov.u32 s15;
	s20 =	smov.u32 s17;
	[bflag:$0x0] =	sbarrier.arrive $0xFFFF  }
.LBB2_8:
0x13b: {  	v0 =	vld [tilespmem:s19+$0x0];
	_ =	sdelay $0x3  }
0x13c: {  	v1 =	vmov s18  }
0x13d: {  	vm11 =	vgt.s32 v1, v19;
	v63 =	vxor.u32 $0x80000000, v0  }
0x13e: {  	v1 =	vnsel vm11, $0x80000000, v63  }
0x13f: {  	(xrf0) =	vmax.scan.msk.u32 $0xffff, v1;
	_ =	sdelay $0x5  }
0x140: {  	v1, _, _ =	vpop (xrf0)  }
0x141: {  	(v2sf) =	vpush v1, $0xF;
	_ =	sdelay $0xe  }
0x142: {  	s0 =	spop (v2sf)  }
0x143: {  	s0 =	sxor.u32 $0x80000000, s0  }
0x144: {  	v48 =	vnsel vm11, s0, v0  }
0x145: {  	v0 =	vand.u32 $0x3FF, v48  }
0x146: {  	v0 =	vor.u32 v16, v0;
	_ =	sdelay $0x4  }
0x147: {  	[tilespmem:s11], [sflag:$0x1] =	stream.indirect_vreg.gather [hbm4b:s6+s5], $0x20, v0, vm9, $0xb8;
	[tilespmem:$0x1BF28] =	vst v63  }
0x148: {  	_ =	swait.ge [sflag:s9], $0x200  }
0x149: {  	[sflag:s9] =	ssyncset.done $0x0  }
0x14a: {  	[sflag:s9] =	ssyncadd.s32 $0xFFFFFE00  }
0x14b: {  	v0 =	vld.idx.msk [tilespmem:v21+s11+$0x0], $0xffff  }
0x14c: {  	v4 =	vld.idx.msk [tilespmem:v23+s11+$0x0], $0xffff;
	_ =	sdelay $0x1  }
0x14d: {  	v2 =	vld.idx.msk [tilespmem:v24+s11+$0x0], $0xffff;
	_ =	sdelay $0x1  }
0x14e: {  	v17 =	vld.idx.msk [tilespmem:v25+s11+$0x0], $0xffff  }
0x14f: {  	v22 =	vmul.f32 v0, v0;
	v1 =	vmul.f32 v4, v4  }
0x150: {  	v49 =	vld.idx.msk [tilespmem:v26+s11+$0x0], $0xffff  }
0x151: {  	v2 =	vmul.f32 v2, v2;
	v1 =	vadd.f32 v1, v22  }
0x152: {  	v22 =	vld.idx.msk [tilespmem:v27+s11+$0x0], $0xffff  }
0x153: {  	v5 =	vmul.f32 v17, v17;
	v1 =	vadd.f32 v2, v1  }
0x154: {  	v17 =	vld.idx.msk [tilespmem:v28+s11+$0x0], $0xffff  }
0x155: {  	v6 =	vmul.f32 v49, v49;
	v1 =	vadd.f32 v5, v1  }
0x156: {  	v7 =	vld.idx.msk [tilespmem:v29+s11+$0x0], $0xffff  }
0x157: {  	v52 =	vmul.f32 v22, v22;
	v1 =	vadd.f32 v6, v1  }
0x158: {  	v22 =	vld.idx.msk [tilespmem:v30+s11+$0x0], $0xffff  }
0x159: {  	v53 =	vmul.f32 v17, v17;
	v1 =	vadd.f32 v52, v1  }
0x15a: {  	v17 =	vld.idx.msk [tilespmem:v31+s11+$0x0], $0xffff  }
0x15b: {  	v54 =	vmul.f32 v7, v7;
	v1 =	vadd.f32 v53, v1  }
0x15c: {  	v55 =	vld.idx.msk [tilespmem:v32+s11+$0x0], $0xffff  }
0x15d: {  	v56 =	vmul.f32 v22, v22;
	v1 =	vadd.f32 v54, v1  }
0x15e: {  	v22 =	vld.idx.msk [tilespmem:v33+s11+$0x0], $0xffff  }
0x15f: {  	v57 =	vmul.f32 v17, v17;
	v1 =	vadd.f32 v56, v1  }
0x160: {  	v17 =	vld.idx.msk [tilespmem:v34+s11+$0x0], $0xffff  }
0x161: {  	v58 =	vmul.f32 v55, v55;
	v1 =	vadd.f32 v57, v1  }
0x162: {  	v59 =	vld.idx.msk [tilespmem:v35+s11+$0x0], $0xffff  }
0x163: {  	v60 =	vmul.f32 v22, v22;
	v1 =	vadd.f32 v58, v1  }
0x164: {  	v22 =	vld.idx.msk [tilespmem:v36+s11+$0x0], $0xffff  }
0x165: {  	v61 =	vmul.f32 v17, v17;
	v1 =	vadd.f32 v60, v1  }
0x166: {  	v17 =	vld.idx.msk [tilespmem:v37+s11+$0x0], $0xffff  }
0x167: {  	v62 =	vmul.f32 v59, v59;
	v1 =	vadd.f32 v61, v1  }
0x168: {  	v63 =	vld.idx.msk [tilespmem:v38+s11+$0x0], $0xffff  }
0x169: {  	v4 =	vmul.f32 v22, v22;
	v1 =	vadd.f32 v62, v1  }
0x16a: {  	v22 =	vld.idx.msk [tilespmem:v39+s11+$0x0], $0xffff  }
0x16b: {  	v5 =	vmul.f32 v17, v17;
	v1 =	vadd.f32 v4, v1  }
0x16c: {  	v17 =	vld.idx.msk [tilespmem:v40+s11+$0x0], $0xffff  }
0x16d: {  	v6 =	vmul.f32 v63, v63;
	v1 =	vadd.f32 v5, v1  }
0x16e: {  	v7 =	vld.idx.msk [tilespmem:v41+s11+$0x0], $0xffff  }
0x16f: {  	v52 =	vmul.f32 v22, v22;
	v1 =	vadd.f32 v6, v1  }
0x170: {  	v22 =	vld.idx.msk [tilespmem:v42+s11+$0x0], $0xffff  }
0x171: {  	v53 =	vmul.f32 v17, v17;
	v1 =	vadd.f32 v52, v1  }
0x172: {  	v17 =	vld.idx.msk [tilespmem:v43+s11+$0x0], $0xffff  }
0x173: {  	v54 =	vmul.f32 v7, v7;
	v1 =	vadd.f32 v53, v1  }
0x174: {  	v55 =	vld.idx.msk [tilespmem:v44+s11+$0x0], $0xffff  }
0x175: {  	v50 =	vor.u32 $0x19, v21;
	v56 =	vmul.f32 v22, v22;
	v1 =	vadd.f32 v54, v1  }
0x176: {  	v22 =	vld.idx.msk [tilespmem:v45+s11+$0x0], $0xffff  }
0x177: {  	v51 =	vor.u32 $0x1A, v21;
	v57 =	vmul.f32 v17, v17;
	v1 =	vadd.f32 v56, v1  }
0x178: {  	v17 =	vld.idx.msk [tilespmem:v46+s11+$0x0], $0xffff  }
0x179: {  	v58 =	vmul.f32 v55, v55;
	v52 =	vor.u32 $0x1B, v21;
	v1 =	vadd.f32 v57, v1  }
0x17a: {  	v59 =	vld.idx.msk [tilespmem:v50+s11+$0x0], $0xffff  }
0x17b: {  	v53 =	vor.u32 $0x1C, v21;
	v60 =	vmul.f32 v22, v22;
	v1 =	vadd.f32 v58, v1  }
0x17c: {  	v22 =	vld.idx.msk [tilespmem:v51+s11+$0x0], $0xffff  }
0x17d: {  	v61 =	vmul.f32 v17, v17;
	v54 =	vor.u32 $0x1D, v21;
	v1 =	vadd.f32 v60, v1  }
0x17e: {  	v17 =	vld.idx.msk [tilespmem:v52+s11+$0x0], $0xffff  }
0x17f: {  	v55 =	vor.u32 $0x1E, v21;
	v62 =	vmul.f32 v59, v59;
	v1 =	vadd.f32 v61, v1  }
0x180: {  	v56 =	vld.idx.msk [tilespmem:v53+s11+$0x0], $0xffff  }
0x181: {  	v4 =	vor.u32 $0x1F, v21;
	v63 =	vmul.f32 v22, v22;
	v1 =	vadd.f32 v62, v1  }
0x182: {  	v22 =	vld.idx.msk [tilespmem:v54+s11+$0x0], $0xffff  }
0x183: {  	v5 =	vmul.f32 v17, v17;
	v1 =	vadd.f32 v63, v1  }
0x184: {  	v17 =	vld.idx.msk [tilespmem:v55+s11+$0x0], $0xffff  }
0x185: {  	v6 =	vmul.f32 v56, v56;
	v1 =	vadd.f32 v5, v1  }
0x186: {  	v7 =	vld.idx.msk [tilespmem:v4+s11+$0x0], $0xffff  }
0x187: {  	v60 =	vmul.f32 v22, v22;
	v1 =	vadd.f32 v6, v1;
	_ =	sdelay $0x1  }
0x188: {  	v61 =	vmul.f32 v17, v17;
	v1 =	vadd.f32 v60, v1;
	_ =	sdelay $0x1  }
0x189: {  	v62 =	vmul.f32 v7, v7;
	v1 =	vadd.f32 v61, v1;
	_ =	sdelay $0x1  }
0x18a: {  	v1 =	vadd.f32 v62, v1;
	_ =	sdelay $0x1  }
0x18b: {  	v2 =	vshra.s32 v1, $0x1;
	v17 =	vmul.f32 $5.000000000e-01, v1  }
0x18c: {  	v2 =	vsub.s32 $0x5F3759DF, v2  }
0x18d: {  	v22 =	vmul.f32 v2, v17;
	_ =	sdelay $0x1  }
0x18e: {  	v22 =	vmul.f32 v2, v22;
	_ =	sdelay $0x1  }
0x18f: {  	v22 =	vsub.f32 $1.500000000e+00, v22;
	_ =	sdelay $0x1  }
0x190: {  	v2 =	vmul.f32 v2, v22;
	_ =	sdelay $0x1  }
0x191: {  	v22 =	vmul.f32 v2, v17;
	_ =	sdelay $0x1  }
0x192: {  	v22 =	vmul.f32 v22, v2;
	_ =	sdelay $0x1  }
0x193: {  	v22 =	vsub.f32 $1.500000000e+00, v22;
	_ =	sdelay $0x1  }
0x194: {  	v2 =	vmul.f32 v22, v2;
	_ =	sdelay $0x1  }
0x195: {  	v22 =	vmul.f32 v2, v17;
	_ =	sdelay $0x1  }
0x196: {  	v22 =	vmul.f32 v22, v2;
	_ =	sdelay $0x1  }
0x197: {  	v22 =	vsub.f32 $1.500000000e+00, v22;
	_ =	sdelay $0x1  }
0x198: {  	v2 =	vmul.f32 v22, v2;
	_ =	sdelay $0x1  }
0x199: {  	v17 =	vmul.f32 v2, v17;
	_ =	sdelay $0x1  }
0x19a: {  	v17 =	vmul.f32 v17, v2;
	_ =	sdelay $0x1  }
0x19b: {  	v17 =	vsub.f32 $1.500000000e+00, v17;
	_ =	sdelay $0x1  }
0x19c: {  	v2 =	vmul.f32 v17, v2;
	_ =	sdelay $0x1  }
0x19d: {  	v2 =	vmul.f32 $5.000000000e+00, v2;
	_ =	sdelay $0x1  }
0x19e: {  	v2 =	vmul.f32 $-9.999999770e-03, v2  }
0x19f: {  	vm0 =	vgt.f32 v1, $2.500000000e+01  }
0x1a0: {  	v1 =	vnsel vm0, $0xBC23D70A, v2  }
0x1a1: {  	v0 =	vmul.f32 v1, v0;
	_ =	sdelay $0x1  }
0x1a2: {  	v0 =	vnsel vm11, $0x0, v0  }
0x1a3: {  	[tilespmem:v21+s11+$0x0] =	vst.idx.msk $0xffff, v0  }
0x1a4: {  	v0 =	vld.idx.msk [tilespmem:v23+s11+$0x0], $0xffff;
	_ =	sdelay $0x4  }
0x1a5: {  	v0 =	vmul.f32 v1, v0;
	_ =	sdelay $0x1  }
0x1a6: {  	v0 =	vnsel vm11, $0x0, v0  }
0x1a7: {  	[tilespmem:v23+s11+$0x0] =	vst.idx.msk $0xffff, v0  }
0x1a8: {  	v0 =	vld.idx.msk [tilespmem:v24+s11+$0x0], $0xffff;
	_ =	sdelay $0x4  }
0x1a9: {  	v0 =	vmul.f32 v1, v0;
	_ =	sdelay $0x1  }
0x1aa: {  	v0 =	vnsel vm11, $0x0, v0  }
0x1ab: {  	[tilespmem:v24+s11+$0x0] =	vst.idx.msk $0xffff, v0  }
0x1ac: {  	v0 =	vld.idx.msk [tilespmem:v25+s11+$0x0], $0xffff;
	_ =	sdelay $0x4  }
0x1ad: {  	v0 =	vmul.f32 v1, v0;
	_ =	sdelay $0x1  }
0x1ae: {  	v0 =	vnsel vm11, $0x0, v0  }
0x1af: {  	[tilespmem:v25+s11+$0x0] =	vst.idx.msk $0xffff, v0  }
0x1b0: {  	v0 =	vld.idx.msk [tilespmem:v26+s11+$0x0], $0xffff;
	_ =	sdelay $0x4  }
0x1b1: {  	v0 =	vmul.f32 v1, v0;
	_ =	sdelay $0x1  }
0x1b2: {  	v0 =	vnsel vm11, $0x0, v0  }
0x1b3: {  	[tilespmem:v26+s11+$0x0] =	vst.idx.msk $0xffff, v0  }
0x1b4: {  	v0 =	vld.idx.msk [tilespmem:v27+s11+$0x0], $0xffff;
	_ =	sdelay $0x4  }
0x1b5: {  	v0 =	vmul.f32 v1, v0;
	_ =	sdelay $0x1  }
0x1b6: {  	v0 =	vnsel vm11, $0x0, v0  }
0x1b7: {  	[tilespmem:v27+s11+$0x0] =	vst.idx.msk $0xffff, v0  }
0x1b8: {  	v0 =	vld.idx.msk [tilespmem:v28+s11+$0x0], $0xffff;
	_ =	sdelay $0x4  }
0x1b9: {  	v0 =	vmul.f32 v1, v0;
	_ =	sdelay $0x1  }
0x1ba: {  	v0 =	vnsel vm11, $0x0, v0  }
0x1bb: {  	[tilespmem:v28+s11+$0x0] =	vst.idx.msk $0xffff, v0  }
0x1bc: {  	v0 =	vld.idx.msk [tilespmem:v29+s11+$0x0], $0xffff;
	_ =	sdelay $0x4  }
0x1bd: {  	v0 =	vmul.f32 v1, v0;
	_ =	sdelay $0x1  }
0x1be: {  	v0 =	vnsel vm11, $0x0, v0  }
0x1bf: {  	[tilespmem:v29+s11+$0x0] =	vst.idx.msk $0xffff, v0  }
0x1c0: {  	v0 =	vld.idx.msk [tilespmem:v30+s11+$0x0], $0xffff;
	_ =	sdelay $0x4  }
0x1c1: {  	v0 =	vmul.f32 v1, v0;
	_ =	sdelay $0x1  }
0x1c2: {  	v0 =	vnsel vm11, $0x0, v0  }
0x1c3: {  	[tilespmem:v30+s11+$0x0] =	vst.idx.msk $0xffff, v0  }
0x1c4: {  	v0 =	vld.idx.msk [tilespmem:v31+s11+$0x0], $0xffff;
	_ =	sdelay $0x4  }
0x1c5: {  	v0 =	vmul.f32 v1, v0;
	_ =	sdelay $0x1  }
0x1c6: {  	v0 =	vnsel vm11, $0x0, v0  }
0x1c7: {  	[tilespmem:v31+s11+$0x0] =	vst.idx.msk $0xffff, v0  }
0x1c8: {  	v0 =	vld.idx.msk [tilespmem:v32+s11+$0x0], $0xffff;
	_ =	sdelay $0x4  }
0x1c9: {  	v0 =	vmul.f32 v1, v0;
	_ =	sdelay $0x1  }
0x1ca: {  	v0 =	vnsel vm11, $0x0, v0  }
0x1cb: {  	[tilespmem:v32+s11+$0x0] =	vst.idx.msk $0xffff, v0  }
0x1cc: {  	v0 =	vld.idx.msk [tilespmem:v33+s11+$0x0], $0xffff;
	_ =	sdelay $0x4  }
0x1cd: {  	v0 =	vmul.f32 v1, v0;
	_ =	sdelay $0x1  }
0x1ce: {  	v0 =	vnsel vm11, $0x0, v0  }
0x1cf: {  	[tilespmem:v33+s11+$0x0] =	vst.idx.msk $0xffff, v0  }
0x1d0: {  	v0 =	vld.idx.msk [tilespmem:v34+s11+$0x0], $0xffff;
	_ =	sdelay $0x4  }
0x1d1: {  	v0 =	vmul.f32 v1, v0;
	_ =	sdelay $0x1  }
0x1d2: {  	v0 =	vnsel vm11, $0x0, v0  }
0x1d3: {  	[tilespmem:v34+s11+$0x0] =	vst.idx.msk $0xffff, v0  }
0x1d4: {  	v0 =	vld.idx.msk [tilespmem:v35+s11+$0x0], $0xffff;
	_ =	sdelay $0x4  }
0x1d5: {  	v0 =	vmul.f32 v0, v1;
	_ =	sdelay $0x1  }
0x1d6: {  	v0 =	vnsel vm11, $0x0, v0  }
0x1d7: {  	[tilespmem:v35+s11+$0x0] =	vst.idx.msk $0xffff, v0  }
0x1d8: {  	v0 =	vld.idx.msk [tilespmem:v36+s11+$0x0], $0xffff;
	_ =	sdelay $0x4  }
0x1d9: {  	v0 =	vmul.f32 v0, v1;
	_ =	sdelay $0x1  }
0x1da: {  	v0 =	vnsel vm11, $0x0, v0  }
0x1db: {  	[tilespmem:v36+s11+$0x0] =	vst.idx.msk $0xffff, v0  }
0x1dc: {  	v0 =	vld.idx.msk [tilespmem:v37+s11+$0x0], $0xffff;
	_ =	sdelay $0x4  }
0x1dd: {  	v0 =	vmul.f32 v0, v1;
	_ =	sdelay $0x1  }
0x1de: {  	v0 =	vnsel vm11, $0x0, v0  }
0x1df: {  	[tilespmem:v37+s11+$0x0] =	vst.idx.msk $0xffff, v0  }
0x1e0: {  	v0 =	vld.idx.msk [tilespmem:v38+s11+$0x0], $0xffff;
	_ =	sdelay $0x4  }
0x1e1: {  	v0 =	vmul.f32 v0, v1;
	_ =	sdelay $0x1  }
0x1e2: {  	v0 =	vnsel vm11, $0x0, v0  }
0x1e3: {  	[tilespmem:v38+s11+$0x0] =	vst.idx.msk $0xffff, v0  }
0x1e4: {  	v0 =	vld.idx.msk [tilespmem:v39+s11+$0x0], $0xffff;
	_ =	sdelay $0x4  }
0x1e5: {  	v0 =	vmul.f32 v0, v1;
	_ =	sdelay $0x1  }
0x1e6: {  	v0 =	vnsel vm11, $0x0, v0  }
0x1e7: {  	[tilespmem:v39+s11+$0x0] =	vst.idx.msk $0xffff, v0  }
0x1e8: {  	v0 =	vld.idx.msk [tilespmem:v40+s11+$0x0], $0xffff;
	_ =	sdelay $0x4  }
0x1e9: {  	v0 =	vmul.f32 v0, v1;
	_ =	sdelay $0x1  }
0x1ea: {  	v0 =	vnsel vm11, $0x0, v0  }
0x1eb: {  	[tilespmem:v40+s11+$0x0] =	vst.idx.msk $0xffff, v0  }
0x1ec: {  	v0 =	vld.idx.msk [tilespmem:v41+s11+$0x0], $0xffff;
	_ =	sdelay $0x4  }
0x1ed: {  	v0 =	vmul.f32 v0, v1;
	_ =	sdelay $0x1  }
0x1ee: {  	v0 =	vnsel vm11, $0x0, v0  }
0x1ef: {  	[tilespmem:v41+s11+$0x0] =	vst.idx.msk $0xffff, v0  }
0x1f0: {  	v0 =	vld.idx.msk [tilespmem:v42+s11+$0x0], $0xffff;
	_ =	sdelay $0x4  }
0x1f1: {  	v0 =	vmul.f32 v0, v1;
	_ =	sdelay $0x1  }
0x1f2: {  	v0 =	vnsel vm11, $0x0, v0  }
0x1f3: {  	[tilespmem:v42+s11+$0x0] =	vst.idx.msk $0xffff, v0  }
0x1f4: {  	v0 =	vld.idx.msk [tilespmem:v43+s11+$0x0], $0xffff;
	_ =	sdelay $0x4  }
0x1f5: {  	v0 =	vmul.f32 v0, v1;
	_ =	sdelay $0x1  }
0x1f6: {  	v0 =	vnsel vm11, $0x0, v0  }
0x1f7: {  	[tilespmem:v43+s11+$0x0] =	vst.idx.msk $0xffff, v0  }
0x1f8: {  	v0 =	vld.idx.msk [tilespmem:v44+s11+$0x0], $0xffff;
	_ =	sdelay $0x4  }
0x1f9: {  	v0 =	vmul.f32 v0, v1;
	_ =	sdelay $0x1  }
0x1fa: {  	v0 =	vnsel vm11, $0x0, v0  }
0x1fb: {  	[tilespmem:v44+s11+$0x0] =	vst.idx.msk $0xffff, v0  }
0x1fc: {  	v0 =	vld.idx.msk [tilespmem:v45+s11+$0x0], $0xffff;
	_ =	sdelay $0x4  }
0x1fd: {  	v0 =	vmul.f32 v0, v1;
	_ =	sdelay $0x1  }
0x1fe: {  	v0 =	vnsel vm11, $0x0, v0  }
0x1ff: {  	[tilespmem:v45+s11+$0x0] =	vst.idx.msk $0xffff, v0  }
0x200: {  	v0 =	vld.idx.msk [tilespmem:v46+s11+$0x0], $0xffff;
	_ =	sdelay $0x4  }
0x201: {  	v0 =	vmul.f32 v0, v1;
	_ =	sdelay $0x1  }
0x202: {  	v0 =	vnsel vm11, $0x0, v0  }
0x203: {  	[tilespmem:v46+s11+$0x0] =	vst.idx.msk $0xffff, v0  }
0x204: {  	v0 =	vld.idx.msk [tilespmem:v50+s11+$0x0], $0xffff;
	_ =	sdelay $0x4  }
0x205: {  	v0 =	vmul.f32 v0, v1;
	_ =	sdelay $0x1  }
0x206: {  	v0 =	vnsel vm11, $0x0, v0  }
0x207: {  	[tilespmem:v50+s11+$0x0] =	vst.idx.msk $0xffff, v0  }
0x208: {  	v0 =	vld.idx.msk [tilespmem:v51+s11+$0x0], $0xffff;
	_ =	sdelay $0x4  }
0x209: {  	v0 =	vmul.f32 v0, v1;
	_ =	sdelay $0x1  }
0x20a: {  	v0 =	vnsel vm11, $0x0, v0  }
0x20b: {  	[tilespmem:v51+s11+$0x0] =	vst.idx.msk $0xffff, v0  }
0x20c: {  	v0 =	vld.idx.msk [tilespmem:v52+s11+$0x0], $0xffff;
	_ =	sdelay $0x4  }
0x20d: {  	v0 =	vmul.f32 v0, v1;
	_ =	sdelay $0x1  }
0x20e: {  	v0 =	vnsel vm11, $0x0, v0  }
0x20f: {  	[tilespmem:v52+s11+$0x0] =	vst.idx.msk $0xffff, v0  }
0x210: {  	v0 =	vld.idx.msk [tilespmem:v53+s11+$0x0], $0xffff;
	_ =	sdelay $0x4  }
0x211: {  	v0 =	vmul.f32 v0, v1;
	_ =	sdelay $0x1  }
0x212: {  	v0 =	vnsel vm11, $0x0, v0  }
0x213: {  	[tilespmem:v53+s11+$0x0] =	vst.idx.msk $0xffff, v0  }
0x214: {  	v0 =	vld.idx.msk [tilespmem:v54+s11+$0x0], $0xffff;
	_ =	sdelay $0x4  }
0x215: {  	v0 =	vmul.f32 v0, v1;
	_ =	sdelay $0x1  }
0x216: {  	v0 =	vnsel vm11, $0x0, v0  }
0x217: {  	[tilespmem:v54+s11+$0x0] =	vst.idx.msk $0xffff, v0  }
0x218: {  	v0 =	vld.idx.msk [tilespmem:v55+s11+$0x0], $0xffff;
	_ =	sdelay $0x4  }
0x219: {  	v0 =	vmul.f32 v0, v1;
	_ =	sdelay $0x1  }
0x21a: {  	v0 =	vnsel vm11, $0x0, v0  }
0x21b: {  	[tilespmem:v55+s11+$0x0] =	vst.idx.msk $0xffff, v0  }
0x21c: {  	v0 =	vld.idx.msk [tilespmem:v4+s11+$0x0], $0xffff;
	_ =	sdelay $0x2  }
0x21d: {  	v63 =	vshra.s32 v48, $0xA  }
0x21e: {  	v2 =	vsub.s32 v63, v47  }
0x21f: {  	v0 =	vmul.f32 v0, v1;
	_ =	sdelay $0x1  }
0x220: {  	p1 =	sne.s32 s20, $0x1;
	v0 =	vnsel vm11, $0x0, v0  }
.Ltmp8:
0x221: {  	[tilespmem:v4+s11+$0x0] =	vst.idx.msk $0xffff, v0;
	(pc) =	sbr.rel @p1 .LBB2_8-.Ltmp8, $4  }
0x222: {  	[spmem:s4] =	stream.indirect_vreg.scatter.add.f32 [tilespmem:s11], [sflag:$0x1], $0x20, v2, vm9, $0xb8;
	[tilespmem:$0x1BF28] =	vst v63  }
0x223: {  	_ =	swait.ge [sflag:s9], $0x200  }
0x224: {  	s19 =	sadd.s32 $0x10, s19;
	[sflag:s9] =	ssyncset.done $0x0  }
0x225: {  	s18 =	sadd.s32 $0xFFFFFFF0, s18;
	s20 =	sadd.s32 $0xFFFFFFFF, s20;
	[sflag:s9] =	ssyncadd.s32 $0xFFFFFE00  }
0x226: {  	[bflag:$0x0] =	sbarrier.arrive $0xFFFF  }
0x227: {  	v0 =	vld [tilespmem:s15+$0x0];
	_ =	sdelay $0x4  }
0x228: {  	v1 =	vxor.u32 $0x80000000, v0  }
0x229: {  	v1 =	vnsel vm10, $0x80000000, v1  }
0x22a: {  	(xrf0) =	vmax.scan.msk.u32 $0xffff, v1;
	_ =	sdelay $0x5  }
0x22b: {  	v1, _, _ =	vpop (xrf0)  }
0x22c: {  	(v2sf) =	vpush v1, $0xF;
	_ =	sdelay $0xe  }
0x22d: {  	s0 =	spop (v2sf)  }
0x22e: {  	s0 =	sxor.u32 $0x80000000, s0  }
0x22f: {  	v0 =	vnsel vm10, s0, v0  }
0x230: {  	v0 =	vshra.s32 v0, $0xA;
	_ =	sdelay $0x3  }
0x231: {  	s18 =	simm.s32 $0x4500;
	v1 =	vsub.s32 v0, v47  }
0x232: {  	[tilespmem:s18], [sflag:$0x1] =	stream.indirect_vreg.gather [hbm4b:s2+s5], $0x20, v0, vm9, $0xb8;
	[tilespmem:$0x1BF28] =	vst v63  }
0x233: {  	_ =	swait.ge [sflag:s9], $0x200  }
0x234: {  	[sflag:s9] =	ssyncset.done $0x0  }
0x235: {  	[sflag:s9] =	ssyncadd.s32 $0xFFFFFE00  }
0x236: {  	[tilespmem:s12], [sflag:$0x1] =	stream.indirect_vreg.gather [spmem:s4], $0x20, v1, vm9, $0xb8;
	[tilespmem:$0x1BF28] =	vst v63  }
0x237: {  	_ =	swait.ge [sflag:s9], $0x200  }
0x238: {  	[sflag:s9] =	ssyncset.done $0x0  }
0x239: {  	[sflag:s9] =	ssyncadd.s32 $0xFFFFFE00  }
0x23a: {  	v0 =	vld [tilespmem:s18+$0x0]  }
0x23b: {  	v1 =	vld [tilespmem:$0xC700];
	_ =	sdelay $0x4  }
0x23c: {  	v0 =	vadd.f32 v1, v0;
	_ =	sdelay $0x1  }
0x23d: {  	v2 =	vld [tilespmem:s18+$0x10];
	[tilespmem:s18+$0x0] =	vst v0  }
0x23e: {  	v0 =	vld [tilespmem:$0xC710];
	_ =	sdelay $0x4  }
0x23f: {  	v0 =	vadd.f32 v0, v2;
	_ =	sdelay $0x1  }
0x240: {  	v17 =	vld [tilespmem:s18+$0x20];
	[tilespmem:s18+$0x10] =	vst v0  }
0x241: {  	v0 =	vld [tilespmem:$0xC720];
	_ =	sdelay $0x4  }
0x242: {  	v0 =	vadd.f32 v0, v17;
	_ =	sdelay $0x1  }
0x243: {  	v1 =	vld [tilespmem:s18+$0x30];
	[tilespmem:s18+$0x20] =	vst v0  }
0x244: {  	v0 =	vld [tilespmem:$0xC730];
	_ =	sdelay $0x4  }
0x245: {  	v0 =	vadd.f32 v0, v1;
	_ =	sdelay $0x1  }
0x246: {  	v2 =	vld [tilespmem:s18+$0x40];
	[tilespmem:s18+$0x30] =	vst v0  }
0x247: {  	v0 =	vld [tilespmem:$0xC740];
	_ =	sdelay $0x4  }
0x248: {  	v0 =	vadd.f32 v0, v2;
	_ =	sdelay $0x1  }
0x249: {  	v17 =	vld [tilespmem:s18+$0x50];
	[tilespmem:s18+$0x40] =	vst v0  }
0x24a: {  	v0 =	vld [tilespmem:$0xC750];
	_ =	sdelay $0x4  }
0x24b: {  	v0 =	vadd.f32 v0, v17;
	_ =	sdelay $0x1  }
0x24c: {  	v1 =	vld [tilespmem:s18+$0x60];
	[tilespmem:s18+$0x50] =	vst v0  }
0x24d: {  	v0 =	vld [tilespmem:$0xC760];
	_ =	sdelay $0x4  }
0x24e: {  	v0 =	vadd.f32 v0, v1;
	_ =	sdelay $0x1  }
0x24f: {  	v2 =	vld [tilespmem:s18+$0x70];
	[tilespmem:s18+$0x60] =	vst v0  }
0x250: {  	v0 =	vld [tilespmem:$0xC770];
	_ =	sdelay $0x4  }
0x251: {  	v0 =	vadd.f32 v0, v2;
	_ =	sdelay $0x1  }
0x252: {  	v17 =	vld [tilespmem:s18+$0x80];
	[tilespmem:s18+$0x70] =	vst v0  }
0x253: {  	v0 =	vld [tilespmem:$0xC780];
	_ =	sdelay $0x4  }
0x254: {  	v0 =	vadd.f32 v0, v17;
	_ =	sdelay $0x1  }
0x255: {  	v1 =	vld [tilespmem:s18+$0x90];
	[tilespmem:s18+$0x80] =	vst v0  }
0x256: {  	v0 =	vld [tilespmem:$0xC790];
	_ =	sdelay $0x4  }
0x257: {  	v0 =	vadd.f32 v0, v1;
	_ =	sdelay $0x1  }
0x258: {  	v2 =	vld [tilespmem:s18+$0xA0];
	[tilespmem:s18+$0x90] =	vst v0  }
0x259: {  	v0 =	vld [tilespmem:$0xC7A0];
	_ =	sdelay $0x4  }
0x25a: {  	v0 =	vadd.f32 v0, v2;
	_ =	sdelay $0x1  }
0x25b: {  	v17 =	vld [tilespmem:s18+$0xB0];
	[tilespmem:s18+$0xA0] =	vst v0  }
0x25c: {  	v0 =	vld [tilespmem:$0xC7B0];
	_ =	sdelay $0x4  }
0x25d: {  	v0 =	vadd.f32 v0, v17;
	_ =	sdelay $0x1  }
0x25e: {  	v1 =	vld [tilespmem:s18+$0xC0];
	[tilespmem:s18+$0xB0] =	vst v0  }
0x25f: {  	v0 =	vld [tilespmem:$0xC7C0];
	_ =	sdelay $0x4  }
0x260: {  	v0 =	vadd.f32 v0, v1;
	_ =	sdelay $0x1  }
0x261: {  	v2 =	vld [tilespmem:s18+$0xD0];
	[tilespmem:s18+$0xC0] =	vst v0  }
0x262: {  	v0 =	vld [tilespmem:$0xC7D0];
	_ =	sdelay $0x4  }
0x263: {  	v0 =	vadd.f32 v0, v2;
	_ =	sdelay $0x1  }
0x264: {  	v17 =	vld [tilespmem:s18+$0xE0];
	[tilespmem:s18+$0xD0] =	vst v0  }
0x265: {  	v0 =	vld [tilespmem:$0xC7E0];
	_ =	sdelay $0x4  }
0x266: {  	v0 =	vadd.f32 v0, v17;
	_ =	sdelay $0x1  }
0x267: {  	v1 =	vld [tilespmem:s18+$0xF0];
	[tilespmem:s18+$0xE0] =	vst v0  }
0x268: {  	v0 =	vld [tilespmem:$0xC7F0];
	_ =	sdelay $0x4  }
0x269: {  	v0 =	vadd.f32 v0, v1;
	_ =	sdelay $0x1  }
0x26a: {  	v2 =	vld [tilespmem:s18+$0x100];
	[tilespmem:s18+$0xF0] =	vst v0  }
0x26b: {  	v0 =	vld [tilespmem:$0xC800];
	_ =	sdelay $0x4  }
0x26c: {  	v0 =	vadd.f32 v0, v2;
	_ =	sdelay $0x1  }
0x26d: {  	v17 =	vld [tilespmem:s18+$0x110];
	[tilespmem:s18+$0x100] =	vst v0  }
0x26e: {  	v0 =	vld [tilespmem:$0xC810];
	_ =	sdelay $0x4  }
0x26f: {  	v0 =	vadd.f32 v0, v17;
	_ =	sdelay $0x1  }
0x270: {  	v1 =	vld [tilespmem:s18+$0x120];
	[tilespmem:s18+$0x110] =	vst v0  }
0x271: {  	v0 =	vld [tilespmem:$0xC820];
	_ =	sdelay $0x4  }
0x272: {  	v0 =	vadd.f32 v0, v1;
	_ =	sdelay $0x1  }
0x273: {  	v2 =	vld [tilespmem:s18+$0x130];
	[tilespmem:s18+$0x120] =	vst v0  }
0x274: {  	v0 =	vld [tilespmem:$0xC830];
	_ =	sdelay $0x4  }
0x275: {  	v0 =	vadd.f32 v0, v2;
	_ =	sdelay $0x1  }
0x276: {  	v17 =	vld [tilespmem:s18+$0x140];
	[tilespmem:s18+$0x130] =	vst v0  }
0x277: {  	v0 =	vld [tilespmem:$0xC840];
	_ =	sdelay $0x4  }
0x278: {  	v0 =	vadd.f32 v0, v17;
	_ =	sdelay $0x1  }
0x279: {  	v1 =	vld [tilespmem:s18+$0x150];
	[tilespmem:s18+$0x140] =	vst v0  }
0x27a: {  	v0 =	vld [tilespmem:$0xC850];
	_ =	sdelay $0x4  }
0x27b: {  	v0 =	vadd.f32 v0, v1;
	_ =	sdelay $0x1  }
0x27c: {  	v2 =	vld [tilespmem:s18+$0x160];
	[tilespmem:s18+$0x150] =	vst v0  }
0x27d: {  	v0 =	vld [tilespmem:$0xC860];
	_ =	sdelay $0x4  }
0x27e: {  	v0 =	vadd.f32 v0, v2;
	_ =	sdelay $0x1  }
0x27f: {  	v17 =	vld [tilespmem:s18+$0x170];
	[tilespmem:s18+$0x160] =	vst v0  }
0x280: {  	v0 =	vld [tilespmem:$0xC870];
	_ =	sdelay $0x4  }
0x281: {  	v0 =	vadd.f32 v0, v17;
	_ =	sdelay $0x1  }
0x282: {  	v1 =	vld [tilespmem:s18+$0x180];
	[tilespmem:s18+$0x170] =	vst v0  }
0x283: {  	v0 =	vld [tilespmem:$0xC880];
	_ =	sdelay $0x4  }
0x284: {  	v0 =	vadd.f32 v0, v1;
	_ =	sdelay $0x1  }
0x285: {  	v2 =	vld [tilespmem:s18+$0x190];
	[tilespmem:s18+$0x180] =	vst v0  }
0x286: {  	v0 =	vld [tilespmem:$0xC890];
	_ =	sdelay $0x4  }
0x287: {  	v0 =	vadd.f32 v0, v2;
	_ =	sdelay $0x1  }
0x288: {  	v17 =	vld [tilespmem:s18+$0x1A0];
	[tilespmem:s18+$0x190] =	vst v0  }
0x289: {  	v0 =	vld [tilespmem:$0xC8A0];
	_ =	sdelay $0x4  }
0x28a: {  	v0 =	vadd.f32 v0, v17;
	_ =	sdelay $0x1  }
0x28b: {  	v1 =	vld [tilespmem:s18+$0x1B0];
	[tilespmem:s18+$0x1A0] =	vst v0  }
0x28c: {  	v0 =	vld [tilespmem:$0xC8B0];
	_ =	sdelay $0x4  }
0x28d: {  	v0 =	vadd.f32 v0, v1;
	_ =	sdelay $0x1  }
0x28e: {  	v2 =	vld [tilespmem:s18+$0x1C0];
	[tilespmem:s18+$0x1B0] =	vst v0  }
0x28f: {  	v0 =	vld [tilespmem:$0xC8C0];
	_ =	sdelay $0x4  }
0x290: {  	v0 =	vadd.f32 v0, v2;
	_ =	sdelay $0x1  }
0x291: {  	v17 =	vld [tilespmem:s18+$0x1D0];
	[tilespmem:s18+$0x1C0] =	vst v0  }
0x292: {  	v0 =	vld [tilespmem:$0xC8D0];
	_ =	sdelay $0x4  }
0x293: {  	v0 =	vadd.f32 v0, v17;
	_ =	sdelay $0x1  }
0x294: {  	v1 =	vld [tilespmem:s18+$0x1E0];
	[tilespmem:s18+$0x1D0] =	vst v0  }
0x295: {  	v0 =	vld [tilespmem:$0xC8E0];
	_ =	sdelay $0x4  }
0x296: {  	v0 =	vadd.f32 v0, v1;
	_ =	sdelay $0x1  }
0x297: {  	v2 =	vld [tilespmem:s18+$0x1F0];
	[tilespmem:s18+$0x1E0] =	vst v0  }
0x298: {  	p1 =	seq.s32 s17, $0x1;
	v0 =	vld [tilespmem:$0xC8F0]  }
.Ltmp9:
0x299: {  	_ = 	snop;
	(pc) =	sbr.rel @p1 .LBB2_11-.Ltmp9, $3  }
0x29a: {  	_ =	sdelay $0x1  }
0x29b: {  	s19 =	sadd.s32 $0xFFFFFFFF, s17  }
0x29c: {  	s20 =	smov.u32 s15;
	s21 =	smov.u32 s16;
	s22 =	simm.s32 $0x4500;
	v0 =	vadd.f32 v0, v2  }
.LBB2_10:
0x29d: {  	s20 =	sadd.s32 $0x10, s20;
	s21 =	sadd.s32 $0xFFFFFFF0, s21;
	s22 =	sadd.s32 $0x200, s22  }
0x29e: {  	p1 =	seq.s32 s19, $0x1;
	s19 =	sadd.s32 $0xFFFFFFFF, s19;
	[tilespmem:s18+$0x1F0] =	vst v0;
	s18 =	smov.u32 s22  }
0x29f: {  	v0 =	vld [tilespmem:s20+$0x0];
	_ =	sdelay $0x3  }
0x2a0: {  	v1 =	vmov s21  }
0x2a1: {  	vm0 =	vgt.s32 v1, v19;
	v1 =	vxor.u32 $0x80000000, v0  }
0x2a2: {  	v1 =	vnsel vm0, $0x80000000, v1  }
0x2a3: {  	(xrf0) =	vmax.scan.msk.u32 $0xffff, v1;
	_ =	sdelay $0x5  }
0x2a4: {  	v1, _, _ =	vpop (xrf0)  }
0x2a5: {  	(v2sf) =	vpush v1, $0xF;
	_ =	sdelay $0xe  }
0x2a6: {  	s0 =	spop (v2sf)  }
0x2a7: {  	s0 =	sxor.u32 $0x80000000, s0  }
0x2a8: {  	v0 =	vnsel vm0, s0, v0  }
0x2a9: {  	v0 =	vshra.s32 v0, $0xA;
	_ =	sdelay $0x3  }
0x2aa: {  	v1 =	vsub.s32 v0, v47  }
0x2ab: {  	[tilespmem:s22], [sflag:$0x1] =	stream.indirect_vreg.gather [hbm4b:s2+s5], $0x20, v0, vm9, $0xb8;
	[tilespmem:$0x1BF28] =	vst v63  }
0x2ac: {  	_ =	swait.ge [sflag:s9], $0x200  }
0x2ad: {  	[sflag:s9] =	ssyncset.done $0x0  }
0x2ae: {  	[sflag:s9] =	ssyncadd.s32 $0xFFFFFE00  }
0x2af: {  	[tilespmem:s12], [sflag:$0x1] =	stream.indirect_vreg.gather [spmem:s4], $0x20, v1, vm9, $0xb8;
	[tilespmem:$0x1BF28] =	vst v63  }
0x2b0: {  	_ =	swait.ge [sflag:s9], $0x200  }
0x2b1: {  	[sflag:s9] =	ssyncset.done $0x0  }
0x2b2: {  	[sflag:s9] =	ssyncadd.s32 $0xFFFFFE00  }
0x2b3: {  	v0 =	vld [tilespmem:s22+$0x0]  }
0x2b4: {  	v1 =	vld [tilespmem:$0xC700]  }
0x2b5: {  	v17 =	vld [tilespmem:s22+$0x10]  }
0x2b6: {  	v48 =	vld [tilespmem:s22+$0x20]  }
0x2b7: {  	v49 =	vld [tilespmem:s22+$0x30]  }
0x2b8: {  	v3 =	vld [tilespmem:s22+$0x40]  }
0x2b9: {  	v0 =	vadd.f32 v1, v0;
	v4 =	vld [tilespmem:s22+$0x50]  }
0x2ba: {  	v5 =	vld [tilespmem:s22+$0x60]  }
0x2bb: {  	[tilespmem:s22+$0x0] =	vst v0;
	v6 =	vld [tilespmem:s22+$0x70]  }
0x2bc: {  	v0 =	vld [tilespmem:$0xC710]  }
0x2bd: {  	v7 =	vld [tilespmem:s22+$0x80]  }
0x2be: {  	v8 =	vld [tilespmem:s22+$0x90]  }
0x2bf: {  	v9 =	vld [tilespmem:s22+$0xA0]  }
0x2c0: {  	v2 =	vld [tilespmem:s22+$0xB0]  }
0x2c1: {  	v17 =	vadd.f32 v0, v17;
	v1 =	vld [tilespmem:s22+$0xC0]  }
0x2c2: {  	v0 =	vld [tilespmem:s22+$0xD0]  }
0x2c3: {  	[tilespmem:s22+$0x10] =	vst v17;
	v22 =	vld [tilespmem:s22+$0xE0]  }
0x2c4: {  	v50 =	vld [tilespmem:$0xC720]  }
0x2c5: {  	v17 =	vld [tilespmem:s22+$0xF0]  }
0x2c6: {  	v63 =	vld [tilespmem:s22+$0x100]  }
0x2c7: {  	v62 =	vld [tilespmem:s22+$0x110]  }
0x2c8: {  	v61 =	vld [tilespmem:s22+$0x120]  }
0x2c9: {  	v48 =	vadd.f32 v50, v48;
	v60 =	vld [tilespmem:s22+$0x130]  }
0x2ca: {  	v59 =	vld [tilespmem:s22+$0x140]  }
0x2cb: {  	[tilespmem:s22+$0x20] =	vst v48;
	v58 =	vld [tilespmem:s22+$0x150]  }
0x2cc: {  	v48 =	vld [tilespmem:$0xC730]  }
0x2cd: {  	v57 =	vld [tilespmem:s22+$0x160]  }
0x2ce: {  	v56 =	vld [tilespmem:s22+$0x170]  }
0x2cf: {  	v55 =	vld [tilespmem:s22+$0x180]  }
0x2d0: {  	v54 =	vld [tilespmem:s22+$0x190]  }
0x2d1: {  	v48 =	vadd.f32 v48, v49;
	v53 =	vld [tilespmem:s22+$0x1A0]  }
0x2d2: {  	v52 =	vld [tilespmem:s22+$0x1B0]  }
0x2d3: {  	[tilespmem:s22+$0x30] =	vst v48;
	v51 =	vld [tilespmem:s22+$0x1C0]  }
0x2d4: {  	v10 =	vld [tilespmem:$0xC740]  }
0x2d5: {  	v50 =	vld [tilespmem:s22+$0x1D0]  }
0x2d6: {  	v49 =	vld [tilespmem:s22+$0x1E0]  }
0x2d7: {  	v48 =	vld [tilespmem:s22+$0x1F0];
	_ =	sdelay $0x1  }
0x2d8: {  	v3 =	vadd.f32 v10, v3;
	_ =	sdelay $0x1  }
0x2d9: {  	[tilespmem:s22+$0x40] =	vst v3  }
0x2da: {  	v3 =	vld [tilespmem:$0xC750];
	_ =	sdelay $0x4  }
0x2db: {  	v3 =	vadd.f32 v3, v4;
	_ =	sdelay $0x1  }
0x2dc: {  	[tilespmem:s22+$0x50] =	vst v3  }
0x2dd: {  	v3 =	vld [tilespmem:$0xC760];
	_ =	sdelay $0x4  }
0x2de: {  	v3 =	vadd.f32 v3, v5;
	_ =	sdelay $0x1  }
0x2df: {  	[tilespmem:s22+$0x60] =	vst v3  }
0x2e0: {  	v3 =	vld [tilespmem:$0xC770];
	_ =	sdelay $0x4  }
0x2e1: {  	v3 =	vadd.f32 v3, v6;
	_ =	sdelay $0x1  }
0x2e2: {  	[tilespmem:s22+$0x70] =	vst v3  }
0x2e3: {  	v3 =	vld [tilespmem:$0xC780];
	_ =	sdelay $0x4  }
0x2e4: {  	v3 =	vadd.f32 v3, v7;
	_ =	sdelay $0x1  }
0x2e5: {  	[tilespmem:s22+$0x80] =	vst v3  }
0x2e6: {  	v3 =	vld [tilespmem:$0xC790];
	_ =	sdelay $0x4  }
0x2e7: {  	v3 =	vadd.f32 v3, v8;
	_ =	sdelay $0x1  }
0x2e8: {  	[tilespmem:s22+$0x90] =	vst v3  }
0x2e9: {  	v3 =	vld [tilespmem:$0xC7A0];
	_ =	sdelay $0x4  }
0x2ea: {  	v3 =	vadd.f32 v3, v9;
	_ =	sdelay $0x1  }
0x2eb: {  	[tilespmem:s22+$0xA0] =	vst v3  }
0x2ec: {  	v3 =	vld [tilespmem:$0xC7B0];
	_ =	sdelay $0x4  }
0x2ed: {  	v2 =	vadd.f32 v3, v2;
	_ =	sdelay $0x1  }
0x2ee: {  	[tilespmem:s22+$0xB0] =	vst v2  }
0x2ef: {  	v2 =	vld [tilespmem:$0xC7C0];
	_ =	sdelay $0x4  }
0x2f0: {  	v1 =	vadd.f32 v2, v1;
	_ =	sdelay $0x1  }
0x2f1: {  	[tilespmem:s22+$0xC0] =	vst v1  }
0x2f2: {  	v1 =	vld [tilespmem:$0xC7D0];
	_ =	sdelay $0x4  }
0x2f3: {  	v0 =	vadd.f32 v1, v0;
	_ =	sdelay $0x1  }
0x2f4: {  	[tilespmem:s22+$0xD0] =	vst v0  }
0x2f5: {  	v0 =	vld [tilespmem:$0xC7E0];
	_ =	sdelay $0x4  }
0x2f6: {  	v0 =	vadd.f32 v0, v22;
	_ =	sdelay $0x1  }
0x2f7: {  	[tilespmem:s22+$0xE0] =	vst v0  }
0x2f8: {  	v0 =	vld [tilespmem:$0xC7F0];
	_ =	sdelay $0x4  }
0x2f9: {  	v0 =	vadd.f32 v0, v17;
	_ =	sdelay $0x1  }
0x2fa: {  	[tilespmem:s22+$0xF0] =	vst v0  }
0x2fb: {  	v0 =	vld [tilespmem:$0xC800];
	_ =	sdelay $0x4  }
0x2fc: {  	v0 =	vadd.f32 v0, v63;
	_ =	sdelay $0x1  }
0x2fd: {  	[tilespmem:s22+$0x100] =	vst v0  }
0x2fe: {  	v0 =	vld [tilespmem:$0xC810];
	_ =	sdelay $0x4  }
0x2ff: {  	v0 =	vadd.f32 v0, v62;
	_ =	sdelay $0x1  }
0x300: {  	[tilespmem:s22+$0x110] =	vst v0  }
0x301: {  	v0 =	vld [tilespmem:$0xC820];
	_ =	sdelay $0x4  }
0x302: {  	v0 =	vadd.f32 v0, v61;
	_ =	sdelay $0x1  }
0x303: {  	[tilespmem:s22+$0x120] =	vst v0  }
0x304: {  	v0 =	vld [tilespmem:$0xC830];
	_ =	sdelay $0x4  }
0x305: {  	v0 =	vadd.f32 v0, v60;
	_ =	sdelay $0x1  }
0x306: {  	[tilespmem:s22+$0x130] =	vst v0  }
0x307: {  	v0 =	vld [tilespmem:$0xC840];
	_ =	sdelay $0x4  }
0x308: {  	v0 =	vadd.f32 v0, v59;
	_ =	sdelay $0x1  }
0x309: {  	[tilespmem:s22+$0x140] =	vst v0  }
0x30a: {  	v0 =	vld [tilespmem:$0xC850];
	_ =	sdelay $0x4  }
0x30b: {  	v0 =	vadd.f32 v0, v58;
	_ =	sdelay $0x1  }
0x30c: {  	[tilespmem:s22+$0x150] =	vst v0  }
0x30d: {  	v0 =	vld [tilespmem:$0xC860];
	_ =	sdelay $0x4  }
0x30e: {  	v0 =	vadd.f32 v0, v57;
	_ =	sdelay $0x1  }
0x30f: {  	[tilespmem:s22+$0x160] =	vst v0  }
0x310: {  	v0 =	vld [tilespmem:$0xC870];
	_ =	sdelay $0x4  }
0x311: {  	v0 =	vadd.f32 v0, v56;
	_ =	sdelay $0x1  }
0x312: {  	[tilespmem:s22+$0x170] =	vst v0  }
0x313: {  	v0 =	vld [tilespmem:$0xC880];
	_ =	sdelay $0x4  }
0x314: {  	v0 =	vadd.f32 v0, v55;
	_ =	sdelay $0x1  }
0x315: {  	[tilespmem:s22+$0x180] =	vst v0  }
0x316: {  	v0 =	vld [tilespmem:$0xC890];
	_ =	sdelay $0x4  }
0x317: {  	v0 =	vadd.f32 v0, v54;
	_ =	sdelay $0x1  }
0x318: {  	[tilespmem:s22+$0x190] =	vst v0  }
0x319: {  	v0 =	vld [tilespmem:$0xC8A0];
	_ =	sdelay $0x4  }
0x31a: {  	v0 =	vadd.f32 v0, v53;
	_ =	sdelay $0x1  }
0x31b: {  	[tilespmem:s22+$0x1A0] =	vst v0  }
0x31c: {  	v0 =	vld [tilespmem:$0xC8B0];
	_ =	sdelay $0x4  }
0x31d: {  	v0 =	vadd.f32 v0, v52;
	_ =	sdelay $0x1  }
0x31e: {  	[tilespmem:s22+$0x1B0] =	vst v0  }
0x31f: {  	v0 =	vld [tilespmem:$0xC8C0];
	_ =	sdelay $0x4  }
0x320: {  	v0 =	vadd.f32 v0, v51;
	_ =	sdelay $0x1  }
0x321: {  	[tilespmem:s22+$0x1C0] =	vst v0  }
0x322: {  	v0 =	vld [tilespmem:$0xC8D0];
	_ =	sdelay $0x4  }
0x323: {  	v0 =	vadd.f32 v0, v50;
	_ =	sdelay $0x1  }
0x324: {  	[tilespmem:s22+$0x1D0] =	vst v0  }
0x325: {  	v0 =	vld [tilespmem:$0xC8E0];
	_ =	sdelay $0x4  }
0x326: {  	v0 =	vadd.f32 v0, v49;
	_ =	sdelay $0x1  }
0x327: {  	[tilespmem:s22+$0x1E0] =	vst v0  }
0x328: {  	v0 =	vld [tilespmem:$0xC8F0]  }
.Ltmp10:
0x329: {  	(pc) =	sbr.rel @!p1 .LBB2_10-.Ltmp10, $2  }
0x32a: {  	_ =	sdelay $0x2  }
0x32b: {  	v0 =	vadd.f32 v0, v48  }
.LBB2_11:
0x32c: {  	v48 =	vld [tilespmem:$0x1FFC0]  }
0x32d: {  	v49 =	vld [tilespmem:$0x1FFD0];
	[tilespmem:s18+$0x1F0] =	vst v0  }
0x32e: {  	v50 =	vld [tilespmem:$0x1FFE0];
	[bflag:$0x0] =	sbarrier.arrive $0xFFFF  }
0x32f: {  	v0 =	vld [tilespmem:s15+$0x0];
	_ =	sdelay $0x4  }
0x330: {  	v1 =	vxor.u32 $0x80000000, v0  }
0x331: {  	v1 =	vnsel vm10, $0x80000000, v1  }
0x332: {  	(xrf0) =	vmax.scan.msk.u32 $0xffff, v1;
	_ =	sdelay $0x5  }
0x333: {  	v1, _, _ =	vpop (xrf0)  }
0x334: {  	(v2sf) =	vpush v1, $0xF;
	_ =	sdelay $0xe  }
0x335: {  	s0 =	spop (v2sf)  }
0x336: {  	s0 =	sxor.u32 $0x80000000, s0  }
0x337: {  	v0 =	vnsel vm10, s0, v0  }
0x338: {  	v0 =	vshra.s32 v0, $0xA;
	_ =	sdelay $0x3  }
0x339: {  	s18 =	simm.s32 $0x4500  }
0x33a: {  	[hbm4b:s2+s5] =	stream.indirect_vreg.scatter [tilespmem:s18], [sflag:$0x1], $0x20, v0, vm9, $0xb8;
	[tilespmem:$0x1BF28] =	vst v63  }
0x33b: {  	_ =	swait.ge [sflag:s9], $0x200  }
0x33c: {  	v3 =	vld [tilespmem:$0x1FF40]  }
0x33d: {  	v4 =	vld [tilespmem:$0x1FF50]  }
0x33e: {  	v5 =	vld [tilespmem:$0x1FF60]  }
.Ltmp11:
0x33f: {  	v6 =	vld [tilespmem:$0x1FF70];
	(pc) =	sbr.rel @!p0 .LBB2_13-.Ltmp11, $4  }
0x340: {  	v7 =	vld [tilespmem:$0x1FF80]  }
0x341: {  	v8 =	vld [tilespmem:$0x1FF90]  }
0x342: {  	s17 =	sadd.s32 $0xFFFFFFFF, s17;
	v9 =	vld [tilespmem:$0x1FFA0]  }
0x343: {  	vm11 =	vcmask $0x3734;
	v51 =	vimm.s32 $0x0;
	s16 =	sadd.s32 $0xFFFFFFF0, s16;
	s19 =	smov.u32 s15;
	[sflag:s9] =	ssyncset.done $0x0;
	v10 =	vld [tilespmem:$0x1FFB0]  }
.LBB2_12:
0x344: {  	[sflag:s9] =	ssyncadd.s32 $0xFFFFFE00;
	s18 =	sadd.s32 $0x200, s18;
	s19 =	sadd.s32 $0x10, s19  }
0x345: {  	p0 =	sne.s32 s17, $0x1;
	s17 =	sadd.s32 $0xFFFFFFFF, s17;
	v0 =	vld [tilespmem:s19+$0x0];
	_ =	sdelay $0x3  }
0x346: {  	v1 =	vmov s16  }
0x347: {  	vm0 =	vgt.s32 v1, v19;
	v1 =	vxor.u32 $0x80000000, v0  }
0x348: {  	v1 =	vnsel vm0, $0x80000000, v1  }
0x349: {  	(xrf0) =	vmax.scan.msk.u32 $0xffff, v1;
	_ =	sdelay $0x5  }
0x34a: {  	v1, _, _ =	vpop (xrf0)  }
0x34b: {  	(v2sf) =	vpush v1, $0xF;
	_ =	sdelay $0xe  }
0x34c: {  	s0 =	spop (v2sf)  }
0x34d: {  	s0 =	sxor.u32 $0x80000000, s0  }
0x34e: {  	v0 =	vnsel vm0, s0, v0  }
0x34f: {  	v0 =	vshra.s32 v0, $0xA;
	_ =	sdelay $0x2  }
.Ltmp12:
0x350: {  	(pc) =	sbr.rel @p0 .LBB2_12-.Ltmp12, $4  }
0x351: {  	_ = 	snop  }
0x352: {  	[hbm4b:s2+s5] =	stream.indirect_vreg.scatter [tilespmem:s18], [sflag:$0x1], $0x20, v0, vm9, $0xb8;
	[tilespmem:$0x1BF28] =	vst v63  }
0x353: {  	_ =	swait.ge [sflag:s9], $0x200  }
0x354: {  	s16 =	sadd.s32 $0xFFFFFFF0, s16;
	[sflag:s9] =	ssyncset.done $0x0  }
.LBB2_13:
.Ltmp13:
0x355: {  	(pc) =	sbr.rel .LBB2_14-.Ltmp13, $2  }
0x356: {  	_ =	sdelay $0x2  }
0x357: {  	[sflag:s9] =	ssyncadd.s32 $0xFFFFFE00;
	vm0 =	vcmask $0x1F1C;
	vm9 =	vcmask $0x2724;
	vm10 =	vcmask $0x2F2C  }
.LBB2_16:
0x358: {  	_ =	sfence.sel $0x180000  }
0x359: {  	[bflag:$0x0] =	sbarrier.arrive $0xFFFF  }
0x35a: {  	_ =	strace $0x90000047  }
0x35b: {  	s0 =	stileid.u32;
	[bflag:$0x2] =	sbarrier.arrive $0xFFFF  }
0x35c: {  	p0 =	sne.s32 s0, $0x0;
	s0 =	rddreg [dreg:$0x4]  }
0x35d: {  	s0 =	sadd.s32 @!p0 $0x100000, s0  }
0x35e: {  	[sflag:s0] =	ssyncadd.tile.s32 @!p0 $0x1;
	_ =	shalt  }
.Lfunc_end2:
_tile_overlayer_lowered:
.L_overlay_start_2:
0x35f: {  	(tag) =	ssettag $0x2  }
0x360: {  	s0 =	rddreg [dreg:$0x0];
	s2 =	stileid.u32  }
0x361: {  	s1 =	rddreg [dreg:$0x1];
	p0 =	sne.s32 s2, $0x0  }
0x362: {  	s3 =	rddreg [dreg:$0x2];
	[bflag:$0x3] =	sbarrier.arrive $0xFFFF;
	s2 =	simm.s32 @!p0 $0x1C01  }
0x363: {  	[timem:s3], [sflag:s2] =	dma.local @!p0 [hbm:s0], s1  }
0x364: {  	s0 =	simm.s32 @!p0 $0x1  }
0x365: {  	_ =	swait.ge @!p0 [sflag:s0], s1  }
0x366: {  	s1 =	ssub.s32 @!p0 $0x0, s1;
	[sflag:s0] =	ssyncset.done @!p0 $0x0  }
0x367: {  	[sflag:s0] =	ssyncadd.s32 @!p0 s1  }
0x368: {  	[bflag:$0x3] =	sbarrier.arrive $0xFFFF  }
0x369: {  	_ =	shalt  }

// kernel: sparse-core-data-format-call.cloned.1.call-start
scs
called_computation_lowered:
.L_overlay_start_0:
0x0: {  	s2 =	sld [smem:$0x3FD9]  }
0x1: {  	s3 =	sld [smem:$0x3FFE];
	_ =	sdelay $0x1  }
0x2: {  	s1 =	srdreg.scid  }
0x3: {  	s0 =	sand.u32 $0x1, s1  }
0x4: {  	s18 =	sshll.u32 s0, $0xA;
	s2 =	sadd.s32 s3, s2  }
0x5: {  	s2 =	sadd.s32 s2, s18  }
0x6: {  	[smem:$0x3FC5] =	sst s2  }
0x7: {  	_ = 	snop  }
0x8: {  	s2 =	sld [smem:$0x3FD0];
	(tm) =	ssettm $0x1  }
0x9: {  	s19 =	sld [smem:$0x3FFB];
	_ =	sdelay $0x3  }
0xa: {  	_ =	strace s19  }
0xb: {  	s3 =	sld [smem:$0x3FFC];
	_ =	sdelay $0x3  }
0xc: {  	_ =	strace s3  }
0xd: {  	s3 =	sld [smem:$0x3FFD];
	_ =	sdelay $0x3  }
0xe: {  	_ =	strace s3  }
0xf: {  	_ =	strace $0x8FFFFFFF  }
0x10: {  	s20 =	sld [smem:$0x3FDB];
	_ =	sdelay $0x1  }
0x11: {  	s4 =	simm.s32 $_scs_section_size  }
0x12: {  	s5 =	simm.s32 $_size__tile_overlayer_lowered;
	s6 =	simm.s32 $_tile_overlayer_lowered  }
0x13: {  	s23 =	simm.s32 $0x1BFF;
	s22 =	sshll.u32 s6, $0x1;
	s3 =	sadd.s32 s4, s20  }
0x14: {  	s7 =	simm.s32 $0x0;
	s21 =	sshll.u32 s5, $0x1;
	s5 =	sadd.s32 s22, s3  }
0x15: {  	[timem:s7], [sflag:s23] =	dma.local [hbm:s5], s21  }
0x16: {  	_ =	swait.ge [sflag:s23], s21  }
0x17: {  	s4 =	ssub.s32 $0x0, s21;
	[sflag:s23] =	ssyncset.done $0x0  }
0x18: {  	[sflag:s23] =	ssyncadd.s32 s4;
	_ =	sdelay $0x1  }
0x19: {  	s24 =	simm.s32 $0x1B8B  }
0x1a: {  	_ =	swait.ge [sflag:s24], $0x1  }
0x1b: {  	[sflag:s24] =	ssyncset.done $0x0  }
0x1c: {  	s26 =	simm.s32 $0x1B8E;
	s25 =	sld [smem:$0x3FFE];
	[sflag:s24] =	ssyncadd.s32 $0xFFFFFFFF  }
0x1d: {  	s27 =	simm.s32 $execute0_lowered;
	[smem:$0x3FD2] =	sst s26  }
0x1e: {  	s5 =	sshll.u32 s27, $0x1;
	_ =	strace $0x80000049;
	[dreg:$0x1] =	wrdreg $0xFFFFFFFF  }
0x1f: {  	s28 =	simm.s32 $_size_execute0_lowered;
	s3 =	sadd.s32 s3, s5;
	[dreg:$0x0] =	wrdreg $0x0  }
0x20: {  	s5 =	sshll.u32 s28, $0x1;
	[dreg:$0x2] =	wrdreg s3  }
0x21: {  	[dreg:$0x3] =	wrdreg s5  }
0x22: {  	[dreg:$0x4] =	wrdreg $0xC0  }
0x23: {  	_ =	task [dreg:s7], $0x5FFFF  }
0x24: {  	[dreg:$0x1] =	wrdreg $0xFFFFFFFF  }
0x25: {  	[dreg:$0x0] =	wrdreg $0x60  }
0x26: {  	[dreg:$0x2] =	wrdreg s25  }
0x27: {  	[dreg:$0x3] =	wrdreg s2  }
0x28: {  	[dreg:$0x4] =	wrdreg $0x9  }
0x29: {  	_ =	task.clear_ibuf [dreg:s7], $0x5FFFF;
	_ =	strace $0x90000049  }
0x2a: {  	s29 =	simm.s32 $0x9;
	_ =	strace $0x8000004B  }
0x2b: {  	_ =	swait.ge [sflag:s29], $0x1  }
0x2c: {  	[sflag:s29] =	ssyncadd.s32 $0xFFFFFFFF  }
0x2d: {  	_ =	strace $0x9000004B  }
0x2e: {  	_ =	sfence  }
0x2f: {  	s30 =	sld [smem:$0x0];
	_ =	sdelay $0x2  }
0x30: {  	s31 =	sshll.u32 s1, $0xD;
	s1 =	sshrl.u32 s1, $0x2  }
0x31: {  	s3 =	sand.u32 $0x4000, s31;
	s1 =	sadd.s32 s1, s30  }
0x32: {  	s0 =	sor.u32 s3, s0;
	s1 =	sshll.u32 s1, $0x11  }
0x33: {  	s0 =	sor.u32 s1, s0  }
0x34: {  	s0 =	sadd.s32 $0x8F2B, s0  }
0x35: {  	[sflag:s0] =	ssyncadd.remote.s32 $0x1  }
0x36: {  	_ =	sfence.sel $0xFFFF  }
0x37: {  	[dreg:$0x0] =	wrdreg $0xFFFFFFFF;
	(pc) =	sbr.abs _section_cstart, $3  }
0x38: {  	[dreg:$0x1] =	wrdreg $0xFFFFFFFF  }
0x39: {  	_ =	task.clear_ibuf [dreg:s7], $0x2FFFF;
	_ =	strace $0x9FFFFFFF  }
0x3a: {  	(tm) =	ssettm $0x7FFFFFFF  }
0x3b: {  	_ =	shalt  }
tec
execute0_lowered:
.L_overlay_start_1:
0x0: {  	(tag) =	ssettag $0x1  }
0x1: {  	s4 =	rddreg [dreg:$0x0]  }
0x2: {  	s0 =	srdreg.scid;
	s2 =	rddreg [dreg:$0x1]  }
0x3: {  	s1 =	stileid.u32;
	s5 =	simm.s32 $0x1;
	s0 =	sshll.u32 s0, $0x4  }
0x4: {  	s7 =	simm.s32 $0x2;
	s11 =	simm.s32 $0x0;
	s3 =	sand.u32 $0x10, s0  }
.Ltmp0:
0x5: {  	p0 =	por $0x0, $0x0;
	s3 =	sor.u32 s1, s3;
	(pc) =	sbr.rel .LBB1_1-.Ltmp0, $4  }
0x6: {  	s8 =	simm.s32 $0x7A1400;
	s10 =	simm.s32 $0x0;
	s3 =	sshll.u32 s3, $0x7  }
0x7: {  	s0 =	rddreg [dreg:$0x2];
	_ =	strace $0x8000004A;
	s6 =	ssub.s32 $0xF4200, s3  }
0x8: {  	s4 =	sadd.s32 $0xA00, s4;
	[sflag:s5] =	ssyncpa.u1 $0x0;
	s6 =	sshrl.u32 s6, $0xC  }
0x9: {  	[sflag:s7] =	ssyncpa.u1 $0x0;
	s9 =	smov.u32 s3;
	s7 =	sadd.s32 $0x2, s6  }
.LBB1_5:
0xa: {  	s13 =	sadd.s32 $0x1000, s9  }
0xb: {  	p2 =	sgt.s32 s13, $0xF423F  }
0xc: {  	s13 =	smov.u32 @p2 s3;
	p2 =	sne.s32 s10, s7  }
.Ltmp1:
0xd: {  	p1 =	slt.u32 s10, $0x2;
	(pc) =	sbr.rel @!p2 .LBB1_6-.Ltmp1, $4  }
0xe: {  	s12 =	simm.s32 @!p1 $0x2  }
0xf: {  	s14 =	sadd.s32 $0x1, s10;
	_ =	swait.ge @!p1 [sflag:s12], $0x1000  }
0x10: {  	s11 =	smov.u32 s9;
	p0 =	por !p0, !p0;
	[sflag:s12] =	ssyncset.done @!p1 $0x0  }
0x11: {  	s10 =	smov.u32 s14;
	s9 =	smov.u32 s13;
	[sflag:s12] =	ssyncadd.s32 @!p1 $0xFFFFF000  }
.LBB1_1:
0x12: {  	p1 =	sgt.u32 s10, s6  }
0x13: {  	s13 =	smov.u32 s9;
	p2 =	sgt.s32 @!p1 s9, $0xF41C0  }
0x14: {  	s12 =	sand.u32 @!p1 $0x1FFFFFF, s9;
	s14 =	sshra.s32 @!p1 s9, $0x1F;
	p2 =	por !p2, p1  }
0x15: {  	s15 =	smulhi.u32 @!p1 $0x218DEF5, s12;
	s14 =	sand.u32 @!p1 s14, s9;
	s13 =	simm.s32 @p2 $0xF41C0  }
0x16: {  	s13 =	ssub.s32 @!p1 s13, s14  }
0x17: {  	s14 =	sshrl.u32 @!p1 s15, $0xD;
	s13 =	sadd.s32 @!p1 $0xFFF0BE40, s13  }
0x18: {  	s15 =	sxor.u32 @!p1 $0xFFFFFFFF, s10;
	s14 =	smul.u32 @!p1 $0xF4240, s14;
	s16 =	sshll.u32 @!p1 s13, $0x7  }
0x19: {  	s15 =	sshll.u32 @!p1 s15, $0xC;
	p2 =	sgt.s32 @!p1 s13, $0x7F;
	s13 =	ssub.s32 @!p1 $0x4000, s16  }
0x1a: {  	s12 =	ssub.s32 @!p1 s12, s14;
	p2 =	por !p2, p1;
	s14 =	sand.u32 @!p1 $0x1000, s15  }
0x1b: {  	s15 =	simm.s32 @!p1 $0x20;
	s13 =	sshrl.u32 @!p1 s13, $0x2;
	s12 =	sshll.u32 @!p1 s12, $0x4  }
0x1c: {  	s16 =	simm.s32 @!p1 $0x80;
	s13 =	simm.s32 @!p2 $0x0;
	s12 =	sadd.s32 @!p1 s4, s12  }
0x1d: {  	[tilespmem:s14], [sflag:$0x1] =	stream.strided.gather @!p1 [hbm4b:s12+s15], s13, s16, s15, $0x38;
	[tilespmem:$0x4040] =	vst v63  }
0x1e: {  	p1 =	seq.s32 s10, $0x0  }
0x1f: {  	p2 =	sge.u32 @!p1 s10, s7  }
0x20: {  	p1 =	por p1, p2  }
.Ltmp2:
0x21: {  	_ = 	snop;
	(pc) =	sbr.rel @p1 .LBB1_5-.Ltmp2, $1  }
0x22: {  	_ =	sdelay $0x3  }
0x23: {  	p1 =	sgt.s32 s11, $0xF41C0;
	s12 =	smov.u32 s11;
	s13 =	sshra.s32 s11, $0x1F  }
0x24: {  	s12 =	simm.s32 @!p1 $0xF41C0;
	s13 =	sand.u32 s13, s11  }
0x25: {  	s12 =	ssub.s32 s12, s13  }
0x26: {  	s12 =	sadd.s32 $0xFFF0BE40, s12  }
0x27: {  	s28 =	sshll.u32 s12, $0x7  }
0x28: {  	s13 =	ssub.s32 $0x4000, s28  }
0x29: {  	p1 =	sgt.s32 s12, $0x7F;
	s12 =	sshrl.u32 s13, $0x2  }
0x2a: {  	s13 =	simm.s32 $0x1;
	s12 =	simm.s32 @p1 $0x0  }
0x2b: {  	s13 =	simm.s32 @!p0 $0x0;
	_ =	swait.ge [sflag:s5], s12  }
0x2c: {  	s14 =	sshll.u32 s13, $0xC;
	s12 =	ssub.s32 $0x0, s12;
	[sflag:s5] =	ssyncset.done $0x0  }
0x2d: {  	s16 =	sor.u32 $0x10, s14;
	[sflag:s5] =	ssyncadd.s32 s12  }
0x2e: {  	s29 =	smul.u32 $0x4080, s13;
	v1 =	vld [tilespmem:s16+$0x0]  }
0x2f: {  	s30 =	sand.u32 $0x1, s10;
	v0 =	vld [tilespmem:s16+$0xFFFFFFF0]  }
0x30: {  	s13 =	smul.u32 $0x4080, s30;
	s12 =	sshrl.u32 s29, $0x2  }
0x31: {  	s14 =	sor.u32 $0x2000, s12  }
0x32: {  	s31 =	sshrl.u32 s13, $0x2;
	s13 =	sadd.s32 $0x0, s14  }
0x33: {  	s15 =	simm.s32 $0x4;
	s12 =	sor.u32 $0x2000, s31;
	s16 =	sadd.s32 $0x20, s16;
	[tilespmem:s13+$0x810 ss:$0x81] =	vst.msk $0xffff, v1  }
.LBB1_3:
0x34: {  	v1 =	vld [tilespmem:s16+$0x0];
	p1 =	sne.s32 s15, $0x1FC;
	[tilespmem:s13+$0x0 ss:$0x81] =	vst.msk $0xffff, v0;
	s13 =	smov.u32 s15;
	s15 =	sadd.s32 $0x4, s15  }
.Ltmp3:
0x35: {  	v0 =	vld [tilespmem:s16+$0xFFFFFFF0];
	(pc) =	sbr.rel @p1 .LBB1_3-.Ltmp3, $4  }
0x36: {  	_ = 	snop  }
0x37: {  	s13 =	sshra.s32 s13, $0x2  }
0x38: {  	s13 =	sadd.s32 s13, s14  }
0x39: {  	s16 =	sadd.s32 $0x20, s16;
	[tilespmem:s13+$0x810 ss:$0x81] =	vst.msk $0xffff, v1  }
0x3a: {  	s14 =	sshll.u32 s11, $0x3  }
0x3b: {  	s30 =	sand.u32 $0x7F, s11;
	s14 =	sand.u32 $0xFFFFFC00, s14  }
0x3c: {  	s11 =	sor.u32 s30, s14  }
0x3d: {  	s15 =	smulhi.u32 $0x218D6287, s11;
	_ =	sdelay $0x1  }
0x3e: {  	s14 =	smulhi.u32 $0x218D6287, s14;
	s15 =	sshrl.u32 s15, $0x11  }
0x3f: {  	s15 =	smul.u32 $0xF4280, s15  }
0x40: {  	s14 =	sshrl.u32 s14, $0x11  }
.Ltmp4:
0x41: {  	s14 =	sand.u32 $0x1F, s14;
	s11 =	ssub.s32 s11, s15;
	(pc) =	sbr.rel .LBB1_5-.Ltmp4, $4  }
0x42: {  	s14 =	smul.u32 $0x1E850, s14;
	s15 =	sshrl.u32 s11, $0x3;
	s11 =	sand.u32 $0x7, s11  }
0x43: {  	s15 =	sadd.s32 s2, s15;
	s11 =	sshll.u32 s11, $0x12  }
0x44: {  	[tilespmem:s13+$0x0 ss:$0x81] =	vst.msk $0xffff, v0;
	s31 =	sadd.s32 s14, s15;
	s11 =	sor.u32 $0x400, s11  }
0x45: {  	[hbm4b:s31+s11] =	stream.strided.scatter [tilespmem:s12], [sflag:$0x2], $0x1000, s8, s11, $0x20;
	[tilespmem:$0x4040] =	vst v63  }
.LBB1_6:
0x46: {  	_ =	sfence.sel $0x180000  }
0x47: {  	s2 =	simm.s32 $0x1;
	[bflag:$0x0] =	sbarrier.arrive $0xFFFF  }
0x48: {  	s31 =	simm.s32 $0x2;
	[sflag:s2] =	ssyncpa.u1 $0x1  }
0x49: {  	[sflag:s31] =	ssyncpa.u1 $0x1  }
0x4a: {  	p0 =	sne.s32 s1, $0x0;
	_ =	strace $0x9000004A  }
0x4b: {  	s0 =	sadd.s32 @!p0 $0x100000, s0;
	[bflag:$0x2] =	sbarrier.arrive $0xFFFF  }
0x4c: {  	[sflag:s0] =	ssyncadd.tile.s32 @!p0 $0x1;
	_ =	shalt  }
.Lfunc_end1:
_tile_overlayer_lowered:
.L_overlay_start_2:
0x4d: {  	(tag) =	ssettag $0x2  }
0x4e: {  	s0 =	rddreg [dreg:$0x0];
	s2 =	stileid.u32  }
0x4f: {  	s1 =	rddreg [dreg:$0x1];
	p0 =	sne.s32 s2, $0x0  }
0x50: {  	s3 =	rddreg [dreg:$0x2];
	[bflag:$0x3] =	sbarrier.arrive $0xFFFF;
	s2 =	simm.s32 @!p0 $0x1C01  }
0x51: {  	[timem:s3], [sflag:s2] =	dma.local @!p0 [hbm:s0], s1  }
0x52: {  	s0 =	simm.s32 @!p0 $0x1  }
0x53: {  	_ =	swait.ge @!p0 [sflag:s0], s1  }
0x54: {  	s1 =	ssub.s32 @!p0 $0x0, s1;
	[sflag:s0] =	ssyncset.done @!p0 $0x0  }
0x55: {  	[sflag:s0] =	ssyncadd.s32 @!p0 s1  }
0x56: {  	[bflag:$0x3] =	sbarrier.arrive $0xFFFF  }
0x57: {  	_ =	shalt  }

</sc_bundles>
